<compile_context>
chip_gen: v7x
topology: tpu7x:2x2x1
jax: 0.10.2.dev20260603
libtpu: 0.0.44.dev20260713+nightly
codegen_flags: <defaults>
</compile_context>

<pallas_src>
import functools

import jax
import jax.numpy as jnp
from jax import lax
from jax.experimental import pallas as pl
from jax.experimental.pallas import tpu as pltpu
from jax.experimental.pallas import tpu_sc as plsc

N = 2
CH = 64
H = 64
W = 64
NH = 4
CHUNK = 144
C = 16
HB = 56
L = 2 * H * W
PAD = 16
K = (L + PAD) // CHUNK
LP = K * CHUNK
BH = N * NH
PB = 256
NPB = L // PB
HBP = 64
EB = 512
NIMG = 2 * N
KK = 9 * CH
OC = 128

FC0 = 0
Y0 = 144
X0 = 208
XN0 = 224


def _embed_body(p_ref, w3_ref, w1_ref, b1_ref, w2_ref, b2_ref, rot_ref,
                tok_ref, oh_ref):
    pb = p_ref[0]
    full = jax.lax.dot_general(
        pb, w3_ref[...], (((0,), (1,)), ((), ())),
        preferred_element_type=jnp.float32)
    xe = full[:, :C]
    ye = full[:, C:C + CH]
    fe = full[:, C + CH:]
    hdn = jax.nn.relu(jax.lax.dot_general(
        fe, w1_ref[...], (((1,), (1,)), ((), ())),
        preferred_element_type=jnp.float32) + b1_ref[...])
    fco = jax.lax.dot_general(
        hdn, w2_ref[...], (((1,), (1,)), ((), ())),
        preferred_element_type=jnp.float32) + b2_ref[...]
    nrm = jnp.maximum(
        jnp.sqrt(jnp.sum(xe * xe, axis=1, keepdims=True)), 5e-05)
    tok_ref[0] = jnp.concatenate(
        [fco, ye, xe, xe / nrm, jnp.zeros((EB, PAYW - XN0 - C), jnp.float32)],
        axis=1)
    rot = jax.lax.dot_general(
        xe, rot_ref[...], (((1,), (0,)), ((), ())),
        preferred_element_type=jnp.float32)
    lanes = jax.lax.broadcasted_iota(jnp.int32, (EB, NH * HBP), 1)
    rot = rot + jnp.where(lanes % HBP >= HB, -1e30, 0.0)
    mlt = (jax.lax.broadcasted_iota(jnp.int32, (HBP, HBP), 0) <
           jax.lax.broadcasted_iota(jnp.int32, (HBP, HBP), 1)
           ).astype(jnp.bfloat16)
    for h in range(NH):
        rb = rot[:, h * HBP:(h + 1) * HBP]
        m = jnp.max(rb, axis=1, keepdims=True)
        eqb = rb == m
        cnt = jax.lax.dot_general(
            eqb.astype(jnp.bfloat16), mlt, (((1,), (0,)), ((), ())),
            preferred_element_type=jnp.float32)
        oh_ref[h, 0] = (eqb & (cnt == 0.0)).astype(jnp.float32)


def _embed(patches, w3, fc_w1, fc_b1, fc_w2, fc_b2, rotp):
    zero2 = lambda i, t: (0, 0)
    return pl.pallas_call(
        _embed_body,
        grid=(NIMG, (H * W) // EB),
        in_specs=[
            pl.BlockSpec((1, KK, EB), lambda i, t: (i, 0, t)),
            pl.BlockSpec((CHUNK, KK), zero2),
            pl.BlockSpec((CHUNK, CH), zero2),
            pl.BlockSpec((1, CHUNK), zero2),
            pl.BlockSpec((CHUNK, CHUNK), zero2),
            pl.BlockSpec((1, CHUNK), zero2),
            pl.BlockSpec((C, NH * HBP), zero2),
        ],
        out_specs=[
            pl.BlockSpec((1, EB, PAYW), lambda i, t: (i, t, 0)),
            pl.BlockSpec((NH, 1, EB, HBP), lambda i, t: (0, i, t, 0)),
        ],
        out_shape=[
            jax.ShapeDtypeStruct((NIMG, H * W, PAYW), jnp.float32),
            jax.ShapeDtypeStruct((NH, NIMG, H * W, HBP), jnp.float32),
        ],
    )(patches, w3, fc_w1, fc_b1, fc_w2, fc_b2, rotp)


def _pos_body(oh_ref, pos_ref):
    b = pl.program_id(0)
    h = pl.program_id(1)
    ri = jax.lax.broadcasted_iota(jnp.int32, (PB, PB), 0)
    ci = jax.lax.broadcasted_iota(jnp.int32, (PB, PB), 1)
    t_le_bf = (ri >= ci).astype(jnp.bfloat16)
    vi = jax.lax.broadcasted_iota(jnp.int32, (HBP, HBP), 0)
    vj = jax.lax.broadcasted_iota(jnp.int32, (HBP, HBP), 1)
    t_lt = (vi < vj).astype(jnp.float32)

    oh_all = oh_ref[0, 0]
    tot = jnp.sum(oh_all, axis=0, keepdims=True)
    start = jax.lax.dot_general(
        tot, t_lt, (((1,), (0,)), ((), ())),
        precision=jax.lax.Precision.HIGHEST,
        preferred_element_type=jnp.float32)
    base = ((b * NH + h) * LP).astype(jnp.int32)

    def blk(t, run):
        ob = oh_ref[0, 0, pl.ds(t * PB, PB), :]
        rinc = jax.lax.dot_general(
            t_le_bf, ob.astype(jnp.bfloat16), (((1,), (0,)), ((), ())),
            preferred_element_type=jnp.float32)
        bias = run + start
        posf = jnp.sum(ob * (rinc - ob + bias), axis=1, keepdims=True)
        pos_ref[0, 0, pl.ds(t * PB, PB), :] = posf.astype(jnp.int32) + base
        return run + rinc[PB - 1:PB, :]

    jax.lax.fori_loop(0, NPB, blk, jnp.zeros((1, HBP), jnp.float32))


def _positions(onehot):
    return pl.pallas_call(
        _pos_body,
        grid=(N, NH),
        in_specs=[pl.BlockSpec((1, 1, L, HBP), lambda b, h: (b, h, 0, 0))],
        out_specs=pl.BlockSpec((1, 1, L, 1), lambda b, h: (b, h, 0, 0)),
        out_shape=jax.ShapeDtypeStruct((N, NH, L, 1), jnp.int32),
    )(onehot)


def _attn_body(srt_ref, out_ref):
    ident = (jax.lax.broadcasted_iota(jnp.int32, (CHUNK, CHUNK), 0) ==
             jax.lax.broadcasted_iota(jnp.int32, (CHUNK, CHUNK), 1)
             ).astype(jnp.float32)

    def compute(a3, q, k):
        xm = a3[:, XN0:XN0 + C]
        yk = a3[:, Y0:Y0 + CH]
        fc3 = a3[:, FC0:FC0 + CHUNK]
        raw_t = jax.lax.dot_general(
            xm, q, (((1,), (1,)), ((), ())),
            preferred_element_type=jnp.float32) + fc3
        m = jnp.max(raw_t, axis=0, keepdims=True)
        e = jnp.exp(raw_t - m)
        s = jnp.sum(e, axis=0, keepdims=True)
        en = e * (1.0 / s)
        ret = jax.lax.dot_general(
            en, yk, (((0,), (0,)), ((), ())),
            preferred_element_type=jnp.float32)
        bs_row = m + jnp.log(s)
        bs_col = jax.lax.dot_general(
            ident, bs_row, (((1,), (1,)), ((), ())),
            preferred_element_type=jnp.float32)
        payload = jnp.concatenate(
            [ret, jnp.broadcast_to(bs_col, (CHUNK, OC - CH))], axis=1)
        out_ref[0, pl.ds(k * CHUNK, CHUNK), :] = payload

    c56 = jnp.concatenate(
        [srt_ref[0, pl.ds((K - 1) * CHUNK, CHUNK - PAD), :],
         srt_ref[0, pl.ds(L - PAD, PAD), :]], axis=0)
    c0 = srt_ref[0, pl.ds(0, CHUNK), :]
    c1 = srt_ref[0, pl.ds(CHUNK, CHUNK), :]
    c54 = srt_ref[0, pl.ds((K - 3) * CHUNK, CHUNK), :]
    c55 = srt_ref[0, pl.ds((K - 2) * CHUNK, CHUNK), :]
    compute(jnp.concatenate([c56, c0, c1], axis=0), c0[:, X0:X0 + C], 0)
    compute(jnp.concatenate([c54, c55, c56], axis=0), c55[:, X0:X0 + C], K - 2)
    compute(jnp.concatenate([c55, c56, c0], axis=0), c56[:, X0:X0 + C], K - 1)

    def chunk_pair(i, _):
        k = 1 + 2 * i
        a3 = srt_ref[0, pl.ds((k - 1) * CHUNK, 3 * CHUNK), :]
        compute(a3, a3[CHUNK:2 * CHUNK, X0:X0 + C], k)
        b3 = srt_ref[0, pl.ds(k * CHUNK, 3 * CHUNK), :]
        compute(b3, b3[CHUNK:2 * CHUNK, X0:X0 + C], k + 1)
        return 0

    jax.lax.fori_loop(0, (K - 3) // 2, chunk_pair, 0)


def _chunked_attention(srt):
    return pl.pallas_call(
        _attn_body,
        grid=(BH,),
        in_specs=[pl.BlockSpec((1, LP, PAYW), lambda b: (b, 0, 0))],
        out_specs=pl.BlockSpec((1, LP, OC), lambda b: (b, 0, 0)),
        out_shape=jax.ShapeDtypeStruct((BH, LP, OC), jnp.float32),
    )(srt)


def _conv(x, w):
    return jax.lax.conv_general_dilated(
        x, w, (1, 1), 'SAME', dimension_numbers=('NCHW', 'OIHW', 'NCHW'))


NW = 32
SLICE = L // NW
IDXR = SLICE // 128
PAYW = 256

_SC_MESH = plsc.VectorSubcoreMesh(core_axis_name="c", subcore_axis_name="s")


def _sc_scatter_body(tok, pos, srt, idx_v, row_v, sem):
    wid = lax.axis_index("s") * 2 + lax.axis_index("c")
    for b in range(N):
        pltpu.sync_copy(tok.at[pl.ds(b * L + wid * SLICE, SLICE)], row_v)
        for h in range(NH):
            pltpu.sync_copy(pos.at[b, h, pl.ds(wid * IDXR, IDXR)], idx_v)
            handles = [
                pltpu.async_copy(row_v.at[pl.ds(j * 128, 128)],
                                 srt.at[idx_v.at[j]], sem)
                for j in range(IDXR)
            ]
            for hd in handles:
                hd.wait()


def _sc_scatter(tok, pos4):
    return pl.kernel(
        _sc_scatter_body,
        out_type=jax.ShapeDtypeStruct((BH * LP, PAYW), jnp.float32),
        mesh=_SC_MESH,
        scratch_types=[
            pltpu.VMEM((IDXR, 128), jnp.int32),
            pltpu.VMEM((SLICE, PAYW), jnp.float32),
            pltpu.SemaphoreType.DMA,
        ],
    )(tok, pos4)


def _sc_gather_body(att, pos, retf, idx_v, rows_v, sem):
    wid = lax.axis_index("s") * 2 + lax.axis_index("c")
    for b in range(N):
        for h in range(NH):
            pltpu.sync_copy(pos.at[b, h, pl.ds(wid * IDXR, IDXR)], idx_v)
            for j in range(IDXR):
                pltpu.async_copy(att.at[idx_v.at[j]], rows_v, sem).wait()
                dst = (b * NH + h) * L + wid * SLICE + j * 128
                pltpu.sync_copy(rows_v, retf.at[pl.ds(dst, 128)])


def _sc_gather(att, pos4):
    return pl.kernel(
        _sc_gather_body,
        out_type=jax.ShapeDtypeStruct((N * NH * L, OC), jnp.float32),
        mesh=_SC_MESH,
        scratch_types=[
            pltpu.VMEM((IDXR, 128), jnp.int32),
            pltpu.VMEM((128, OC), jnp.float32),
            pltpu.SemaphoreType.DMA,
        ],
    )(att, pos4)


CB = 512


def _comb_body(retf_ref, out_ref):
    lane = lax.broadcasted_iota(jnp.int32, (CB, OC), 1)
    msk = (lane == CH).astype(jnp.float32)
    rows = [retf_ref[0, h] for h in range(NH)]
    bs = [jnp.sum(r * msk, axis=1, keepdims=True) for r in rows]
    m = bs[0]
    for h in range(1, NH):
        m = jnp.maximum(m, bs[h])
    es = [jnp.exp(b - m) for b in bs]
    s = es[0]
    for h in range(1, NH):
        s = s + es[h]
    acc = jnp.zeros((CB, CH), jnp.float32)
    for h in range(NH):
        acc = acc + rows[h][:, :CH] * (es[h] / s)
    out_ref[0] = acc


def _combine(retf):
    return pl.pallas_call(
        _comb_body,
        grid=(N, L // CB),
        in_specs=[pl.BlockSpec((1, NH, CB, OC), lambda b, t: (b, 0, t, 0))],
        out_specs=pl.BlockSpec((1, CB, CH), lambda b, t: (b, t, 0)),
        out_shape=jax.ShapeDtypeStruct((N, L, CH), jnp.float32),
    )(retf)


def kernel(input1, input2, w_match, w_asm, w_asm_fc, fc_w1, fc_b1, fc_w2,
           fc_b2, rotations):
    n = input1.shape[0]
    hw = H * W

    x1 = _conv(input1, w_match).reshape(n, C, hw).transpose(0, 2, 1)
    x2 = _conv(input2, w_match).reshape(n, C, hw).transpose(0, 2, 1)
    x_embed = jnp.concatenate([x1, x2], axis=1)
    y1 = _conv(input1, w_asm).reshape(n, CH, hw).transpose(0, 2, 1)
    y2 = _conv(input2, w_asm).reshape(n, CH, hw).transpose(0, 2, 1)
    y_embed = jnp.concatenate([y1, y2], axis=1)
    f1 = _conv(input1, w_asm_fc).reshape(n, CH, hw).transpose(0, 2, 1)
    f2 = _conv(input2, w_asm_fc).reshape(n, CH, hw).transpose(0, 2, 1)
    fc_embed = jnp.concatenate([f1, f2], axis=1)

    hdn = jax.nn.relu(fc_embed @ fc_w1.T + fc_b1)
    fco = hdn @ fc_w2.T + fc_b2

    rotated = jnp.einsum('btf,fhi->bhti', x_embed, rotations)
    onehot = jax.nn.one_hot(
        jnp.argmax(rotated, axis=-1), HBP, dtype=jnp.float32)

    pos4 = _positions(onehot).reshape(N, NH, L // 128, 128)

    nrm = jnp.maximum(
        jnp.sqrt(jnp.sum(x_embed * x_embed, axis=-1, keepdims=True)), 5e-05)
    tok = jnp.concatenate(
        [fco, y_embed, x_embed, x_embed / nrm,
         jnp.zeros((n, L, PAYW - XN0 - C), jnp.float32)],
        axis=-1).reshape(n * L, PAYW)
    srt = _sc_scatter(tok, pos4)

    att = _chunked_attention(srt.reshape(BH, LP, PAYW))

    retf = _sc_gather(att.reshape(BH * LP, OC), pos4)
    ret = _combine(retf.reshape(n, NH, L, OC))

    out1 = ret[:, :hw, :].transpose(0, 2, 1).reshape(n, CH, H, W) + input1
    out2 = ret[:, hw:, :].transpose(0, 2, 1).reshape(n, CH, H, W) + input2
    return (out1, out2)

# --- scband reference (transcript-rebuilt; emitter-appended) ---
"""Pipeline reference for scband-scgla-24034636989267 (READ-ONLY COPY).

The authoritative reference and input builder live on the scoring server;
editing this copy changes nothing except your own understanding.
"""

import jax, jax.numpy as jnp
import numpy as np
from jax.scipy.special import logsumexp

N = 2; CH = 64; H = 64; W = 64; RED = 4; NH = 4; CHUNK = 144; RES_SCALE = 1.0
L = 2 * H * W
C = CH // RED
HB = min(L // CHUNK + (L // CHUNK) % 2, 128)


def _conv(x, w):
    return jax.lax.conv_general_dilated(x, w, (1, 1), 'SAME', dimension_numbers=('NCHW', 'OIHW', 'NCHW'))


def _bis(values, indices):
    return jnp.take_along_axis(values, indices[:, :, None], axis=1)


def _add_adj(x):
    back = jnp.concatenate([x[:, :, -1:], x[:, :, :-1]], axis=2)
    fwd = jnp.concatenate([x[:, :, 1:], x[:, :, :1]], axis=2)
    return jnp.concatenate([x, back, fwd], axis=3)


def setup_inputs(seed: int = 0):
    key = jax.random.key(seed)
    ks = jax.random.split(key, 16)
    input1 = jax.random.normal(ks[0], (N, CH, H, W), jnp.float32)
    input2 = jax.random.normal(ks[1], (N, CH, H, W), jnp.float32)
    w_match = jax.random.normal(ks[2], (C, CH, 3, 3), jnp.float32) * 0.04
    w_asm = jax.random.normal(ks[3], (CH, CH, 3, 3), jnp.float32) * 0.04
    w_asm_fc = jax.random.normal(ks[4], (CH, CH, 3, 3), jnp.float32) * 0.04
    fc_w1 = jax.random.normal(ks[5], (CHUNK, CH), jnp.float32) * 0.1
    fc_b1 = jnp.zeros((CHUNK,), jnp.float32)
    fc_w2 = jax.random.normal(ks[6], (CHUNK, CHUNK), jnp.float32) * 0.08
    fc_b2 = jnp.zeros((CHUNK,), jnp.float32)
    rots = []
    for i in range(NH):
        a = jax.random.normal(ks[7 + i], (HB, C), jnp.float32)
        q, _ = jnp.linalg.qr(a)
        rots.append(q.T)
    rotations = jnp.stack(rots, axis=1)  # (C, NH, HB), orthonormal rows per hash
    return {'input1': input1, 'input2': input2, 'w_match': w_match, 'w_asm': w_asm, 'w_asm_fc': w_asm_fc,
            'fc_w1': fc_w1, 'fc_b1': fc_b1, 'fc_w2': fc_w2, 'fc_b2': fc_b2, 'rotations': rotations}


def reference(input1, input2, w_match, w_asm, w_asm_fc, fc_w1, fc_b1, fc_w2, fc_b2, rotations):
    n, _, h, w = input1.shape
    hw = h * w
    x1 = _conv(input1, w_match).reshape(n, C, hw).transpose(0, 2, 1)
    x2 = _conv(input2, w_match).reshape(n, C, hw).transpose(0, 2, 1)
    x_embed = jnp.concatenate([x1, x2], axis=1)
    y1 = _conv(input1, w_asm).reshape(n, CH, hw).transpose(0, 2, 1)
    y2 = _conv(input2, w_asm).reshape(n, CH, hw).transpose(0, 2, 1)
    y_embed = jnp.concatenate([y1, y2], axis=1)
    f1 = _conv(input1, w_asm_fc).reshape(n, CH, hw).transpose(0, 2, 1)
    f2 = _conv(input2, w_asm_fc).reshape(n, CH, hw).transpose(0, 2, 1)
    fc_embed = jnp.concatenate([f1, f2], axis=1)
    Lc = x_embed.shape[1]
    # SBLSH hashing (rotations are a fixed orthogonal constant; hash codes detached in torch)
    rotated = jnp.einsum('btf,fhi->bhti', x_embed, rotations)
    hash_codes = jnp.argmax(rotated, axis=-1)
    offsets = (jnp.arange(NH) * HB).reshape(1, -1, 1)
    hash_codes = jax.lax.stop_gradient((hash_codes + offsets).reshape(n, -1))
    indices = jnp.argsort(hash_codes, axis=-1)
    undo_sort = jnp.argsort(indices, axis=-1)
    mod_indices = indices % Lc
    x_s = _bis(x_embed, mod_indices)
    y_s = _bis(y_embed, mod_indices)
    fc_s = _bis(fc_embed, mod_indices)
    padding = (CHUNK - Lc % CHUNK) % CHUNK
    x_b = x_s.reshape(n, NH, -1, C)
    y_b = y_s.reshape(n, NH, -1, CH)
    fc_bk = fc_s.reshape(n, NH, -1, CH)
    if padding:
        x_b = jnp.concatenate([x_b, x_b[:, :, -padding:, :]], axis=2)
        y_b = jnp.concatenate([y_b, y_b[:, :, -padding:, :]], axis=2)
        fc_bk = jnp.concatenate([fc_bk, fc_bk[:, :, -padding:, :]], axis=2)
    x_b = x_b.reshape(n, NH, -1, CHUNK, C)
    y_b = y_b.reshape(n, NH, -1, CHUNK, CH)
    fc_bk = fc_bk.reshape(n, NH, -1, CHUNK, CH)
    x_match = x_b / jnp.maximum(jnp.linalg.norm(x_b, axis=-1, keepdims=True), 5e-05)
    x_match = _add_adj(x_match)
    y_b = _add_adj(y_b)
    fc_bk = _add_adj(fc_bk)
    hdn = jax.nn.relu(fc_bk @ fc_w1.T + fc_b1)
    fc_out = hdn @ fc_w2.T + fc_b2
    fc_raw = jnp.swapaxes(fc_out, -1, -2)
    raw = jnp.einsum('bhkie,bhkje->bhkij', x_b, x_match) + fc_raw
    bs = logsumexp(raw, axis=-1, keepdims=True)
    score = jnp.exp(raw - bs)
    ret = jnp.einsum('bukij,bukje->bukie', score, y_b)
    bs = bs.reshape(n, NH, -1)
    ret = ret.reshape(n, NH, -1, CH)
    if padding:
        ret = ret[:, :, :-padding, :]
        bs = bs[:, :, :-padding]
    ret = ret.reshape(n, -1, CH)
    bs = bs.reshape(n, -1)
    ret = _bis(ret, undo_sort)
    bs = jnp.take_along_axis(bs, undo_sort, axis=1)
    ret = ret.reshape(n, NH, Lc, CH)
    bs = bs.reshape(n, NH, Lc, 1)
    probs = jax.nn.softmax(bs, axis=1)
    ret = jnp.sum(ret * probs, axis=1)
    out1 = ret[:, :hw, :].transpose(0, 2, 1).reshape(n, CH, h, w) * RES_SCALE + input1
    out2 = ret[:, hw:, :].transpose(0, 2, 1).reshape(n, CH, h, w) * RES_SCALE + input2
    return (out1, out2)

if __name__ == "__main__":
    import jax
    _d = setup_inputs()
    print(jax.jit(kernel)(*tuple(_d.values())))

</pallas_src>

<mosaic_0001>
#map = affine_map<(d0, d1) -> (0, 0)>
#map1 = affine_map<(d0, d1) -> (0, 0, 0, 0)>
module attributes {stable_mosaic.version = 14 : i64} {
  func.func @_sc_scatter_body(%arg0: i32, %arg1: i32, %arg2: memref<16384x256xf32, #tpu.memory_space<hbm>>, %arg3: memref<2x4x64x128xi32, #tpu.memory_space<hbm>>, %arg4: memref<65664x256xf32, #tpu.memory_space<hbm>>, %arg5: memref<2x128xi32, #tpu.memory_space<vmem>>, %arg6: memref<256x256xf32, #tpu.memory_space<vmem>>, %arg7: memref<!tpu.dma_semaphore, #tpu.memory_space<semaphore_mem>>) attributes {dimension_semantics = [#tpu.dimension_semantics<core_parallel>, #tpu.dimension_semantics<subcore_parallel>], iteration_bounds = array<i64: 2, 16>, scalar_prefetch = 0 : i64, scratch_operands = 3 : i64, tpu.core_type = #tpu.core_type<sc_vector_subcore>, window_params = [{transform_indices = #map}, {transform_indices = #map1}, {transform_indices = #map}]} {
    %mul3A = arith.constant 2 : i32
    %mul3A_0 = arith.muli %arg1, %mul3A : i32
    %add3A = arith.addi %mul3A_0, %arg0 : i32
    %mul3A_1 = arith.constant 256 : i32
    %mul3A_2 = arith.muli %add3A, %mul3A_1 : i32
    %add3A_3 = arith.constant 0 : i32
    %add3A_4 = arith.addi %add3A_3, %mul3A_2 : i32
    "tpu.region"() ({
      %run_scoped3A_358 = tpu.sem_alloc : memref<!tpu.dma_semaphore, #tpu.memory_space<semaphore_mem>>
      %dma_start3A_359 = arith.constant 0 : i32
      %dma_start3A_360 = tpu.memref_slice %arg2[%add3A_4, %dma_start3A_359] : memref<16384x256xf32, #tpu.memory_space<hbm>> -> memref<256x256xf32, #tpu.memory_space<hbm>>
      %dma_start3A_361 = arith.constant 0 : i32
      %dma_start3A_362 = tpu.memref_slice %arg2[%add3A_4, %dma_start3A_361] : memref<16384x256xf32, #tpu.memory_space<hbm>> -> memref<256x256xf32, #tpu.memory_space<hbm>>
      tpu.enqueue_dma source(%dma_start3A_362 : memref<256x256xf32, #tpu.memory_space<hbm>>) target(%arg6 : memref<256x256xf32, #tpu.memory_space<vmem>>) target_semaphore(%run_scoped3A_358 : memref<!tpu.dma_semaphore, #tpu.memory_space<semaphore_mem>>)
      %dma_wait3A_363 = arith.constant 0 : i32
      %dma_wait3A_364 = tpu.memref_slice %arg2[%add3A_4, %dma_wait3A_363] : memref<16384x256xf32, #tpu.memory_space<hbm>> -> memref<256x256xf32, #tpu.memory_space<hbm>>
      %dma_wait3A_365 = arith.constant 0 : i32
      %dma_wait3A_366 = tpu.memref_slice %arg2[%add3A_4, %dma_wait3A_365] : memref<16384x256xf32, #tpu.memory_space<hbm>> -> memref<256x256xf32, #tpu.memory_space<hbm>>
      tpu.wait_dma2 semaphore(%run_scoped3A_358 : memref<!tpu.dma_semaphore, #tpu.memory_space<semaphore_mem>>) src(%dma_wait3A_366 : memref<256x256xf32, #tpu.memory_space<hbm>>) dst(%arg6 : memref<256x256xf32, #tpu.memory_space<vmem>>)
      tpu.yield
    }) : () -> ()
    %mul3A_5 = arith.constant 2 : i32
    %mul3A_6 = arith.muli %add3A, %mul3A_5 : i32
    %run_scoped3A = arith.constant 0 : i32
    %run_scoped3A_7 = arith.constant 0 : i32
    "tpu.region"() ({
      %run_scoped3A_358 = tpu.sem_alloc : memref<!tpu.dma_semaphore, #tpu.memory_space<semaphore_mem>>
      %dma_start3A_359 = arith.constant 0 : i32
      %dma_start3A_360 = tpu.memref_slice %arg3[%run_scoped3A, %run_scoped3A_7, %mul3A_6, %dma_start3A_359] : memref<2x4x64x128xi32, #tpu.memory_space<hbm>> -> memref<1x1x2x128xi32, #tpu.memory_space<hbm>>
      %dma_start3A_361 = tpu.memref_squeeze %dma_start3A_360 : memref<1x1x2x128xi32, #tpu.memory_space<hbm>> -> memref<2x128xi32, #tpu.memory_space<hbm>>
      %dma_start3A_362 = arith.constant 0 : i32
      %dma_start3A_363 = tpu.memref_slice %arg3[%run_scoped3A, %run_scoped3A_7, %mul3A_6, %dma_start3A_362] : memref<2x4x64x128xi32, #tpu.memory_space<hbm>> -> memref<1x1x2x128xi32, #tpu.memory_space<hbm>>
      %dma_start3A_364 = tpu.memref_squeeze %dma_start3A_363 : memref<1x1x2x128xi32, #tpu.memory_space<hbm>> -> memref<2x128xi32, #tpu.memory_space<hbm>>
      tpu.enqueue_dma source(%dma_start3A_364 : memref<2x128xi32, #tpu.memory_space<hbm>>) target(%arg5 : memref<2x128xi32, #tpu.memory_space<vmem>>) target_semaphore(%run_scoped3A_358 : memref<!tpu.dma_semaphore, #tpu.memory_space<semaphore_mem>>)
      %dma_wait3A_365 = arith.constant 0 : i32
      %dma_wait3A_366 = tpu.memref_slice %arg3[%run_scoped3A, %run_scoped3A_7, %mul3A_6, %dma_wait3A_365] : memref<2x4x64x128xi32, #tpu.memory_space<hbm>> -> memref<1x1x2x128xi32, #tpu.memory_space<hbm>>
      %dma_wait3A_367 = tpu.memref_squeeze %dma_wait3A_366 : memref<1x1x2x128xi32, #tpu.memory_space<hbm>> -> memref<2x128xi32, #tpu.memory_space<hbm>>
      %dma_wait3A_368 = arith.constant 0 : i32
      %dma_wait3A_369 = tpu.memref_slice %arg3[%run_scoped3A, %run_scoped3A_7, %mul3A_6, %dma_wait3A_368] : memref<2x4x64x128xi32, #tpu.memory_space<hbm>> -> memref<1x1x2x128xi32, #tpu.memory_space<hbm>>
      %dma_wait3A_370 = tpu.memref_squeeze %dma_wait3A_369 : memref<1x1x2x128xi32, #tpu.memory_space<hbm>> -> memref<2x128xi32, #tpu.memory_space<hbm>>
      tpu.wait_dma2 semaphore(%run_scoped3A_358 : memref<!tpu.dma_semaphore, #tpu.memory_space<semaphore_mem>>) src(%dma_wait3A_370 : memref<2x128xi32, #tpu.memory_space<hbm>>) dst(%arg5 : memref<2x128xi32, #tpu.memory_space<vmem>>)
      tpu.yield
    }) : () -> ()
    %dma_start3A = arith.constant 0 : i32
    %dma_start3A_8 = arith.constant 0 : i32
    %dma_start3A_9 = arith.constant 0 : i32
    %dma_start3A_10 = tpu.memref_slice %arg6[%dma_start3A_8, %dma_start3A_9] : memref<256x256xf32, #tpu.memory_space<vmem>> -> memref<128x256xf32, #tpu.memory_space<vmem>>
    %dma_start3A_11 = arith.constant 0 : i32
    %dma_start3A_12 = tpu.memref_slice %arg5[%dma_start3A, %dma_start3A_11] : memref<2x128xi32, #tpu.memory_space<vmem>> -> memref<1x128xi32, #tpu.memory_space<vmem>>
    %dma_start3A_13 = tpu.memref_squeeze %dma_start3A_12 : memref<1x128xi32, #tpu.memory_space<vmem>> -> memref<128xi32, #tpu.memory_space<vmem>>
    %dma_start3A_14 = arith.constant 0 : i32
    %dma_start3A_15 = arith.constant 0 : i32
    %dma_start3A_16 = tpu.memref_slice %arg4[%dma_start3A_14, %dma_start3A_15] : memref<65664x256xf32, #tpu.memory_space<hbm>> -> memref<65664x256xf32, #tpu.memory_space<hbm>>
    tpu.enqueue_indirect_dma source(%dma_start3A_10 : memref<128x256xf32, #tpu.memory_space<vmem>>) target(%dma_start3A_16 : memref<65664x256xf32, #tpu.memory_space<hbm>>) offsets(%dma_start3A_13 : memref<128xi32, #tpu.memory_space<vmem>>) semaphore(%arg7 : memref<!tpu.dma_semaphore, #tpu.memory_space<semaphore_mem>>)
    %dma_start3A_17 = arith.constant 1 : i32
    %dma_start3A_18 = arith.constant 128 : i32
    %dma_start3A_19 = arith.constant 0 : i32
    %dma_start3A_20 = tpu.memref_slice %arg6[%dma_start3A_18, %dma_start3A_19] : memref<256x256xf32, #tpu.memory_space<vmem>> -> memref<128x256xf32, #tpu.memory_space<vmem>>
    %dma_start3A_21 = arith.constant 0 : i32
    %dma_start3A_22 = tpu.memref_slice %arg5[%dma_start3A_17, %dma_start3A_21] : memref<2x128xi32, #tpu.memory_space<vmem>> -> memref<1x128xi32, #tpu.memory_space<vmem>>
    %dma_start3A_23 = tpu.memref_squeeze %dma_start3A_22 : memref<1x128xi32, #tpu.memory_space<vmem>> -> memref<128xi32, #tpu.memory_space<vmem>>
    %dma_start3A_24 = arith.constant 0 : i32
    %dma_start3A_25 = arith.constant 0 : i32
    %dma_start3A_26 = tpu.memref_slice %arg4[%dma_start3A_24, %dma_start3A_25] : memref<65664x256xf32, #tpu.memory_space<hbm>> -> memref<65664x256xf32, #tpu.memory_space<hbm>>
    tpu.enqueue_indirect_dma source(%dma_start3A_20 : memref<128x256xf32, #tpu.memory_space<vmem>>) target(%dma_start3A_26 : memref<65664x256xf32, #tpu.memory_space<hbm>>) offsets(%dma_start3A_23 : memref<128xi32, #tpu.memory_space<vmem>>) semaphore(%arg7 : memref<!tpu.dma_semaphore, #tpu.memory_space<semaphore_mem>>)
    %dma_wait3A = arith.constant 0 : i32
    %dma_wait3A_27 = arith.constant 0 : i32
    %dma_wait3A_28 = arith.constant 0 : i32
    %dma_wait3A_29 = tpu.memref_slice %arg6[%dma_wait3A_27, %dma_wait3A_28] : memref<256x256xf32, #tpu.memory_space<vmem>> -> memref<128x256xf32, #tpu.memory_space<vmem>>
    %dma_wait3A_30 = arith.constant 0 : i32
    %dma_wait3A_31 = tpu.memref_slice %arg5[%dma_wait3A, %dma_wait3A_30] : memref<2x128xi32, #tpu.memory_space<vmem>> -> memref<1x128xi32, #tpu.memory_space<vmem>>
    %dma_wait3A_32 = tpu.memref_squeeze %dma_wait3A_31 : memref<1x128xi32, #tpu.memory_space<vmem>> -> memref<128xi32, #tpu.memory_space<vmem>>
    %dma_wait3A_33 = arith.constant 0 : i32
    %dma_wait3A_34 = arith.constant 0 : i32
    %dma_wait3A_35 = tpu.memref_slice %arg4[%dma_wait3A_33, %dma_wait3A_34] : memref<65664x256xf32, #tpu.memory_space<hbm>> -> memref<65664x256xf32, #tpu.memory_space<hbm>>
    tpu.wait_indirect_dma semaphore(%arg7 : memref<!tpu.dma_semaphore, #tpu.memory_space<semaphore_mem>>) src(%dma_wait3A_29 : memref<128x256xf32, #tpu.memory_space<vmem>>) dst(%dma_wait3A_35 : memref<65664x256xf32, #tpu.memory_space<hbm>>)
    %dma_wait3A_36 = arith.constant 1 : i32
    %dma_wait3A_37 = arith.constant 128 : i32
    %dma_wait3A_38 = arith.constant 0 : i32
    %dma_wait3A_39 = tpu.memref_slice %arg6[%dma_wait3A_37, %dma_wait3A_38] : memref<256x256xf32, #tpu.memory_space<vmem>> -> memref<128x256xf32, #tpu.memory_space<vmem>>
    %dma_wait3A_40 = arith.constant 0 : i32
    %dma_wait3A_41 = tpu.memref_slice %arg5[%dma_wait3A_36, %dma_wait3A_40] : memref<2x128xi32, #tpu.memory_space<vmem>> -> memref<1x128xi32, #tpu.memory_space<vmem>>
    %dma_wait3A_42 = tpu.memref_squeeze %dma_wait3A_41 : memref<1x128xi32, #tpu.memory_space<vmem>> -> memref<128xi32, #tpu.memory_space<vmem>>
    %dma_wait3A_43 = arith.constant 0 : i32
    %dma_wait3A_44 = arith.constant 0 : i32
    %dma_wait3A_45 = tpu.memref_slice %arg4[%dma_wait3A_43, %dma_wait3A_44] : memref<65664x256xf32, #tpu.memory_space<hbm>> -> memref<65664x256xf32, #tpu.memory_space<hbm>>
    tpu.wait_indirect_dma semaphore(%arg7 : memref<!tpu.dma_semaphore, #tpu.memory_space<semaphore_mem>>) src(%dma_wait3A_39 : memref<128x256xf32, #tpu.memory_space<vmem>>) dst(%dma_wait3A_45 : memref<65664x256xf32, #tpu.memory_space<hbm>>)
    %mul3A_46 = arith.constant 2 : i32
    %mul3A_47 = arith.muli %add3A, %mul3A_46 : i32
    %run_scoped3A_48 = arith.constant 0 : i32
    %run_scoped3A_49 = arith.constant 1 : i32
    "tpu.region"() ({
      %run_scoped3A_358 = tpu.sem_alloc : memref<!tpu.dma_semaphore, #tpu.memory_space<semaphore_mem>>
      %dma_start3A_359 = arith.constant 0 : i32
      %dma_start3A_360 = tpu.memref_slice %arg3[%run_scoped3A_48, %run_scoped3A_49, %mul3A_47, %dma_start3A_359] : memref<2x4x64x128xi32, #tpu.memory_space<hbm>> -> memref<1x1x2x128xi32, #tpu.memory_space<hbm>>
      %dma_start3A_361 = tpu.memref_squeeze %dma_start3A_360 : memref<1x1x2x128xi32, #tpu.memory_space<hbm>> -> memref<2x128xi32, #tpu.memory_space<hbm>>
      %dma_start3A_362 = arith.constant 0 : i32
      %dma_start3A_363 = tpu.memref_slice %arg3[%run_scoped3A_48, %run_scoped3A_49, %mul3A_47, %dma_start3A_362] : memref<2x4x64x128xi32, #tpu.memory_space<hbm>> -> memref<1x1x2x128xi32, #tpu.memory_space<hbm>>
      %dma_start3A_364 = tpu.memref_squeeze %dma_start3A_363 : memref<1x1x2x128xi32, #tpu.memory_space<hbm>> -> memref<2x128xi32, #tpu.memory_space<hbm>>
      tpu.enqueue_dma source(%dma_start3A_364 : memref<2x128xi32, #tpu.memory_space<hbm>>) target(%arg5 : memref<2x128xi32, #tpu.memory_space<vmem>>) target_semaphore(%run_scoped3A_358 : memref<!tpu.dma_semaphore, #tpu.memory_space<semaphore_mem>>)
      %dma_wait3A_365 = arith.constant 0 : i32
      %dma_wait3A_366 = tpu.memref_slice %arg3[%run_scoped3A_48, %run_scoped3A_49, %mul3A_47, %dma_wait3A_365] : memref<2x4x64x128xi32, #tpu.memory_space<hbm>> -> memref<1x1x2x128xi32, #tpu.memory_space<hbm>>
      %dma_wait3A_367 = tpu.memref_squeeze %dma_wait3A_366 : memref<1x1x2x128xi32, #tpu.memory_space<hbm>> -> memref<2x128xi32, #tpu.memory_space<hbm>>
      %dma_wait3A_368 = arith.constant 0 : i32
      %dma_wait3A_369 = tpu.memref_slice %arg3[%run_scoped3A_48, %run_scoped3A_49, %mul3A_47, %dma_wait3A_368] : memref<2x4x64x128xi32, #tpu.memory_space<hbm>> -> memref<1x1x2x128xi32, #tpu.memory_space<hbm>>
      %dma_wait3A_370 = tpu.memref_squeeze %dma_wait3A_369 : memref<1x1x2x128xi32, #tpu.memory_space<hbm>> -> memref<2x128xi32, #tpu.memory_space<hbm>>
      tpu.wait_dma2 semaphore(%run_scoped3A_358 : memref<!tpu.dma_semaphore, #tpu.memory_space<semaphore_mem>>) src(%dma_wait3A_370 : memref<2x128xi32, #tpu.memory_space<hbm>>) dst(%arg5 : memref<2x128xi32, #tpu.memory_space<vmem>>)
      tpu.yield
    }) : () -> ()
    %dma_start3A_50 = arith.constant 0 : i32
    %dma_start3A_51 = arith.constant 0 : i32
    %dma_start3A_52 = arith.constant 0 : i32
    %dma_start3A_53 = tpu.memref_slice %arg6[%dma_start3A_51, %dma_start3A_52] : memref<256x256xf32, #tpu.memory_space<vmem>> -> memref<128x256xf32, #tpu.memory_space<vmem>>
    %dma_start3A_54 = arith.constant 0 : i32
    %dma_start3A_55 = tpu.memref_slice %arg5[%dma_start3A_50, %dma_start3A_54] : memref<2x128xi32, #tpu.memory_space<vmem>> -> memref<1x128xi32, #tpu.memory_space<vmem>>
    %dma_start3A_56 = tpu.memref_squeeze %dma_start3A_55 : memref<1x128xi32, #tpu.memory_space<vmem>> -> memref<128xi32, #tpu.memory_space<vmem>>
    %dma_start3A_57 = arith.constant 0 : i32
    %dma_start3A_58 = arith.constant 0 : i32
    %dma_start3A_59 = tpu.memref_slice %arg4[%dma_start3A_57, %dma_start3A_58] : memref<65664x256xf32, #tpu.memory_space<hbm>> -> memref<65664x256xf32, #tpu.memory_space<hbm>>
    tpu.enqueue_indirect_dma source(%dma_start3A_53 : memref<128x256xf32, #tpu.memory_space<vmem>>) target(%dma_start3A_59 : memref<65664x256xf32, #tpu.memory_space<hbm>>) offsets(%dma_start3A_56 : memref<128xi32, #tpu.memory_space<vmem>>) semaphore(%arg7 : memref<!tpu.dma_semaphore, #tpu.memory_space<semaphore_mem>>)
    %dma_start3A_60 = arith.constant 1 : i32
    %dma_start3A_61 = arith.constant 128 : i32
    %dma_start3A_62 = arith.constant 0 : i32
    %dma_start3A_63 = tpu.memref_slice %arg6[%dma_start3A_61, %dma_start3A_62] : memref<256x256xf32, #tpu.memory_space<vmem>> -> memref<128x256xf32, #tpu.memory_space<vmem>>
    %dma_start3A_64 = arith.constant 0 : i32
    %dma_start3A_65 = tpu.memref_slice %arg5[%dma_start3A_60, %dma_start3A_64] : memref<2x128xi32, #tpu.memory_space<vmem>> -> memref<1x128xi32, #tpu.memory_space<vmem>>
    %dma_start3A_66 = tpu.memref_squeeze %dma_start3A_65 : memref<1x128xi32, #tpu.memory_space<vmem>> -> memref<128xi32, #tpu.memory_space<vmem>>
    %dma_start3A_67 = arith.constant 0 : i32
    %dma_start3A_68 = arith.constant 0 : i32
    %dma_start3A_69 = tpu.memref_slice %arg4[%dma_start3A_67, %dma_start3A_68] : memref<65664x256xf32, #tpu.memory_space<hbm>> -> memref<65664x256xf32, #tpu.memory_space<hbm>>
    tpu.enqueue_indirect_dma source(%dma_start3A_63 : memref<128x256xf32, #tpu.memory_space<vmem>>) target(%dma_start3A_69 : memref<65664x256xf32, #tpu.memory_space<hbm>>) offsets(%dma_start3A_66 : memref<128xi32, #tpu.memory_space<vmem>>) semaphore(%arg7 : memref<!tpu.dma_semaphore, #tpu.memory_space<semaphore_mem>>)
    %dma_wait3A_70 = arith.constant 0 : i32
    %dma_wait3A_71 = arith.constant 0 : i32
    %dma_wait3A_72 = arith.constant 0 : i32
    %dma_wait3A_73 = tpu.memref_slice %arg6[%dma_wait3A_71, %dma_wait3A_72] : memref<256x256xf32, #tpu.memory_space<vmem>> -> memref<128x256xf32, #tpu.memory_space<vmem>>
    %dma_wait3A_74 = arith.constant 0 : i32
    %dma_wait3A_75 = tpu.memref_slice %arg5[%dma_wait3A_70, %dma_wait3A_74] : memref<2x128xi32, #tpu.memory_space<vmem>> -> memref<1x128xi32, #tpu.memory_space<vmem>>
    %dma_wait3A_76 = tpu.memref_squeeze %dma_wait3A_75 : memref<1x128xi32, #tpu.memory_space<vmem>> -> memref<128xi32, #tpu.memory_space<vmem>>
    %dma_wait3A_77 = arith.constant 0 : i32
    %dma_wait3A_78 = arith.constant 0 : i32
    %dma_wait3A_79 = tpu.memref_slice %arg4[%dma_wait3A_77, %dma_wait3A_78] : memref<65664x256xf32, #tpu.memory_space<hbm>> -> memref<65664x256xf32, #tpu.memory_space<hbm>>
    tpu.wait_indirect_dma semaphore(%arg7 : memref<!tpu.dma_semaphore, #tpu.memory_space<semaphore_mem>>) src(%dma_wait3A_73 : memref<128x256xf32, #tpu.memory_space<vmem>>) dst(%dma_wait3A_79 : memref<65664x256xf32, #tpu.memory_space<hbm>>)
    %dma_wait3A_80 = arith.constant 1 : i32
    %dma_wait3A_81 = arith.constant 128 : i32
    %dma_wait3A_82 = arith.constant 0 : i32
    %dma_wait3A_83 = tpu.memref_slice %arg6[%dma_wait3A_81, %dma_wait3A_82] : memref<256x256xf32, #tpu.memory_space<vmem>> -> memref<128x256xf32, #tpu.memory_space<vmem>>
    %dma_wait3A_84 = arith.constant 0 : i32
    %dma_wait3A_85 = tpu.memref_slice %arg5[%dma_wait3A_80, %dma_wait3A_84] : memref<2x128xi32, #tpu.memory_space<vmem>> -> memref<1x128xi32, #tpu.memory_space<vmem>>
    %dma_wait3A_86 = tpu.memref_squeeze %dma_wait3A_85 : memref<1x128xi32, #tpu.memory_space<vmem>> -> memref<128xi32, #tpu.memory_space<vmem>>
    %dma_wait3A_87 = arith.constant 0 : i32
    %dma_wait3A_88 = arith.constant 0 : i32
    %dma_wait3A_89 = tpu.memref_slice %arg4[%dma_wait3A_87, %dma_wait3A_88] : memref<65664x256xf32, #tpu.memory_space<hbm>> -> memref<65664x256xf32, #tpu.memory_space<hbm>>
    tpu.wait_indirect_dma semaphore(%arg7 : memref<!tpu.dma_semaphore, #tpu.memory_space<semaphore_mem>>) src(%dma_wait3A_83 : memref<128x256xf32, #tpu.memory_space<vmem>>) dst(%dma_wait3A_89 : memref<65664x256xf32, #tpu.memory_space<hbm>>)
    %mul3A_90 = arith.constant 2 : i32
    %mul3A_91 = arith.muli %add3A, %mul3A_90 : i32
    %run_scoped3A_92 = arith.constant 0 : i32
    %run_scoped3A_93 = arith.constant 2 : i32
    "tpu.region"() ({
      %run_scoped3A_358 = tpu.sem_alloc : memref<!tpu.dma_semaphore, #tpu.memory_space<semaphore_mem>>
      %dma_start3A_359 = arith.constant 0 : i32
      %dma_start3A_360 = tpu.memref_slice %arg3[%run_scoped3A_92, %run_scoped3A_93, %mul3A_91, %dma_start3A_359] : memref<2x4x64x128xi32, #tpu.memory_space<hbm>> -> memref<1x1x2x128xi32, #tpu.memory_space<hbm>>
      %dma_start3A_361 = tpu.memref_squeeze %dma_start3A_360 : memref<1x1x2x128xi32, #tpu.memory_space<hbm>> -> memref<2x128xi32, #tpu.memory_space<hbm>>
      %dma_start3A_362 = arith.constant 0 : i32
      %dma_start3A_363 = tpu.memref_slice %arg3[%run_scoped3A_92, %run_scoped3A_93, %mul3A_91, %dma_start3A_362] : memref<2x4x64x128xi32, #tpu.memory_space<hbm>> -> memref<1x1x2x128xi32, #tpu.memory_space<hbm>>
      %dma_start3A_364 = tpu.memref_squeeze %dma_start3A_363 : memref<1x1x2x128xi32, #tpu.memory_space<hbm>> -> memref<2x128xi32, #tpu.memory_space<hbm>>
      tpu.enqueue_dma source(%dma_start3A_364 : memref<2x128xi32, #tpu.memory_space<hbm>>) target(%arg5 : memref<2x128xi32, #tpu.memory_space<vmem>>) target_semaphore(%run_scoped3A_358 : memref<!tpu.dma_semaphore, #tpu.memory_space<semaphore_mem>>)
      %dma_wait3A_365 = arith.constant 0 : i32
      %dma_wait3A_366 = tpu.memref_slice %arg3[%run_scoped3A_92, %run_scoped3A_93, %mul3A_91, %dma_wait3A_365] : memref<2x4x64x128xi32, #tpu.memory_space<hbm>> -> memref<1x1x2x128xi32, #tpu.memory_space<hbm>>
      %dma_wait3A_367 = tpu.memref_squeeze %dma_wait3A_366 : memref<1x1x2x128xi32, #tpu.memory_space<hbm>> -> memref<2x128xi32, #tpu.memory_space<hbm>>
      %dma_wait3A_368 = arith.constant 0 : i32
      %dma_wait3A_369 = tpu.memref_slice %arg3[%run_scoped3A_92, %run_scoped3A_93, %mul3A_91, %dma_wait3A_368] : memref<2x4x64x128xi32, #tpu.memory_space<hbm>> -> memref<1x1x2x128xi32, #tpu.memory_space<hbm>>
      %dma_wait3A_370 = tpu.memref_squeeze %dma_wait3A_369 : memref<1x1x2x128xi32, #tpu.memory_space<hbm>> -> memref<2x128xi32, #tpu.memory_space<hbm>>
      tpu.wait_dma2 semaphore(%run_scoped3A_358 : memref<!tpu.dma_semaphore, #tpu.memory_space<semaphore_mem>>) src(%dma_wait3A_370 : memref<2x128xi32, #tpu.memory_space<hbm>>) dst(%arg5 : memref<2x128xi32, #tpu.memory_space<vmem>>)
      tpu.yield
    }) : () -> ()
    %dma_start3A_94 = arith.constant 0 : i32
    %dma_start3A_95 = arith.constant 0 : i32
    %dma_start3A_96 = arith.constant 0 : i32
    %dma_start3A_97 = tpu.memref_slice %arg6[%dma_start3A_95, %dma_start3A_96] : memref<256x256xf32, #tpu.memory_space<vmem>> -> memref<128x256xf32, #tpu.memory_space<vmem>>
    %dma_start3A_98 = arith.constant 0 : i32
    %dma_start3A_99 = tpu.memref_slice %arg5[%dma_start3A_94, %dma_start3A_98] : memref<2x128xi32, #tpu.memory_space<vmem>> -> memref<1x128xi32, #tpu.memory_space<vmem>>
    %dma_start3A_100 = tpu.memref_squeeze %dma_start3A_99 : memref<1x128xi32, #tpu.memory_space<vmem>> -> memref<128xi32, #tpu.memory_space<vmem>>
    %dma_start3A_101 = arith.constant 0 : i32
    %dma_start3A_102 = arith.constant 0 : i32
    %dma_start3A_103 = tpu.memref_slice %arg4[%dma_start3A_101, %dma_start3A_102] : memref<65664x256xf32, #tpu.memory_space<hbm>> -> memref<65664x256xf32, #tpu.memory_space<hbm>>
    tpu.enqueue_indirect_dma source(%dma_start3A_97 : memref<128x256xf32, #tpu.memory_space<vmem>>) target(%dma_start3A_103 : memref<65664x256xf32, #tpu.memory_space<hbm>>) offsets(%dma_start3A_100 : memref<128xi32, #tpu.memory_space<vmem>>) semaphore(%arg7 : memref<!tpu.dma_semaphore, #tpu.memory_space<semaphore_mem>>)
    %dma_start3A_104 = arith.constant 1 : i32
    %dma_start3A_105 = arith.constant 128 : i32
    %dma_start3A_106 = arith.constant 0 : i32
    %dma_start3A_107 = tpu.memref_slice %arg6[%dma_start3A_105, %dma_start3A_106] : memref<256x256xf32, #tpu.memory_space<vmem>> -> memref<128x256xf32, #tpu.memory_space<vmem>>
    %dma_start3A_108 = arith.constant 0 : i32
    %dma_start3A_109 = tpu.memref_slice %arg5[%dma_start3A_104, %dma_start3A_108] : memref<2x128xi32, #tpu.memory_space<vmem>> -> memref<1x128xi32, #tpu.memory_space<vmem>>
    %dma_start3A_110 = tpu.memref_squeeze %dma_start3A_109 : memref<1x128xi32, #tpu.memory_space<vmem>> -> memref<128xi32, #tpu.memory_space<vmem>>
    %dma_start3A_111 = arith.constant 0 : i32
    %dma_start3A_112 = arith.constant 0 : i32
    %dma_start3A_113 = tpu.memref_slice %arg4[%dma_start3A_111, %dma_start3A_112] : memref<65664x256xf32, #tpu.memory_space<hbm>> -> memref<65664x256xf32, #tpu.memory_space<hbm>>
    tpu.enqueue_indirect_dma source(%dma_start3A_107 : memref<128x256xf32, #tpu.memory_space<vmem>>) target(%dma_start3A_113 : memref<65664x256xf32, #tpu.memory_space<hbm>>) offsets(%dma_start3A_110 : memref<128xi32, #tpu.memory_space<vmem>>) semaphore(%arg7 : memref<!tpu.dma_semaphore, #tpu.memory_space<semaphore_mem>>)
    %dma_wait3A_114 = arith.constant 0 : i32
    %dma_wait3A_115 = arith.constant 0 : i32
    %dma_wait3A_116 = arith.constant 0 : i32
    %dma_wait3A_117 = tpu.memref_slice %arg6[%dma_wait3A_115, %dma_wait3A_116] : memref<256x256xf32, #tpu.memory_space<vmem>> -> memref<128x256xf32, #tpu.memory_space<vmem>>
    %dma_wait3A_118 = arith.constant 0 : i32
    %dma_wait3A_119 = tpu.memref_slice %arg5[%dma_wait3A_114, %dma_wait3A_118] : memref<2x128xi32, #tpu.memory_space<vmem>> -> memref<1x128xi32, #tpu.memory_space<vmem>>
    %dma_wait3A_120 = tpu.memref_squeeze %dma_wait3A_119 : memref<1x128xi32, #tpu.memory_space<vmem>> -> memref<128xi32, #tpu.memory_space<vmem>>
    %dma_wait3A_121 = arith.constant 0 : i32
    %dma_wait3A_122 = arith.constant 0 : i32
    %dma_wait3A_123 = tpu.memref_slice %arg4[%dma_wait3A_121, %dma_wait3A_122] : memref<65664x256xf32, #tpu.memory_space<hbm>> -> memref<65664x256xf32, #tpu.memory_space<hbm>>
    tpu.wait_indirect_dma semaphore(%arg7 : memref<!tpu.dma_semaphore, #tpu.memory_space<semaphore_mem>>) src(%dma_wait3A_117 : memref<128x256xf32, #tpu.memory_space<vmem>>) dst(%dma_wait3A_123 : memref<65664x256xf32, #tpu.memory_space<hbm>>)
    %dma_wait3A_124 = arith.constant 1 : i32
    %dma_wait3A_125 = arith.constant 128 : i32
    %dma_wait3A_126 = arith.constant 0 : i32
    %dma_wait3A_127 = tpu.memref_slice %arg6[%dma_wait3A_125, %dma_wait3A_126] : memref<256x256xf32, #tpu.memory_space<vmem>> -> memref<128x256xf32, #tpu.memory_space<vmem>>
    %dma_wait3A_128 = arith.constant 0 : i32
    %dma_wait3A_129 = tpu.memref_slice %arg5[%dma_wait3A_124, %dma_wait3A_128] : memref<2x128xi32, #tpu.memory_space<vmem>> -> memref<1x128xi32, #tpu.memory_space<vmem>>
    %dma_wait3A_130 = tpu.memref_squeeze %dma_wait3A_129 : memref<1x128xi32, #tpu.memory_space<vmem>> -> memref<128xi32, #tpu.memory_space<vmem>>
    %dma_wait3A_131 = arith.constant 0 : i32
    %dma_wait3A_132 = arith.constant 0 : i32
    %dma_wait3A_133 = tpu.memref_slice %arg4[%dma_wait3A_131, %dma_wait3A_132] : memref<65664x256xf32, #tpu.memory_space<hbm>> -> memref<65664x256xf32, #tpu.memory_space<hbm>>
    tpu.wait_indirect_dma semaphore(%arg7 : memref<!tpu.dma_semaphore, #tpu.memory_space<semaphore_mem>>) src(%dma_wait3A_127 : memref<128x256xf32, #tpu.memory_space<vmem>>) dst(%dma_wait3A_133 : memref<65664x256xf32, #tpu.memory_space<hbm>>)
    %mul3A_134 = arith.constant 2 : i32
    %mul3A_135 = arith.muli %add3A, %mul3A_134 : i32
    %run_scoped3A_136 = arith.constant 0 : i32
    %run_scoped3A_137 = arith.constant 3 : i32
    "tpu.region"() ({
      %run_scoped3A_358 = tpu.sem_alloc : memref<!tpu.dma_semaphore, #tpu.memory_space<semaphore_mem>>
      %dma_start3A_359 = arith.constant 0 : i32
      %dma_start3A_360 = tpu.memref_slice %arg3[%run_scoped3A_136, %run_scoped3A_137, %mul3A_135, %dma_start3A_359] : memref<2x4x64x128xi32, #tpu.memory_space<hbm>> -> memref<1x1x2x128xi32, #tpu.memory_space<hbm>>
      %dma_start3A_361 = tpu.memref_squeeze %dma_start3A_360 : memref<1x1x2x128xi32, #tpu.memory_space<hbm>> -> memref<2x128xi32, #tpu.memory_space<hbm>>
      %dma_start3A_362 = arith.constant 0 : i32
      %dma_start3A_363 = tpu.memref_slice %arg3[%run_scoped3A_136, %run_scoped3A_137, %mul3A_135, %dma_start3A_362] : memref<2x4x64x128xi32, #tpu.memory_space<hbm>> -> memref<1x1x2x128xi32, #tpu.memory_space<hbm>>
      %dma_start3A_364 = tpu.memref_squeeze %dma_start3A_363 : memref<1x1x2x128xi32, #tpu.memory_space<hbm>> -> memref<2x128xi32, #tpu.memory_space<hbm>>
      tpu.enqueue_dma source(%dma_start3A_364 : memref<2x128xi32, #tpu.memory_space<hbm>>) target(%arg5 : memref<2x128xi32, #tpu.memory_space<vmem>>) target_semaphore(%run_scoped3A_358 : memref<!tpu.dma_semaphore, #tpu.memory_space<semaphore_mem>>)
      %dma_wait3A_365 = arith.constant 0 : i32
      %dma_wait3A_366 = tpu.memref_slice %arg3[%run_scoped3A_136, %run_scoped3A_137, %mul3A_135, %dma_wait3A_365] : memref<2x4x64x128xi32, #tpu.memory_space<hbm>> -> memref<1x1x2x128xi32, #tpu.memory_space<hbm>>
      %dma_wait3A_367 = tpu.memref_squeeze %dma_wait3A_366 : memref<1x1x2x128xi32, #tpu.memory_space<hbm>> -> memref<2x128xi32, #tpu.memory_space<hbm>>
      %dma_wait3A_368 = arith.constant 0 : i32
      %dma_wait3A_369 = tpu.memref_slice %arg3[%run_scoped3A_136, %run_scoped3A_137, %mul3A_135, %dma_wait3A_368] : memref<2x4x64x128xi32, #tpu.memory_space<hbm>> -> memref<1x1x2x128xi32, #tpu.memory_space<hbm>>
      %dma_wait3A_370 = tpu.memref_squeeze %dma_wait3A_369 : memref<1x1x2x128xi32, #tpu.memory_space<hbm>> -> memref<2x128xi32, #tpu.memory_space<hbm>>
      tpu.wait_dma2 semaphore(%run_scoped3A_358 : memref<!tpu.dma_semaphore, #tpu.memory_space<semaphore_mem>>) src(%dma_wait3A_370 : memref<2x128xi32, #tpu.memory_space<hbm>>) dst(%arg5 : memref<2x128xi32, #tpu.memory_space<vmem>>)
      tpu.yield
    }) : () -> ()
    %dma_start3A_138 = arith.constant 0 : i32
    %dma_start3A_139 = arith.constant 0 : i32
    %dma_start3A_140 = arith.constant 0 : i32
    %dma_start3A_141 = tpu.memref_slice %arg6[%dma_start3A_139, %dma_start3A_140] : memref<256x256xf32, #tpu.memory_space<vmem>> -> memref<128x256xf32, #tpu.memory_space<vmem>>
    %dma_start3A_142 = arith.constant 0 : i32
    %dma_start3A_143 = tpu.memref_slice %arg5[%dma_start3A_138, %dma_start3A_142] : memref<2x128xi32, #tpu.memory_space<vmem>> -> memref<1x128xi32, #tpu.memory_space<vmem>>
    %dma_start3A_144 = tpu.memref_squeeze %dma_start3A_143 : memref<1x128xi32, #tpu.memory_space<vmem>> -> memref<128xi32, #tpu.memory_space<vmem>>
    %dma_start3A_145 = arith.constant 0 : i32
    %dma_start3A_146 = arith.constant 0 : i32
    %dma_start3A_147 = tpu.memref_slice %arg4[%dma_start3A_145, %dma_start3A_146] : memref<65664x256xf32, #tpu.memory_space<hbm>> -> memref<65664x256xf32, #tpu.memory_space<hbm>>
    tpu.enqueue_indirect_dma source(%dma_start3A_141 : memref<128x256xf32, #tpu.memory_space<vmem>>) target(%dma_start3A_147 : memref<65664x256xf32, #tpu.memory_space<hbm>>) offsets(%dma_start3A_144 : memref<128xi32, #tpu.memory_space<vmem>>) semaphore(%arg7 : memref<!tpu.dma_semaphore, #tpu.memory_space<semaphore_mem>>)
    %dma_start3A_148 = arith.constant 1 : i32
    %dma_start3A_149 = arith.constant 128 : i32
    %dma_start3A_150 = arith.constant 0 : i32
    %dma_start3A_151 = tpu.memref_slice %arg6[%dma_start3A_149, %dma_start3A_150] : memref<256x256xf32, #tpu.memory_space<vmem>> -> memref<128x256xf32, #tpu.memory_space<vmem>>
    %dma_start3A_152 = arith.constant 0 : i32
    %dma_start3A_153 = tpu.memref_slice %arg5[%dma_start3A_148, %dma_start3A_152] : memref<2x128xi32, #tpu.memory_space<vmem>> -> memref<1x128xi32, #tpu.memory_space<vmem>>
    %dma_start3A_154 = tpu.memref_squeeze %dma_start3A_153 : memref<1x128xi32, #tpu.memory_space<vmem>> -> memref<128xi32, #tpu.memory_space<vmem>>
    %dma_start3A_155 = arith.constant 0 : i32
    %dma_start3A_156 = arith.constant 0 : i32
    %dma_start3A_157 = tpu.memref_slice %arg4[%dma_start3A_155, %dma_start3A_156] : memref<65664x256xf32, #tpu.memory_space<hbm>> -> memref<65664x256xf32, #tpu.memory_space<hbm>>
    tpu.enqueue_indirect_dma source(%dma_start3A_151 : memref<128x256xf32, #tpu.memory_space<vmem>>) target(%dma_start3A_157 : memref<65664x256xf32, #tpu.memory_space<hbm>>) offsets(%dma_start3A_154 : memref<128xi32, #tpu.memory_space<vmem>>) semaphore(%arg7 : memref<!tpu.dma_semaphore, #tpu.memory_space<semaphore_mem>>)
    %dma_wait3A_158 = arith.constant 0 : i32
    %dma_wait3A_159 = arith.constant 0 : i32
    %dma_wait3A_160 = arith.constant 0 : i32
    %dma_wait3A_161 = tpu.memref_slice %arg6[%dma_wait3A_159, %dma_wait3A_160] : memref<256x256xf32, #tpu.memory_space<vmem>> -> memref<128x256xf32, #tpu.memory_space<vmem>>
    %dma_wait3A_162 = arith.constant 0 : i32
    %dma_wait3A_163 = tpu.memref_slice %arg5[%dma_wait3A_158, %dma_wait3A_162] : memref<2x128xi32, #tpu.memory_space<vmem>> -> memref<1x128xi32, #tpu.memory_space<vmem>>
    %dma_wait3A_164 = tpu.memref_squeeze %dma_wait3A_163 : memref<1x128xi32, #tpu.memory_space<vmem>> -> memref<128xi32, #tpu.memory_space<vmem>>
    %dma_wait3A_165 = arith.constant 0 : i32
    %dma_wait3A_166 = arith.constant 0 : i32
    %dma_wait3A_167 = tpu.memref_slice %arg4[%dma_wait3A_165, %dma_wait3A_166] : memref<65664x256xf32, #tpu.memory_space<hbm>> -> memref<65664x256xf32, #tpu.memory_space<hbm>>
    tpu.wait_indirect_dma semaphore(%arg7 : memref<!tpu.dma_semaphore, #tpu.memory_space<semaphore_mem>>) src(%dma_wait3A_161 : memref<128x256xf32, #tpu.memory_space<vmem>>) dst(%dma_wait3A_167 : memref<65664x256xf32, #tpu.memory_space<hbm>>)
    %dma_wait3A_168 = arith.constant 1 : i32
    %dma_wait3A_169 = arith.constant 128 : i32
    %dma_wait3A_170 = arith.constant 0 : i32
    %dma_wait3A_171 = tpu.memref_slice %arg6[%dma_wait3A_169, %dma_wait3A_170] : memref<256x256xf32, #tpu.memory_space<vmem>> -> memref<128x256xf32, #tpu.memory_space<vmem>>
    %dma_wait3A_172 = arith.constant 0 : i32
    %dma_wait3A_173 = tpu.memref_slice %arg5[%dma_wait3A_168, %dma_wait3A_172] : memref<2x128xi32, #tpu.memory_space<vmem>> -> memref<1x128xi32, #tpu.memory_space<vmem>>
    %dma_wait3A_174 = tpu.memref_squeeze %dma_wait3A_173 : memref<1x128xi32, #tpu.memory_space<vmem>> -> memref<128xi32, #tpu.memory_space<vmem>>
    %dma_wait3A_175 = arith.constant 0 : i32
    %dma_wait3A_176 = arith.constant 0 : i32
    %dma_wait3A_177 = tpu.memref_slice %arg4[%dma_wait3A_175, %dma_wait3A_176] : memref<65664x256xf32, #tpu.memory_space<hbm>> -> memref<65664x256xf32, #tpu.memory_space<hbm>>
    tpu.wait_indirect_dma semaphore(%arg7 : memref<!tpu.dma_semaphore, #tpu.memory_space<semaphore_mem>>) src(%dma_wait3A_171 : memref<128x256xf32, #tpu.memory_space<vmem>>) dst(%dma_wait3A_177 : memref<65664x256xf32, #tpu.memory_space<hbm>>)
    %mul3A_178 = arith.constant 256 : i32
    %mul3A_179 = arith.muli %add3A, %mul3A_178 : i32
    %add3A_180 = arith.constant 8192 : i32
    %add3A_181 = arith.addi %add3A_180, %mul3A_179 : i32
    "tpu.region"() ({
      %run_scoped3A_358 = tpu.sem_alloc : memref<!tpu.dma_semaphore, #tpu.memory_space<semaphore_mem>>
      %dma_start3A_359 = arith.constant 0 : i32
      %dma_start3A_360 = tpu.memref_slice %arg2[%add3A_181, %dma_start3A_359] : memref<16384x256xf32, #tpu.memory_space<hbm>> -> memref<256x256xf32, #tpu.memory_space<hbm>>
      %dma_start3A_361 = arith.constant 0 : i32
      %dma_start3A_362 = tpu.memref_slice %arg2[%add3A_181, %dma_start3A_361] : memref<16384x256xf32, #tpu.memory_space<hbm>> -> memref<256x256xf32, #tpu.memory_space<hbm>>
      tpu.enqueue_dma source(%dma_start3A_362 : memref<256x256xf32, #tpu.memory_space<hbm>>) target(%arg6 : memref<256x256xf32, #tpu.memory_space<vmem>>) target_semaphore(%run_scoped3A_358 : memref<!tpu.dma_semaphore, #tpu.memory_space<semaphore_mem>>)
      %dma_wait3A_363 = arith.constant 0 : i32
      %dma_wait3A_364 = tpu.memref_slice %arg2[%add3A_181, %dma_wait3A_363] : memref<16384x256xf32, #tpu.memory_space<hbm>> -> memref<256x256xf32, #tpu.memory_space<hbm>>
      %dma_wait3A_365 = arith.constant 0 : i32
      %dma_wait3A_366 = tpu.memref_slice %arg2[%add3A_181, %dma_wait3A_365] : memref<16384x256xf32, #tpu.memory_space<hbm>> -> memref<256x256xf32, #tpu.memory_space<hbm>>
      tpu.wait_dma2 semaphore(%run_scoped3A_358 : memref<!tpu.dma_semaphore, #tpu.memory_space<semaphore_mem>>) src(%dma_wait3A_366 : memref<256x256xf32, #tpu.memory_space<hbm>>) dst(%arg6 : memref<256x256xf32, #tpu.memory_space<vmem>>)
      tpu.yield
    }) : () -> ()
    %mul3A_182 = arith.constant 2 : i32
    %mul3A_183 = arith.muli %add3A, %mul3A_182 : i32
    %run_scoped3A_184 = arith.constant 1 : i32
    %run_scoped3A_185 = arith.constant 0 : i32
    "tpu.region"() ({
      %run_scoped3A_358 = tpu.sem_alloc : memref<!tpu.dma_semaphore, #tpu.memory_space<semaphore_mem>>
      %dma_start3A_359 = arith.constant 0 : i32
      %dma_start3A_360 = tpu.memref_slice %arg3[%run_scoped3A_184, %run_scoped3A_185, %mul3A_183, %dma_start3A_359] : memref<2x4x64x128xi32, #tpu.memory_space<hbm>> -> memref<1x1x2x128xi32, #tpu.memory_space<hbm>>
      %dma_start3A_361 = tpu.memref_squeeze %dma_start3A_360 : memref<1x1x2x128xi32, #tpu.memory_space<hbm>> -> memref<2x128xi32, #tpu.memory_space<hbm>>
      %dma_start3A_362 = arith.constant 0 : i32
      %dma_start3A_363 = tpu.memref_slice %arg3[%run_scoped3A_184, %run_scoped3A_185, %mul3A_183, %dma_start3A_362] : memref<2x4x64x128xi32, #tpu.memory_space<hbm>> -> memref<1x1x2x128xi32, #tpu.memory_space<hbm>>
      %dma_start3A_364 = tpu.memref_squeeze %dma_start3A_363 : memref<1x1x2x128xi32, #tpu.memory_space<hbm>> -> memref<2x128xi32, #tpu.memory_space<hbm>>
      tpu.enqueue_dma source(%dma_start3A_364 : memref<2x128xi32, #tpu.memory_space<hbm>>) target(%arg5 : memref<2x128xi32, #tpu.memory_space<vmem>>) target_semaphore(%run_scoped3A_358 : memref<!tpu.dma_semaphore, #tpu.memory_space<semaphore_mem>>)
      %dma_wait3A_365 = arith.constant 0 : i32
      %dma_wait3A_366 = tpu.memref_slice %arg3[%run_scoped3A_184, %run_scoped3A_185, %mul3A_183, %dma_wait3A_365] : memref<2x4x64x128xi32, #tpu.memory_space<hbm>> -> memref<1x1x2x128xi32, #tpu.memory_space<hbm>>
      %dma_wait3A_367 = tpu.memref_squeeze %dma_wait3A_366 : memref<1x1x2x128xi32, #tpu.memory_space<hbm>> -> memref<2x128xi32, #tpu.memory_space<hbm>>
      %dma_wait3A_368 = arith.constant 0 : i32
      %dma_wait3A_369 = tpu.memref_slice %arg3[%run_scoped3A_184, %run_scoped3A_185, %mul3A_183, %dma_wait3A_368] : memref<2x4x64x128xi32, #tpu.memory_space<hbm>> -> memref<1x1x2x128xi32, #tpu.memory_space<hbm>>
      %dma_wait3A_370 = tpu.memref_squeeze %dma_wait3A_369 : memref<1x1x2x128xi32, #tpu.memory_space<hbm>> -> memref<2x128xi32, #tpu.memory_space<hbm>>
      tpu.wait_dma2 semaphore(%run_scoped3A_358 : memref<!tpu.dma_semaphore, #tpu.memory_space<semaphore_mem>>) src(%dma_wait3A_370 : memref<2x128xi32, #tpu.memory_space<hbm>>) dst(%arg5 : memref<2x128xi32, #tpu.memory_space<vmem>>)
      tpu.yield
    }) : () -> ()
    %dma_start3A_186 = arith.constant 0 : i32
    %dma_start3A_187 = arith.constant 0 : i32
    %dma_start3A_188 = arith.constant 0 : i32
    %dma_start3A_189 = tpu.memref_slice %arg6[%dma_start3A_187, %dma_start3A_188] : memref<256x256xf32, #tpu.memory_space<vmem>> -> memref<128x256xf32, #tpu.memory_space<vmem>>
    %dma_start3A_190 = arith.constant 0 : i32
    %dma_start3A_191 = tpu.memref_slice %arg5[%dma_start3A_186, %dma_start3A_190] : memref<2x128xi32, #tpu.memory_space<vmem>> -> memref<1x128xi32, #tpu.memory_space<vmem>>
    %dma_start3A_192 = tpu.memref_squeeze %dma_start3A_191 : memref<1x128xi32, #tpu.memory_space<vmem>> -> memref<128xi32, #tpu.memory_space<vmem>>
    %dma_start3A_193 = arith.constant 0 : i32
    %dma_start3A_194 = arith.constant 0 : i32
    %dma_start3A_195 = tpu.memref_slice %arg4[%dma_start3A_193, %dma_start3A_194] : memref<65664x256xf32, #tpu.memory_space<hbm>> -> memref<65664x256xf32, #tpu.memory_space<hbm>>
    tpu.enqueue_indirect_dma source(%dma_start3A_189 : memref<128x256xf32, #tpu.memory_space<vmem>>) target(%dma_start3A_195 : memref<65664x256xf32, #tpu.memory_space<hbm>>) offsets(%dma_start3A_192 : memref<128xi32, #tpu.memory_space<vmem>>) semaphore(%arg7 : memref<!tpu.dma_semaphore, #tpu.memory_space<semaphore_mem>>)
    %dma_start3A_196 = arith.constant 1 : i32
    %dma_start3A_197 = arith.constant 128 : i32
    %dma_start3A_198 = arith.constant 0 : i32
    %dma_start3A_199 = tpu.memref_slice %arg6[%dma_start3A_197, %dma_start3A_198] : memref<256x256xf32, #tpu.memory_space<vmem>> -> memref<128x256xf32, #tpu.memory_space<vmem>>
    %dma_start3A_200 = arith.constant 0 : i32
    %dma_start3A_201 = tpu.memref_slice %arg5[%dma_start3A_196, %dma_start3A_200] : memref<2x128xi32, #tpu.memory_space<vmem>> -> memref<1x128xi32, #tpu.memory_space<vmem>>
    %dma_start3A_202 = tpu.memref_squeeze %dma_start3A_201 : memref<1x128xi32, #tpu.memory_space<vmem>> -> memref<128xi32, #tpu.memory_space<vmem>>
    %dma_start3A_203 = arith.constant 0 : i32
    %dma_start3A_204 = arith.constant 0 : i32
    %dma_start3A_205 = tpu.memref_slice %arg4[%dma_start3A_203, %dma_start3A_204] : memref<65664x256xf32, #tpu.memory_space<hbm>> -> memref<65664x256xf32, #tpu.memory_space<hbm>>
    tpu.enqueue_indirect_dma source(%dma_start3A_199 : memref<128x256xf32, #tpu.memory_space<vmem>>) target(%dma_start3A_205 : memref<65664x256xf32, #tpu.memory_space<hbm>>) offsets(%dma_start3A_202 : memref<128xi32, #tpu.memory_space<vmem>>) semaphore(%arg7 : memref<!tpu.dma_semaphore, #tpu.memory_space<semaphore_mem>>)
    %dma_wait3A_206 = arith.constant 0 : i32
    %dma_wait3A_207 = arith.constant 0 : i32
    %dma_wait3A_208 = arith.constant 0 : i32
    %dma_wait3A_209 = tpu.memref_slice %arg6[%dma_wait3A_207, %dma_wait3A_208] : memref<256x256xf32, #tpu.memory_space<vmem>> -> memref<128x256xf32, #tpu.memory_space<vmem>>
    %dma_wait3A_210 = arith.constant 0 : i32
    %dma_wait3A_211 = tpu.memref_slice %arg5[%dma_wait3A_206, %dma_wait3A_210] : memref<2x128xi32, #tpu.memory_space<vmem>> -> memref<1x128xi32, #tpu.memory_space<vmem>>
    %dma_wait3A_212 = tpu.memref_squeeze %dma_wait3A_211 : memref<1x128xi32, #tpu.memory_space<vmem>> -> memref<128xi32, #tpu.memory_space<vmem>>
    %dma_wait3A_213 = arith.constant 0 : i32
    %dma_wait3A_214 = arith.constant 0 : i32
    %dma_wait3A_215 = tpu.memref_slice %arg4[%dma_wait3A_213, %dma_wait3A_214] : memref<65664x256xf32, #tpu.memory_space<hbm>> -> memref<65664x256xf32, #tpu.memory_space<hbm>>
    tpu.wait_indirect_dma semaphore(%arg7 : memref<!tpu.dma_semaphore, #tpu.memory_space<semaphore_mem>>) src(%dma_wait3A_209 : memref<128x256xf32, #tpu.memory_space<vmem>>) dst(%dma_wait3A_215 : memref<65664x256xf32, #tpu.memory_space<hbm>>)
    %dma_wait3A_216 = arith.constant 1 : i32
    %dma_wait3A_217 = arith.constant 128 : i32
    %dma_wait3A_218 = arith.constant 0 : i32
    %dma_wait3A_219 = tpu.memref_slice %arg6[%dma_wait3A_217, %dma_wait3A_218] : memref<256x256xf32, #tpu.memory_space<vmem>> -> memref<128x256xf32, #tpu.memory_space<vmem>>
    %dma_wait3A_220 = arith.constant 0 : i32
    %dma_wait3A_221 = tpu.memref_slice %arg5[%dma_wait3A_216, %dma_wait3A_220] : memref<2x128xi32, #tpu.memory_space<vmem>> -> memref<1x128xi32, #tpu.memory_space<vmem>>
    %dma_wait3A_222 = tpu.memref_squeeze %dma_wait3A_221 : memref<1x128xi32, #tpu.memory_space<vmem>> -> memref<128xi32, #tpu.memory_space<vmem>>
    %dma_wait3A_223 = arith.constant 0 : i32
    %dma_wait3A_224 = arith.constant 0 : i32
    %dma_wait3A_225 = tpu.memref_slice %arg4[%dma_wait3A_223, %dma_wait3A_224] : memref<65664x256xf32, #tpu.memory_space<hbm>> -> memref<65664x256xf32, #tpu.memory_space<hbm>>
    tpu.wait_indirect_dma semaphore(%arg7 : memref<!tpu.dma_semaphore, #tpu.memory_space<semaphore_mem>>) src(%dma_wait3A_219 : memref<128x256xf32, #tpu.memory_space<vmem>>) dst(%dma_wait3A_225 : memref<65664x256xf32, #tpu.memory_space<hbm>>)
    %mul3A_226 = arith.constant 2 : i32
    %mul3A_227 = arith.muli %add3A, %mul3A_226 : i32
    %run_scoped3A_228 = arith.constant 1 : i32
    %run_scoped3A_229 = arith.constant 1 : i32
    "tpu.region"() ({
      %run_scoped3A_358 = tpu.sem_alloc : memref<!tpu.dma_semaphore, #tpu.memory_space<semaphore_mem>>
      %dma_start3A_359 = arith.constant 0 : i32
      %dma_start3A_360 = tpu.memref_slice %arg3[%run_scoped3A_228, %run_scoped3A_229, %mul3A_227, %dma_start3A_359] : memref<2x4x64x128xi32, #tpu.memory_space<hbm>> -> memref<1x1x2x128xi32, #tpu.memory_space<hbm>>
      %dma_start3A_361 = tpu.memref_squeeze %dma_start3A_360 : memref<1x1x2x128xi32, #tpu.memory_space<hbm>> -> memref<2x128xi32, #tpu.memory_space<hbm>>
      %dma_start3A_362 = arith.constant 0 : i32
      %dma_start3A_363 = tpu.memref_slice %arg3[%run_scoped3A_228, %run_scoped3A_229, %mul3A_227, %dma_start3A_362] : memref<2x4x64x128xi32, #tpu.memory_space<hbm>> -> memref<1x1x2x128xi32, #tpu.memory_space<hbm>>
      %dma_start3A_364 = tpu.memref_squeeze %dma_start3A_363 : memref<1x1x2x128xi32, #tpu.memory_space<hbm>> -> memref<2x128xi32, #tpu.memory_space<hbm>>
      tpu.enqueue_dma source(%dma_start3A_364 : memref<2x128xi32, #tpu.memory_space<hbm>>) target(%arg5 : memref<2x128xi32, #tpu.memory_space<vmem>>) target_semaphore(%run_scoped3A_358 : memref<!tpu.dma_semaphore, #tpu.memory_space<semaphore_mem>>)
      %dma_wait3A_365 = arith.constant 0 : i32
      %dma_wait3A_366 = tpu.memref_slice %arg3[%run_scoped3A_228, %run_scoped3A_229, %mul3A_227, %dma_wait3A_365] : memref<2x4x64x128xi32, #tpu.memory_space<hbm>> -> memref<1x1x2x128xi32, #tpu.memory_space<hbm>>
      %dma_wait3A_367 = tpu.memref_squeeze %dma_wait3A_366 : memref<1x1x2x128xi32, #tpu.memory_space<hbm>> -> memref<2x128xi32, #tpu.memory_space<hbm>>
      %dma_wait3A_368 = arith.constant 0 : i32
      %dma_wait3A_369 = tpu.memref_slice %arg3[%run_scoped3A_228, %run_scoped3A_229, %mul3A_227, %dma_wait3A_368] : memref<2x4x64x128xi32, #tpu.memory_space<hbm>> -> memref<1x1x2x128xi32, #tpu.memory_space<hbm>>
      %dma_wait3A_370 = tpu.memref_squeeze %dma_wait3A_369 : memref<1x1x2x128xi32, #tpu.memory_space<hbm>> -> memref<2x128xi32, #tpu.memory_space<hbm>>
      tpu.wait_dma2 semaphore(%run_scoped3A_358 : memref<!tpu.dma_semaphore, #tpu.memory_space<semaphore_mem>>) src(%dma_wait3A_370 : memref<2x128xi32, #tpu.memory_space<hbm>>) dst(%arg5 : memref<2x128xi32, #tpu.memory_space<vmem>>)
      tpu.yield
    }) : () -> ()
    %dma_start3A_230 = arith.constant 0 : i32
    %dma_start3A_231 = arith.constant 0 : i32
    %dma_start3A_232 = arith.constant 0 : i32
    %dma_start3A_233 = tpu.memref_slice %arg6[%dma_start3A_231, %dma_start3A_232] : memref<256x256xf32, #tpu.memory_space<vmem>> -> memref<128x256xf32, #tpu.memory_space<vmem>>
    %dma_start3A_234 = arith.constant 0 : i32
    %dma_start3A_235 = tpu.memref_slice %arg5[%dma_start3A_230, %dma_start3A_234] : memref<2x128xi32, #tpu.memory_space<vmem>> -> memref<1x128xi32, #tpu.memory_space<vmem>>
    %dma_start3A_236 = tpu.memref_squeeze %dma_start3A_235 : memref<1x128xi32, #tpu.memory_space<vmem>> -> memref<128xi32, #tpu.memory_space<vmem>>
    %dma_start3A_237 = arith.constant 0 : i32
    %dma_start3A_238 = arith.constant 0 : i32
    %dma_start3A_239 = tpu.memref_slice %arg4[%dma_start3A_237, %dma_start3A_238] : memref<65664x256xf32, #tpu.memory_space<hbm>> -> memref<65664x256xf32, #tpu.memory_space<hbm>>
    tpu.enqueue_indirect_dma source(%dma_start3A_233 : memref<128x256xf32, #tpu.memory_space<vmem>>) target(%dma_start3A_239 : memref<65664x256xf32, #tpu.memory_space<hbm>>) offsets(%dma_start3A_236 : memref<128xi32, #tpu.memory_space<vmem>>) semaphore(%arg7 : memref<!tpu.dma_semaphore, #tpu.memory_space<semaphore_mem>>)
    %dma_start3A_240 = arith.constant 1 : i32
    %dma_start3A_241 = arith.constant 128 : i32
    %dma_start3A_242 = arith.constant 0 : i32
    %dma_start3A_243 = tpu.memref_slice %arg6[%dma_start3A_241, %dma_start3A_242] : memref<256x256xf32, #tpu.memory_space<vmem>> -> memref<128x256xf32, #tpu.memory_space<vmem>>
    %dma_start3A_244 = arith.constant 0 : i32
    %dma_start3A_245 = tpu.memref_slice %arg5[%dma_start3A_240, %dma_start3A_244] : memref<2x128xi32, #tpu.memory_space<vmem>> -> memref<1x128xi32, #tpu.memory_space<vmem>>
    %dma_start3A_246 = tpu.memref_squeeze %dma_start3A_245 : memref<1x128xi32, #tpu.memory_space<vmem>> -> memref<128xi32, #tpu.memory_space<vmem>>
    %dma_start3A_247 = arith.constant 0 : i32
    %dma_start3A_248 = arith.constant 0 : i32
    %dma_start3A_249 = tpu.memref_slice %arg4[%dma_start3A_247, %dma_start3A_248] : memref<65664x256xf32, #tpu.memory_space<hbm>> -> memref<65664x256xf32, #tpu.memory_space<hbm>>
    tpu.enqueue_indirect_dma source(%dma_start3A_243 : memref<128x256xf32, #tpu.memory_space<vmem>>) target(%dma_start3A_249 : memref<65664x256xf32, #tpu.memory_space<hbm>>) offsets(%dma_start3A_246 : memref<128xi32, #tpu.memory_space<vmem>>) semaphore(%arg7 : memref<!tpu.dma_semaphore, #tpu.memory_space<semaphore_mem>>)
    %dma_wait3A_250 = arith.constant 0 : i32
    %dma_wait3A_251 = arith.constant 0 : i32
    %dma_wait3A_252 = arith.constant 0 : i32
    %dma_wait3A_253 = tpu.memref_slice %arg6[%dma_wait3A_251, %dma_wait3A_252] : memref<256x256xf32, #tpu.memory_space<vmem>> -> memref<128x256xf32, #tpu.memory_space<vmem>>
    %dma_wait3A_254 = arith.constant 0 : i32
    %dma_wait3A_255 = tpu.memref_slice %arg5[%dma_wait3A_250, %dma_wait3A_254] : memref<2x128xi32, #tpu.memory_space<vmem>> -> memref<1x128xi32, #tpu.memory_space<vmem>>
    %dma_wait3A_256 = tpu.memref_squeeze %dma_wait3A_255 : memref<1x128xi32, #tpu.memory_space<vmem>> -> memref<128xi32, #tpu.memory_space<vmem>>
    %dma_wait3A_257 = arith.constant 0 : i32
    %dma_wait3A_258 = arith.constant 0 : i32
    %dma_wait3A_259 = tpu.memref_slice %arg4[%dma_wait3A_257, %dma_wait3A_258] : memref<65664x256xf32, #tpu.memory_space<hbm>> -> memref<65664x256xf32, #tpu.memory_space<hbm>>
    tpu.wait_indirect_dma semaphore(%arg7 : memref<!tpu.dma_semaphore, #tpu.memory_space<semaphore_mem>>) src(%dma_wait3A_253 : memref<128x256xf32, #tpu.memory_space<vmem>>) dst(%dma_wait3A_259 : memref<65664x256xf32, #tpu.memory_space<hbm>>)
    %dma_wait3A_260 = arith.constant 1 : i32
    %dma_wait3A_261 = arith.constant 128 : i32
    %dma_wait3A_262 = arith.constant 0 : i32
    %dma_wait3A_263 = tpu.memref_slice %arg6[%dma_wait3A_261, %dma_wait3A_262] : memref<256x256xf32, #tpu.memory_space<vmem>> -> memref<128x256xf32, #tpu.memory_space<vmem>>
    %dma_wait3A_264 = arith.constant 0 : i32
    %dma_wait3A_265 = tpu.memref_slice %arg5[%dma_wait3A_260, %dma_wait3A_264] : memref<2x128xi32, #tpu.memory_space<vmem>> -> memref<1x128xi32, #tpu.memory_space<vmem>>
    %dma_wait3A_266 = tpu.memref_squeeze %dma_wait3A_265 : memref<1x128xi32, #tpu.memory_space<vmem>> -> memref<128xi32, #tpu.memory_space<vmem>>
    %dma_wait3A_267 = arith.constant 0 : i32
    %dma_wait3A_268 = arith.constant 0 : i32
    %dma_wait3A_269 = tpu.memref_slice %arg4[%dma_wait3A_267, %dma_wait3A_268] : memref<65664x256xf32, #tpu.memory_space<hbm>> -> memref<65664x256xf32, #tpu.memory_space<hbm>>
    tpu.wait_indirect_dma semaphore(%arg7 : memref<!tpu.dma_semaphore, #tpu.memory_space<semaphore_mem>>) src(%dma_wait3A_263 : memref<128x256xf32, #tpu.memory_space<vmem>>) dst(%dma_wait3A_269 : memref<65664x256xf32, #tpu.memory_space<hbm>>)
    %mul3A_270 = arith.constant 2 : i32
    %mul3A_271 = arith.muli %add3A, %mul3A_270 : i32
    %run_scoped3A_272 = arith.constant 1 : i32
    %run_scoped3A_273 = arith.constant 2 : i32
    "tpu.region"() ({
      %run_scoped3A_358 = tpu.sem_alloc : memref<!tpu.dma_semaphore, #tpu.memory_space<semaphore_mem>>
      %dma_start3A_359 = arith.constant 0 : i32
      %dma_start3A_360 = tpu.memref_slice %arg3[%run_scoped3A_272, %run_scoped3A_273, %mul3A_271, %dma_start3A_359] : memref<2x4x64x128xi32, #tpu.memory_space<hbm>> -> memref<1x1x2x128xi32, #tpu.memory_space<hbm>>
      %dma_start3A_361 = tpu.memref_squeeze %dma_start3A_360 : memref<1x1x2x128xi32, #tpu.memory_space<hbm>> -> memref<2x128xi32, #tpu.memory_space<hbm>>
      %dma_start3A_362 = arith.constant 0 : i32
      %dma_start3A_363 = tpu.memref_slice %arg3[%run_scoped3A_272, %run_scoped3A_273, %mul3A_271, %dma_start3A_362] : memref<2x4x64x128xi32, #tpu.memory_space<hbm>> -> memref<1x1x2x128xi32, #tpu.memory_space<hbm>>
      %dma_start3A_364 = tpu.memref_squeeze %dma_start3A_363 : memref<1x1x2x128xi32, #tpu.memory_space<hbm>> -> memref<2x128xi32, #tpu.memory_space<hbm>>
      tpu.enqueue_dma source(%dma_start3A_364 : memref<2x128xi32, #tpu.memory_space<hbm>>) target(%arg5 : memref<2x128xi32, #tpu.memory_space<vmem>>) target_semaphore(%run_scoped3A_358 : memref<!tpu.dma_semaphore, #tpu.memory_space<semaphore_mem>>)
      %dma_wait3A_365 = arith.constant 0 : i32
      %dma_wait3A_366 = tpu.memref_slice %arg3[%run_scoped3A_272, %run_scoped3A_273, %mul3A_271, %dma_wait3A_365] : memref<2x4x64x128xi32, #tpu.memory_space<hbm>> -> memref<1x1x2x128xi32, #tpu.memory_space<hbm>>
      %dma_wait3A_367 = tpu.memref_squeeze %dma_wait3A_366 : memref<1x1x2x128xi32, #tpu.memory_space<hbm>> -> memref<2x128xi32, #tpu.memory_space<hbm>>
      %dma_wait3A_368 = arith.constant 0 : i32
      %dma_wait3A_369 = tpu.memref_slice %arg3[%run_scoped3A_272, %run_scoped3A_273, %mul3A_271, %dma_wait3A_368] : memref<2x4x64x128xi32, #tpu.memory_space<hbm>> -> memref<1x1x2x128xi32, #tpu.memory_space<hbm>>
      %dma_wait3A_370 = tpu.memref_squeeze %dma_wait3A_369 : memref<1x1x2x128xi32, #tpu.memory_space<hbm>> -> memref<2x128xi32, #tpu.memory_space<hbm>>
      tpu.wait_dma2 semaphore(%run_scoped3A_358 : memref<!tpu.dma_semaphore, #tpu.memory_space<semaphore_mem>>) src(%dma_wait3A_370 : memref<2x128xi32, #tpu.memory_space<hbm>>) dst(%arg5 : memref<2x128xi32, #tpu.memory_space<vmem>>)
      tpu.yield
    }) : () -> ()
    %dma_start3A_274 = arith.constant 0 : i32
    %dma_start3A_275 = arith.constant 0 : i32
    %dma_start3A_276 = arith.constant 0 : i32
    %dma_start3A_277 = tpu.memref_slice %arg6[%dma_start3A_275, %dma_start3A_276] : memref<256x256xf32, #tpu.memory_space<vmem>> -> memref<128x256xf32, #tpu.memory_space<vmem>>
    %dma_start3A_278 = arith.constant 0 : i32
    %dma_start3A_279 = tpu.memref_slice %arg5[%dma_start3A_274, %dma_start3A_278] : memref<2x128xi32, #tpu.memory_space<vmem>> -> memref<1x128xi32, #tpu.memory_space<vmem>>
    %dma_start3A_280 = tpu.memref_squeeze %dma_start3A_279 : memref<1x128xi32, #tpu.memory_space<vmem>> -> memref<128xi32, #tpu.memory_space<vmem>>
    %dma_start3A_281 = arith.constant 0 : i32
    %dma_start3A_282 = arith.constant 0 : i32
    %dma_start3A_283 = tpu.memref_slice %arg4[%dma_start3A_281, %dma_start3A_282] : memref<65664x256xf32, #tpu.memory_space<hbm>> -> memref<65664x256xf32, #tpu.memory_space<hbm>>
    tpu.enqueue_indirect_dma source(%dma_start3A_277 : memref<128x256xf32, #tpu.memory_space<vmem>>) target(%dma_start3A_283 : memref<65664x256xf32, #tpu.memory_space<hbm>>) offsets(%dma_start3A_280 : memref<128xi32, #tpu.memory_space<vmem>>) semaphore(%arg7 : memref<!tpu.dma_semaphore, #tpu.memory_space<semaphore_mem>>)
    %dma_start3A_284 = arith.constant 1 : i32
    %dma_start3A_285 = arith.constant 128 : i32
    %dma_start3A_286 = arith.constant 0 : i32
    %dma_start3A_287 = tpu.memref_slice %arg6[%dma_start3A_285, %dma_start3A_286] : memref<256x256xf32, #tpu.memory_space<vmem>> -> memref<128x256xf32, #tpu.memory_space<vmem>>
    %dma_start3A_288 = arith.constant 0 : i32
    %dma_start3A_289 = tpu.memref_slice %arg5[%dma_start3A_284, %dma_start3A_288] : memref<2x128xi32, #tpu.memory_space<vmem>> -> memref<1x128xi32, #tpu.memory_space<vmem>>
    %dma_start3A_290 = tpu.memref_squeeze %dma_start3A_289 : memref<1x128xi32, #tpu.memory_space<vmem>> -> memref<128xi32, #tpu.memory_space<vmem>>
    %dma_start3A_291 = arith.constant 0 : i32
    %dma_start3A_292 = arith.constant 0 : i32
    %dma_start3A_293 = tpu.memref_slice %arg4[%dma_start3A_291, %dma_start3A_292] : memref<65664x256xf32, #tpu.memory_space<hbm>> -> memref<65664x256xf32, #tpu.memory_space<hbm>>
    tpu.enqueue_indirect_dma source(%dma_start3A_287 : memref<128x256xf32, #tpu.memory_space<vmem>>) target(%dma_start3A_293 : memref<65664x256xf32, #tpu.memory_space<hbm>>) offsets(%dma_start3A_290 : memref<128xi32, #tpu.memory_space<vmem>>) semaphore(%arg7 : memref<!tpu.dma_semaphore, #tpu.memory_space<semaphore_mem>>)
    %dma_wait3A_294 = arith.constant 0 : i32
    %dma_wait3A_295 = arith.constant 0 : i32
    %dma_wait3A_296 = arith.constant 0 : i32
    %dma_wait3A_297 = tpu.memref_slice %arg6[%dma_wait3A_295, %dma_wait3A_296] : memref<256x256xf32, #tpu.memory_space<vmem>> -> memref<128x256xf32, #tpu.memory_space<vmem>>
    %dma_wait3A_298 = arith.constant 0 : i32
    %dma_wait3A_299 = tpu.memref_slice %arg5[%dma_wait3A_294, %dma_wait3A_298] : memref<2x128xi32, #tpu.memory_space<vmem>> -> memref<1x128xi32, #tpu.memory_space<vmem>>
    %dma_wait3A_300 = tpu.memref_squeeze %dma_wait3A_299 : memref<1x128xi32, #tpu.memory_space<vmem>> -> memref<128xi32, #tpu.memory_space<vmem>>
    %dma_wait3A_301 = arith.constant 0 : i32
    %dma_wait3A_302 = arith.constant 0 : i32
    %dma_wait3A_303 = tpu.memref_slice %arg4[%dma_wait3A_301, %dma_wait3A_302] : memref<65664x256xf32, #tpu.memory_space<hbm>> -> memref<65664x256xf32, #tpu.memory_space<hbm>>
    tpu.wait_indirect_dma semaphore(%arg7 : memref<!tpu.dma_semaphore, #tpu.memory_space<semaphore_mem>>) src(%dma_wait3A_297 : memref<128x256xf32, #tpu.memory_space<vmem>>) dst(%dma_wait3A_303 : memref<65664x256xf32, #tpu.memory_space<hbm>>)
    %dma_wait3A_304 = arith.constant 1 : i32
    %dma_wait3A_305 = arith.constant 128 : i32
    %dma_wait3A_306 = arith.constant 0 : i32
    %dma_wait3A_307 = tpu.memref_slice %arg6[%dma_wait3A_305, %dma_wait3A_306] : memref<256x256xf32, #tpu.memory_space<vmem>> -> memref<128x256xf32, #tpu.memory_space<vmem>>
    %dma_wait3A_308 = arith.constant 0 : i32
    %dma_wait3A_309 = tpu.memref_slice %arg5[%dma_wait3A_304, %dma_wait3A_308] : memref<2x128xi32, #tpu.memory_space<vmem>> -> memref<1x128xi32, #tpu.memory_space<vmem>>
    %dma_wait3A_310 = tpu.memref_squeeze %dma_wait3A_309 : memref<1x128xi32, #tpu.memory_space<vmem>> -> memref<128xi32, #tpu.memory_space<vmem>>
    %dma_wait3A_311 = arith.constant 0 : i32
    %dma_wait3A_312 = arith.constant 0 : i32
    %dma_wait3A_313 = tpu.memref_slice %arg4[%dma_wait3A_311, %dma_wait3A_312] : memref<65664x256xf32, #tpu.memory_space<hbm>> -> memref<65664x256xf32, #tpu.memory_space<hbm>>
    tpu.wait_indirect_dma semaphore(%arg7 : memref<!tpu.dma_semaphore, #tpu.memory_space<semaphore_mem>>) src(%dma_wait3A_307 : memref<128x256xf32, #tpu.memory_space<vmem>>) dst(%dma_wait3A_313 : memref<65664x256xf32, #tpu.memory_space<hbm>>)
    %mul3A_314 = arith.constant 2 : i32
    %mul3A_315 = arith.muli %add3A, %mul3A_314 : i32
    %run_scoped3A_316 = arith.constant 1 : i32
    %run_scoped3A_317 = arith.constant 3 : i32
    "tpu.region"() ({
      %run_scoped3A_358 = tpu.sem_alloc : memref<!tpu.dma_semaphore, #tpu.memory_space<semaphore_mem>>
      %dma_start3A_359 = arith.constant 0 : i32
      %dma_start3A_360 = tpu.memref_slice %arg3[%run_scoped3A_316, %run_scoped3A_317, %mul3A_315, %dma_start3A_359] : memref<2x4x64x128xi32, #tpu.memory_space<hbm>> -> memref<1x1x2x128xi32, #tpu.memory_space<hbm>>
      %dma_start3A_361 = tpu.memref_squeeze %dma_start3A_360 : memref<1x1x2x128xi32, #tpu.memory_space<hbm>> -> memref<2x128xi32, #tpu.memory_space<hbm>>
      %dma_start3A_362 = arith.constant 0 : i32
      %dma_start3A_363 = tpu.memref_slice %arg3[%run_scoped3A_316, %run_scoped3A_317, %mul3A_315, %dma_start3A_362] : memref<2x4x64x128xi32, #tpu.memory_space<hbm>> -> memref<1x1x2x128xi32, #tpu.memory_space<hbm>>
      %dma_start3A_364 = tpu.memref_squeeze %dma_start3A_363 : memref<1x1x2x128xi32, #tpu.memory_space<hbm>> -> memref<2x128xi32, #tpu.memory_space<hbm>>
      tpu.enqueue_dma source(%dma_start3A_364 : memref<2x128xi32, #tpu.memory_space<hbm>>) target(%arg5 : memref<2x128xi32, #tpu.memory_space<vmem>>) target_semaphore(%run_scoped3A_358 : memref<!tpu.dma_semaphore, #tpu.memory_space<semaphore_mem>>)
      %dma_wait3A_365 = arith.constant 0 : i32
      %dma_wait3A_366 = tpu.memref_slice %arg3[%run_scoped3A_316, %run_scoped3A_317, %mul3A_315, %dma_wait3A_365] : memref<2x4x64x128xi32, #tpu.memory_space<hbm>> -> memref<1x1x2x128xi32, #tpu.memory_space<hbm>>
      %dma_wait3A_367 = tpu.memref_squeeze %dma_wait3A_366 : memref<1x1x2x128xi32, #tpu.memory_space<hbm>> -> memref<2x128xi32, #tpu.memory_space<hbm>>
      %dma_wait3A_368 = arith.constant 0 : i32
      %dma_wait3A_369 = tpu.memref_slice %arg3[%run_scoped3A_316, %run_scoped3A_317, %mul3A_315, %dma_wait3A_368] : memref<2x4x64x128xi32, #tpu.memory_space<hbm>> -> memref<1x1x2x128xi32, #tpu.memory_space<hbm>>
      %dma_wait3A_370 = tpu.memref_squeeze %dma_wait3A_369 : memref<1x1x2x128xi32, #tpu.memory_space<hbm>> -> memref<2x128xi32, #tpu.memory_space<hbm>>
      tpu.wait_dma2 semaphore(%run_scoped3A_358 : memref<!tpu.dma_semaphore, #tpu.memory_space<semaphore_mem>>) src(%dma_wait3A_370 : memref<2x128xi32, #tpu.memory_space<hbm>>) dst(%arg5 : memref<2x128xi32, #tpu.memory_space<vmem>>)
      tpu.yield
    }) : () -> ()
    %dma_start3A_318 = arith.constant 0 : i32
    %dma_start3A_319 = arith.constant 0 : i32
    %dma_start3A_320 = arith.constant 0 : i32
    %dma_start3A_321 = tpu.memref_slice %arg6[%dma_start3A_319, %dma_start3A_320] : memref<256x256xf32, #tpu.memory_space<vmem>> -> memref<128x256xf32, #tpu.memory_space<vmem>>
    %dma_start3A_322 = arith.constant 0 : i32
    %dma_start3A_323 = tpu.memref_slice %arg5[%dma_start3A_318, %dma_start3A_322] : memref<2x128xi32, #tpu.memory_space<vmem>> -> memref<1x128xi32, #tpu.memory_space<vmem>>
    %dma_start3A_324 = tpu.memref_squeeze %dma_start3A_323 : memref<1x128xi32, #tpu.memory_space<vmem>> -> memref<128xi32, #tpu.memory_space<vmem>>
    %dma_start3A_325 = arith.constant 0 : i32
    %dma_start3A_326 = arith.constant 0 : i32
    %dma_start3A_327 = tpu.memref_slice %arg4[%dma_start3A_325, %dma_start3A_326] : memref<65664x256xf32, #tpu.memory_space<hbm>> -> memref<65664x256xf32, #tpu.memory_space<hbm>>
    tpu.enqueue_indirect_dma source(%dma_start3A_321 : memref<128x256xf32, #tpu.memory_space<vmem>>) target(%dma_start3A_327 : memref<65664x256xf32, #tpu.memory_space<hbm>>) offsets(%dma_start3A_324 : memref<128xi32, #tpu.memory_space<vmem>>) semaphore(%arg7 : memref<!tpu.dma_semaphore, #tpu.memory_space<semaphore_mem>>)
    %dma_start3A_328 = arith.constant 1 : i32
    %dma_start3A_329 = arith.constant 128 : i32
    %dma_start3A_330 = arith.constant 0 : i32
    %dma_start3A_331 = tpu.memref_slice %arg6[%dma_start3A_329, %dma_start3A_330] : memref<256x256xf32, #tpu.memory_space<vmem>> -> memref<128x256xf32, #tpu.memory_space<vmem>>
    %dma_start3A_332 = arith.constant 0 : i32
    %dma_start3A_333 = tpu.memref_slice %arg5[%dma_start3A_328, %dma_start3A_332] : memref<2x128xi32, #tpu.memory_space<vmem>> -> memref<1x128xi32, #tpu.memory_space<vmem>>
    %dma_start3A_334 = tpu.memref_squeeze %dma_start3A_333 : memref<1x128xi32, #tpu.memory_space<vmem>> -> memref<128xi32, #tpu.memory_space<vmem>>
    %dma_start3A_335 = arith.constant 0 : i32
    %dma_start3A_336 = arith.constant 0 : i32
    %dma_start3A_337 = tpu.memref_slice %arg4[%dma_start3A_335, %dma_start3A_336] : memref<65664x256xf32, #tpu.memory_space<hbm>> -> memref<65664x256xf32, #tpu.memory_space<hbm>>
    tpu.enqueue_indirect_dma source(%dma_start3A_331 : memref<128x256xf32, #tpu.memory_space<vmem>>) target(%dma_start3A_337 : memref<65664x256xf32, #tpu.memory_space<hbm>>) offsets(%dma_start3A_334 : memref<128xi32, #tpu.memory_space<vmem>>) semaphore(%arg7 : memref<!tpu.dma_semaphore, #tpu.memory_space<semaphore_mem>>)
    %dma_wait3A_338 = arith.constant 0 : i32
    %dma_wait3A_339 = arith.constant 0 : i32
    %dma_wait3A_340 = arith.constant 0 : i32
    %dma_wait3A_341 = tpu.memref_slice %arg6[%dma_wait3A_339, %dma_wait3A_340] : memref<256x256xf32, #tpu.memory_space<vmem>> -> memref<128x256xf32, #tpu.memory_space<vmem>>
    %dma_wait3A_342 = arith.constant 0 : i32
    %dma_wait3A_343 = tpu.memref_slice %arg5[%dma_wait3A_338, %dma_wait3A_342] : memref<2x128xi32, #tpu.memory_space<vmem>> -> memref<1x128xi32, #tpu.memory_space<vmem>>
    %dma_wait3A_344 = tpu.memref_squeeze %dma_wait3A_343 : memref<1x128xi32, #tpu.memory_space<vmem>> -> memref<128xi32, #tpu.memory_space<vmem>>
    %dma_wait3A_345 = arith.constant 0 : i32
    %dma_wait3A_346 = arith.constant 0 : i32
    %dma_wait3A_347 = tpu.memref_slice %arg4[%dma_wait3A_345, %dma_wait3A_346] : memref<65664x256xf32, #tpu.memory_space<hbm>> -> memref<65664x256xf32, #tpu.memory_space<hbm>>
    tpu.wait_indirect_dma semaphore(%arg7 : memref<!tpu.dma_semaphore, #tpu.memory_space<semaphore_mem>>) src(%dma_wait3A_341 : memref<128x256xf32, #tpu.memory_space<vmem>>) dst(%dma_wait3A_347 : memref<65664x256xf32, #tpu.memory_space<hbm>>)
    %dma_wait3A_348 = arith.constant 1 : i32
    %dma_wait3A_349 = arith.constant 128 : i32
    %dma_wait3A_350 = arith.constant 0 : i32
    %dma_wait3A_351 = tpu.memref_slice %arg6[%dma_wait3A_349, %dma_wait3A_350] : memref<256x256xf32, #tpu.memory_space<vmem>> -> memref<128x256xf32, #tpu.memory_space<vmem>>
    %dma_wait3A_352 = arith.constant 0 : i32
    %dma_wait3A_353 = tpu.memref_slice %arg5[%dma_wait3A_348, %dma_wait3A_352] : memref<2x128xi32, #tpu.memory_space<vmem>> -> memref<1x128xi32, #tpu.memory_space<vmem>>
    %dma_wait3A_354 = tpu.memref_squeeze %dma_wait3A_353 : memref<1x128xi32, #tpu.memory_space<vmem>> -> memref<128xi32, #tpu.memory_space<vmem>>
    %dma_wait3A_355 = arith.constant 0 : i32
    %dma_wait3A_356 = arith.constant 0 : i32
    %dma_wait3A_357 = tpu.memref_slice %arg4[%dma_wait3A_355, %dma_wait3A_356] : memref<65664x256xf32, #tpu.memory_space<hbm>> -> memref<65664x256xf32, #tpu.memory_space<hbm>>
    tpu.wait_indirect_dma semaphore(%arg7 : memref<!tpu.dma_semaphore, #tpu.memory_space<semaphore_mem>>) src(%dma_wait3A_351 : memref<128x256xf32, #tpu.memory_space<vmem>>) dst(%dma_wait3A_357 : memref<65664x256xf32, #tpu.memory_space<hbm>>)
    return
  }
}

#map = affine_map<(d0, d1) -> (0, 0)>
#map1 = affine_map<(d0, d1) -> (0, 0, 0, 0)>
module attributes {stable_mosaic.version = 14 : i64} {
  func.func @_sc_gather_body(%arg0: i32, %arg1: i32, %arg2: memref<65664x128xf32, #tpu.memory_space<hbm>>, %arg3: memref<2x4x64x128xi32, #tpu.memory_space<hbm>>, %arg4: memref<65536x128xf32, #tpu.memory_space<hbm>>, %arg5: memref<2x128xi32, #tpu.memory_space<vmem>>, %arg6: memref<128x128xf32, #tpu.memory_space<vmem>>, %arg7: memref<!tpu.dma_semaphore, #tpu.memory_space<semaphore_mem>>) attributes {dimension_semantics = [#tpu.dimension_semantics<core_parallel>, #tpu.dimension_semantics<subcore_parallel>], iteration_bounds = array<i64: 2, 16>, scalar_prefetch = 0 : i64, scratch_operands = 3 : i64, tpu.core_type = #tpu.core_type<sc_vector_subcore>, window_params = [{transform_indices = #map}, {transform_indices = #map1}, {transform_indices = #map}]} {
    %mul3A = arith.constant 2 : i32
    %mul3A_0 = arith.muli %arg1, %mul3A : i32
    %add3A = arith.addi %mul3A_0, %arg0 : i32
    %mul3A_1 = arith.constant 2 : i32
    %mul3A_2 = arith.muli %add3A, %mul3A_1 : i32
    %run_scoped3A = arith.constant 0 : i32
    %run_scoped3A_3 = arith.constant 0 : i32
    "tpu.region"() ({
      %run_scoped3A_350 = tpu.sem_alloc : memref<!tpu.dma_semaphore, #tpu.memory_space<semaphore_mem>>
      %dma_start3A_351 = arith.constant 0 : i32
      %dma_start3A_352 = tpu.memref_slice %arg3[%run_scoped3A, %run_scoped3A_3, %mul3A_2, %dma_start3A_351] : memref<2x4x64x128xi32, #tpu.memory_space<hbm>> -> memref<1x1x2x128xi32, #tpu.memory_space<hbm>>
      %dma_start3A_353 = tpu.memref_squeeze %dma_start3A_352 : memref<1x1x2x128xi32, #tpu.memory_space<hbm>> -> memref<2x128xi32, #tpu.memory_space<hbm>>
      %dma_start3A_354 = arith.constant 0 : i32
      %dma_start3A_355 = tpu.memref_slice %arg3[%run_scoped3A, %run_scoped3A_3, %mul3A_2, %dma_start3A_354] : memref<2x4x64x128xi32, #tpu.memory_space<hbm>> -> memref<1x1x2x128xi32, #tpu.memory_space<hbm>>
      %dma_start3A_356 = tpu.memref_squeeze %dma_start3A_355 : memref<1x1x2x128xi32, #tpu.memory_space<hbm>> -> memref<2x128xi32, #tpu.memory_space<hbm>>
      tpu.enqueue_dma source(%dma_start3A_356 : memref<2x128xi32, #tpu.memory_space<hbm>>) target(%arg5 : memref<2x128xi32, #tpu.memory_space<vmem>>) target_semaphore(%run_scoped3A_350 : memref<!tpu.dma_semaphore, #tpu.memory_space<semaphore_mem>>)
      %dma_wait3A_357 = arith.constant 0 : i32
      %dma_wait3A_358 = tpu.memref_slice %arg3[%run_scoped3A, %run_scoped3A_3, %mul3A_2, %dma_wait3A_357] : memref<2x4x64x128xi32, #tpu.memory_space<hbm>> -> memref<1x1x2x128xi32, #tpu.memory_space<hbm>>
      %dma_wait3A_359 = tpu.memref_squeeze %dma_wait3A_358 : memref<1x1x2x128xi32, #tpu.memory_space<hbm>> -> memref<2x128xi32, #tpu.memory_space<hbm>>
      %dma_wait3A_360 = arith.constant 0 : i32
      %dma_wait3A_361 = tpu.memref_slice %arg3[%run_scoped3A, %run_scoped3A_3, %mul3A_2, %dma_wait3A_360] : memref<2x4x64x128xi32, #tpu.memory_space<hbm>> -> memref<1x1x2x128xi32, #tpu.memory_space<hbm>>
      %dma_wait3A_362 = tpu.memref_squeeze %dma_wait3A_361 : memref<1x1x2x128xi32, #tpu.memory_space<hbm>> -> memref<2x128xi32, #tpu.memory_space<hbm>>
      tpu.wait_dma2 semaphore(%run_scoped3A_350 : memref<!tpu.dma_semaphore, #tpu.memory_space<semaphore_mem>>) src(%dma_wait3A_362 : memref<2x128xi32, #tpu.memory_space<hbm>>) dst(%arg5 : memref<2x128xi32, #tpu.memory_space<vmem>>)
      tpu.yield
    }) : () -> ()
    %dma_start3A = arith.constant 0 : i32
    %dma_start3A_4 = arith.constant 0 : i32
    %dma_start3A_5 = tpu.memref_slice %arg5[%dma_start3A, %dma_start3A_4] : memref<2x128xi32, #tpu.memory_space<vmem>> -> memref<1x128xi32, #tpu.memory_space<vmem>>
    %dma_start3A_6 = tpu.memref_squeeze %dma_start3A_5 : memref<1x128xi32, #tpu.memory_space<vmem>> -> memref<128xi32, #tpu.memory_space<vmem>>
    %dma_start3A_7 = arith.constant 0 : i32
    %dma_start3A_8 = arith.constant 0 : i32
    %dma_start3A_9 = tpu.memref_slice %arg2[%dma_start3A_7, %dma_start3A_8] : memref<65664x128xf32, #tpu.memory_space<hbm>> -> memref<65664x128xf32, #tpu.memory_space<hbm>>
    tpu.enqueue_indirect_dma source(%dma_start3A_9 : memref<65664x128xf32, #tpu.memory_space<hbm>>) target(%arg6 : memref<128x128xf32, #tpu.memory_space<vmem>>) offsets(%dma_start3A_6 : memref<128xi32, #tpu.memory_space<vmem>>) semaphore(%arg7 : memref<!tpu.dma_semaphore, #tpu.memory_space<semaphore_mem>>)
    %dma_wait3A = arith.constant 0 : i32
    %dma_wait3A_10 = arith.constant 0 : i32
    %dma_wait3A_11 = tpu.memref_slice %arg5[%dma_wait3A, %dma_wait3A_10] : memref<2x128xi32, #tpu.memory_space<vmem>> -> memref<1x128xi32, #tpu.memory_space<vmem>>
    %dma_wait3A_12 = tpu.memref_squeeze %dma_wait3A_11 : memref<1x128xi32, #tpu.memory_space<vmem>> -> memref<128xi32, #tpu.memory_space<vmem>>
    %dma_wait3A_13 = arith.constant 0 : i32
    %dma_wait3A_14 = arith.constant 0 : i32
    %dma_wait3A_15 = tpu.memref_slice %arg2[%dma_wait3A_13, %dma_wait3A_14] : memref<65664x128xf32, #tpu.memory_space<hbm>> -> memref<65664x128xf32, #tpu.memory_space<hbm>>
    tpu.wait_indirect_dma semaphore(%arg7 : memref<!tpu.dma_semaphore, #tpu.memory_space<semaphore_mem>>) src(%dma_wait3A_15 : memref<65664x128xf32, #tpu.memory_space<hbm>>) dst(%arg6 : memref<128x128xf32, #tpu.memory_space<vmem>>)
    %mul3A_16 = arith.constant 256 : i32
    %mul3A_17 = arith.muli %add3A, %mul3A_16 : i32
    %add3A_18 = arith.constant 0 : i32
    %add3A_19 = arith.addi %add3A_18, %mul3A_17 : i32
    %add3A_20 = arith.constant 0 : i32
    %add3A_21 = arith.addi %add3A_19, %add3A_20 : i32
    "tpu.region"() ({
      %run_scoped3A_350 = tpu.sem_alloc : memref<!tpu.dma_semaphore, #tpu.memory_space<semaphore_mem>>
      %dma_start3A_351 = arith.constant 0 : i32
      %dma_start3A_352 = tpu.memref_slice %arg4[%add3A_21, %dma_start3A_351] : memref<65536x128xf32, #tpu.memory_space<hbm>> -> memref<128x128xf32, #tpu.memory_space<hbm>>
      %dma_start3A_353 = arith.constant 0 : i32
      %dma_start3A_354 = tpu.memref_slice %arg4[%add3A_21, %dma_start3A_353] : memref<65536x128xf32, #tpu.memory_space<hbm>> -> memref<128x128xf32, #tpu.memory_space<hbm>>
      tpu.enqueue_dma source(%arg6 : memref<128x128xf32, #tpu.memory_space<vmem>>) target(%dma_start3A_354 : memref<128x128xf32, #tpu.memory_space<hbm>>) target_semaphore(%run_scoped3A_350 : memref<!tpu.dma_semaphore, #tpu.memory_space<semaphore_mem>>)
      %dma_wait3A_355 = arith.constant 0 : i32
      %dma_wait3A_356 = tpu.memref_slice %arg4[%add3A_21, %dma_wait3A_355] : memref<65536x128xf32, #tpu.memory_space<hbm>> -> memref<128x128xf32, #tpu.memory_space<hbm>>
      %dma_wait3A_357 = arith.constant 0 : i32
      %dma_wait3A_358 = tpu.memref_slice %arg4[%add3A_21, %dma_wait3A_357] : memref<65536x128xf32, #tpu.memory_space<hbm>> -> memref<128x128xf32, #tpu.memory_space<hbm>>
      tpu.wait_dma2 semaphore(%run_scoped3A_350 : memref<!tpu.dma_semaphore, #tpu.memory_space<semaphore_mem>>) src(%arg6 : memref<128x128xf32, #tpu.memory_space<vmem>>) dst(%dma_wait3A_358 : memref<128x128xf32, #tpu.memory_space<hbm>>)
      tpu.yield
    }) : () -> ()
    %dma_start3A_22 = arith.constant 1 : i32
    %dma_start3A_23 = arith.constant 0 : i32
    %dma_start3A_24 = tpu.memref_slice %arg5[%dma_start3A_22, %dma_start3A_23] : memref<2x128xi32, #tpu.memory_space<vmem>> -> memref<1x128xi32, #tpu.memory_space<vmem>>
    %dma_start3A_25 = tpu.memref_squeeze %dma_start3A_24 : memref<1x128xi32, #tpu.memory_space<vmem>> -> memref<128xi32, #tpu.memory_space<vmem>>
    %dma_start3A_26 = arith.constant 0 : i32
    %dma_start3A_27 = arith.constant 0 : i32
    %dma_start3A_28 = tpu.memref_slice %arg2[%dma_start3A_26, %dma_start3A_27] : memref<65664x128xf32, #tpu.memory_space<hbm>> -> memref<65664x128xf32, #tpu.memory_space<hbm>>
    tpu.enqueue_indirect_dma source(%dma_start3A_28 : memref<65664x128xf32, #tpu.memory_space<hbm>>) target(%arg6 : memref<128x128xf32, #tpu.memory_space<vmem>>) offsets(%dma_start3A_25 : memref<128xi32, #tpu.memory_space<vmem>>) semaphore(%arg7 : memref<!tpu.dma_semaphore, #tpu.memory_space<semaphore_mem>>)
    %dma_wait3A_29 = arith.constant 1 : i32
    %dma_wait3A_30 = arith.constant 0 : i32
    %dma_wait3A_31 = tpu.memref_slice %arg5[%dma_wait3A_29, %dma_wait3A_30] : memref<2x128xi32, #tpu.memory_space<vmem>> -> memref<1x128xi32, #tpu.memory_space<vmem>>
    %dma_wait3A_32 = tpu.memref_squeeze %dma_wait3A_31 : memref<1x128xi32, #tpu.memory_space<vmem>> -> memref<128xi32, #tpu.memory_space<vmem>>
    %dma_wait3A_33 = arith.constant 0 : i32
    %dma_wait3A_34 = arith.constant 0 : i32
    %dma_wait3A_35 = tpu.memref_slice %arg2[%dma_wait3A_33, %dma_wait3A_34] : memref<65664x128xf32, #tpu.memory_space<hbm>> -> memref<65664x128xf32, #tpu.memory_space<hbm>>
    tpu.wait_indirect_dma semaphore(%arg7 : memref<!tpu.dma_semaphore, #tpu.memory_space<semaphore_mem>>) src(%dma_wait3A_35 : memref<65664x128xf32, #tpu.memory_space<hbm>>) dst(%arg6 : memref<128x128xf32, #tpu.memory_space<vmem>>)
    %mul3A_36 = arith.constant 256 : i32
    %mul3A_37 = arith.muli %add3A, %mul3A_36 : i32
    %add3A_38 = arith.constant 0 : i32
    %add3A_39 = arith.addi %add3A_38, %mul3A_37 : i32
    %add3A_40 = arith.constant 128 : i32
    %add3A_41 = arith.addi %add3A_39, %add3A_40 : i32
    "tpu.region"() ({
      %run_scoped3A_350 = tpu.sem_alloc : memref<!tpu.dma_semaphore, #tpu.memory_space<semaphore_mem>>
      %dma_start3A_351 = arith.constant 0 : i32
      %dma_start3A_352 = tpu.memref_slice %arg4[%add3A_41, %dma_start3A_351] : memref<65536x128xf32, #tpu.memory_space<hbm>> -> memref<128x128xf32, #tpu.memory_space<hbm>>
      %dma_start3A_353 = arith.constant 0 : i32
      %dma_start3A_354 = tpu.memref_slice %arg4[%add3A_41, %dma_start3A_353] : memref<65536x128xf32, #tpu.memory_space<hbm>> -> memref<128x128xf32, #tpu.memory_space<hbm>>
      tpu.enqueue_dma source(%arg6 : memref<128x128xf32, #tpu.memory_space<vmem>>) target(%dma_start3A_354 : memref<128x128xf32, #tpu.memory_space<hbm>>) target_semaphore(%run_scoped3A_350 : memref<!tpu.dma_semaphore, #tpu.memory_space<semaphore_mem>>)
      %dma_wait3A_355 = arith.constant 0 : i32
      %dma_wait3A_356 = tpu.memref_slice %arg4[%add3A_41, %dma_wait3A_355] : memref<65536x128xf32, #tpu.memory_space<hbm>> -> memref<128x128xf32, #tpu.memory_space<hbm>>
      %dma_wait3A_357 = arith.constant 0 : i32
      %dma_wait3A_358 = tpu.memref_slice %arg4[%add3A_41, %dma_wait3A_357] : memref<65536x128xf32, #tpu.memory_space<hbm>> -> memref<128x128xf32, #tpu.memory_space<hbm>>
      tpu.wait_dma2 semaphore(%run_scoped3A_350 : memref<!tpu.dma_semaphore, #tpu.memory_space<semaphore_mem>>) src(%arg6 : memref<128x128xf32, #tpu.memory_space<vmem>>) dst(%dma_wait3A_358 : memref<128x128xf32, #tpu.memory_space<hbm>>)
      tpu.yield
    }) : () -> ()
    %mul3A_42 = arith.constant 2 : i32
    %mul3A_43 = arith.muli %add3A, %mul3A_42 : i32
    %run_scoped3A_44 = arith.constant 0 : i32
    %run_scoped3A_45 = arith.constant 1 : i32
    "tpu.region"() ({
      %run_scoped3A_350 = tpu.sem_alloc : memref<!tpu.dma_semaphore, #tpu.memory_space<semaphore_mem>>
      %dma_start3A_351 = arith.constant 0 : i32
      %dma_start3A_352 = tpu.memref_slice %arg3[%run_scoped3A_44, %run_scoped3A_45, %mul3A_43, %dma_start3A_351] : memref<2x4x64x128xi32, #tpu.memory_space<hbm>> -> memref<1x1x2x128xi32, #tpu.memory_space<hbm>>
      %dma_start3A_353 = tpu.memref_squeeze %dma_start3A_352 : memref<1x1x2x128xi32, #tpu.memory_space<hbm>> -> memref<2x128xi32, #tpu.memory_space<hbm>>
      %dma_start3A_354 = arith.constant 0 : i32
      %dma_start3A_355 = tpu.memref_slice %arg3[%run_scoped3A_44, %run_scoped3A_45, %mul3A_43, %dma_start3A_354] : memref<2x4x64x128xi32, #tpu.memory_space<hbm>> -> memref<1x1x2x128xi32, #tpu.memory_space<hbm>>
      %dma_start3A_356 = tpu.memref_squeeze %dma_start3A_355 : memref<1x1x2x128xi32, #tpu.memory_space<hbm>> -> memref<2x128xi32, #tpu.memory_space<hbm>>
      tpu.enqueue_dma source(%dma_start3A_356 : memref<2x128xi32, #tpu.memory_space<hbm>>) target(%arg5 : memref<2x128xi32, #tpu.memory_space<vmem>>) target_semaphore(%run_scoped3A_350 : memref<!tpu.dma_semaphore, #tpu.memory_space<semaphore_mem>>)
      %dma_wait3A_357 = arith.constant 0 : i32
      %dma_wait3A_358 = tpu.memref_slice %arg3[%run_scoped3A_44, %run_scoped3A_45, %mul3A_43, %dma_wait3A_357] : memref<2x4x64x128xi32, #tpu.memory_space<hbm>> -> memref<1x1x2x128xi32, #tpu.memory_space<hbm>>
      %dma_wait3A_359 = tpu.memref_squeeze %dma_wait3A_358 : memref<1x1x2x128xi32, #tpu.memory_space<hbm>> -> memref<2x128xi32, #tpu.memory_space<hbm>>
      %dma_wait3A_360 = arith.constant 0 : i32
      %dma_wait3A_361 = tpu.memref_slice %arg3[%run_scoped3A_44, %run_scoped3A_45, %mul3A_43, %dma_wait3A_360] : memref<2x4x64x128xi32, #tpu.memory_space<hbm>> -> memref<1x1x2x128xi32, #tpu.memory_space<hbm>>
      %dma_wait3A_362 = tpu.memref_squeeze %dma_wait3A_361 : memref<1x1x2x128xi32, #tpu.memory_space<hbm>> -> memref<2x128xi32, #tpu.memory_space<hbm>>
      tpu.wait_dma2 semaphore(%run_scoped3A_350 : memref<!tpu.dma_semaphore, #tpu.memory_space<semaphore_mem>>) src(%dma_wait3A_362 : memref<2x128xi32, #tpu.memory_space<hbm>>) dst(%arg5 : memref<2x128xi32, #tpu.memory_space<vmem>>)
      tpu.yield
    }) : () -> ()
    %dma_start3A_46 = arith.constant 0 : i32
    %dma_start3A_47 = arith.constant 0 : i32
    %dma_start3A_48 = tpu.memref_slice %arg5[%dma_start3A_46, %dma_start3A_47] : memref<2x128xi32, #tpu.memory_space<vmem>> -> memref<1x128xi32, #tpu.memory_space<vmem>>
    %dma_start3A_49 = tpu.memref_squeeze %dma_start3A_48 : memref<1x128xi32, #tpu.memory_space<vmem>> -> memref<128xi32, #tpu.memory_space<vmem>>
    %dma_start3A_50 = arith.constant 0 : i32
    %dma_start3A_51 = arith.constant 0 : i32
    %dma_start3A_52 = tpu.memref_slice %arg2[%dma_start3A_50, %dma_start3A_51] : memref<65664x128xf32, #tpu.memory_space<hbm>> -> memref<65664x128xf32, #tpu.memory_space<hbm>>
    tpu.enqueue_indirect_dma source(%dma_start3A_52 : memref<65664x128xf32, #tpu.memory_space<hbm>>) target(%arg6 : memref<128x128xf32, #tpu.memory_space<vmem>>) offsets(%dma_start3A_49 : memref<128xi32, #tpu.memory_space<vmem>>) semaphore(%arg7 : memref<!tpu.dma_semaphore, #tpu.memory_space<semaphore_mem>>)
    %dma_wait3A_53 = arith.constant 0 : i32
    %dma_wait3A_54 = arith.constant 0 : i32
    %dma_wait3A_55 = tpu.memref_slice %arg5[%dma_wait3A_53, %dma_wait3A_54] : memref<2x128xi32, #tpu.memory_space<vmem>> -> memref<1x128xi32, #tpu.memory_space<vmem>>
    %dma_wait3A_56 = tpu.memref_squeeze %dma_wait3A_55 : memref<1x128xi32, #tpu.memory_space<vmem>> -> memref<128xi32, #tpu.memory_space<vmem>>
    %dma_wait3A_57 = arith.constant 0 : i32
    %dma_wait3A_58 = arith.constant 0 : i32
    %dma_wait3A_59 = tpu.memref_slice %arg2[%dma_wait3A_57, %dma_wait3A_58] : memref<65664x128xf32, #tpu.memory_space<hbm>> -> memref<65664x128xf32, #tpu.memory_space<hbm>>
    tpu.wait_indirect_dma semaphore(%arg7 : memref<!tpu.dma_semaphore, #tpu.memory_space<semaphore_mem>>) src(%dma_wait3A_59 : memref<65664x128xf32, #tpu.memory_space<hbm>>) dst(%arg6 : memref<128x128xf32, #tpu.memory_space<vmem>>)
    %mul3A_60 = arith.constant 256 : i32
    %mul3A_61 = arith.muli %add3A, %mul3A_60 : i32
    %add3A_62 = arith.constant 8192 : i32
    %add3A_63 = arith.addi %add3A_62, %mul3A_61 : i32
    %add3A_64 = arith.constant 0 : i32
    %add3A_65 = arith.addi %add3A_63, %add3A_64 : i32
    "tpu.region"() ({
      %run_scoped3A_350 = tpu.sem_alloc : memref<!tpu.dma_semaphore, #tpu.memory_space<semaphore_mem>>
      %dma_start3A_351 = arith.constant 0 : i32
      %dma_start3A_352 = tpu.memref_slice %arg4[%add3A_65, %dma_start3A_351] : memref<65536x128xf32, #tpu.memory_space<hbm>> -> memref<128x128xf32, #tpu.memory_space<hbm>>
      %dma_start3A_353 = arith.constant 0 : i32
      %dma_start3A_354 = tpu.memref_slice %arg4[%add3A_65, %dma_start3A_353] : memref<65536x128xf32, #tpu.memory_space<hbm>> -> memref<128x128xf32, #tpu.memory_space<hbm>>
      tpu.enqueue_dma source(%arg6 : memref<128x128xf32, #tpu.memory_space<vmem>>) target(%dma_start3A_354 : memref<128x128xf32, #tpu.memory_space<hbm>>) target_semaphore(%run_scoped3A_350 : memref<!tpu.dma_semaphore, #tpu.memory_space<semaphore_mem>>)
      %dma_wait3A_355 = arith.constant 0 : i32
      %dma_wait3A_356 = tpu.memref_slice %arg4[%add3A_65, %dma_wait3A_355] : memref<65536x128xf32, #tpu.memory_space<hbm>> -> memref<128x128xf32, #tpu.memory_space<hbm>>
      %dma_wait3A_357 = arith.constant 0 : i32
      %dma_wait3A_358 = tpu.memref_slice %arg4[%add3A_65, %dma_wait3A_357] : memref<65536x128xf32, #tpu.memory_space<hbm>> -> memref<128x128xf32, #tpu.memory_space<hbm>>
      tpu.wait_dma2 semaphore(%run_scoped3A_350 : memref<!tpu.dma_semaphore, #tpu.memory_space<semaphore_mem>>) src(%arg6 : memref<128x128xf32, #tpu.memory_space<vmem>>) dst(%dma_wait3A_358 : memref<128x128xf32, #tpu.memory_space<hbm>>)
      tpu.yield
    }) : () -> ()
    %dma_start3A_66 = arith.constant 1 : i32
    %dma_start3A_67 = arith.constant 0 : i32
    %dma_start3A_68 = tpu.memref_slice %arg5[%dma_start3A_66, %dma_start3A_67] : memref<2x128xi32, #tpu.memory_space<vmem>> -> memref<1x128xi32, #tpu.memory_space<vmem>>
    %dma_start3A_69 = tpu.memref_squeeze %dma_start3A_68 : memref<1x128xi32, #tpu.memory_space<vmem>> -> memref<128xi32, #tpu.memory_space<vmem>>
    %dma_start3A_70 = arith.constant 0 : i32
    %dma_start3A_71 = arith.constant 0 : i32
    %dma_start3A_72 = tpu.memref_slice %arg2[%dma_start3A_70, %dma_start3A_71] : memref<65664x128xf32, #tpu.memory_space<hbm>> -> memref<65664x128xf32, #tpu.memory_space<hbm>>
    tpu.enqueue_indirect_dma source(%dma_start3A_72 : memref<65664x128xf32, #tpu.memory_space<hbm>>) target(%arg6 : memref<128x128xf32, #tpu.memory_space<vmem>>) offsets(%dma_start3A_69 : memref<128xi32, #tpu.memory_space<vmem>>) semaphore(%arg7 : memref<!tpu.dma_semaphore, #tpu.memory_space<semaphore_mem>>)
    %dma_wait3A_73 = arith.constant 1 : i32
    %dma_wait3A_74 = arith.constant 0 : i32
    %dma_wait3A_75 = tpu.memref_slice %arg5[%dma_wait3A_73, %dma_wait3A_74] : memref<2x128xi32, #tpu.memory_space<vmem>> -> memref<1x128xi32, #tpu.memory_space<vmem>>
    %dma_wait3A_76 = tpu.memref_squeeze %dma_wait3A_75 : memref<1x128xi32, #tpu.memory_space<vmem>> -> memref<128xi32, #tpu.memory_space<vmem>>
    %dma_wait3A_77 = arith.constant 0 : i32
    %dma_wait3A_78 = arith.constant 0 : i32
    %dma_wait3A_79 = tpu.memref_slice %arg2[%dma_wait3A_77, %dma_wait3A_78] : memref<65664x128xf32, #tpu.memory_space<hbm>> -> memref<65664x128xf32, #tpu.memory_space<hbm>>
    tpu.wait_indirect_dma semaphore(%arg7 : memref<!tpu.dma_semaphore, #tpu.memory_space<semaphore_mem>>) src(%dma_wait3A_79 : memref<65664x128xf32, #tpu.memory_space<hbm>>) dst(%arg6 : memref<128x128xf32, #tpu.memory_space<vmem>>)
    %mul3A_80 = arith.constant 256 : i32
    %mul3A_81 = arith.muli %add3A, %mul3A_80 : i32
    %add3A_82 = arith.constant 8192 : i32
    %add3A_83 = arith.addi %add3A_82, %mul3A_81 : i32
    %add3A_84 = arith.constant 128 : i32
    %add3A_85 = arith.addi %add3A_83, %add3A_84 : i32
    "tpu.region"() ({
      %run_scoped3A_350 = tpu.sem_alloc : memref<!tpu.dma_semaphore, #tpu.memory_space<semaphore_mem>>
      %dma_start3A_351 = arith.constant 0 : i32
      %dma_start3A_352 = tpu.memref_slice %arg4[%add3A_85, %dma_start3A_351] : memref<65536x128xf32, #tpu.memory_space<hbm>> -> memref<128x128xf32, #tpu.memory_space<hbm>>
      %dma_start3A_353 = arith.constant 0 : i32
      %dma_start3A_354 = tpu.memref_slice %arg4[%add3A_85, %dma_start3A_353] : memref<65536x128xf32, #tpu.memory_space<hbm>> -> memref<128x128xf32, #tpu.memory_space<hbm>>
      tpu.enqueue_dma source(%arg6 : memref<128x128xf32, #tpu.memory_space<vmem>>) target(%dma_start3A_354 : memref<128x128xf32, #tpu.memory_space<hbm>>) target_semaphore(%run_scoped3A_350 : memref<!tpu.dma_semaphore, #tpu.memory_space<semaphore_mem>>)
      %dma_wait3A_355 = arith.constant 0 : i32
      %dma_wait3A_356 = tpu.memref_slice %arg4[%add3A_85, %dma_wait3A_355] : memref<65536x128xf32, #tpu.memory_space<hbm>> -> memref<128x128xf32, #tpu.memory_space<hbm>>
      %dma_wait3A_357 = arith.constant 0 : i32
      %dma_wait3A_358 = tpu.memref_slice %arg4[%add3A_85, %dma_wait3A_357] : memref<65536x128xf32, #tpu.memory_space<hbm>> -> memref<128x128xf32, #tpu.memory_space<hbm>>
      tpu.wait_dma2 semaphore(%run_scoped3A_350 : memref<!tpu.dma_semaphore, #tpu.memory_space<semaphore_mem>>) src(%arg6 : memref<128x128xf32, #tpu.memory_space<vmem>>) dst(%dma_wait3A_358 : memref<128x128xf32, #tpu.memory_space<hbm>>)
      tpu.yield
    }) : () -> ()
    %mul3A_86 = arith.constant 2 : i32
    %mul3A_87 = arith.muli %add3A, %mul3A_86 : i32
    %run_scoped3A_88 = arith.constant 0 : i32
    %run_scoped3A_89 = arith.constant 2 : i32
    "tpu.region"() ({
      %run_scoped3A_350 = tpu.sem_alloc : memref<!tpu.dma_semaphore, #tpu.memory_space<semaphore_mem>>
      %dma_start3A_351 = arith.constant 0 : i32
      %dma_start3A_352 = tpu.memref_slice %arg3[%run_scoped3A_88, %run_scoped3A_89, %mul3A_87, %dma_start3A_351] : memref<2x4x64x128xi32, #tpu.memory_space<hbm>> -> memref<1x1x2x128xi32, #tpu.memory_space<hbm>>
      %dma_start3A_353 = tpu.memref_squeeze %dma_start3A_352 : memref<1x1x2x128xi32, #tpu.memory_space<hbm>> -> memref<2x128xi32, #tpu.memory_space<hbm>>
      %dma_start3A_354 = arith.constant 0 : i32
      %dma_start3A_355 = tpu.memref_slice %arg3[%run_scoped3A_88, %run_scoped3A_89, %mul3A_87, %dma_start3A_354] : memref<2x4x64x128xi32, #tpu.memory_space<hbm>> -> memref<1x1x2x128xi32, #tpu.memory_space<hbm>>
      %dma_start3A_356 = tpu.memref_squeeze %dma_start3A_355 : memref<1x1x2x128xi32, #tpu.memory_space<hbm>> -> memref<2x128xi32, #tpu.memory_space<hbm>>
      tpu.enqueue_dma source(%dma_start3A_356 : memref<2x128xi32, #tpu.memory_space<hbm>>) target(%arg5 : memref<2x128xi32, #tpu.memory_space<vmem>>) target_semaphore(%run_scoped3A_350 : memref<!tpu.dma_semaphore, #tpu.memory_space<semaphore_mem>>)
      %dma_wait3A_357 = arith.constant 0 : i32
      %dma_wait3A_358 = tpu.memref_slice %arg3[%run_scoped3A_88, %run_scoped3A_89, %mul3A_87, %dma_wait3A_357] : memref<2x4x64x128xi32, #tpu.memory_space<hbm>> -> memref<1x1x2x128xi32, #tpu.memory_space<hbm>>
      %dma_wait3A_359 = tpu.memref_squeeze %dma_wait3A_358 : memref<1x1x2x128xi32, #tpu.memory_space<hbm>> -> memref<2x128xi32, #tpu.memory_space<hbm>>
      %dma_wait3A_360 = arith.constant 0 : i32
      %dma_wait3A_361 = tpu.memref_slice %arg3[%run_scoped3A_88, %run_scoped3A_89, %mul3A_87, %dma_wait3A_360] : memref<2x4x64x128xi32, #tpu.memory_space<hbm>> -> memref<1x1x2x128xi32, #tpu.memory_space<hbm>>
      %dma_wait3A_362 = tpu.memref_squeeze %dma_wait3A_361 : memref<1x1x2x128xi32, #tpu.memory_space<hbm>> -> memref<2x128xi32, #tpu.memory_space<hbm>>
      tpu.wait_dma2 semaphore(%run_scoped3A_350 : memref<!tpu.dma_semaphore, #tpu.memory_space<semaphore_mem>>) src(%dma_wait3A_362 : memref<2x128xi32, #tpu.memory_space<hbm>>) dst(%arg5 : memref<2x128xi32, #tpu.memory_space<vmem>>)
      tpu.yield
    }) : () -> ()
    %dma_start3A_90 = arith.constant 0 : i32
    %dma_start3A_91 = arith.constant 0 : i32
    %dma_start3A_92 = tpu.memref_slice %arg5[%dma_start3A_90, %dma_start3A_91] : memref<2x128xi32, #tpu.memory_space<vmem>> -> memref<1x128xi32, #tpu.memory_space<vmem>>
    %dma_start3A_93 = tpu.memref_squeeze %dma_start3A_92 : memref<1x128xi32, #tpu.memory_space<vmem>> -> memref<128xi32, #tpu.memory_space<vmem>>
    %dma_start3A_94 = arith.constant 0 : i32
    %dma_start3A_95 = arith.constant 0 : i32
    %dma_start3A_96 = tpu.memref_slice %arg2[%dma_start3A_94, %dma_start3A_95] : memref<65664x128xf32, #tpu.memory_space<hbm>> -> memref<65664x128xf32, #tpu.memory_space<hbm>>
    tpu.enqueue_indirect_dma source(%dma_start3A_96 : memref<65664x128xf32, #tpu.memory_space<hbm>>) target(%arg6 : memref<128x128xf32, #tpu.memory_space<vmem>>) offsets(%dma_start3A_93 : memref<128xi32, #tpu.memory_space<vmem>>) semaphore(%arg7 : memref<!tpu.dma_semaphore, #tpu.memory_space<semaphore_mem>>)
    %dma_wait3A_97 = arith.constant 0 : i32
    %dma_wait3A_98 = arith.constant 0 : i32
    %dma_wait3A_99 = tpu.memref_slice %arg5[%dma_wait3A_97, %dma_wait3A_98] : memref<2x128xi32, #tpu.memory_space<vmem>> -> memref<1x128xi32, #tpu.memory_space<vmem>>
    %dma_wait3A_100 = tpu.memref_squeeze %dma_wait3A_99 : memref<1x128xi32, #tpu.memory_space<vmem>> -> memref<128xi32, #tpu.memory_space<vmem>>
    %dma_wait3A_101 = arith.constant 0 : i32
    %dma_wait3A_102 = arith.constant 0 : i32
    %dma_wait3A_103 = tpu.memref_slice %arg2[%dma_wait3A_101, %dma_wait3A_102] : memref<65664x128xf32, #tpu.memory_space<hbm>> -> memref<65664x128xf32, #tpu.memory_space<hbm>>
    tpu.wait_indirect_dma semaphore(%arg7 : memref<!tpu.dma_semaphore, #tpu.memory_space<semaphore_mem>>) src(%dma_wait3A_103 : memref<65664x128xf32, #tpu.memory_space<hbm>>) dst(%arg6 : memref<128x128xf32, #tpu.memory_space<vmem>>)
    %mul3A_104 = arith.constant 256 : i32
    %mul3A_105 = arith.muli %add3A, %mul3A_104 : i32
    %add3A_106 = arith.constant 16384 : i32
    %add3A_107 = arith.addi %add3A_106, %mul3A_105 : i32
    %add3A_108 = arith.constant 0 : i32
    %add3A_109 = arith.addi %add3A_107, %add3A_108 : i32
    "tpu.region"() ({
      %run_scoped3A_350 = tpu.sem_alloc : memref<!tpu.dma_semaphore, #tpu.memory_space<semaphore_mem>>
      %dma_start3A_351 = arith.constant 0 : i32
      %dma_start3A_352 = tpu.memref_slice %arg4[%add3A_109, %dma_start3A_351] : memref<65536x128xf32, #tpu.memory_space<hbm>> -> memref<128x128xf32, #tpu.memory_space<hbm>>
      %dma_start3A_353 = arith.constant 0 : i32
      %dma_start3A_354 = tpu.memref_slice %arg4[%add3A_109, %dma_start3A_353] : memref<65536x128xf32, #tpu.memory_space<hbm>> -> memref<128x128xf32, #tpu.memory_space<hbm>>
      tpu.enqueue_dma source(%arg6 : memref<128x128xf32, #tpu.memory_space<vmem>>) target(%dma_start3A_354 : memref<128x128xf32, #tpu.memory_space<hbm>>) target_semaphore(%run_scoped3A_350 : memref<!tpu.dma_semaphore, #tpu.memory_space<semaphore_mem>>)
      %dma_wait3A_355 = arith.constant 0 : i32
      %dma_wait3A_356 = tpu.memref_slice %arg4[%add3A_109, %dma_wait3A_355] : memref<65536x128xf32, #tpu.memory_space<hbm>> -> memref<128x128xf32, #tpu.memory_space<hbm>>
      %dma_wait3A_357 = arith.constant 0 : i32
      %dma_wait3A_358 = tpu.memref_slice %arg4[%add3A_109, %dma_wait3A_357] : memref<65536x128xf32, #tpu.memory_space<hbm>> -> memref<128x128xf32, #tpu.memory_space<hbm>>
      tpu.wait_dma2 semaphore(%run_scoped3A_350 : memref<!tpu.dma_semaphore, #tpu.memory_space<semaphore_mem>>) src(%arg6 : memref<128x128xf32, #tpu.memory_space<vmem>>) dst(%dma_wait3A_358 : memref<128x128xf32, #tpu.memory_space<hbm>>)
      tpu.yield
    }) : () -> ()
    %dma_start3A_110 = arith.constant 1 : i32
    %dma_start3A_111 = arith.constant 0 : i32
    %dma_start3A_112 = tpu.memref_slice %arg5[%dma_start3A_110, %dma_start3A_111] : memref<2x128xi32, #tpu.memory_space<vmem>> -> memref<1x128xi32, #tpu.memory_space<vmem>>
    %dma_start3A_113 = tpu.memref_squeeze %dma_start3A_112 : memref<1x128xi32, #tpu.memory_space<vmem>> -> memref<128xi32, #tpu.memory_space<vmem>>
    %dma_start3A_114 = arith.constant 0 : i32
    %dma_start3A_115 = arith.constant 0 : i32
    %dma_start3A_116 = tpu.memref_slice %arg2[%dma_start3A_114, %dma_start3A_115] : memref<65664x128xf32, #tpu.memory_space<hbm>> -> memref<65664x128xf32, #tpu.memory_space<hbm>>
    tpu.enqueue_indirect_dma source(%dma_start3A_116 : memref<65664x128xf32, #tpu.memory_space<hbm>>) target(%arg6 : memref<128x128xf32, #tpu.memory_space<vmem>>) offsets(%dma_start3A_113 : memref<128xi32, #tpu.memory_space<vmem>>) semaphore(%arg7 : memref<!tpu.dma_semaphore, #tpu.memory_space<semaphore_mem>>)
    %dma_wait3A_117 = arith.constant 1 : i32
    %dma_wait3A_118 = arith.constant 0 : i32
    %dma_wait3A_119 = tpu.memref_slice %arg5[%dma_wait3A_117, %dma_wait3A_118] : memref<2x128xi32, #tpu.memory_space<vmem>> -> memref<1x128xi32, #tpu.memory_space<vmem>>
    %dma_wait3A_120 = tpu.memref_squeeze %dma_wait3A_119 : memref<1x128xi32, #tpu.memory_space<vmem>> -> memref<128xi32, #tpu.memory_space<vmem>>
    %dma_wait3A_121 = arith.constant 0 : i32
    %dma_wait3A_122 = arith.constant 0 : i32
    %dma_wait3A_123 = tpu.memref_slice %arg2[%dma_wait3A_121, %dma_wait3A_122] : memref<65664x128xf32, #tpu.memory_space<hbm>> -> memref<65664x128xf32, #tpu.memory_space<hbm>>
    tpu.wait_indirect_dma semaphore(%arg7 : memref<!tpu.dma_semaphore, #tpu.memory_space<semaphore_mem>>) src(%dma_wait3A_123 : memref<65664x128xf32, #tpu.memory_space<hbm>>) dst(%arg6 : memref<128x128xf32, #tpu.memory_space<vmem>>)
    %mul3A_124 = arith.constant 256 : i32
    %mul3A_125 = arith.muli %add3A, %mul3A_124 : i32
    %add3A_126 = arith.constant 16384 : i32
    %add3A_127 = arith.addi %add3A_126, %mul3A_125 : i32
    %add3A_128 = arith.constant 128 : i32
    %add3A_129 = arith.addi %add3A_127, %add3A_128 : i32
    "tpu.region"() ({
      %run_scoped3A_350 = tpu.sem_alloc : memref<!tpu.dma_semaphore, #tpu.memory_space<semaphore_mem>>
      %dma_start3A_351 = arith.constant 0 : i32
      %dma_start3A_352 = tpu.memref_slice %arg4[%add3A_129, %dma_start3A_351] : memref<65536x128xf32, #tpu.memory_space<hbm>> -> memref<128x128xf32, #tpu.memory_space<hbm>>
      %dma_start3A_353 = arith.constant 0 : i32
      %dma_start3A_354 = tpu.memref_slice %arg4[%add3A_129, %dma_start3A_353] : memref<65536x128xf32, #tpu.memory_space<hbm>> -> memref<128x128xf32, #tpu.memory_space<hbm>>
      tpu.enqueue_dma source(%arg6 : memref<128x128xf32, #tpu.memory_space<vmem>>) target(%dma_start3A_354 : memref<128x128xf32, #tpu.memory_space<hbm>>) target_semaphore(%run_scoped3A_350 : memref<!tpu.dma_semaphore, #tpu.memory_space<semaphore_mem>>)
      %dma_wait3A_355 = arith.constant 0 : i32
      %dma_wait3A_356 = tpu.memref_slice %arg4[%add3A_129, %dma_wait3A_355] : memref<65536x128xf32, #tpu.memory_space<hbm>> -> memref<128x128xf32, #tpu.memory_space<hbm>>
      %dma_wait3A_357 = arith.constant 0 : i32
      %dma_wait3A_358 = tpu.memref_slice %arg4[%add3A_129, %dma_wait3A_357] : memref<65536x128xf32, #tpu.memory_space<hbm>> -> memref<128x128xf32, #tpu.memory_space<hbm>>
      tpu.wait_dma2 semaphore(%run_scoped3A_350 : memref<!tpu.dma_semaphore, #tpu.memory_space<semaphore_mem>>) src(%arg6 : memref<128x128xf32, #tpu.memory_space<vmem>>) dst(%dma_wait3A_358 : memref<128x128xf32, #tpu.memory_space<hbm>>)
      tpu.yield
    }) : () -> ()
    %mul3A_130 = arith.constant 2 : i32
    %mul3A_131 = arith.muli %add3A, %mul3A_130 : i32
    %run_scoped3A_132 = arith.constant 0 : i32
    %run_scoped3A_133 = arith.constant 3 : i32
    "tpu.region"() ({
      %run_scoped3A_350 = tpu.sem_alloc : memref<!tpu.dma_semaphore, #tpu.memory_space<semaphore_mem>>
      %dma_start3A_351 = arith.constant 0 : i32
      %dma_start3A_352 = tpu.memref_slice %arg3[%run_scoped3A_132, %run_scoped3A_133, %mul3A_131, %dma_start3A_351] : memref<2x4x64x128xi32, #tpu.memory_space<hbm>> -> memref<1x1x2x128xi32, #tpu.memory_space<hbm>>
      %dma_start3A_353 = tpu.memref_squeeze %dma_start3A_352 : memref<1x1x2x128xi32, #tpu.memory_space<hbm>> -> memref<2x128xi32, #tpu.memory_space<hbm>>
      %dma_start3A_354 = arith.constant 0 : i32
      %dma_start3A_355 = tpu.memref_slice %arg3[%run_scoped3A_132, %run_scoped3A_133, %mul3A_131, %dma_start3A_354] : memref<2x4x64x128xi32, #tpu.memory_space<hbm>> -> memref<1x1x2x128xi32, #tpu.memory_space<hbm>>
      %dma_start3A_356 = tpu.memref_squeeze %dma_start3A_355 : memref<1x1x2x128xi32, #tpu.memory_space<hbm>> -> memref<2x128xi32, #tpu.memory_space<hbm>>
      tpu.enqueue_dma source(%dma_start3A_356 : memref<2x128xi32, #tpu.memory_space<hbm>>) target(%arg5 : memref<2x128xi32, #tpu.memory_space<vmem>>) target_semaphore(%run_scoped3A_350 : memref<!tpu.dma_semaphore, #tpu.memory_space<semaphore_mem>>)
      %dma_wait3A_357 = arith.constant 0 : i32
      %dma_wait3A_358 = tpu.memref_slice %arg3[%run_scoped3A_132, %run_scoped3A_133, %mul3A_131, %dma_wait3A_357] : memref<2x4x64x128xi32, #tpu.memory_space<hbm>> -> memref<1x1x2x128xi32, #tpu.memory_space<hbm>>
      %dma_wait3A_359 = tpu.memref_squeeze %dma_wait3A_358 : memref<1x1x2x128xi32, #tpu.memory_space<hbm>> -> memref<2x128xi32, #tpu.memory_space<hbm>>
      %dma_wait3A_360 = arith.constant 0 : i32
      %dma_wait3A_361 = tpu.memref_slice %arg3[%run_scoped3A_132, %run_scoped3A_133, %mul3A_131, %dma_wait3A_360] : memref<2x4x64x128xi32, #tpu.memory_space<hbm>> -> memref<1x1x2x128xi32, #tpu.memory_space<hbm>>
      %dma_wait3A_362 = tpu.memref_squeeze %dma_wait3A_361 : memref<1x1x2x128xi32, #tpu.memory_space<hbm>> -> memref<2x128xi32, #tpu.memory_space<hbm>>
      tpu.wait_dma2 semaphore(%run_scoped3A_350 : memref<!tpu.dma_semaphore, #tpu.memory_space<semaphore_mem>>) src(%dma_wait3A_362 : memref<2x128xi32, #tpu.memory_space<hbm>>) dst(%arg5 : memref<2x128xi32, #tpu.memory_space<vmem>>)
      tpu.yield
    }) : () -> ()
    %dma_start3A_134 = arith.constant 0 : i32
    %dma_start3A_135 = arith.constant 0 : i32
    %dma_start3A_136 = tpu.memref_slice %arg5[%dma_start3A_134, %dma_start3A_135] : memref<2x128xi32, #tpu.memory_space<vmem>> -> memref<1x128xi32, #tpu.memory_space<vmem>>
    %dma_start3A_137 = tpu.memref_squeeze %dma_start3A_136 : memref<1x128xi32, #tpu.memory_space<vmem>> -> memref<128xi32, #tpu.memory_space<vmem>>
    %dma_start3A_138 = arith.constant 0 : i32
    %dma_start3A_139 = arith.constant 0 : i32
    %dma_start3A_140 = tpu.memref_slice %arg2[%dma_start3A_138, %dma_start3A_139] : memref<65664x128xf32, #tpu.memory_space<hbm>> -> memref<65664x128xf32, #tpu.memory_space<hbm>>
    tpu.enqueue_indirect_dma source(%dma_start3A_140 : memref<65664x128xf32, #tpu.memory_space<hbm>>) target(%arg6 : memref<128x128xf32, #tpu.memory_space<vmem>>) offsets(%dma_start3A_137 : memref<128xi32, #tpu.memory_space<vmem>>) semaphore(%arg7 : memref<!tpu.dma_semaphore, #tpu.memory_space<semaphore_mem>>)
    %dma_wait3A_141 = arith.constant 0 : i32
    %dma_wait3A_142 = arith.constant 0 : i32
    %dma_wait3A_143 = tpu.memref_slice %arg5[%dma_wait3A_141, %dma_wait3A_142] : memref<2x128xi32, #tpu.memory_space<vmem>> -> memref<1x128xi32, #tpu.memory_space<vmem>>
    %dma_wait3A_144 = tpu.memref_squeeze %dma_wait3A_143 : memref<1x128xi32, #tpu.memory_space<vmem>> -> memref<128xi32, #tpu.memory_space<vmem>>
    %dma_wait3A_145 = arith.constant 0 : i32
    %dma_wait3A_146 = arith.constant 0 : i32
    %dma_wait3A_147 = tpu.memref_slice %arg2[%dma_wait3A_145, %dma_wait3A_146] : memref<65664x128xf32, #tpu.memory_space<hbm>> -> memref<65664x128xf32, #tpu.memory_space<hbm>>
    tpu.wait_indirect_dma semaphore(%arg7 : memref<!tpu.dma_semaphore, #tpu.memory_space<semaphore_mem>>) src(%dma_wait3A_147 : memref<65664x128xf32, #tpu.memory_space<hbm>>) dst(%arg6 : memref<128x128xf32, #tpu.memory_space<vmem>>)
    %mul3A_148 = arith.constant 256 : i32
    %mul3A_149 = arith.muli %add3A, %mul3A_148 : i32
    %add3A_150 = arith.constant 24576 : i32
    %add3A_151 = arith.addi %add3A_150, %mul3A_149 : i32
    %add3A_152 = arith.constant 0 : i32
    %add3A_153 = arith.addi %add3A_151, %add3A_152 : i32
    "tpu.region"() ({
      %run_scoped3A_350 = tpu.sem_alloc : memref<!tpu.dma_semaphore, #tpu.memory_space<semaphore_mem>>
      %dma_start3A_351 = arith.constant 0 : i32
      %dma_start3A_352 = tpu.memref_slice %arg4[%add3A_153, %dma_start3A_351] : memref<65536x128xf32, #tpu.memory_space<hbm>> -> memref<128x128xf32, #tpu.memory_space<hbm>>
      %dma_start3A_353 = arith.constant 0 : i32
      %dma_start3A_354 = tpu.memref_slice %arg4[%add3A_153, %dma_start3A_353] : memref<65536x128xf32, #tpu.memory_space<hbm>> -> memref<128x128xf32, #tpu.memory_space<hbm>>
      tpu.enqueue_dma source(%arg6 : memref<128x128xf32, #tpu.memory_space<vmem>>) target(%dma_start3A_354 : memref<128x128xf32, #tpu.memory_space<hbm>>) target_semaphore(%run_scoped3A_350 : memref<!tpu.dma_semaphore, #tpu.memory_space<semaphore_mem>>)
      %dma_wait3A_355 = arith.constant 0 : i32
      %dma_wait3A_356 = tpu.memref_slice %arg4[%add3A_153, %dma_wait3A_355] : memref<65536x128xf32, #tpu.memory_space<hbm>> -> memref<128x128xf32, #tpu.memory_space<hbm>>
      %dma_wait3A_357 = arith.constant 0 : i32
      %dma_wait3A_358 = tpu.memref_slice %arg4[%add3A_153, %dma_wait3A_357] : memref<65536x128xf32, #tpu.memory_space<hbm>> -> memref<128x128xf32, #tpu.memory_space<hbm>>
      tpu.wait_dma2 semaphore(%run_scoped3A_350 : memref<!tpu.dma_semaphore, #tpu.memory_space<semaphore_mem>>) src(%arg6 : memref<128x128xf32, #tpu.memory_space<vmem>>) dst(%dma_wait3A_358 : memref<128x128xf32, #tpu.memory_space<hbm>>)
      tpu.yield
    }) : () -> ()
    %dma_start3A_154 = arith.constant 1 : i32
    %dma_start3A_155 = arith.constant 0 : i32
    %dma_start3A_156 = tpu.memref_slice %arg5[%dma_start3A_154, %dma_start3A_155] : memref<2x128xi32, #tpu.memory_space<vmem>> -> memref<1x128xi32, #tpu.memory_space<vmem>>
    %dma_start3A_157 = tpu.memref_squeeze %dma_start3A_156 : memref<1x128xi32, #tpu.memory_space<vmem>> -> memref<128xi32, #tpu.memory_space<vmem>>
    %dma_start3A_158 = arith.constant 0 : i32
    %dma_start3A_159 = arith.constant 0 : i32
    %dma_start3A_160 = tpu.memref_slice %arg2[%dma_start3A_158, %dma_start3A_159] : memref<65664x128xf32, #tpu.memory_space<hbm>> -> memref<65664x128xf32, #tpu.memory_space<hbm>>
    tpu.enqueue_indirect_dma source(%dma_start3A_160 : memref<65664x128xf32, #tpu.memory_space<hbm>>) target(%arg6 : memref<128x128xf32, #tpu.memory_space<vmem>>) offsets(%dma_start3A_157 : memref<128xi32, #tpu.memory_space<vmem>>) semaphore(%arg7 : memref<!tpu.dma_semaphore, #tpu.memory_space<semaphore_mem>>)
    %dma_wait3A_161 = arith.constant 1 : i32
    %dma_wait3A_162 = arith.constant 0 : i32
    %dma_wait3A_163 = tpu.memref_slice %arg5[%dma_wait3A_161, %dma_wait3A_162] : memref<2x128xi32, #tpu.memory_space<vmem>> -> memref<1x128xi32, #tpu.memory_space<vmem>>
    %dma_wait3A_164 = tpu.memref_squeeze %dma_wait3A_163 : memref<1x128xi32, #tpu.memory_space<vmem>> -> memref<128xi32, #tpu.memory_space<vmem>>
    %dma_wait3A_165 = arith.constant 0 : i32
    %dma_wait3A_166 = arith.constant 0 : i32
    %dma_wait3A_167 = tpu.memref_slice %arg2[%dma_wait3A_165, %dma_wait3A_166] : memref<65664x128xf32, #tpu.memory_space<hbm>> -> memref<65664x128xf32, #tpu.memory_space<hbm>>
    tpu.wait_indirect_dma semaphore(%arg7 : memref<!tpu.dma_semaphore, #tpu.memory_space<semaphore_mem>>) src(%dma_wait3A_167 : memref<65664x128xf32, #tpu.memory_space<hbm>>) dst(%arg6 : memref<128x128xf32, #tpu.memory_space<vmem>>)
    %mul3A_168 = arith.constant 256 : i32
    %mul3A_169 = arith.muli %add3A, %mul3A_168 : i32
    %add3A_170 = arith.constant 24576 : i32
    %add3A_171 = arith.addi %add3A_170, %mul3A_169 : i32
    %add3A_172 = arith.constant 128 : i32
    %add3A_173 = arith.addi %add3A_171, %add3A_172 : i32
    "tpu.region"() ({
      %run_scoped3A_350 = tpu.sem_alloc : memref<!tpu.dma_semaphore, #tpu.memory_space<semaphore_mem>>
      %dma_start3A_351 = arith.constant 0 : i32
      %dma_start3A_352 = tpu.memref_slice %arg4[%add3A_173, %dma_start3A_351] : memref<65536x128xf32, #tpu.memory_space<hbm>> -> memref<128x128xf32, #tpu.memory_space<hbm>>
      %dma_start3A_353 = arith.constant 0 : i32
      %dma_start3A_354 = tpu.memref_slice %arg4[%add3A_173, %dma_start3A_353] : memref<65536x128xf32, #tpu.memory_space<hbm>> -> memref<128x128xf32, #tpu.memory_space<hbm>>
      tpu.enqueue_dma source(%arg6 : memref<128x128xf32, #tpu.memory_space<vmem>>) target(%dma_start3A_354 : memref<128x128xf32, #tpu.memory_space<hbm>>) target_semaphore(%run_scoped3A_350 : memref<!tpu.dma_semaphore, #tpu.memory_space<semaphore_mem>>)
      %dma_wait3A_355 = arith.constant 0 : i32
      %dma_wait3A_356 = tpu.memref_slice %arg4[%add3A_173, %dma_wait3A_355] : memref<65536x128xf32, #tpu.memory_space<hbm>> -> memref<128x128xf32, #tpu.memory_space<hbm>>
      %dma_wait3A_357 = arith.constant 0 : i32
      %dma_wait3A_358 = tpu.memref_slice %arg4[%add3A_173, %dma_wait3A_357] : memref<65536x128xf32, #tpu.memory_space<hbm>> -> memref<128x128xf32, #tpu.memory_space<hbm>>
      tpu.wait_dma2 semaphore(%run_scoped3A_350 : memref<!tpu.dma_semaphore, #tpu.memory_space<semaphore_mem>>) src(%arg6 : memref<128x128xf32, #tpu.memory_space<vmem>>) dst(%dma_wait3A_358 : memref<128x128xf32, #tpu.memory_space<hbm>>)
      tpu.yield
    }) : () -> ()
    %mul3A_174 = arith.constant 2 : i32
    %mul3A_175 = arith.muli %add3A, %mul3A_174 : i32
    %run_scoped3A_176 = arith.constant 1 : i32
    %run_scoped3A_177 = arith.constant 0 : i32
    "tpu.region"() ({
      %run_scoped3A_350 = tpu.sem_alloc : memref<!tpu.dma_semaphore, #tpu.memory_space<semaphore_mem>>
      %dma_start3A_351 = arith.constant 0 : i32
      %dma_start3A_352 = tpu.memref_slice %arg3[%run_scoped3A_176, %run_scoped3A_177, %mul3A_175, %dma_start3A_351] : memref<2x4x64x128xi32, #tpu.memory_space<hbm>> -> memref<1x1x2x128xi32, #tpu.memory_space<hbm>>
      %dma_start3A_353 = tpu.memref_squeeze %dma_start3A_352 : memref<1x1x2x128xi32, #tpu.memory_space<hbm>> -> memref<2x128xi32, #tpu.memory_space<hbm>>
      %dma_start3A_354 = arith.constant 0 : i32
      %dma_start3A_355 = tpu.memref_slice %arg3[%run_scoped3A_176, %run_scoped3A_177, %mul3A_175, %dma_start3A_354] : memref<2x4x64x128xi32, #tpu.memory_space<hbm>> -> memref<1x1x2x128xi32, #tpu.memory_space<hbm>>
      %dma_start3A_356 = tpu.memref_squeeze %dma_start3A_355 : memref<1x1x2x128xi32, #tpu.memory_space<hbm>> -> memref<2x128xi32, #tpu.memory_space<hbm>>
      tpu.enqueue_dma source(%dma_start3A_356 : memref<2x128xi32, #tpu.memory_space<hbm>>) target(%arg5 : memref<2x128xi32, #tpu.memory_space<vmem>>) target_semaphore(%run_scoped3A_350 : memref<!tpu.dma_semaphore, #tpu.memory_space<semaphore_mem>>)
      %dma_wait3A_357 = arith.constant 0 : i32
      %dma_wait3A_358 = tpu.memref_slice %arg3[%run_scoped3A_176, %run_scoped3A_177, %mul3A_175, %dma_wait3A_357] : memref<2x4x64x128xi32, #tpu.memory_space<hbm>> -> memref<1x1x2x128xi32, #tpu.memory_space<hbm>>
      %dma_wait3A_359 = tpu.memref_squeeze %dma_wait3A_358 : memref<1x1x2x128xi32, #tpu.memory_space<hbm>> -> memref<2x128xi32, #tpu.memory_space<hbm>>
      %dma_wait3A_360 = arith.constant 0 : i32
      %dma_wait3A_361 = tpu.memref_slice %arg3[%run_scoped3A_176, %run_scoped3A_177, %mul3A_175, %dma_wait3A_360] : memref<2x4x64x128xi32, #tpu.memory_space<hbm>> -> memref<1x1x2x128xi32, #tpu.memory_space<hbm>>
      %dma_wait3A_362 = tpu.memref_squeeze %dma_wait3A_361 : memref<1x1x2x128xi32, #tpu.memory_space<hbm>> -> memref<2x128xi32, #tpu.memory_space<hbm>>
      tpu.wait_dma2 semaphore(%run_scoped3A_350 : memref<!tpu.dma_semaphore, #tpu.memory_space<semaphore_mem>>) src(%dma_wait3A_362 : memref<2x128xi32, #tpu.memory_space<hbm>>) dst(%arg5 : memref<2x128xi32, #tpu.memory_space<vmem>>)
      tpu.yield
    }) : () -> ()
    %dma_start3A_178 = arith.constant 0 : i32
    %dma_start3A_179 = arith.constant 0 : i32
    %dma_start3A_180 = tpu.memref_slice %arg5[%dma_start3A_178, %dma_start3A_179] : memref<2x128xi32, #tpu.memory_space<vmem>> -> memref<1x128xi32, #tpu.memory_space<vmem>>
    %dma_start3A_181 = tpu.memref_squeeze %dma_start3A_180 : memref<1x128xi32, #tpu.memory_space<vmem>> -> memref<128xi32, #tpu.memory_space<vmem>>
    %dma_start3A_182 = arith.constant 0 : i32
    %dma_start3A_183 = arith.constant 0 : i32
    %dma_start3A_184 = tpu.memref_slice %arg2[%dma_start3A_182, %dma_start3A_183] : memref<65664x128xf32, #tpu.memory_space<hbm>> -> memref<65664x128xf32, #tpu.memory_space<hbm>>
    tpu.enqueue_indirect_dma source(%dma_start3A_184 : memref<65664x128xf32, #tpu.memory_space<hbm>>) target(%arg6 : memref<128x128xf32, #tpu.memory_space<vmem>>) offsets(%dma_start3A_181 : memref<128xi32, #tpu.memory_space<vmem>>) semaphore(%arg7 : memref<!tpu.dma_semaphore, #tpu.memory_space<semaphore_mem>>)
    %dma_wait3A_185 = arith.constant 0 : i32
    %dma_wait3A_186 = arith.constant 0 : i32
    %dma_wait3A_187 = tpu.memref_slice %arg5[%dma_wait3A_185, %dma_wait3A_186] : memref<2x128xi32, #tpu.memory_space<vmem>> -> memref<1x128xi32, #tpu.memory_space<vmem>>
    %dma_wait3A_188 = tpu.memref_squeeze %dma_wait3A_187 : memref<1x128xi32, #tpu.memory_space<vmem>> -> memref<128xi32, #tpu.memory_space<vmem>>
    %dma_wait3A_189 = arith.constant 0 : i32
    %dma_wait3A_190 = arith.constant 0 : i32
    %dma_wait3A_191 = tpu.memref_slice %arg2[%dma_wait3A_189, %dma_wait3A_190] : memref<65664x128xf32, #tpu.memory_space<hbm>> -> memref<65664x128xf32, #tpu.memory_space<hbm>>
    tpu.wait_indirect_dma semaphore(%arg7 : memref<!tpu.dma_semaphore, #tpu.memory_space<semaphore_mem>>) src(%dma_wait3A_191 : memref<65664x128xf32, #tpu.memory_space<hbm>>) dst(%arg6 : memref<128x128xf32, #tpu.memory_space<vmem>>)
    %mul3A_192 = arith.constant 256 : i32
    %mul3A_193 = arith.muli %add3A, %mul3A_192 : i32
    %add3A_194 = arith.constant 32768 : i32
    %add3A_195 = arith.addi %add3A_194, %mul3A_193 : i32
    %add3A_196 = arith.constant 0 : i32
    %add3A_197 = arith.addi %add3A_195, %add3A_196 : i32
    "tpu.region"() ({
      %run_scoped3A_350 = tpu.sem_alloc : memref<!tpu.dma_semaphore, #tpu.memory_space<semaphore_mem>>
      %dma_start3A_351 = arith.constant 0 : i32
      %dma_start3A_352 = tpu.memref_slice %arg4[%add3A_197, %dma_start3A_351] : memref<65536x128xf32, #tpu.memory_space<hbm>> -> memref<128x128xf32, #tpu.memory_space<hbm>>
      %dma_start3A_353 = arith.constant 0 : i32
      %dma_start3A_354 = tpu.memref_slice %arg4[%add3A_197, %dma_start3A_353] : memref<65536x128xf32, #tpu.memory_space<hbm>> -> memref<128x128xf32, #tpu.memory_space<hbm>>
      tpu.enqueue_dma source(%arg6 : memref<128x128xf32, #tpu.memory_space<vmem>>) target(%dma_start3A_354 : memref<128x128xf32, #tpu.memory_space<hbm>>) target_semaphore(%run_scoped3A_350 : memref<!tpu.dma_semaphore, #tpu.memory_space<semaphore_mem>>)
      %dma_wait3A_355 = arith.constant 0 : i32
      %dma_wait3A_356 = tpu.memref_slice %arg4[%add3A_197, %dma_wait3A_355] : memref<65536x128xf32, #tpu.memory_space<hbm>> -> memref<128x128xf32, #tpu.memory_space<hbm>>
      %dma_wait3A_357 = arith.constant 0 : i32
      %dma_wait3A_358 = tpu.memref_slice %arg4[%add3A_197, %dma_wait3A_357] : memref<65536x128xf32, #tpu.memory_space<hbm>> -> memref<128x128xf32, #tpu.memory_space<hbm>>
      tpu.wait_dma2 semaphore(%run_scoped3A_350 : memref<!tpu.dma_semaphore, #tpu.memory_space<semaphore_mem>>) src(%arg6 : memref<128x128xf32, #tpu.memory_space<vmem>>) dst(%dma_wait3A_358 : memref<128x128xf32, #tpu.memory_space<hbm>>)
      tpu.yield
    }) : () -> ()
    %dma_start3A_198 = arith.constant 1 : i32
    %dma_start3A_199 = arith.constant 0 : i32
    %dma_start3A_200 = tpu.memref_slice %arg5[%dma_start3A_198, %dma_start3A_199] : memref<2x128xi32, #tpu.memory_space<vmem>> -> memref<1x128xi32, #tpu.memory_space<vmem>>
    %dma_start3A_201 = tpu.memref_squeeze %dma_start3A_200 : memref<1x128xi32, #tpu.memory_space<vmem>> -> memref<128xi32, #tpu.memory_space<vmem>>
    %dma_start3A_202 = arith.constant 0 : i32
    %dma_start3A_203 = arith.constant 0 : i32
    %dma_start3A_204 = tpu.memref_slice %arg2[%dma_start3A_202, %dma_start3A_203] : memref<65664x128xf32, #tpu.memory_space<hbm>> -> memref<65664x128xf32, #tpu.memory_space<hbm>>
    tpu.enqueue_indirect_dma source(%dma_start3A_204 : memref<65664x128xf32, #tpu.memory_space<hbm>>) target(%arg6 : memref<128x128xf32, #tpu.memory_space<vmem>>) offsets(%dma_start3A_201 : memref<128xi32, #tpu.memory_space<vmem>>) semaphore(%arg7 : memref<!tpu.dma_semaphore, #tpu.memory_space<semaphore_mem>>)
    %dma_wait3A_205 = arith.constant 1 : i32
    %dma_wait3A_206 = arith.constant 0 : i32
    %dma_wait3A_207 = tpu.memref_slice %arg5[%dma_wait3A_205, %dma_wait3A_206] : memref<2x128xi32, #tpu.memory_space<vmem>> -> memref<1x128xi32, #tpu.memory_space<vmem>>
    %dma_wait3A_208 = tpu.memref_squeeze %dma_wait3A_207 : memref<1x128xi32, #tpu.memory_space<vmem>> -> memref<128xi32, #tpu.memory_space<vmem>>
    %dma_wait3A_209 = arith.constant 0 : i32
    %dma_wait3A_210 = arith.constant 0 : i32
    %dma_wait3A_211 = tpu.memref_slice %arg2[%dma_wait3A_209, %dma_wait3A_210] : memref<65664x128xf32, #tpu.memory_space<hbm>> -> memref<65664x128xf32, #tpu.memory_space<hbm>>
    tpu.wait_indirect_dma semaphore(%arg7 : memref<!tpu.dma_semaphore, #tpu.memory_space<semaphore_mem>>) src(%dma_wait3A_211 : memref<65664x128xf32, #tpu.memory_space<hbm>>) dst(%arg6 : memref<128x128xf32, #tpu.memory_space<vmem>>)
    %mul3A_212 = arith.constant 256 : i32
    %mul3A_213 = arith.muli %add3A, %mul3A_212 : i32
    %add3A_214 = arith.constant 32768 : i32
    %add3A_215 = arith.addi %add3A_214, %mul3A_213 : i32
    %add3A_216 = arith.constant 128 : i32
    %add3A_217 = arith.addi %add3A_215, %add3A_216 : i32
    "tpu.region"() ({
      %run_scoped3A_350 = tpu.sem_alloc : memref<!tpu.dma_semaphore, #tpu.memory_space<semaphore_mem>>
      %dma_start3A_351 = arith.constant 0 : i32
      %dma_start3A_352 = tpu.memref_slice %arg4[%add3A_217, %dma_start3A_351] : memref<65536x128xf32, #tpu.memory_space<hbm>> -> memref<128x128xf32, #tpu.memory_space<hbm>>
      %dma_start3A_353 = arith.constant 0 : i32
      %dma_start3A_354 = tpu.memref_slice %arg4[%add3A_217, %dma_start3A_353] : memref<65536x128xf32, #tpu.memory_space<hbm>> -> memref<128x128xf32, #tpu.memory_space<hbm>>
      tpu.enqueue_dma source(%arg6 : memref<128x128xf32, #tpu.memory_space<vmem>>) target(%dma_start3A_354 : memref<128x128xf32, #tpu.memory_space<hbm>>) target_semaphore(%run_scoped3A_350 : memref<!tpu.dma_semaphore, #tpu.memory_space<semaphore_mem>>)
      %dma_wait3A_355 = arith.constant 0 : i32
      %dma_wait3A_356 = tpu.memref_slice %arg4[%add3A_217, %dma_wait3A_355] : memref<65536x128xf32, #tpu.memory_space<hbm>> -> memref<128x128xf32, #tpu.memory_space<hbm>>
      %dma_wait3A_357 = arith.constant 0 : i32
      %dma_wait3A_358 = tpu.memref_slice %arg4[%add3A_217, %dma_wait3A_357] : memref<65536x128xf32, #tpu.memory_space<hbm>> -> memref<128x128xf32, #tpu.memory_space<hbm>>
      tpu.wait_dma2 semaphore(%run_scoped3A_350 : memref<!tpu.dma_semaphore, #tpu.memory_space<semaphore_mem>>) src(%arg6 : memref<128x128xf32, #tpu.memory_space<vmem>>) dst(%dma_wait3A_358 : memref<128x128xf32, #tpu.memory_space<hbm>>)
      tpu.yield
    }) : () -> ()
    %mul3A_218 = arith.constant 2 : i32
    %mul3A_219 = arith.muli %add3A, %mul3A_218 : i32
    %run_scoped3A_220 = arith.constant 1 : i32
    %run_scoped3A_221 = arith.constant 1 : i32
    "tpu.region"() ({
      %run_scoped3A_350 = tpu.sem_alloc : memref<!tpu.dma_semaphore, #tpu.memory_space<semaphore_mem>>
      %dma_start3A_351 = arith.constant 0 : i32
      %dma_start3A_352 = tpu.memref_slice %arg3[%run_scoped3A_220, %run_scoped3A_221, %mul3A_219, %dma_start3A_351] : memref<2x4x64x128xi32, #tpu.memory_space<hbm>> -> memref<1x1x2x128xi32, #tpu.memory_space<hbm>>
      %dma_start3A_353 = tpu.memref_squeeze %dma_start3A_352 : memref<1x1x2x128xi32, #tpu.memory_space<hbm>> -> memref<2x128xi32, #tpu.memory_space<hbm>>
      %dma_start3A_354 = arith.constant 0 : i32
      %dma_start3A_355 = tpu.memref_slice %arg3[%run_scoped3A_220, %run_scoped3A_221, %mul3A_219, %dma_start3A_354] : memref<2x4x64x128xi32, #tpu.memory_space<hbm>> -> memref<1x1x2x128xi32, #tpu.memory_space<hbm>>
      %dma_start3A_356 = tpu.memref_squeeze %dma_start3A_355 : memref<1x1x2x128xi32, #tpu.memory_space<hbm>> -> memref<2x128xi32, #tpu.memory_space<hbm>>
      tpu.enqueue_dma source(%dma_start3A_356 : memref<2x128xi32, #tpu.memory_space<hbm>>) target(%arg5 : memref<2x128xi32, #tpu.memory_space<vmem>>) target_semaphore(%run_scoped3A_350 : memref<!tpu.dma_semaphore, #tpu.memory_space<semaphore_mem>>)
      %dma_wait3A_357 = arith.constant 0 : i32
      %dma_wait3A_358 = tpu.memref_slice %arg3[%run_scoped3A_220, %run_scoped3A_221, %mul3A_219, %dma_wait3A_357] : memref<2x4x64x128xi32, #tpu.memory_space<hbm>> -> memref<1x1x2x128xi32, #tpu.memory_space<hbm>>
      %dma_wait3A_359 = tpu.memref_squeeze %dma_wait3A_358 : memref<1x1x2x128xi32, #tpu.memory_space<hbm>> -> memref<2x128xi32, #tpu.memory_space<hbm>>
      %dma_wait3A_360 = arith.constant 0 : i32
      %dma_wait3A_361 = tpu.memref_slice %arg3[%run_scoped3A_220, %run_scoped3A_221, %mul3A_219, %dma_wait3A_360] : memref<2x4x64x128xi32, #tpu.memory_space<hbm>> -> memref<1x1x2x128xi32, #tpu.memory_space<hbm>>
      %dma_wait3A_362 = tpu.memref_squeeze %dma_wait3A_361 : memref<1x1x2x128xi32, #tpu.memory_space<hbm>> -> memref<2x128xi32, #tpu.memory_space<hbm>>
      tpu.wait_dma2 semaphore(%run_scoped3A_350 : memref<!tpu.dma_semaphore, #tpu.memory_space<semaphore_mem>>) src(%dma_wait3A_362 : memref<2x128xi32, #tpu.memory_space<hbm>>) dst(%arg5 : memref<2x128xi32, #tpu.memory_space<vmem>>)
      tpu.yield
    }) : () -> ()
    %dma_start3A_222 = arith.constant 0 : i32
    %dma_start3A_223 = arith.constant 0 : i32
    %dma_start3A_224 = tpu.memref_slice %arg5[%dma_start3A_222, %dma_start3A_223] : memref<2x128xi32, #tpu.memory_space<vmem>> -> memref<1x128xi32, #tpu.memory_space<vmem>>
    %dma_start3A_225 = tpu.memref_squeeze %dma_start3A_224 : memref<1x128xi32, #tpu.memory_space<vmem>> -> memref<128xi32, #tpu.memory_space<vmem>>
    %dma_start3A_226 = arith.constant 0 : i32
    %dma_start3A_227 = arith.constant 0 : i32
    %dma_start3A_228 = tpu.memref_slice %arg2[%dma_start3A_226, %dma_start3A_227] : memref<65664x128xf32, #tpu.memory_space<hbm>> -> memref<65664x128xf32, #tpu.memory_space<hbm>>
    tpu.enqueue_indirect_dma source(%dma_start3A_228 : memref<65664x128xf32, #tpu.memory_space<hbm>>) target(%arg6 : memref<128x128xf32, #tpu.memory_space<vmem>>) offsets(%dma_start3A_225 : memref<128xi32, #tpu.memory_space<vmem>>) semaphore(%arg7 : memref<!tpu.dma_semaphore, #tpu.memory_space<semaphore_mem>>)
    %dma_wait3A_229 = arith.constant 0 : i32
    %dma_wait3A_230 = arith.constant 0 : i32
    %dma_wait3A_231 = tpu.memref_slice %arg5[%dma_wait3A_229, %dma_wait3A_230] : memref<2x128xi32, #tpu.memory_space<vmem>> -> memref<1x128xi32, #tpu.memory_space<vmem>>
    %dma_wait3A_232 = tpu.memref_squeeze %dma_wait3A_231 : memref<1x128xi32, #tpu.memory_space<vmem>> -> memref<128xi32, #tpu.memory_space<vmem>>
    %dma_wait3A_233 = arith.constant 0 : i32
    %dma_wait3A_234 = arith.constant 0 : i32
    %dma_wait3A_235 = tpu.memref_slice %arg2[%dma_wait3A_233, %dma_wait3A_234] : memref<65664x128xf32, #tpu.memory_space<hbm>> -> memref<65664x128xf32, #tpu.memory_space<hbm>>
    tpu.wait_indirect_dma semaphore(%arg7 : memref<!tpu.dma_semaphore, #tpu.memory_space<semaphore_mem>>) src(%dma_wait3A_235 : memref<65664x128xf32, #tpu.memory_space<hbm>>) dst(%arg6 : memref<128x128xf32, #tpu.memory_space<vmem>>)
    %mul3A_236 = arith.constant 256 : i32
    %mul3A_237 = arith.muli %add3A, %mul3A_236 : i32
    %add3A_238 = arith.constant 40960 : i32
    %add3A_239 = arith.addi %add3A_238, %mul3A_237 : i32
    %add3A_240 = arith.constant 0 : i32
    %add3A_241 = arith.addi %add3A_239, %add3A_240 : i32
    "tpu.region"() ({
      %run_scoped3A_350 = tpu.sem_alloc : memref<!tpu.dma_semaphore, #tpu.memory_space<semaphore_mem>>
      %dma_start3A_351 = arith.constant 0 : i32
      %dma_start3A_352 = tpu.memref_slice %arg4[%add3A_241, %dma_start3A_351] : memref<65536x128xf32, #tpu.memory_space<hbm>> -> memref<128x128xf32, #tpu.memory_space<hbm>>
      %dma_start3A_353 = arith.constant 0 : i32
      %dma_start3A_354 = tpu.memref_slice %arg4[%add3A_241, %dma_start3A_353] : memref<65536x128xf32, #tpu.memory_space<hbm>> -> memref<128x128xf32, #tpu.memory_space<hbm>>
      tpu.enqueue_dma source(%arg6 : memref<128x128xf32, #tpu.memory_space<vmem>>) target(%dma_start3A_354 : memref<128x128xf32, #tpu.memory_space<hbm>>) target_semaphore(%run_scoped3A_350 : memref<!tpu.dma_semaphore, #tpu.memory_space<semaphore_mem>>)
      %dma_wait3A_355 = arith.constant 0 : i32
      %dma_wait3A_356 = tpu.memref_slice %arg4[%add3A_241, %dma_wait3A_355] : memref<65536x128xf32, #tpu.memory_space<hbm>> -> memref<128x128xf32, #tpu.memory_space<hbm>>
      %dma_wait3A_357 = arith.constant 0 : i32
      %dma_wait3A_358 = tpu.memref_slice %arg4[%add3A_241, %dma_wait3A_357] : memref<65536x128xf32, #tpu.memory_space<hbm>> -> memref<128x128xf32, #tpu.memory_space<hbm>>
      tpu.wait_dma2 semaphore(%run_scoped3A_350 : memref<!tpu.dma_semaphore, #tpu.memory_space<semaphore_mem>>) src(%arg6 : memref<128x128xf32, #tpu.memory_space<vmem>>) dst(%dma_wait3A_358 : memref<128x128xf32, #tpu.memory_space<hbm>>)
      tpu.yield
    }) : () -> ()
    %dma_start3A_242 = arith.constant 1 : i32
    %dma_start3A_243 = arith.constant 0 : i32
    %dma_start3A_244 = tpu.memref_slice %arg5[%dma_start3A_242, %dma_start3A_243] : memref<2x128xi32, #tpu.memory_space<vmem>> -> memref<1x128xi32, #tpu.memory_space<vmem>>
    %dma_start3A_245 = tpu.memref_squeeze %dma_start3A_244 : memref<1x128xi32, #tpu.memory_space<vmem>> -> memref<128xi32, #tpu.memory_space<vmem>>
    %dma_start3A_246 = arith.constant 0 : i32
    %dma_start3A_247 = arith.constant 0 : i32
    %dma_start3A_248 = tpu.memref_slice %arg2[%dma_start3A_246, %dma_start3A_247] : memref<65664x128xf32, #tpu.memory_space<hbm>> -> memref<65664x128xf32, #tpu.memory_space<hbm>>
    tpu.enqueue_indirect_dma source(%dma_start3A_248 : memref<65664x128xf32, #tpu.memory_space<hbm>>) target(%arg6 : memref<128x128xf32, #tpu.memory_space<vmem>>) offsets(%dma_start3A_245 : memref<128xi32, #tpu.memory_space<vmem>>) semaphore(%arg7 : memref<!tpu.dma_semaphore, #tpu.memory_space<semaphore_mem>>)
    %dma_wait3A_249 = arith.constant 1 : i32
    %dma_wait3A_250 = arith.constant 0 : i32
    %dma_wait3A_251 = tpu.memref_slice %arg5[%dma_wait3A_249, %dma_wait3A_250] : memref<2x128xi32, #tpu.memory_space<vmem>> -> memref<1x128xi32, #tpu.memory_space<vmem>>
    %dma_wait3A_252 = tpu.memref_squeeze %dma_wait3A_251 : memref<1x128xi32, #tpu.memory_space<vmem>> -> memref<128xi32, #tpu.memory_space<vmem>>
    %dma_wait3A_253 = arith.constant 0 : i32
    %dma_wait3A_254 = arith.constant 0 : i32
    %dma_wait3A_255 = tpu.memref_slice %arg2[%dma_wait3A_253, %dma_wait3A_254] : memref<65664x128xf32, #tpu.memory_space<hbm>> -> memref<65664x128xf32, #tpu.memory_space<hbm>>
    tpu.wait_indirect_dma semaphore(%arg7 : memref<!tpu.dma_semaphore, #tpu.memory_space<semaphore_mem>>) src(%dma_wait3A_255 : memref<65664x128xf32, #tpu.memory_space<hbm>>) dst(%arg6 : memref<128x128xf32, #tpu.memory_space<vmem>>)
    %mul3A_256 = arith.constant 256 : i32
    %mul3A_257 = arith.muli %add3A, %mul3A_256 : i32
    %add3A_258 = arith.constant 40960 : i32
    %add3A_259 = arith.addi %add3A_258, %mul3A_257 : i32
    %add3A_260 = arith.constant 128 : i32
    %add3A_261 = arith.addi %add3A_259, %add3A_260 : i32
    "tpu.region"() ({
      %run_scoped3A_350 = tpu.sem_alloc : memref<!tpu.dma_semaphore, #tpu.memory_space<semaphore_mem>>
      %dma_start3A_351 = arith.constant 0 : i32
      %dma_start3A_352 = tpu.memref_slice %arg4[%add3A_261, %dma_start3A_351] : memref<65536x128xf32, #tpu.memory_space<hbm>> -> memref<128x128xf32, #tpu.memory_space<hbm>>
      %dma_start3A_353 = arith.constant 0 : i32
      %dma_start3A_354 = tpu.memref_slice %arg4[%add3A_261, %dma_start3A_353] : memref<65536x128xf32, #tpu.memory_space<hbm>> -> memref<128x128xf32, #tpu.memory_space<hbm>>
      tpu.enqueue_dma source(%arg6 : memref<128x128xf32, #tpu.memory_space<vmem>>) target(%dma_start3A_354 : memref<128x128xf32, #tpu.memory_space<hbm>>) target_semaphore(%run_scoped3A_350 : memref<!tpu.dma_semaphore, #tpu.memory_space<semaphore_mem>>)
      %dma_wait3A_355 = arith.constant 0 : i32
      %dma_wait3A_356 = tpu.memref_slice %arg4[%add3A_261, %dma_wait3A_355] : memref<65536x128xf32, #tpu.memory_space<hbm>> -> memref<128x128xf32, #tpu.memory_space<hbm>>
      %dma_wait3A_357 = arith.constant 0 : i32
      %dma_wait3A_358 = tpu.memref_slice %arg4[%add3A_261, %dma_wait3A_357] : memref<65536x128xf32, #tpu.memory_space<hbm>> -> memref<128x128xf32, #tpu.memory_space<hbm>>
      tpu.wait_dma2 semaphore(%run_scoped3A_350 : memref<!tpu.dma_semaphore, #tpu.memory_space<semaphore_mem>>) src(%arg6 : memref<128x128xf32, #tpu.memory_space<vmem>>) dst(%dma_wait3A_358 : memref<128x128xf32, #tpu.memory_space<hbm>>)
      tpu.yield
    }) : () -> ()
    %mul3A_262 = arith.constant 2 : i32
    %mul3A_263 = arith.muli %add3A, %mul3A_262 : i32
    %run_scoped3A_264 = arith.constant 1 : i32
    %run_scoped3A_265 = arith.constant 2 : i32
    "tpu.region"() ({
      %run_scoped3A_350 = tpu.sem_alloc : memref<!tpu.dma_semaphore, #tpu.memory_space<semaphore_mem>>
      %dma_start3A_351 = arith.constant 0 : i32
      %dma_start3A_352 = tpu.memref_slice %arg3[%run_scoped3A_264, %run_scoped3A_265, %mul3A_263, %dma_start3A_351] : memref<2x4x64x128xi32, #tpu.memory_space<hbm>> -> memref<1x1x2x128xi32, #tpu.memory_space<hbm>>
      %dma_start3A_353 = tpu.memref_squeeze %dma_start3A_352 : memref<1x1x2x128xi32, #tpu.memory_space<hbm>> -> memref<2x128xi32, #tpu.memory_space<hbm>>
      %dma_start3A_354 = arith.constant 0 : i32
      %dma_start3A_355 = tpu.memref_slice %arg3[%run_scoped3A_264, %run_scoped3A_265, %mul3A_263, %dma_start3A_354] : memref<2x4x64x128xi32, #tpu.memory_space<hbm>> -> memref<1x1x2x128xi32, #tpu.memory_space<hbm>>
      %dma_start3A_356 = tpu.memref_squeeze %dma_start3A_355 : memref<1x1x2x128xi32, #tpu.memory_space<hbm>> -> memref<2x128xi32, #tpu.memory_space<hbm>>
      tpu.enqueue_dma source(%dma_start3A_356 : memref<2x128xi32, #tpu.memory_space<hbm>>) target(%arg5 : memref<2x128xi32, #tpu.memory_space<vmem>>) target_semaphore(%run_scoped3A_350 : memref<!tpu.dma_semaphore, #tpu.memory_space<semaphore_mem>>)
      %dma_wait3A_357 = arith.constant 0 : i32
      %dma_wait3A_358 = tpu.memref_slice %arg3[%run_scoped3A_264, %run_scoped3A_265, %mul3A_263, %dma_wait3A_357] : memref<2x4x64x128xi32, #tpu.memory_space<hbm>> -> memref<1x1x2x128xi32, #tpu.memory_space<hbm>>
      %dma_wait3A_359 = tpu.memref_squeeze %dma_wait3A_358 : memref<1x1x2x128xi32, #tpu.memory_space<hbm>> -> memref<2x128xi32, #tpu.memory_space<hbm>>
      %dma_wait3A_360 = arith.constant 0 : i32
      %dma_wait3A_361 = tpu.memref_slice %arg3[%run_scoped3A_264, %run_scoped3A_265, %mul3A_263, %dma_wait3A_360] : memref<2x4x64x128xi32, #tpu.memory_space<hbm>> -> memref<1x1x2x128xi32, #tpu.memory_space<hbm>>
      %dma_wait3A_362 = tpu.memref_squeeze %dma_wait3A_361 : memref<1x1x2x128xi32, #tpu.memory_space<hbm>> -> memref<2x128xi32, #tpu.memory_space<hbm>>
      tpu.wait_dma2 semaphore(%run_scoped3A_350 : memref<!tpu.dma_semaphore, #tpu.memory_space<semaphore_mem>>) src(%dma_wait3A_362 : memref<2x128xi32, #tpu.memory_space<hbm>>) dst(%arg5 : memref<2x128xi32, #tpu.memory_space<vmem>>)
      tpu.yield
    }) : () -> ()
    %dma_start3A_266 = arith.constant 0 : i32
    %dma_start3A_267 = arith.constant 0 : i32
    %dma_start3A_268 = tpu.memref_slice %arg5[%dma_start3A_266, %dma_start3A_267] : memref<2x128xi32, #tpu.memory_space<vmem>> -> memref<1x128xi32, #tpu.memory_space<vmem>>
    %dma_start3A_269 = tpu.memref_squeeze %dma_start3A_268 : memref<1x128xi32, #tpu.memory_space<vmem>> -> memref<128xi32, #tpu.memory_space<vmem>>
    %dma_start3A_270 = arith.constant 0 : i32
    %dma_start3A_271 = arith.constant 0 : i32
    %dma_start3A_272 = tpu.memref_slice %arg2[%dma_start3A_270, %dma_start3A_271] : memref<65664x128xf32, #tpu.memory_space<hbm>> -> memref<65664x128xf32, #tpu.memory_space<hbm>>
    tpu.enqueue_indirect_dma source(%dma_start3A_272 : memref<65664x128xf32, #tpu.memory_space<hbm>>) target(%arg6 : memref<128x128xf32, #tpu.memory_space<vmem>>) offsets(%dma_start3A_269 : memref<128xi32, #tpu.memory_space<vmem>>) semaphore(%arg7 : memref<!tpu.dma_semaphore, #tpu.memory_space<semaphore_mem>>)
    %dma_wait3A_273 = arith.constant 0 : i32
    %dma_wait3A_274 = arith.constant 0 : i32
    %dma_wait3A_275 = tpu.memref_slice %arg5[%dma_wait3A_273, %dma_wait3A_274] : memref<2x128xi32, #tpu.memory_space<vmem>> -> memref<1x128xi32, #tpu.memory_space<vmem>>
    %dma_wait3A_276 = tpu.memref_squeeze %dma_wait3A_275 : memref<1x128xi32, #tpu.memory_space<vmem>> -> memref<128xi32, #tpu.memory_space<vmem>>
    %dma_wait3A_277 = arith.constant 0 : i32
    %dma_wait3A_278 = arith.constant 0 : i32
    %dma_wait3A_279 = tpu.memref_slice %arg2[%dma_wait3A_277, %dma_wait3A_278] : memref<65664x128xf32, #tpu.memory_space<hbm>> -> memref<65664x128xf32, #tpu.memory_space<hbm>>
    tpu.wait_indirect_dma semaphore(%arg7 : memref<!tpu.dma_semaphore, #tpu.memory_space<semaphore_mem>>) src(%dma_wait3A_279 : memref<65664x128xf32, #tpu.memory_space<hbm>>) dst(%arg6 : memref<128x128xf32, #tpu.memory_space<vmem>>)
    %mul3A_280 = arith.constant 256 : i32
    %mul3A_281 = arith.muli %add3A, %mul3A_280 : i32
    %add3A_282 = arith.constant 49152 : i32
    %add3A_283 = arith.addi %add3A_282, %mul3A_281 : i32
    %add3A_284 = arith.constant 0 : i32
    %add3A_285 = arith.addi %add3A_283, %add3A_284 : i32
    "tpu.region"() ({
      %run_scoped3A_350 = tpu.sem_alloc : memref<!tpu.dma_semaphore, #tpu.memory_space<semaphore_mem>>
      %dma_start3A_351 = arith.constant 0 : i32
      %dma_start3A_352 = tpu.memref_slice %arg4[%add3A_285, %dma_start3A_351] : memref<65536x128xf32, #tpu.memory_space<hbm>> -> memref<128x128xf32, #tpu.memory_space<hbm>>
      %dma_start3A_353 = arith.constant 0 : i32
      %dma_start3A_354 = tpu.memref_slice %arg4[%add3A_285, %dma_start3A_353] : memref<65536x128xf32, #tpu.memory_space<hbm>> -> memref<128x128xf32, #tpu.memory_space<hbm>>
      tpu.enqueue_dma source(%arg6 : memref<128x128xf32, #tpu.memory_space<vmem>>) target(%dma_start3A_354 : memref<128x128xf32, #tpu.memory_space<hbm>>) target_semaphore(%run_scoped3A_350 : memref<!tpu.dma_semaphore, #tpu.memory_space<semaphore_mem>>)
      %dma_wait3A_355 = arith.constant 0 : i32
      %dma_wait3A_356 = tpu.memref_slice %arg4[%add3A_285, %dma_wait3A_355] : memref<65536x128xf32, #tpu.memory_space<hbm>> -> memref<128x128xf32, #tpu.memory_space<hbm>>
      %dma_wait3A_357 = arith.constant 0 : i32
      %dma_wait3A_358 = tpu.memref_slice %arg4[%add3A_285, %dma_wait3A_357] : memref<65536x128xf32, #tpu.memory_space<hbm>> -> memref<128x128xf32, #tpu.memory_space<hbm>>
      tpu.wait_dma2 semaphore(%run_scoped3A_350 : memref<!tpu.dma_semaphore, #tpu.memory_space<semaphore_mem>>) src(%arg6 : memref<128x128xf32, #tpu.memory_space<vmem>>) dst(%dma_wait3A_358 : memref<128x128xf32, #tpu.memory_space<hbm>>)
      tpu.yield
    }) : () -> ()
    %dma_start3A_286 = arith.constant 1 : i32
    %dma_start3A_287 = arith.constant 0 : i32
    %dma_start3A_288 = tpu.memref_slice %arg5[%dma_start3A_286, %dma_start3A_287] : memref<2x128xi32, #tpu.memory_space<vmem>> -> memref<1x128xi32, #tpu.memory_space<vmem>>
    %dma_start3A_289 = tpu.memref_squeeze %dma_start3A_288 : memref<1x128xi32, #tpu.memory_space<vmem>> -> memref<128xi32, #tpu.memory_space<vmem>>
    %dma_start3A_290 = arith.constant 0 : i32
    %dma_start3A_291 = arith.constant 0 : i32
    %dma_start3A_292 = tpu.memref_slice %arg2[%dma_start3A_290, %dma_start3A_291] : memref<65664x128xf32, #tpu.memory_space<hbm>> -> memref<65664x128xf32, #tpu.memory_space<hbm>>
    tpu.enqueue_indirect_dma source(%dma_start3A_292 : memref<65664x128xf32, #tpu.memory_space<hbm>>) target(%arg6 : memref<128x128xf32, #tpu.memory_space<vmem>>) offsets(%dma_start3A_289 : memref<128xi32, #tpu.memory_space<vmem>>) semaphore(%arg7 : memref<!tpu.dma_semaphore, #tpu.memory_space<semaphore_mem>>)
    %dma_wait3A_293 = arith.constant 1 : i32
    %dma_wait3A_294 = arith.constant 0 : i32
    %dma_wait3A_295 = tpu.memref_slice %arg5[%dma_wait3A_293, %dma_wait3A_294] : memref<2x128xi32, #tpu.memory_space<vmem>> -> memref<1x128xi32, #tpu.memory_space<vmem>>
    %dma_wait3A_296 = tpu.memref_squeeze %dma_wait3A_295 : memref<1x128xi32, #tpu.memory_space<vmem>> -> memref<128xi32, #tpu.memory_space<vmem>>
    %dma_wait3A_297 = arith.constant 0 : i32
    %dma_wait3A_298 = arith.constant 0 : i32
    %dma_wait3A_299 = tpu.memref_slice %arg2[%dma_wait3A_297, %dma_wait3A_298] : memref<65664x128xf32, #tpu.memory_space<hbm>> -> memref<65664x128xf32, #tpu.memory_space<hbm>>
    tpu.wait_indirect_dma semaphore(%arg7 : memref<!tpu.dma_semaphore, #tpu.memory_space<semaphore_mem>>) src(%dma_wait3A_299 : memref<65664x128xf32, #tpu.memory_space<hbm>>) dst(%arg6 : memref<128x128xf32, #tpu.memory_space<vmem>>)
    %mul3A_300 = arith.constant 256 : i32
    %mul3A_301 = arith.muli %add3A, %mul3A_300 : i32
    %add3A_302 = arith.constant 49152 : i32
    %add3A_303 = arith.addi %add3A_302, %mul3A_301 : i32
    %add3A_304 = arith.constant 128 : i32
    %add3A_305 = arith.addi %add3A_303, %add3A_304 : i32
    "tpu.region"() ({
      %run_scoped3A_350 = tpu.sem_alloc : memref<!tpu.dma_semaphore, #tpu.memory_space<semaphore_mem>>
      %dma_start3A_351 = arith.constant 0 : i32
      %dma_start3A_352 = tpu.memref_slice %arg4[%add3A_305, %dma_start3A_351] : memref<65536x128xf32, #tpu.memory_space<hbm>> -> memref<128x128xf32, #tpu.memory_space<hbm>>
      %dma_start3A_353 = arith.constant 0 : i32
      %dma_start3A_354 = tpu.memref_slice %arg4[%add3A_305, %dma_start3A_353] : memref<65536x128xf32, #tpu.memory_space<hbm>> -> memref<128x128xf32, #tpu.memory_space<hbm>>
      tpu.enqueue_dma source(%arg6 : memref<128x128xf32, #tpu.memory_space<vmem>>) target(%dma_start3A_354 : memref<128x128xf32, #tpu.memory_space<hbm>>) target_semaphore(%run_scoped3A_350 : memref<!tpu.dma_semaphore, #tpu.memory_space<semaphore_mem>>)
      %dma_wait3A_355 = arith.constant 0 : i32
      %dma_wait3A_356 = tpu.memref_slice %arg4[%add3A_305, %dma_wait3A_355] : memref<65536x128xf32, #tpu.memory_space<hbm>> -> memref<128x128xf32, #tpu.memory_space<hbm>>
      %dma_wait3A_357 = arith.constant 0 : i32
      %dma_wait3A_358 = tpu.memref_slice %arg4[%add3A_305, %dma_wait3A_357] : memref<65536x128xf32, #tpu.memory_space<hbm>> -> memref<128x128xf32, #tpu.memory_space<hbm>>
      tpu.wait_dma2 semaphore(%run_scoped3A_350 : memref<!tpu.dma_semaphore, #tpu.memory_space<semaphore_mem>>) src(%arg6 : memref<128x128xf32, #tpu.memory_space<vmem>>) dst(%dma_wait3A_358 : memref<128x128xf32, #tpu.memory_space<hbm>>)
      tpu.yield
    }) : () -> ()
    %mul3A_306 = arith.constant 2 : i32
    %mul3A_307 = arith.muli %add3A, %mul3A_306 : i32
    %run_scoped3A_308 = arith.constant 1 : i32
    %run_scoped3A_309 = arith.constant 3 : i32
    "tpu.region"() ({
      %run_scoped3A_350 = tpu.sem_alloc : memref<!tpu.dma_semaphore, #tpu.memory_space<semaphore_mem>>
      %dma_start3A_351 = arith.constant 0 : i32
      %dma_start3A_352 = tpu.memref_slice %arg3[%run_scoped3A_308, %run_scoped3A_309, %mul3A_307, %dma_start3A_351] : memref<2x4x64x128xi32, #tpu.memory_space<hbm>> -> memref<1x1x2x128xi32, #tpu.memory_space<hbm>>
      %dma_start3A_353 = tpu.memref_squeeze %dma_start3A_352 : memref<1x1x2x128xi32, #tpu.memory_space<hbm>> -> memref<2x128xi32, #tpu.memory_space<hbm>>
      %dma_start3A_354 = arith.constant 0 : i32
      %dma_start3A_355 = tpu.memref_slice %arg3[%run_scoped3A_308, %run_scoped3A_309, %mul3A_307, %dma_start3A_354] : memref<2x4x64x128xi32, #tpu.memory_space<hbm>> -> memref<1x1x2x128xi32, #tpu.memory_space<hbm>>
      %dma_start3A_356 = tpu.memref_squeeze %dma_start3A_355 : memref<1x1x2x128xi32, #tpu.memory_space<hbm>> -> memref<2x128xi32, #tpu.memory_space<hbm>>
      tpu.enqueue_dma source(%dma_start3A_356 : memref<2x128xi32, #tpu.memory_space<hbm>>) target(%arg5 : memref<2x128xi32, #tpu.memory_space<vmem>>) target_semaphore(%run_scoped3A_350 : memref<!tpu.dma_semaphore, #tpu.memory_space<semaphore_mem>>)
      %dma_wait3A_357 = arith.constant 0 : i32
      %dma_wait3A_358 = tpu.memref_slice %arg3[%run_scoped3A_308, %run_scoped3A_309, %mul3A_307, %dma_wait3A_357] : memref<2x4x64x128xi32, #tpu.memory_space<hbm>> -> memref<1x1x2x128xi32, #tpu.memory_space<hbm>>
      %dma_wait3A_359 = tpu.memref_squeeze %dma_wait3A_358 : memref<1x1x2x128xi32, #tpu.memory_space<hbm>> -> memref<2x128xi32, #tpu.memory_space<hbm>>
      %dma_wait3A_360 = arith.constant 0 : i32
      %dma_wait3A_361 = tpu.memref_slice %arg3[%run_scoped3A_308, %run_scoped3A_309, %mul3A_307, %dma_wait3A_360] : memref<2x4x64x128xi32, #tpu.memory_space<hbm>> -> memref<1x1x2x128xi32, #tpu.memory_space<hbm>>
      %dma_wait3A_362 = tpu.memref_squeeze %dma_wait3A_361 : memref<1x1x2x128xi32, #tpu.memory_space<hbm>> -> memref<2x128xi32, #tpu.memory_space<hbm>>
      tpu.wait_dma2 semaphore(%run_scoped3A_350 : memref<!tpu.dma_semaphore, #tpu.memory_space<semaphore_mem>>) src(%dma_wait3A_362 : memref<2x128xi32, #tpu.memory_space<hbm>>) dst(%arg5 : memref<2x128xi32, #tpu.memory_space<vmem>>)
      tpu.yield
    }) : () -> ()
    %dma_start3A_310 = arith.constant 0 : i32
    %dma_start3A_311 = arith.constant 0 : i32
    %dma_start3A_312 = tpu.memref_slice %arg5[%dma_start3A_310, %dma_start3A_311] : memref<2x128xi32, #tpu.memory_space<vmem>> -> memref<1x128xi32, #tpu.memory_space<vmem>>
    %dma_start3A_313 = tpu.memref_squeeze %dma_start3A_312 : memref<1x128xi32, #tpu.memory_space<vmem>> -> memref<128xi32, #tpu.memory_space<vmem>>
    %dma_start3A_314 = arith.constant 0 : i32
    %dma_start3A_315 = arith.constant 0 : i32
    %dma_start3A_316 = tpu.memref_slice %arg2[%dma_start3A_314, %dma_start3A_315] : memref<65664x128xf32, #tpu.memory_space<hbm>> -> memref<65664x128xf32, #tpu.memory_space<hbm>>
    tpu.enqueue_indirect_dma source(%dma_start3A_316 : memref<65664x128xf32, #tpu.memory_space<hbm>>) target(%arg6 : memref<128x128xf32, #tpu.memory_space<vmem>>) offsets(%dma_start3A_313 : memref<128xi32, #tpu.memory_space<vmem>>) semaphore(%arg7 : memref<!tpu.dma_semaphore, #tpu.memory_space<semaphore_mem>>)
    %dma_wait3A_317 = arith.constant 0 : i32
    %dma_wait3A_318 = arith.constant 0 : i32
    %dma_wait3A_319 = tpu.memref_slice %arg5[%dma_wait3A_317, %dma_wait3A_318] : memref<2x128xi32, #tpu.memory_space<vmem>> -> memref<1x128xi32, #tpu.memory_space<vmem>>
    %dma_wait3A_320 = tpu.memref_squeeze %dma_wait3A_319 : memref<1x128xi32, #tpu.memory_space<vmem>> -> memref<128xi32, #tpu.memory_space<vmem>>
    %dma_wait3A_321 = arith.constant 0 : i32
    %dma_wait3A_322 = arith.constant 0 : i32
    %dma_wait3A_323 = tpu.memref_slice %arg2[%dma_wait3A_321, %dma_wait3A_322] : memref<65664x128xf32, #tpu.memory_space<hbm>> -> memref<65664x128xf32, #tpu.memory_space<hbm>>
    tpu.wait_indirect_dma semaphore(%arg7 : memref<!tpu.dma_semaphore, #tpu.memory_space<semaphore_mem>>) src(%dma_wait3A_323 : memref<65664x128xf32, #tpu.memory_space<hbm>>) dst(%arg6 : memref<128x128xf32, #tpu.memory_space<vmem>>)
    %mul3A_324 = arith.constant 256 : i32
    %mul3A_325 = arith.muli %add3A, %mul3A_324 : i32
    %add3A_326 = arith.constant 57344 : i32
    %add3A_327 = arith.addi %add3A_326, %mul3A_325 : i32
    %add3A_328 = arith.constant 0 : i32
    %add3A_329 = arith.addi %add3A_327, %add3A_328 : i32
    "tpu.region"() ({
      %run_scoped3A_350 = tpu.sem_alloc : memref<!tpu.dma_semaphore, #tpu.memory_space<semaphore_mem>>
      %dma_start3A_351 = arith.constant 0 : i32
      %dma_start3A_352 = tpu.memref_slice %arg4[%add3A_329, %dma_start3A_351] : memref<65536x128xf32, #tpu.memory_space<hbm>> -> memref<128x128xf32, #tpu.memory_space<hbm>>
      %dma_start3A_353 = arith.constant 0 : i32
      %dma_start3A_354 = tpu.memref_slice %arg4[%add3A_329, %dma_start3A_353] : memref<65536x128xf32, #tpu.memory_space<hbm>> -> memref<128x128xf32, #tpu.memory_space<hbm>>
      tpu.enqueue_dma source(%arg6 : memref<128x128xf32, #tpu.memory_space<vmem>>) target(%dma_start3A_354 : memref<128x128xf32, #tpu.memory_space<hbm>>) target_semaphore(%run_scoped3A_350 : memref<!tpu.dma_semaphore, #tpu.memory_space<semaphore_mem>>)
      %dma_wait3A_355 = arith.constant 0 : i32
      %dma_wait3A_356 = tpu.memref_slice %arg4[%add3A_329, %dma_wait3A_355] : memref<65536x128xf32, #tpu.memory_space<hbm>> -> memref<128x128xf32, #tpu.memory_space<hbm>>
      %dma_wait3A_357 = arith.constant 0 : i32
      %dma_wait3A_358 = tpu.memref_slice %arg4[%add3A_329, %dma_wait3A_357] : memref<65536x128xf32, #tpu.memory_space<hbm>> -> memref<128x128xf32, #tpu.memory_space<hbm>>
      tpu.wait_dma2 semaphore(%run_scoped3A_350 : memref<!tpu.dma_semaphore, #tpu.memory_space<semaphore_mem>>) src(%arg6 : memref<128x128xf32, #tpu.memory_space<vmem>>) dst(%dma_wait3A_358 : memref<128x128xf32, #tpu.memory_space<hbm>>)
      tpu.yield
    }) : () -> ()
    %dma_start3A_330 = arith.constant 1 : i32
    %dma_start3A_331 = arith.constant 0 : i32
    %dma_start3A_332 = tpu.memref_slice %arg5[%dma_start3A_330, %dma_start3A_331] : memref<2x128xi32, #tpu.memory_space<vmem>> -> memref<1x128xi32, #tpu.memory_space<vmem>>
    %dma_start3A_333 = tpu.memref_squeeze %dma_start3A_332 : memref<1x128xi32, #tpu.memory_space<vmem>> -> memref<128xi32, #tpu.memory_space<vmem>>
    %dma_start3A_334 = arith.constant 0 : i32
    %dma_start3A_335 = arith.constant 0 : i32
    %dma_start3A_336 = tpu.memref_slice %arg2[%dma_start3A_334, %dma_start3A_335] : memref<65664x128xf32, #tpu.memory_space<hbm>> -> memref<65664x128xf32, #tpu.memory_space<hbm>>
    tpu.enqueue_indirect_dma source(%dma_start3A_336 : memref<65664x128xf32, #tpu.memory_space<hbm>>) target(%arg6 : memref<128x128xf32, #tpu.memory_space<vmem>>) offsets(%dma_start3A_333 : memref<128xi32, #tpu.memory_space<vmem>>) semaphore(%arg7 : memref<!tpu.dma_semaphore, #tpu.memory_space<semaphore_mem>>)
    %dma_wait3A_337 = arith.constant 1 : i32
    %dma_wait3A_338 = arith.constant 0 : i32
    %dma_wait3A_339 = tpu.memref_slice %arg5[%dma_wait3A_337, %dma_wait3A_338] : memref<2x128xi32, #tpu.memory_space<vmem>> -> memref<1x128xi32, #tpu.memory_space<vmem>>
    %dma_wait3A_340 = tpu.memref_squeeze %dma_wait3A_339 : memref<1x128xi32, #tpu.memory_space<vmem>> -> memref<128xi32, #tpu.memory_space<vmem>>
    %dma_wait3A_341 = arith.constant 0 : i32
    %dma_wait3A_342 = arith.constant 0 : i32
    %dma_wait3A_343 = tpu.memref_slice %arg2[%dma_wait3A_341, %dma_wait3A_342] : memref<65664x128xf32, #tpu.memory_space<hbm>> -> memref<65664x128xf32, #tpu.memory_space<hbm>>
    tpu.wait_indirect_dma semaphore(%arg7 : memref<!tpu.dma_semaphore, #tpu.memory_space<semaphore_mem>>) src(%dma_wait3A_343 : memref<65664x128xf32, #tpu.memory_space<hbm>>) dst(%arg6 : memref<128x128xf32, #tpu.memory_space<vmem>>)
    %mul3A_344 = arith.constant 256 : i32
    %mul3A_345 = arith.muli %add3A, %mul3A_344 : i32
    %add3A_346 = arith.constant 57344 : i32
    %add3A_347 = arith.addi %add3A_346, %mul3A_345 : i32
    %add3A_348 = arith.constant 128 : i32
    %add3A_349 = arith.addi %add3A_347, %add3A_348 : i32
    "tpu.region"() ({
      %run_scoped3A_350 = tpu.sem_alloc : memref<!tpu.dma_semaphore, #tpu.memory_space<semaphore_mem>>
      %dma_start3A_351 = arith.constant 0 : i32
      %dma_start3A_352 = tpu.memref_slice %arg4[%add3A_349, %dma_start3A_351] : memref<65536x128xf32, #tpu.memory_space<hbm>> -> memref<128x128xf32, #tpu.memory_space<hbm>>
      %dma_start3A_353 = arith.constant 0 : i32
      %dma_start3A_354 = tpu.memref_slice %arg4[%add3A_349, %dma_start3A_353] : memref<65536x128xf32, #tpu.memory_space<hbm>> -> memref<128x128xf32, #tpu.memory_space<hbm>>
      tpu.enqueue_dma source(%arg6 : memref<128x128xf32, #tpu.memory_space<vmem>>) target(%dma_start3A_354 : memref<128x128xf32, #tpu.memory_space<hbm>>) target_semaphore(%run_scoped3A_350 : memref<!tpu.dma_semaphore, #tpu.memory_space<semaphore_mem>>)
      %dma_wait3A_355 = arith.constant 0 : i32
      %dma_wait3A_356 = tpu.memref_slice %arg4[%add3A_349, %dma_wait3A_355] : memref<65536x128xf32, #tpu.memory_space<hbm>> -> memref<128x128xf32, #tpu.memory_space<hbm>>
      %dma_wait3A_357 = arith.constant 0 : i32
      %dma_wait3A_358 = tpu.memref_slice %arg4[%add3A_349, %dma_wait3A_357] : memref<65536x128xf32, #tpu.memory_space<hbm>> -> memref<128x128xf32, #tpu.memory_space<hbm>>
      tpu.wait_dma2 semaphore(%run_scoped3A_350 : memref<!tpu.dma_semaphore, #tpu.memory_space<semaphore_mem>>) src(%arg6 : memref<128x128xf32, #tpu.memory_space<vmem>>) dst(%dma_wait3A_358 : memref<128x128xf32, #tpu.memory_space<hbm>>)
      tpu.yield
    }) : () -> ()
    return
  }
}

module attributes {stable_mosaic.version = 14 : i64} {
  func.func @_pos_body(%arg0: i32, %arg1: i32, %arg2: memref<1x1x8192x64xf32, #tpu.memory_space<vmem>>, %arg3: memref<1x1x8192x1xi32, #tpu.memory_space<vmem>>) attributes {dimension_semantics = [#tpu.dimension_semantics<arbitrary>, #tpu.dimension_semantics<arbitrary>], iteration_bounds = array<i64: 2, 4>, scalar_prefetch = 0 : i64, scratch_operands = 0 : i64, tpu.core_type = #tpu.core_type<tc>, window_params = [{transform_indices = @transform_0, window_bounds = array<i64: 1, 1, 8192, 64>}, {transform_indices = @transform_1, window_bounds = array<i64: 1, 1, 8192, 1>}]} {
    %iota3A = tpu.iota {dimensions = array<i32: 0>} : vector<256x256xi32>
    %iota3A_0 = tpu.iota {dimensions = array<i32: 1>} : vector<256x256xi32>
    %ge3A = arith.cmpi sge, %iota3A, %iota3A_0 : vector<256x256xi32>
    %convert_element_type3A = arith.extui %ge3A : vector<256x256xi1> to vector<256x256xi32>
    %convert_element_type3A_1 = arith.sitofp %convert_element_type3A : vector<256x256xi32> to vector<256x256xf32>
    %convert_element_type3A_2 = arith.truncf %convert_element_type3A_1 : vector<256x256xf32> to vector<256x256xbf16>
    %iota3A_3 = tpu.iota {dimensions = array<i32: 0>} : vector<64x64xi32>
    %iota3A_4 = tpu.iota {dimensions = array<i32: 1>} : vector<64x64xi32>
    %lt3A = arith.cmpi slt, %iota3A_3, %iota3A_4 : vector<64x64xi32>
    %convert_element_type3A_5 = arith.extui %lt3A : vector<64x64xi1> to vector<64x64xi32>
    %convert_element_type3A_6 = arith.sitofp %convert_element_type3A_5 : vector<64x64xi32> to vector<64x64xf32>
    %get3A = arith.constant 0 : index
    %get3A_7 = arith.constant 0 : index
    %get3A_8 = arith.constant 0 : index
    %get3A_9 = arith.constant 0 : index
    %get3A_10 = vector.load %arg2[%get3A, %get3A_7, %get3A_8, %get3A_9] : memref<1x1x8192x64xf32, #tpu.memory_space<vmem>>, vector<1x1x8192x64xf32>
    %get3A_11 = vector.shape_cast %get3A_10 : vector<1x1x8192x64xf32> to vector<8192x64xf32>
    %reduce_sum3A = arith.constant dense<0.000000e+00> : vector<64xf32>
    %reduce_sum3A_12 = vector.multi_reduction <add>, %get3A_11, %reduce_sum3A [0] : vector<8192x64xf32> to vector<64xf32>
    %broadcast_in_dim3A = vector.shape_cast %reduce_sum3A_12 : vector<64xf32> to vector<1x64xf32>
    %dot_general3A = arith.constant dense<0.000000e+00> : vector<1x64xf32>
    %dot_general3A_13 = tpu.matmul %broadcast_in_dim3A, %convert_element_type3A_6, %dot_general3A {dimension_numbers = #tpu.dot_dimension_numbers<[1], [0], [0], [1], [0, 0, 1, 1], [], []>, precision = #tpu.contract_precision<fp32>, transpose_lhs_hint = false} : vector<1x64xf32>, vector<64x64xf32>, vector<1x64xf32> -> vector<1x64xf32>
    %mul3A = arith.constant 4 : i32
    %mul3A_14 = arith.muli %arg0, %mul3A : i32
    %add3A = arith.addi %mul3A_14, %arg1 : i32
    %mul3A_15 = arith.constant 8208 : i32
    %mul3A_16 = arith.muli %add3A, %mul3A_15 : i32
    %broadcast_in_dim3A_17 = arith.constant 0.000000e+00 : f32
    %broadcast_in_dim3A_18 = vector.broadcast %broadcast_in_dim3A_17 : f32 to vector<1x64xf32>
    %scan3A = arith.constant 0 : i32
    %scan3A_19 = arith.constant 32 : i32
    %scan3A_20 = arith.addi %scan3A, %scan3A_19 : i32
    %scan3A_21 = arith.constant 1 : i32
    %scan3A_22 = scf.for %scan3A_24 = %scan3A to %scan3A_20 step %scan3A_21 iter_args(%scan3A_25 = %broadcast_in_dim3A_18) -> (vector<1x64xf32>)  : i32 {
      %mul3A_26 = arith.constant 256 : i32
      %mul3A_27 = arith.muli %scan3A_24, %mul3A_26 : i32
      %get3A_28 = arith.constant 0 : index
      %get3A_29 = arith.constant 0 : index
      %get3A_30 = arith.index_cast %mul3A_27 : i32 to index
      %get3A_31 = arith.constant 0 : index
      %get3A_32 = vector.load %arg2[%get3A_28, %get3A_29, %get3A_30, %get3A_31] : memref<1x1x8192x64xf32, #tpu.memory_space<vmem>>, vector<1x1x256x64xf32>
      %get3A_33 = vector.shape_cast %get3A_32 : vector<1x1x256x64xf32> to vector<256x64xf32>
      %convert_element_type3A_34 = arith.truncf %get3A_33 : vector<256x64xf32> to vector<256x64xbf16>
      %dot_general3A_35 = arith.constant dense<0.000000e+00> : vector<256x64xf32>
      %dot_general3A_36 = tpu.matmul %convert_element_type3A_2, %convert_element_type3A_34, %dot_general3A_35 {dimension_numbers = #tpu.dot_dimension_numbers<[1], [0], [0], [1], [0, 0, 1, 1], [], []>, transpose_lhs_hint = false} : vector<256x256xbf16>, vector<256x64xbf16>, vector<256x64xf32> -> vector<256x64xf32>
      %add3A_37 = arith.addf %scan3A_25, %dot_general3A_13 : vector<1x64xf32>
      %sub3A = arith.subf %dot_general3A_36, %get3A_33 : vector<256x64xf32>
      %add3A_38 = vector.broadcast %add3A_37 : vector<1x64xf32> to vector<256x64xf32>
      %add3A_39 = arith.addf %sub3A, %add3A_38 : vector<256x64xf32>
      %mul3A_40 = arith.mulf %get3A_33, %add3A_39 : vector<256x64xf32>
      %reduce_sum3A_41 = arith.constant dense<0.000000e+00> : vector<256xf32>
      %reduce_sum3A_42 = vector.multi_reduction <add>, %mul3A_40, %reduce_sum3A_41 [1] : vector<256x64xf32> to vector<256xf32>
      %broadcast_in_dim3A_43 = vector.shape_cast %reduce_sum3A_42 : vector<256xf32> to vector<256x1xf32>
      %convert_element_type3A_44 = arith.fptosi %broadcast_in_dim3A_43 : vector<256x1xf32> to vector<256x1xi32>
      %add3A_45 = vector.broadcast %mul3A_16 : i32 to vector<256x1xi32>
      %add3A_46 = arith.addi %convert_element_type3A_44, %add3A_45 : vector<256x1xi32>
      %mul3A_47 = arith.constant 256 : i32
      %mul3A_48 = arith.muli %scan3A_24, %mul3A_47 : i32
      %swap3A = arith.constant 0 : index
      %swap3A_49 = arith.constant 0 : index
      %swap3A_50 = arith.index_cast %mul3A_48 : i32 to index
      %swap3A_51 = arith.constant 0 : index
      %swap3A_52 = vector.load %arg3[%swap3A, %swap3A_49, %swap3A_50, %swap3A_51] : memref<1x1x8192x1xi32, #tpu.memory_space<vmem>>, vector<1x1x256x1xi32>
      %swap3A_53 = vector.shape_cast %swap3A_52 : vector<1x1x256x1xi32> to vector<256x1xi32>
      %swap3A_54 = vector.shape_cast %add3A_46 : vector<256x1xi32> to vector<1x1x256x1xi32>
      tpu.vector_store %arg3[%swap3A, %swap3A_49, %swap3A_50, %swap3A_51], %swap3A_54 {strides = array<i32>} : memref<1x1x8192x1xi32, #tpu.memory_space<vmem>>, vector<1x1x256x1xi32>,
      %slice3A = vector.extract_strided_slice %dot_general3A_36 {offsets = [255, 0], sizes = [1, 64], strides = [1, 1]} : vector<256x64xf32> to vector<1x64xf32>
      %add3A_55 = arith.addf %scan3A_25, %slice3A : vector<1x64xf32>
      scf.yield %add3A_55 : vector<1x64xf32>
    }
    %scan3A_23 = arith.constant 32 : i32
    return
  }
  func.func @transform_0(%arg0: i32, %arg1: i32) -> (i32, i32, i32, i32) {
    %c0_i32 = arith.constant 0 : i32
    %c0_i32_0 = arith.constant 0 : i32
    %c0_i32_1 = arith.constant 0 : i32
    return %arg0, %arg1, %c0_i32, %c0_i32_0 : i32, i32, i32, i32
  }
  func.func @transform_1(%arg0: i32, %arg1: i32) -> (i32, i32, i32, i32) {
    %c0_i32 = arith.constant 0 : i32
    %c0_i32_0 = arith.constant 0 : i32
    %c0_i32_1 = arith.constant 0 : i32
    return %arg0, %arg1, %c0_i32, %c0_i32_0 : i32, i32, i32, i32
  }
}

module attributes {stable_mosaic.version = 14 : i64} {
  func.func @_attn_body(%arg0: i32, %arg1: memref<1x8208x256xf32, #tpu.memory_space<vmem>>, %arg2: memref<1x8208x128xf32, #tpu.memory_space<vmem>>) attributes {dimension_semantics = [#tpu.dimension_semantics<arbitrary>], iteration_bounds = array<i64: 8>, scalar_prefetch = 0 : i64, scratch_operands = 0 : i64, tpu.core_type = #tpu.core_type<tc>, window_params = [{transform_indices = @transform_0, window_bounds = array<i64: 1, 8208, 256>}, {transform_indices = @transform_1, window_bounds = array<i64: 1, 8208, 128>}]} {
    %iota3A = tpu.iota {dimensions = array<i32: 0>} : vector<144x144xi32>
    %iota3A_0 = tpu.iota {dimensions = array<i32: 1>} : vector<144x144xi32>
    %eq3A = arith.cmpi eq, %iota3A, %iota3A_0 : vector<144x144xi32>
    %convert_element_type3A = arith.extui %eq3A : vector<144x144xi1> to vector<144x144xi32>
    %convert_element_type3A_1 = arith.sitofp %convert_element_type3A : vector<144x144xi32> to vector<144x144xf32>
    %get3A = arith.constant 0 : index
    %get3A_2 = arith.constant 8064 : index
    %get3A_3 = arith.constant 0 : index
    %get3A_4 = vector.load %arg1[%get3A, %get3A_2, %get3A_3] : memref<1x8208x256xf32, #tpu.memory_space<vmem>>, vector<1x128x256xf32>
    %get3A_5 = vector.shape_cast %get3A_4 : vector<1x128x256xf32> to vector<128x256xf32>
    %get3A_6 = arith.constant 0 : index
    %get3A_7 = arith.constant 8176 : index
    %get3A_8 = arith.constant 0 : index
    %get3A_9 = vector.load %arg1[%get3A_6, %get3A_7, %get3A_8] : memref<1x8208x256xf32, #tpu.memory_space<vmem>>, vector<1x16x256xf32>
    %get3A_10 = vector.shape_cast %get3A_9 : vector<1x16x256xf32> to vector<16x256xf32>
    %concatenate3A = tpu.concatenate %get3A_5, %get3A_10 in 0 : vector<128x256xf32>, vector<16x256xf32> -> vector<144x256xf32>
    %get3A_11 = arith.constant 0 : index
    %get3A_12 = arith.constant 0 : index
    %get3A_13 = arith.constant 0 : index
    %get3A_14 = vector.load %arg1[%get3A_11, %get3A_12, %get3A_13] : memref<1x8208x256xf32, #tpu.memory_space<vmem>>, vector<1x144x256xf32>
    %get3A_15 = vector.shape_cast %get3A_14 : vector<1x144x256xf32> to vector<144x256xf32>
    %get3A_16 = arith.constant 0 : index
    %get3A_17 = arith.constant 144 : index
    %get3A_18 = arith.constant 0 : index
    %get3A_19 = vector.load %arg1[%get3A_16, %get3A_17, %get3A_18] : memref<1x8208x256xf32, #tpu.memory_space<vmem>>, vector<1x144x256xf32>
    %get3A_20 = vector.shape_cast %get3A_19 : vector<1x144x256xf32> to vector<144x256xf32>
    %get3A_21 = arith.constant 0 : index
    %get3A_22 = arith.constant 7776 : index
    %get3A_23 = arith.constant 0 : index
    %get3A_24 = vector.load %arg1[%get3A_21, %get3A_22, %get3A_23] : memref<1x8208x256xf32, #tpu.memory_space<vmem>>, vector<1x144x256xf32>
    %get3A_25 = vector.shape_cast %get3A_24 : vector<1x144x256xf32> to vector<144x256xf32>
    %get3A_26 = arith.constant 0 : index
    %get3A_27 = arith.constant 7920 : index
    %get3A_28 = arith.constant 0 : index
    %get3A_29 = vector.load %arg1[%get3A_26, %get3A_27, %get3A_28] : memref<1x8208x256xf32, #tpu.memory_space<vmem>>, vector<1x144x256xf32>
    %get3A_30 = vector.shape_cast %get3A_29 : vector<1x144x256xf32> to vector<144x256xf32>
    %concatenate3A_31 = tpu.concatenate %concatenate3A, %get3A_15, %get3A_20 in 0 : vector<144x256xf32>, vector<144x256xf32>, vector<144x256xf32> -> vector<432x256xf32>
    %slice3A = vector.extract_strided_slice %get3A_15 {offsets = [0, 208], sizes = [144, 16], strides = [1, 1]} : vector<144x256xf32> to vector<144x16xf32>
    %slice3A_32 = vector.extract_strided_slice %concatenate3A_31 {offsets = [0, 224], sizes = [432, 16], strides = [1, 1]} : vector<432x256xf32> to vector<432x16xf32>
    %slice3A_33 = vector.extract_strided_slice %concatenate3A_31 {offsets = [0, 144], sizes = [432, 64], strides = [1, 1]} : vector<432x256xf32> to vector<432x64xf32>
    %slice3A_34 = vector.extract_strided_slice %concatenate3A_31 {offsets = [0, 0], sizes = [432, 144], strides = [1, 1]} : vector<432x256xf32> to vector<432x144xf32>
    %dot_general3A = arith.constant dense<0.000000e+00> : vector<432x144xf32>
    %dot_general3A_35 = tpu.matmul %slice3A_32, %slice3A, %dot_general3A {dimension_numbers = #tpu.dot_dimension_numbers<[1], [1], [0], [0], [0, 0, 1, 0], [], []>, transpose_lhs_hint = false} : vector<432x16xf32>, vector<144x16xf32>, vector<432x144xf32> -> vector<432x144xf32>
    %add3A = arith.addf %dot_general3A_35, %slice3A_34 : vector<432x144xf32>
    %reduce_max3A = arith.constant dense<0xFF800000> : vector<144xf32>
    %reduce_max3A_36 = vector.multi_reduction <maximumf>, %add3A, %reduce_max3A [0] : vector<432x144xf32> to vector<144xf32>
    %broadcast_in_dim3A = vector.shape_cast %reduce_max3A_36 : vector<144xf32> to vector<1x144xf32>
    %sub3A = vector.broadcast %broadcast_in_dim3A : vector<1x144xf32> to vector<432x144xf32>
    %sub3A_37 = arith.subf %add3A, %sub3A : vector<432x144xf32>
    %exp3A = math.exp %sub3A_37 : vector<432x144xf32>
    %reduce_sum3A = arith.constant dense<0.000000e+00> : vector<144xf32>
    %reduce_sum3A_38 = vector.multi_reduction <add>, %exp3A, %reduce_sum3A [0] : vector<432x144xf32> to vector<144xf32>
    %broadcast_in_dim3A_39 = vector.shape_cast %reduce_sum3A_38 : vector<144xf32> to vector<1x144xf32>
    %div3A = arith.constant 1.000000e+00 : f32
    %div3A_40 = vector.broadcast %div3A : f32 to vector<1x144xf32>
    %div3A_41 = arith.divf %div3A_40, %broadcast_in_dim3A_39 : vector<1x144xf32>
    %mul3A = vector.broadcast %div3A_41 : vector<1x144xf32> to vector<432x144xf32>
    %mul3A_42 = arith.mulf %exp3A, %mul3A : vector<432x144xf32>
    %dot_general3A_43 = arith.constant dense<0.000000e+00> : vector<144x64xf32>
    %dot_general3A_44 = tpu.matmul %mul3A_42, %slice3A_33, %dot_general3A_43 {dimension_numbers = #tpu.dot_dimension_numbers<[0], [0], [1], [1], [0, 1, 1, 1], [], []>, transpose_lhs_hint = false} : vector<432x144xf32>, vector<432x64xf32>, vector<144x64xf32> -> vector<144x64xf32>
    %log3A = math.log %broadcast_in_dim3A_39 : vector<1x144xf32>
    %add3A_45 = arith.addf %broadcast_in_dim3A, %log3A : vector<1x144xf32>
    %dot_general3A_46 = arith.constant dense<0.000000e+00> : vector<144x1xf32>
    %dot_general3A_47 = tpu.matmul %convert_element_type3A_1, %add3A_45, %dot_general3A_46 {dimension_numbers = #tpu.dot_dimension_numbers<[1], [1], [0], [0], [0, 0, 1, 0], [], []>, transpose_lhs_hint = false} : vector<144x144xf32>, vector<1x144xf32>, vector<144x1xf32> -> vector<144x1xf32>
    %broadcast_in_dim3A_48 = vector.shape_cast %dot_general3A_47 : vector<144x1xf32> to vector<144x1xf32>
    %broadcast_in_dim3A_49 = vector.broadcast %broadcast_in_dim3A_48 : vector<144x1xf32> to vector<144x64xf32>
    %concatenate3A_50 = tpu.concatenate %dot_general3A_44, %broadcast_in_dim3A_49 in 1 : vector<144x64xf32>, vector<144x64xf32> -> vector<144x128xf32>
    %swap3A = arith.constant 0 : index
    %swap3A_51 = arith.constant 0 : index
    %swap3A_52 = arith.constant 0 : index
    %swap3A_53 = vector.load %arg2[%swap3A, %swap3A_51, %swap3A_52] : memref<1x8208x128xf32, #tpu.memory_space<vmem>>, vector<1x144x128xf32>
    %swap3A_54 = vector.shape_cast %swap3A_53 : vector<1x144x128xf32> to vector<144x128xf32>
    %swap3A_55 = vector.shape_cast %concatenate3A_50 : vector<144x128xf32> to vector<1x144x128xf32>
    tpu.vector_store %arg2[%swap3A, %swap3A_51, %swap3A_52], %swap3A_55 {strides = array<i32>} : memref<1x8208x128xf32, #tpu.memory_space<vmem>>, vector<1x144x128xf32>,
    %concatenate3A_56 = tpu.concatenate %get3A_25, %get3A_30, %concatenate3A in 0 : vector<144x256xf32>, vector<144x256xf32>, vector<144x256xf32> -> vector<432x256xf32>
    %slice3A_57 = vector.extract_strided_slice %get3A_30 {offsets = [0, 208], sizes = [144, 16], strides = [1, 1]} : vector<144x256xf32> to vector<144x16xf32>
    %slice3A_58 = vector.extract_strided_slice %concatenate3A_56 {offsets = [0, 224], sizes = [432, 16], strides = [1, 1]} : vector<432x256xf32> to vector<432x16xf32>
    %slice3A_59 = vector.extract_strided_slice %concatenate3A_56 {offsets = [0, 144], sizes = [432, 64], strides = [1, 1]} : vector<432x256xf32> to vector<432x64xf32>
    %slice3A_60 = vector.extract_strided_slice %concatenate3A_56 {offsets = [0, 0], sizes = [432, 144], strides = [1, 1]} : vector<432x256xf32> to vector<432x144xf32>
    %dot_general3A_61 = arith.constant dense<0.000000e+00> : vector<432x144xf32>
    %dot_general3A_62 = tpu.matmul %slice3A_58, %slice3A_57, %dot_general3A_61 {dimension_numbers = #tpu.dot_dimension_numbers<[1], [1], [0], [0], [0, 0, 1, 0], [], []>, transpose_lhs_hint = false} : vector<432x16xf32>, vector<144x16xf32>, vector<432x144xf32> -> vector<432x144xf32>
    %add3A_63 = arith.addf %dot_general3A_62, %slice3A_60 : vector<432x144xf32>
    %reduce_max3A_64 = arith.constant dense<0xFF800000> : vector<144xf32>
    %reduce_max3A_65 = vector.multi_reduction <maximumf>, %add3A_63, %reduce_max3A_64 [0] : vector<432x144xf32> to vector<144xf32>
    %broadcast_in_dim3A_66 = vector.shape_cast %reduce_max3A_65 : vector<144xf32> to vector<1x144xf32>
    %sub3A_67 = vector.broadcast %broadcast_in_dim3A_66 : vector<1x144xf32> to vector<432x144xf32>
    %sub3A_68 = arith.subf %add3A_63, %sub3A_67 : vector<432x144xf32>
    %exp3A_69 = math.exp %sub3A_68 : vector<432x144xf32>
    %reduce_sum3A_70 = arith.constant dense<0.000000e+00> : vector<144xf32>
    %reduce_sum3A_71 = vector.multi_reduction <add>, %exp3A_69, %reduce_sum3A_70 [0] : vector<432x144xf32> to vector<144xf32>
    %broadcast_in_dim3A_72 = vector.shape_cast %reduce_sum3A_71 : vector<144xf32> to vector<1x144xf32>
    %div3A_73 = arith.constant 1.000000e+00 : f32
    %div3A_74 = vector.broadcast %div3A_73 : f32 to vector<1x144xf32>
    %div3A_75 = arith.divf %div3A_74, %broadcast_in_dim3A_72 : vector<1x144xf32>
    %mul3A_76 = vector.broadcast %div3A_75 : vector<1x144xf32> to vector<432x144xf32>
    %mul3A_77 = arith.mulf %exp3A_69, %mul3A_76 : vector<432x144xf32>
    %dot_general3A_78 = arith.constant dense<0.000000e+00> : vector<144x64xf32>
    %dot_general3A_79 = tpu.matmul %mul3A_77, %slice3A_59, %dot_general3A_78 {dimension_numbers = #tpu.dot_dimension_numbers<[0], [0], [1], [1], [0, 1, 1, 1], [], []>, transpose_lhs_hint = false} : vector<432x144xf32>, vector<432x64xf32>, vector<144x64xf32> -> vector<144x64xf32>
    %log3A_80 = math.log %broadcast_in_dim3A_72 : vector<1x144xf32>
    %add3A_81 = arith.addf %broadcast_in_dim3A_66, %log3A_80 : vector<1x144xf32>
    %dot_general3A_82 = arith.constant dense<0.000000e+00> : vector<144x1xf32>
    %dot_general3A_83 = tpu.matmul %convert_element_type3A_1, %add3A_81, %dot_general3A_82 {dimension_numbers = #tpu.dot_dimension_numbers<[1], [1], [0], [0], [0, 0, 1, 0], [], []>, transpose_lhs_hint = false} : vector<144x144xf32>, vector<1x144xf32>, vector<144x1xf32> -> vector<144x1xf32>
    %broadcast_in_dim3A_84 = vector.shape_cast %dot_general3A_83 : vector<144x1xf32> to vector<144x1xf32>
    %broadcast_in_dim3A_85 = vector.broadcast %broadcast_in_dim3A_84 : vector<144x1xf32> to vector<144x64xf32>
    %concatenate3A_86 = tpu.concatenate %dot_general3A_79, %broadcast_in_dim3A_85 in 1 : vector<144x64xf32>, vector<144x64xf32> -> vector<144x128xf32>
    %swap3A_87 = arith.constant 0 : index
    %swap3A_88 = arith.constant 7920 : index
    %swap3A_89 = arith.constant 0 : index
    %swap3A_90 = vector.load %arg2[%swap3A_87, %swap3A_88, %swap3A_89] : memref<1x8208x128xf32, #tpu.memory_space<vmem>>, vector<1x144x128xf32>
    %swap3A_91 = vector.shape_cast %swap3A_90 : vector<1x144x128xf32> to vector<144x128xf32>
    %swap3A_92 = vector.shape_cast %concatenate3A_86 : vector<144x128xf32> to vector<1x144x128xf32>
    tpu.vector_store %arg2[%swap3A_87, %swap3A_88, %swap3A_89], %swap3A_92 {strides = array<i32>} : memref<1x8208x128xf32, #tpu.memory_space<vmem>>, vector<1x144x128xf32>,
    %concatenate3A_93 = tpu.concatenate %get3A_30, %concatenate3A, %get3A_15 in 0 : vector<144x256xf32>, vector<144x256xf32>, vector<144x256xf32> -> vector<432x256xf32>
    %slice3A_94 = vector.extract_strided_slice %concatenate3A {offsets = [0, 208], sizes = [144, 16], strides = [1, 1]} : vector<144x256xf32> to vector<144x16xf32>
    %slice3A_95 = vector.extract_strided_slice %concatenate3A_93 {offsets = [0, 224], sizes = [432, 16], strides = [1, 1]} : vector<432x256xf32> to vector<432x16xf32>
    %slice3A_96 = vector.extract_strided_slice %concatenate3A_93 {offsets = [0, 144], sizes = [432, 64], strides = [1, 1]} : vector<432x256xf32> to vector<432x64xf32>
    %slice3A_97 = vector.extract_strided_slice %concatenate3A_93 {offsets = [0, 0], sizes = [432, 144], strides = [1, 1]} : vector<432x256xf32> to vector<432x144xf32>
    %dot_general3A_98 = arith.constant dense<0.000000e+00> : vector<432x144xf32>
    %dot_general3A_99 = tpu.matmul %slice3A_95, %slice3A_94, %dot_general3A_98 {dimension_numbers = #tpu.dot_dimension_numbers<[1], [1], [0], [0], [0, 0, 1, 0], [], []>, transpose_lhs_hint = false} : vector<432x16xf32>, vector<144x16xf32>, vector<432x144xf32> -> vector<432x144xf32>
    %add3A_100 = arith.addf %dot_general3A_99, %slice3A_97 : vector<432x144xf32>
    %reduce_max3A_101 = arith.constant dense<0xFF800000> : vector<144xf32>
    %reduce_max3A_102 = vector.multi_reduction <maximumf>, %add3A_100, %reduce_max3A_101 [0] : vector<432x144xf32> to vector<144xf32>
    %broadcast_in_dim3A_103 = vector.shape_cast %reduce_max3A_102 : vector<144xf32> to vector<1x144xf32>
    %sub3A_104 = vector.broadcast %broadcast_in_dim3A_103 : vector<1x144xf32> to vector<432x144xf32>
    %sub3A_105 = arith.subf %add3A_100, %sub3A_104 : vector<432x144xf32>
    %exp3A_106 = math.exp %sub3A_105 : vector<432x144xf32>
    %reduce_sum3A_107 = arith.constant dense<0.000000e+00> : vector<144xf32>
    %reduce_sum3A_108 = vector.multi_reduction <add>, %exp3A_106, %reduce_sum3A_107 [0] : vector<432x144xf32> to vector<144xf32>
    %broadcast_in_dim3A_109 = vector.shape_cast %reduce_sum3A_108 : vector<144xf32> to vector<1x144xf32>
    %div3A_110 = arith.constant 1.000000e+00 : f32
    %div3A_111 = vector.broadcast %div3A_110 : f32 to vector<1x144xf32>
    %div3A_112 = arith.divf %div3A_111, %broadcast_in_dim3A_109 : vector<1x144xf32>
    %mul3A_113 = vector.broadcast %div3A_112 : vector<1x144xf32> to vector<432x144xf32>
    %mul3A_114 = arith.mulf %exp3A_106, %mul3A_113 : vector<432x144xf32>
    %dot_general3A_115 = arith.constant dense<0.000000e+00> : vector<144x64xf32>
    %dot_general3A_116 = tpu.matmul %mul3A_114, %slice3A_96, %dot_general3A_115 {dimension_numbers = #tpu.dot_dimension_numbers<[0], [0], [1], [1], [0, 1, 1, 1], [], []>, transpose_lhs_hint = false} : vector<432x144xf32>, vector<432x64xf32>, vector<144x64xf32> -> vector<144x64xf32>
    %log3A_117 = math.log %broadcast_in_dim3A_109 : vector<1x144xf32>
    %add3A_118 = arith.addf %broadcast_in_dim3A_103, %log3A_117 : vector<1x144xf32>
    %dot_general3A_119 = arith.constant dense<0.000000e+00> : vector<144x1xf32>
    %dot_general3A_120 = tpu.matmul %convert_element_type3A_1, %add3A_118, %dot_general3A_119 {dimension_numbers = #tpu.dot_dimension_numbers<[1], [1], [0], [0], [0, 0, 1, 0], [], []>, transpose_lhs_hint = false} : vector<144x144xf32>, vector<1x144xf32>, vector<144x1xf32> -> vector<144x1xf32>
    %broadcast_in_dim3A_121 = vector.shape_cast %dot_general3A_120 : vector<144x1xf32> to vector<144x1xf32>
    %broadcast_in_dim3A_122 = vector.broadcast %broadcast_in_dim3A_121 : vector<144x1xf32> to vector<144x64xf32>
    %concatenate3A_123 = tpu.concatenate %dot_general3A_116, %broadcast_in_dim3A_122 in 1 : vector<144x64xf32>, vector<144x64xf32> -> vector<144x128xf32>
    %swap3A_124 = arith.constant 0 : index
    %swap3A_125 = arith.constant 8064 : index
    %swap3A_126 = arith.constant 0 : index
    %swap3A_127 = vector.load %arg2[%swap3A_124, %swap3A_125, %swap3A_126] : memref<1x8208x128xf32, #tpu.memory_space<vmem>>, vector<1x144x128xf32>
    %swap3A_128 = vector.shape_cast %swap3A_127 : vector<1x144x128xf32> to vector<144x128xf32>
    %swap3A_129 = vector.shape_cast %concatenate3A_123 : vector<144x128xf32> to vector<1x144x128xf32>
    tpu.vector_store %arg2[%swap3A_124, %swap3A_125, %swap3A_126], %swap3A_129 {strides = array<i32>} : memref<1x8208x128xf32, #tpu.memory_space<vmem>>, vector<1x144x128xf32>,
    %scan3A = arith.constant 0 : i32
    %scan3A_130 = arith.constant 27 : i32
    %scan3A_131 = arith.addi %scan3A, %scan3A_130 : i32
    %scan3A_132 = arith.constant 1 : i32
    scf.for %scan3A_134 = %scan3A to %scan3A_131 step %scan3A_132  : i32 {
      %mul3A_135 = arith.constant 2 : i32
      %mul3A_136 = arith.muli %mul3A_135, %scan3A_134 : i32
      %add3A_137 = arith.constant 1 : i32
      %add3A_138 = arith.addi %add3A_137, %mul3A_136 : i32
      %sub3A_139 = arith.constant 1 : i32
      %sub3A_140 = arith.subi %add3A_138, %sub3A_139 : i32
      %mul3A_141 = arith.constant 144 : i32
      %mul3A_142 = arith.muli %sub3A_140, %mul3A_141 : i32
      %get3A_143 = arith.constant 0 : index
      %get3A_144 = arith.index_cast %mul3A_142 : i32 to index
      %get3A_145 = arith.constant 0 : index
      %get3A_146 = vector.load %arg1[%get3A_143, %get3A_144, %get3A_145] : memref<1x8208x256xf32, #tpu.memory_space<vmem>>, vector<1x432x256xf32>
      %get3A_147 = vector.shape_cast %get3A_146 : vector<1x432x256xf32> to vector<432x256xf32>
      %slice3A_148 = vector.extract_strided_slice %get3A_147 {offsets = [144, 208], sizes = [144, 16], strides = [1, 1]} : vector<432x256xf32> to vector<144x16xf32>
      %slice3A_149 = vector.extract_strided_slice %get3A_147 {offsets = [0, 224], sizes = [432, 16], strides = [1, 1]} : vector<432x256xf32> to vector<432x16xf32>
      %slice3A_150 = vector.extract_strided_slice %get3A_147 {offsets = [0, 144], sizes = [432, 64], strides = [1, 1]} : vector<432x256xf32> to vector<432x64xf32>
      %slice3A_151 = vector.extract_strided_slice %get3A_147 {offsets = [0, 0], sizes = [432, 144], strides = [1, 1]} : vector<432x256xf32> to vector<432x144xf32>
      %dot_general3A_152 = arith.constant dense<0.000000e+00> : vector<432x144xf32>
      %dot_general3A_153 = tpu.matmul %slice3A_149, %slice3A_148, %dot_general3A_152 {dimension_numbers = #tpu.dot_dimension_numbers<[1], [1], [0], [0], [0, 0, 1, 0], [], []>, transpose_lhs_hint = false} : vector<432x16xf32>, vector<144x16xf32>, vector<432x144xf32> -> vector<432x144xf32>
      %add3A_154 = arith.addf %dot_general3A_153, %slice3A_151 : vector<432x144xf32>
      %reduce_max3A_155 = arith.constant dense<0xFF800000> : vector<144xf32>
      %reduce_max3A_156 = vector.multi_reduction <maximumf>, %add3A_154, %reduce_max3A_155 [0] : vector<432x144xf32> to vector<144xf32>
      %broadcast_in_dim3A_157 = vector.shape_cast %reduce_max3A_156 : vector<144xf32> to vector<1x144xf32>
      %sub3A_158 = vector.broadcast %broadcast_in_dim3A_157 : vector<1x144xf32> to vector<432x144xf32>
      %sub3A_159 = arith.subf %add3A_154, %sub3A_158 : vector<432x144xf32>
      %exp3A_160 = math.exp %sub3A_159 : vector<432x144xf32>
      %reduce_sum3A_161 = arith.constant dense<0.000000e+00> : vector<144xf32>
      %reduce_sum3A_162 = vector.multi_reduction <add>, %exp3A_160, %reduce_sum3A_161 [0] : vector<432x144xf32> to vector<144xf32>
      %broadcast_in_dim3A_163 = vector.shape_cast %reduce_sum3A_162 : vector<144xf32> to vector<1x144xf32>
      %div3A_164 = arith.constant 1.000000e+00 : f32
      %div3A_165 = vector.broadcast %div3A_164 : f32 to vector<1x144xf32>
      %div3A_166 = arith.divf %div3A_165, %broadcast_in_dim3A_163 : vector<1x144xf32>
      %mul3A_167 = vector.broadcast %div3A_166 : vector<1x144xf32> to vector<432x144xf32>
      %mul3A_168 = arith.mulf %exp3A_160, %mul3A_167 : vector<432x144xf32>
      %dot_general3A_169 = arith.constant dense<0.000000e+00> : vector<144x64xf32>
      %dot_general3A_170 = tpu.matmul %mul3A_168, %slice3A_150, %dot_general3A_169 {dimension_numbers = #tpu.dot_dimension_numbers<[0], [0], [1], [1], [0, 1, 1, 1], [], []>, transpose_lhs_hint = false} : vector<432x144xf32>, vector<432x64xf32>, vector<144x64xf32> -> vector<144x64xf32>
      %log3A_171 = math.log %broadcast_in_dim3A_163 : vector<1x144xf32>
      %add3A_172 = arith.addf %broadcast_in_dim3A_157, %log3A_171 : vector<1x144xf32>
      %dot_general3A_173 = arith.constant dense<0.000000e+00> : vector<144x1xf32>
      %dot_general3A_174 = tpu.matmul %convert_element_type3A_1, %add3A_172, %dot_general3A_173 {dimension_numbers = #tpu.dot_dimension_numbers<[1], [1], [0], [0], [0, 0, 1, 0], [], []>, transpose_lhs_hint = false} : vector<144x144xf32>, vector<1x144xf32>, vector<144x1xf32> -> vector<144x1xf32>
      %broadcast_in_dim3A_175 = vector.shape_cast %dot_general3A_174 : vector<144x1xf32> to vector<144x1xf32>
      %broadcast_in_dim3A_176 = vector.broadcast %broadcast_in_dim3A_175 : vector<144x1xf32> to vector<144x64xf32>
      %concatenate3A_177 = tpu.concatenate %dot_general3A_170, %broadcast_in_dim3A_176 in 1 : vector<144x64xf32>, vector<144x64xf32> -> vector<144x128xf32>
      %mul3A_178 = arith.constant 144 : i32
      %mul3A_179 = arith.muli %add3A_138, %mul3A_178 : i32
      %swap3A_180 = arith.constant 0 : index
      %swap3A_181 = arith.index_cast %mul3A_179 : i32 to index
      %swap3A_182 = arith.constant 0 : index
      %swap3A_183 = vector.load %arg2[%swap3A_180, %swap3A_181, %swap3A_182] : memref<1x8208x128xf32, #tpu.memory_space<vmem>>, vector<1x144x128xf32>
      %swap3A_184 = vector.shape_cast %swap3A_183 : vector<1x144x128xf32> to vector<144x128xf32>
      %swap3A_185 = vector.shape_cast %concatenate3A_177 : vector<144x128xf32> to vector<1x144x128xf32>
      tpu.vector_store %arg2[%swap3A_180, %swap3A_181, %swap3A_182], %swap3A_185 {strides = array<i32>} : memref<1x8208x128xf32, #tpu.memory_space<vmem>>, vector<1x144x128xf32>,
      %mul3A_186 = arith.constant 144 : i32
      %mul3A_187 = arith.muli %add3A_138, %mul3A_186 : i32
      %get3A_188 = arith.constant 0 : index
      %get3A_189 = arith.index_cast %mul3A_187 : i32 to index
      %get3A_190 = arith.constant 0 : index
      %get3A_191 = vector.load %arg1[%get3A_188, %get3A_189, %get3A_190] : memref<1x8208x256xf32, #tpu.memory_space<vmem>>, vector<1x432x256xf32>
      %get3A_192 = vector.shape_cast %get3A_191 : vector<1x432x256xf32> to vector<432x256xf32>
      %slice3A_193 = vector.extract_strided_slice %get3A_192 {offsets = [144, 208], sizes = [144, 16], strides = [1, 1]} : vector<432x256xf32> to vector<144x16xf32>
      %add3A_194 = arith.constant 1 : i32
      %add3A_195 = arith.addi %add3A_138, %add3A_194 : i32
      %slice3A_196 = vector.extract_strided_slice %get3A_192 {offsets = [0, 224], sizes = [432, 16], strides = [1, 1]} : vector<432x256xf32> to vector<432x16xf32>
      %slice3A_197 = vector.extract_strided_slice %get3A_192 {offsets = [0, 144], sizes = [432, 64], strides = [1, 1]} : vector<432x256xf32> to vector<432x64xf32>
      %slice3A_198 = vector.extract_strided_slice %get3A_192 {offsets = [0, 0], sizes = [432, 144], strides = [1, 1]} : vector<432x256xf32> to vector<432x144xf32>
      %dot_general3A_199 = arith.constant dense<0.000000e+00> : vector<432x144xf32>
      %dot_general3A_200 = tpu.matmul %slice3A_196, %slice3A_193, %dot_general3A_199 {dimension_numbers = #tpu.dot_dimension_numbers<[1], [1], [0], [0], [0, 0, 1, 0], [], []>, transpose_lhs_hint = false} : vector<432x16xf32>, vector<144x16xf32>, vector<432x144xf32> -> vector<432x144xf32>
      %add3A_201 = arith.addf %dot_general3A_200, %slice3A_198 : vector<432x144xf32>
      %reduce_max3A_202 = arith.constant dense<0xFF800000> : vector<144xf32>
      %reduce_max3A_203 = vector.multi_reduction <maximumf>, %add3A_201, %reduce_max3A_202 [0] : vector<432x144xf32> to vector<144xf32>
      %broadcast_in_dim3A_204 = vector.shape_cast %reduce_max3A_203 : vector<144xf32> to vector<1x144xf32>
      %sub3A_205 = vector.broadcast %broadcast_in_dim3A_204 : vector<1x144xf32> to vector<432x144xf32>
      %sub3A_206 = arith.subf %add3A_201, %sub3A_205 : vector<432x144xf32>
      %exp3A_207 = math.exp %sub3A_206 : vector<432x144xf32>
      %reduce_sum3A_208 = arith.constant dense<0.000000e+00> : vector<144xf32>
      %reduce_sum3A_209 = vector.multi_reduction <add>, %exp3A_207, %reduce_sum3A_208 [0] : vector<432x144xf32> to vector<144xf32>
      %broadcast_in_dim3A_210 = vector.shape_cast %reduce_sum3A_209 : vector<144xf32> to vector<1x144xf32>
      %div3A_211 = arith.constant 1.000000e+00 : f32
      %div3A_212 = vector.broadcast %div3A_211 : f32 to vector<1x144xf32>
      %div3A_213 = arith.divf %div3A_212, %broadcast_in_dim3A_210 : vector<1x144xf32>
      %mul3A_214 = vector.broadcast %div3A_213 : vector<1x144xf32> to vector<432x144xf32>
      %mul3A_215 = arith.mulf %exp3A_207, %mul3A_214 : vector<432x144xf32>
      %dot_general3A_216 = arith.constant dense<0.000000e+00> : vector<144x64xf32>
      %dot_general3A_217 = tpu.matmul %mul3A_215, %slice3A_197, %dot_general3A_216 {dimension_numbers = #tpu.dot_dimension_numbers<[0], [0], [1], [1], [0, 1, 1, 1], [], []>, transpose_lhs_hint = false} : vector<432x144xf32>, vector<432x64xf32>, vector<144x64xf32> -> vector<144x64xf32>
      %log3A_218 = math.log %broadcast_in_dim3A_210 : vector<1x144xf32>
      %add3A_219 = arith.addf %broadcast_in_dim3A_204, %log3A_218 : vector<1x144xf32>
      %dot_general3A_220 = arith.constant dense<0.000000e+00> : vector<144x1xf32>
      %dot_general3A_221 = tpu.matmul %convert_element_type3A_1, %add3A_219, %dot_general3A_220 {dimension_numbers = #tpu.dot_dimension_numbers<[1], [1], [0], [0], [0, 0, 1, 0], [], []>, transpose_lhs_hint = false} : vector<144x144xf32>, vector<1x144xf32>, vector<144x1xf32> -> vector<144x1xf32>
      %broadcast_in_dim3A_222 = vector.shape_cast %dot_general3A_221 : vector<144x1xf32> to vector<144x1xf32>
      %broadcast_in_dim3A_223 = vector.broadcast %broadcast_in_dim3A_222 : vector<144x1xf32> to vector<144x64xf32>
      %concatenate3A_224 = tpu.concatenate %dot_general3A_217, %broadcast_in_dim3A_223 in 1 : vector<144x64xf32>, vector<144x64xf32> -> vector<144x128xf32>
      %mul3A_225 = arith.constant 144 : i32
      %mul3A_226 = arith.muli %add3A_195, %mul3A_225 : i32
      %swap3A_227 = arith.constant 0 : index
      %swap3A_228 = arith.index_cast %mul3A_226 : i32 to index
      %swap3A_229 = arith.constant 0 : index
      %swap3A_230 = vector.load %arg2[%swap3A_227, %swap3A_228, %swap3A_229] : memref<1x8208x128xf32, #tpu.memory_space<vmem>>, vector<1x144x128xf32>
      %swap3A_231 = vector.shape_cast %swap3A_230 : vector<1x144x128xf32> to vector<144x128xf32>
      %swap3A_232 = vector.shape_cast %concatenate3A_224 : vector<144x128xf32> to vector<1x144x128xf32>
      tpu.vector_store %arg2[%swap3A_227, %swap3A_228, %swap3A_229], %swap3A_232 {strides = array<i32>} : memref<1x8208x128xf32, #tpu.memory_space<vmem>>, vector<1x144x128xf32>,
    }
    %scan3A_133 = arith.constant 27 : i32
    return
  }
  func.func @transform_0(%arg0: i32) -> (i32, i32, i32) {
    %c0_i32 = arith.constant 0 : i32
    %c0_i32_0 = arith.constant 0 : i32
    %c0_i32_1 = arith.constant 0 : i32
    return %arg0, %c0_i32, %c0_i32_0 : i32, i32, i32
  }
  func.func @transform_1(%arg0: i32) -> (i32, i32, i32) {
    %c0_i32 = arith.constant 0 : i32
    %c0_i32_0 = arith.constant 0 : i32
    %c0_i32_1 = arith.constant 0 : i32
    return %arg0, %c0_i32, %c0_i32_0 : i32, i32, i32
  }
}

module attributes {stable_mosaic.version = 14 : i64} {
  func.func @_comb_body(%arg0: i32, %arg1: i32, %arg2: memref<1x4x512x128xf32, #tpu.memory_space<vmem>>, %arg3: memref<1x512x64xf32, #tpu.memory_space<vmem>>) attributes {dimension_semantics = [#tpu.dimension_semantics<arbitrary>, #tpu.dimension_semantics<arbitrary>], iteration_bounds = array<i64: 2, 16>, scalar_prefetch = 0 : i64, scratch_operands = 0 : i64, tpu.core_type = #tpu.core_type<tc>, window_params = [{transform_indices = @transform_0, window_bounds = array<i64: 1, 4, 512, 128>}, {transform_indices = @transform_1, window_bounds = array<i64: 1, 512, 64>}]} {
    %iota3A = tpu.iota {dimensions = array<i32: 1>} : vector<512x128xi32>
    %eq3A = arith.constant 64 : i32
    %eq3A_0 = vector.broadcast %eq3A : i32 to vector<512x128xi32>
    %eq3A_1 = arith.cmpi eq, %iota3A, %eq3A_0 : vector<512x128xi32>
    %convert_element_type3A = arith.extui %eq3A_1 : vector<512x128xi1> to vector<512x128xi32>
    %convert_element_type3A_2 = arith.sitofp %convert_element_type3A : vector<512x128xi32> to vector<512x128xf32>
    %get3A = arith.constant 0 : index
    %get3A_3 = arith.constant 0 : index
    %get3A_4 = arith.constant 0 : index
    %get3A_5 = arith.constant 0 : index
    %get3A_6 = vector.load %arg2[%get3A, %get3A_3, %get3A_4, %get3A_5] : memref<1x4x512x128xf32, #tpu.memory_space<vmem>>, vector<1x1x512x128xf32>
    %get3A_7 = vector.shape_cast %get3A_6 : vector<1x1x512x128xf32> to vector<512x128xf32>
    %get3A_8 = arith.constant 0 : index
    %get3A_9 = arith.constant 1 : index
    %get3A_10 = arith.constant 0 : index
    %get3A_11 = arith.constant 0 : index
    %get3A_12 = vector.load %arg2[%get3A_8, %get3A_9, %get3A_10, %get3A_11] : memref<1x4x512x128xf32, #tpu.memory_space<vmem>>, vector<1x1x512x128xf32>
    %get3A_13 = vector.shape_cast %get3A_12 : vector<1x1x512x128xf32> to vector<512x128xf32>
    %get3A_14 = arith.constant 0 : index
    %get3A_15 = arith.constant 2 : index
    %get3A_16 = arith.constant 0 : index
    %get3A_17 = arith.constant 0 : index
    %get3A_18 = vector.load %arg2[%get3A_14, %get3A_15, %get3A_16, %get3A_17] : memref<1x4x512x128xf32, #tpu.memory_space<vmem>>, vector<1x1x512x128xf32>
    %get3A_19 = vector.shape_cast %get3A_18 : vector<1x1x512x128xf32> to vector<512x128xf32>
    %get3A_20 = arith.constant 0 : index
    %get3A_21 = arith.constant 3 : index
    %get3A_22 = arith.constant 0 : index
    %get3A_23 = arith.constant 0 : index
    %get3A_24 = vector.load %arg2[%get3A_20, %get3A_21, %get3A_22, %get3A_23] : memref<1x4x512x128xf32, #tpu.memory_space<vmem>>, vector<1x1x512x128xf32>
    %get3A_25 = vector.shape_cast %get3A_24 : vector<1x1x512x128xf32> to vector<512x128xf32>
    %mul3A = arith.mulf %get3A_7, %convert_element_type3A_2 : vector<512x128xf32>
    %reduce_sum3A = arith.constant dense<0.000000e+00> : vector<512xf32>
    %reduce_sum3A_26 = vector.multi_reduction <add>, %mul3A, %reduce_sum3A [1] : vector<512x128xf32> to vector<512xf32>
    %broadcast_in_dim3A = vector.shape_cast %reduce_sum3A_26 : vector<512xf32> to vector<512x1xf32>
    %mul3A_27 = arith.mulf %get3A_13, %convert_element_type3A_2 : vector<512x128xf32>
    %reduce_sum3A_28 = arith.constant dense<0.000000e+00> : vector<512xf32>
    %reduce_sum3A_29 = vector.multi_reduction <add>, %mul3A_27, %reduce_sum3A_28 [1] : vector<512x128xf32> to vector<512xf32>
    %broadcast_in_dim3A_30 = vector.shape_cast %reduce_sum3A_29 : vector<512xf32> to vector<512x1xf32>
    %mul3A_31 = arith.mulf %get3A_19, %convert_element_type3A_2 : vector<512x128xf32>
    %reduce_sum3A_32 = arith.constant dense<0.000000e+00> : vector<512xf32>
    %reduce_sum3A_33 = vector.multi_reduction <add>, %mul3A_31, %reduce_sum3A_32 [1] : vector<512x128xf32> to vector<512xf32>
    %broadcast_in_dim3A_34 = vector.shape_cast %reduce_sum3A_33 : vector<512xf32> to vector<512x1xf32>
    %mul3A_35 = arith.mulf %get3A_25, %convert_element_type3A_2 : vector<512x128xf32>
    %reduce_sum3A_36 = arith.constant dense<0.000000e+00> : vector<512xf32>
    %reduce_sum3A_37 = vector.multi_reduction <add>, %mul3A_35, %reduce_sum3A_36 [1] : vector<512x128xf32> to vector<512xf32>
    %broadcast_in_dim3A_38 = vector.shape_cast %reduce_sum3A_37 : vector<512xf32> to vector<512x1xf32>
    %max3A = arith.maximumf %broadcast_in_dim3A, %broadcast_in_dim3A_30 : vector<512x1xf32>
    %max3A_39 = arith.maximumf %max3A, %broadcast_in_dim3A_34 : vector<512x1xf32>
    %max3A_40 = arith.maximumf %max3A_39, %broadcast_in_dim3A_38 : vector<512x1xf32>
    %sub3A = arith.subf %broadcast_in_dim3A, %max3A_40 : vector<512x1xf32>
    %exp3A = math.exp %sub3A : vector<512x1xf32>
    %sub3A_41 = arith.subf %broadcast_in_dim3A_30, %max3A_40 : vector<512x1xf32>
    %exp3A_42 = math.exp %sub3A_41 : vector<512x1xf32>
    %sub3A_43 = arith.subf %broadcast_in_dim3A_34, %max3A_40 : vector<512x1xf32>
    %exp3A_44 = math.exp %sub3A_43 : vector<512x1xf32>
    %sub3A_45 = arith.subf %broadcast_in_dim3A_38, %max3A_40 : vector<512x1xf32>
    %exp3A_46 = math.exp %sub3A_45 : vector<512x1xf32>
    %add3A = arith.addf %exp3A, %exp3A_42 : vector<512x1xf32>
    %add3A_47 = arith.addf %add3A, %exp3A_44 : vector<512x1xf32>
    %add3A_48 = arith.addf %add3A_47, %exp3A_46 : vector<512x1xf32>
    %broadcast_in_dim3A_49 = arith.constant 0.000000e+00 : f32
    %broadcast_in_dim3A_50 = vector.broadcast %broadcast_in_dim3A_49 : f32 to vector<512x64xf32>
    %slice3A = vector.extract_strided_slice %get3A_7 {offsets = [0, 0], sizes = [512, 64], strides = [1, 1]} : vector<512x128xf32> to vector<512x64xf32>
    %div3A = arith.divf %exp3A, %add3A_48 : vector<512x1xf32>
    %mul3A_51 = vector.broadcast %div3A : vector<512x1xf32> to vector<512x64xf32>
    %mul3A_52 = arith.mulf %slice3A, %mul3A_51 : vector<512x64xf32>
    %add3A_53 = arith.addf %broadcast_in_dim3A_50, %mul3A_52 : vector<512x64xf32>
    %slice3A_54 = vector.extract_strided_slice %get3A_13 {offsets = [0, 0], sizes = [512, 64], strides = [1, 1]} : vector<512x128xf32> to vector<512x64xf32>
    %div3A_55 = arith.divf %exp3A_42, %add3A_48 : vector<512x1xf32>
    %mul3A_56 = vector.broadcast %div3A_55 : vector<512x1xf32> to vector<512x64xf32>
    %mul3A_57 = arith.mulf %slice3A_54, %mul3A_56 : vector<512x64xf32>
    %add3A_58 = arith.addf %add3A_53, %mul3A_57 : vector<512x64xf32>
    %slice3A_59 = vector.extract_strided_slice %get3A_19 {offsets = [0, 0], sizes = [512, 64], strides = [1, 1]} : vector<512x128xf32> to vector<512x64xf32>
    %div3A_60 = arith.divf %exp3A_44, %add3A_48 : vector<512x1xf32>
    %mul3A_61 = vector.broadcast %div3A_60 : vector<512x1xf32> to vector<512x64xf32>
    %mul3A_62 = arith.mulf %slice3A_59, %mul3A_61 : vector<512x64xf32>
    %add3A_63 = arith.addf %add3A_58, %mul3A_62 : vector<512x64xf32>
    %slice3A_64 = vector.extract_strided_slice %get3A_25 {offsets = [0, 0], sizes = [512, 64], strides = [1, 1]} : vector<512x128xf32> to vector<512x64xf32>
    %div3A_65 = arith.divf %exp3A_46, %add3A_48 : vector<512x1xf32>
    %mul3A_66 = vector.broadcast %div3A_65 : vector<512x1xf32> to vector<512x64xf32>
    %mul3A_67 = arith.mulf %slice3A_64, %mul3A_66 : vector<512x64xf32>
    %add3A_68 = arith.addf %add3A_63, %mul3A_67 : vector<512x64xf32>
    %swap3A = arith.constant 0 : index
    %swap3A_69 = arith.constant 0 : index
    %swap3A_70 = arith.constant 0 : index
    %swap3A_71 = vector.load %arg3[%swap3A, %swap3A_69, %swap3A_70] : memref<1x512x64xf32, #tpu.memory_space<vmem>>, vector<1x512x64xf32>
    %swap3A_72 = vector.shape_cast %swap3A_71 : vector<1x512x64xf32> to vector<512x64xf32>
    %swap3A_73 = vector.shape_cast %add3A_68 : vector<512x64xf32> to vector<1x512x64xf32>
    tpu.vector_store %arg3[%swap3A, %swap3A_69, %swap3A_70], %swap3A_73 {strides = array<i32>} : memref<1x512x64xf32, #tpu.memory_space<vmem>>, vector<1x512x64xf32>,
    return
  }
  func.func @transform_0(%arg0: i32, %arg1: i32) -> (i32, i32, i32, i32) {
    %c0_i32 = arith.constant 0 : i32
    %c0_i32_0 = arith.constant 0 : i32
    %c0_i32_1 = arith.constant 0 : i32
    return %arg0, %c0_i32, %arg1, %c0_i32_0 : i32, i32, i32, i32
  }
  func.func @transform_1(%arg0: i32, %arg1: i32) -> (i32, i32, i32) {
    %c0_i32 = arith.constant 0 : i32
    %c0_i32_0 = arith.constant 0 : i32
    return %arg0, %arg1, %c0_i32 : i32, i32, i32
  }
}

</mosaic_0001>

<sc_bundles>
// kernel: kernel.10.cloned.1.call-start
scs
__scs_entry_jumppad:
0x0: {  	(pc) =	sbr.rel $0x88, $3  }
0x1: {  	(tag) =	ssettag $0x0;
	lr =	simm.s32 $0x1  }
0x2: {  	[smem:$0x3F97] =	sst lr;
	_ =	strace $0xD0000000  }
0x3: {  	_ = 	snop  }
0x4: {  	_ = 	snop  }
0x5: {  	_ = 	snop  }
0x6: {  	_ = 	snop  }
0x7: {  	_ = 	snop  }
__scs_overlays_trampoline_lowered:
0x8: {  	[smem:$0x3FA6] =	sst s0  }
0x9: {  	[smem:$0x3FA7] =	sst s1  }
0xa: {  	[smem:$0x3FA8] =	sst s2  }
0xb: {  	[smem:$0x3FA9] =	sst s3  }
0xc: {  	[smem:$0x3FAA] =	sst s4  }
0xd: {  	[smem:$0x3FAB] =	sst s5  }
0xe: {  	[smem:$0x3FAC] =	sst s6  }
0xf: {  	[smem:$0x3FAD] =	sst s7  }
0x10: {  	[smem:$0x3FAE] =	sst s8  }
0x11: {  	[smem:$0x3FAF] =	sst s9;
	s0 =	simm.s32 @!p0 $0x0  }
0x12: {  	s1 =	sld [smem:$0x3F95];
	s0 =	simm.s32 @p0 $0x1  }
0x13: {  	[smem:$0x3FB0] =	sst s0;
	s0 =	simm.s32 @!p1 $0x0  }
0x14: {  	s2 =	sld [smem:$0x3F94];
	s0 =	simm.s32 @p1 $0x1  }
0x15: {  	[smem:$0x3FB1] =	sst s0;
	s0 =	simm.s32 @!p2 $0x0  }
0x16: {  	s3 =	sld [smem:$0x3FDB];
	s0 =	simm.s32 @p2 $0x1  }
0x17: {  	s4 =	simm.s32 $0x1BF5;
	[smem:$0x3FB3] =	sst s0  }
0x18: {  	s0 =	sld [smem:$0x3F96];
	_ =	swait.ge [sflag:s4], $0x0  }
0x19: {  	s7 =	sld [smem:$0x3F97]  }
0x1a: {  	s8 =	sadd.s32 $0xFFFFE003, lr  }
0x1b: {  	s9 =	sadd.s32 $0xFFFFFEF7, lr;
	s5 =	simm.s32 $0xFFFFFFFF;
	p2 =	slt.u32 s8, $0xFFFFF086  }
0x1c: {  	p1 =	slt.u32 s9, $0xF7A;
	s5 =	simm.s32 @!p2 $0x0  }
0x1d: {  	s5 =	simm.s32 @p1 $0x1;
	p0 =	seq.s32 s7, s2  }
0x1e: {  	s7 =	smul.u32 @!p0 $0xF7A, s2;
	p2 =	seq.s32 @!p0 s5, $0x0  }
0x1f: {  	s9 =	smul.u32 $0xF7A, s1;
	s8 =	simm.s32 @!p0 $0x1BF5;
	p2 =	por !p2, p0  }
0x20: {  	[sflag:s8] =	ssyncset.s32 @!p0 $0xFFFFF086;
	s6 =	sadd.s32 @!p0 s3, s7;
	s7 =	simm.s32 @!p0 $0x108  }
0x21: {  	s3 =	sadd.s32 s3, s9;
	s6 =	sadd.s32 @!p0 $0x88, s6;
	s7 =	simm.s32 @p2 $0x1082  }
0x22: {  	[simem:s7], [sflag:s8] =	dma.local @!p0 [hbm:s6], $0xF7A  }
0x23: {  	s9 =	sor.u32 $0xD0000000, s2;
	s6 =	simm.s32 $0x108;
	_ =	swait.ge @!p0 [sflag:s8], $0x0  }
0x24: {  	s3 =	sadd.s32 $0x88, s3;
	s6 =	simm.s32 @!p1 $0x1082;
	[sflag:s4] =	ssyncset.s32 $0xFFFFF086  }
0x25: {  	[simem:s6], [sflag:s4] =	dma.local [hbm:s3], $0xF7A  }
0x26: {  	[smem:$0x3F97] =	sst s1;
	(tag) =	ssettag s2;
	_ =	strace s9  }
0x27: {  	s1 =	sld [smem:$0x3FA7]  }
0x28: {  	s2 =	sld [smem:$0x3FA8]  }
0x29: {  	s4 =	sld [smem:$0x3FAA]  }
0x2a: {  	p0 =	seq.s32 s5, $0x0;
	s5 =	sld [smem:$0x3FAB]  }
0x2b: {  	s6 =	sld [smem:$0x3FAC]  }
0x2c: {  	s7 =	sld [smem:$0x3FAD]  }
0x2d: {  	s3 =	simm.s32 $0x108;
	s8 =	sld [smem:$0x3FAE]  }
0x2e: {  	s3 =	simm.s32 @!p0 $0x1082;
	s9 =	sld [smem:$0x3FAF]  }
0x2f: {  	lr =	sadd.s32 s0, s3;
	s0 =	sld [smem:$0x3FA6]  }
0x30: {  	s3 =	sld [smem:$0x3FA9]  }
0x31: {  	[smem:$0x3FB2] =	sst s10  }
0x32: {  	s10 =	sld [smem:$0x3FB0];
	_ =	sdelay $0x3  }
0x33: {  	p0 =	seq.s32 s10, $0x1;
	s10 =	sld [smem:$0x3FB2];
	_ =	sdelay $0x3  }
0x34: {  	[smem:$0x3FB2] =	sst s10  }
0x35: {  	s10 =	sld [smem:$0x3FB1];
	_ =	sdelay $0x3  }
0x36: {  	p1 =	seq.s32 s10, $0x1;
	s10 =	sld [smem:$0x3FB2];
	_ =	sdelay $0x3  }
0x37: {  	[smem:$0x3FB2] =	sst s10  }
0x38: {  	s10 =	sld [smem:$0x3FB3]  }
0x39: {  	_ = 	snop;
	(pc) =	sbr.ind lr, $3  }
0x3a: {  	_ = 	snop  }
0x3b: {  	_ = 	snop  }
0x3c: {  	p2 =	seq.s32 s10, $0x1;
	s10 =	sld [smem:$0x3FB2]  }
0x3d: {  	_ =	shalt  }
0x3e: {  	_ =	shalt  }
0x3f: {  	_ =	shalt  }
0x40: {  	_ =	shalt  }
0x41: {  	_ =	shalt  }
0x42: {  	_ =	shalt  }
0x43: {  	_ =	shalt  }
0x44: {  	_ =	shalt  }
0x45: {  	_ =	shalt  }
0x46: {  	_ =	shalt  }
0x47: {  	_ =	shalt  }
0x48: {  	_ =	shalt  }
0x49: {  	_ =	shalt  }
0x4a: {  	_ =	shalt  }
0x4b: {  	_ =	shalt  }
0x4c: {  	_ =	shalt  }
0x4d: {  	_ =	shalt  }
0x4e: {  	_ =	shalt  }
0x4f: {  	_ =	shalt  }
0x50: {  	_ =	shalt  }
0x51: {  	_ =	shalt  }
0x52: {  	_ =	shalt  }
0x53: {  	_ =	shalt  }
0x54: {  	_ =	shalt  }
0x55: {  	_ =	shalt  }
0x56: {  	_ =	shalt  }
0x57: {  	_ =	shalt  }
0x58: {  	_ =	shalt  }
0x59: {  	_ =	shalt  }
0x5a: {  	_ =	shalt  }
0x5b: {  	_ =	shalt  }
0x5c: {  	_ =	shalt  }
0x5d: {  	_ =	shalt  }
0x5e: {  	_ =	shalt  }
0x5f: {  	_ =	shalt  }
0x60: {  	_ =	shalt  }
0x61: {  	_ =	shalt  }
0x62: {  	_ =	shalt  }
0x63: {  	_ =	shalt  }
0x64: {  	_ =	shalt  }
0x65: {  	_ =	shalt  }
0x66: {  	_ =	shalt  }
0x67: {  	_ =	shalt  }
0x68: {  	_ =	shalt  }
0x69: {  	_ =	shalt  }
0x6a: {  	_ =	shalt  }
0x6b: {  	_ =	shalt  }
0x6c: {  	_ =	shalt  }
0x6d: {  	_ =	shalt  }
0x6e: {  	_ =	shalt  }
0x6f: {  	_ =	shalt  }
0x70: {  	_ =	shalt  }
0x71: {  	_ =	shalt  }
0x72: {  	_ =	shalt  }
0x73: {  	_ =	shalt  }
0x74: {  	_ =	shalt  }
0x75: {  	_ =	shalt  }
0x76: {  	_ =	shalt  }
0x77: {  	_ =	shalt  }
0x78: {  	_ =	shalt  }
0x79: {  	_ =	shalt  }
0x7a: {  	_ =	shalt  }
0x7b: {  	_ =	shalt  }
0x7c: {  	_ =	shalt  }
0x7d: {  	_ =	shalt  }
0x7e: {  	_ =	shalt  }
0x7f: {  	_ =	shalt  }
0x80: {  	_ =	shalt  }
0x81: {  	_ =	shalt  }
0x82: {  	_ =	shalt  }
0x83: {  	_ =	shalt  }
0x84: {  	_ =	shalt  }
0x85: {  	_ =	shalt  }
0x86: {  	_ =	shalt  }
0x87: {  	_ =	shalt  }
.Lfunc_end0:
.L_simem_size_0:
called_computation.1_lowered:
.L_overlay_start_0:
0x88: {  	s2 =	sld [smem:$0x3FD9]  }
0x89: {  	s3 =	sld [smem:$0x3FFE];
	_ =	sdelay $0x1  }
0x8a: {  	s1 =	srdreg.scid  }
0x8b: {  	s0 =	sand.u32 $0x1, s1  }
0x8c: {  	s14 =	sshll.u32 s0, $0xA;
	s2 =	sadd.s32 s3, s2  }
0x8d: {  	s2 =	sadd.s32 s2, s14  }
0x8e: {  	[smem:$0x3FBE] =	sst s2  }
0x8f: {  	_ = 	snop  }
0x90: {  	s2 =	sld [smem:$0x3FD0];
	_ =	sdelay $0x2  }
0x91: {  	s15 =	simm.s32 $0xA;
	s4 =	simm.s32 $0x10  }
0x92: {  	[smem:s4], [sflag:s15] =	dma.local [hbm:s2], $0x1  }
0x93: {  	_ =	swait.eq [sflag:s15], $0x1  }
0x94: {  	[sflag:s15] =	ssyncset.done $0x0  }
0x95: {  	[sflag:s15] =	ssyncadd.s32 $0xFFFFFFFF  }
0x96: {  	s16 =	sld [smem:$0x11];
	(tm) =	ssettm $0x1  }
0x97: {  	s17 =	sld [smem:$0x3FFB];
	_ =	sdelay $0x3  }
0x98: {  	_ =	strace s17  }
0x99: {  	s3 =	sld [smem:$0x3FFC];
	_ =	sdelay $0x3  }
0x9a: {  	_ =	strace s3  }
0x9b: {  	s3 =	sld [smem:$0x3FFD];
	_ =	sdelay $0x3  }
0x9c: {  	_ =	strace s3  }
0x9d: {  	_ =	strace $0x8FFFFFFF  }
0x9e: {  	s18 =	sld [smem:$0x3FDB];
	_ =	sdelay $0x1  }
0x9f: {  	s19 =	simm.s32 $_scs_section_size  }
0xa0: {  	s5 =	simm.s32 $_size__tile_overlayer_lowered;
	s6 =	simm.s32 $_tile_overlayer_lowered  }
0xa1: {  	s22 =	simm.s32 $0x1BFF;
	s21 =	sshll.u32 s6, $0x1;
	s3 =	sadd.s32 s19, s18  }
0xa2: {  	s7 =	simm.s32 $0x0;
	s20 =	sshll.u32 s5, $0x1;
	s5 =	sadd.s32 s21, s3  }
0xa3: {  	[timem:s7], [sflag:s22] =	dma.local [hbm:s5], s20  }
0xa4: {  	_ =	swait.ge [sflag:s22], s20  }
0xa5: {  	s4 =	ssub.s32 $0x0, s20;
	[sflag:s22] =	ssyncset.done $0x0  }
0xa6: {  	[sflag:s22] =	ssyncadd.s32 s4;
	_ =	sdelay $0x1  }
0xa7: {  	s23 =	simm.s32 $0x1B8B  }
0xa8: {  	_ =	swait.ge [sflag:s23], $0x1  }
0xa9: {  	[sflag:s23] =	ssyncset.done $0x0  }
0xaa: {  	s25 =	simm.s32 $0x1B8E;
	s24 =	sld [smem:$0x3FFE];
	[sflag:s23] =	ssyncadd.s32 $0xFFFFFFFF  }
0xab: {  	s26 =	simm.s32 $execute0_lowered;
	[smem:$0x3FD2] =	sst s25  }
0xac: {  	s5 =	sshll.u32 s26, $0x1;
	_ =	strace $0x80000049;
	[dreg:$0x1] =	wrdreg $0xFFFFFFFF  }
0xad: {  	s28 =	simm.s32 $_size_execute0_lowered;
	s3 =	sadd.s32 s3, s5;
	[dreg:$0x0] =	wrdreg $0x0  }
0xae: {  	s5 =	sshll.u32 s28, $0x1;
	[dreg:$0x2] =	wrdreg s3  }
0xaf: {  	[dreg:$0x3] =	wrdreg s5  }
0xb0: {  	[dreg:$0x4] =	wrdreg $0xC0  }
0xb1: {  	_ =	task [dreg:s7], $0x5FFFF  }
0xb2: {  	[dreg:$0x1] =	wrdreg $0xFFFFFFFF  }
0xb3: {  	[dreg:$0x0] =	wrdreg $0x60  }
0xb4: {  	[dreg:$0x2] =	wrdreg s24  }
0xb5: {  	[dreg:$0x3] =	wrdreg s16  }
0xb6: {  	[dreg:$0x4] =	wrdreg $0x9  }
0xb7: {  	_ =	task.clear_ibuf [dreg:s7], $0x5FFFF;
	_ =	strace $0x90000049  }
0xb8: {  	s29 =	simm.s32 $0x9;
	_ =	strace $0x8000004B  }
0xb9: {  	_ =	swait.ge [sflag:s29], $0x1  }
0xba: {  	[sflag:s29] =	ssyncadd.s32 $0xFFFFFFFF  }
0xbb: {  	_ =	strace $0x9000004B  }
0xbc: {  	_ =	sfence  }
0xbd: {  	s30 =	sld [smem:$0x0];
	_ =	sdelay $0x2  }
0xbe: {  	s31 =	sshll.u32 s1, $0xD;
	s1 =	sshrl.u32 s1, $0x2  }
0xbf: {  	s3 =	sand.u32 $0x4000, s31;
	s1 =	sadd.s32 s1, s30  }
0xc0: {  	s0 =	sor.u32 s3, s0;
	s1 =	sshll.u32 s1, $0x11  }
0xc1: {  	s0 =	sor.u32 s1, s0  }
0xc2: {  	s0 =	sadd.s32 $0x8F2B, s0  }
0xc3: {  	[sflag:s0] =	ssyncadd.remote.s32 $0x1  }
0xc4: {  	_ =	sfence.sel $0xFFFF  }
0xc5: {  	[dreg:$0x0] =	wrdreg $0xFFFFFFFF;
	(pc) =	sbr.abs _section_cstart, $3  }
0xc6: {  	[dreg:$0x1] =	wrdreg $0xFFFFFFFF  }
0xc7: {  	_ =	task.clear_ibuf [dreg:s7], $0x2FFFF;
	_ =	strace $0x9FFFFFFF  }
0xc8: {  	(tm) =	ssettm $0x7FFFFFFF  }
0xc9: {  	_ =	shalt  }
tec
execute0_lowered:
.L_overlay_start_1:
0x0: {  	(tag) =	ssettag $0x1  }
0x1: {  	s1 =	srdreg.scid;
	s0 =	stileid.u32  }
0x2: {  	s1 =	sand.u32 $0x1, s1;
	s2 =	sshll.u32 s0, $0x1  }
0x3: {  	s6 =	rddreg [dreg:$0x0];
	s5 =	sor.u32 s1, s2  }
0x4: {  	s4 =	rddreg [dreg:$0x1];
	s2 =	simm.s32 $0x0;
	s3 =	sshll.u32 s5, $0xC  }
0x5: {  	[smem:$0x7FF] =	sst s2;
	s5 =	sshll.u32 s5, $0x5;
	s3 =	sadd.s32 s6, s3  }
0x6: {  	_ =	strace $0x8000004A;
	s4 =	sadd.s32 s4, s5;
	s7 =	sadd.s32 $0x800, s3  }
0x7: {  	[tilespmem:s2], [sflag:$0x2] =	stream.linear.gather [hbm4b:s4+s2], $0x100, $0x38;
	[tilespmem:$0x4100] =	vst v63  }
0x8: {  	s5 =	simm.s32 $0x2;
	[dreg:$0x3] =	wrdreg s7  }
0x9: {  	_ =	swait.ge [sflag:s5], $0x100  }
0xa: {  	s8 =	simm.s32 $0x100;
	s9 =	simm.s32 $0x1;
	[sflag:s5] =	ssyncset.done $0x0  }
0xb: {  	s6 =	sadd.s32 $0x281000, s6;
	s7 =	simm.s32 $0x80;
	[sflag:s5] =	ssyncadd.s32 $0xFFFFFF00  }
0xc: {  	[tilespmem:s8], [sflag:$0x1] =	stream.indirect.gather [hbm4b:s6+s7], $0x80, s2, s7, $0xb8;
	[tilespmem:$0x4100] =	vst v63  }
0xd: {  	_ =	swait.ge [sflag:s9], $0x4000  }
0xe: {  	[sflag:s9] =	ssyncset.done $0x0  }
0xf: {  	[sflag:s9] =	ssyncadd.s32 $0xFFFFC000  }
0x10: {  	[hbm4b:s3+s2] =	stream.linear.scatter [tilespmem:s8], [sflag:$0x2], $0x4000, $0x38;
	[tilespmem:$0x4100] =	vst v63  }
0x11: {  	_ =	swait.ge [sflag:s5], $0x4000  }
0x12: {  	[sflag:s5] =	ssyncset.done $0x0  }
0x13: {  	[sflag:s5] =	ssyncadd.s32 $0xFFFFC000  }
0x14: {  	[tilespmem:s8], [sflag:$0x1] =	stream.indirect.gather [hbm4b:s6+s7], $0x80, s7, s7, $0xb8;
	[tilespmem:$0x4100] =	vst v63  }
0x15: {  	_ =	swait.ge [sflag:s9], $0x4000  }
0x16: {  	[sflag:s9] =	ssyncset.done $0x0  }
0x17: {  	s10 =	rddreg [dreg:$0x3];
	[sflag:s9] =	ssyncadd.s32 $0xFFFFC000  }
0x18: {  	[hbm4b:s10+s2] =	stream.linear.scatter [tilespmem:s8], [sflag:$0x2], $0x4000, $0x38;
	[tilespmem:$0x4100] =	vst v63  }
0x19: {  	_ =	swait.ge [sflag:s5], $0x4000  }
0x1a: {  	[sflag:s5] =	ssyncset.done $0x0  }
0x1b: {  	s10 =	sadd.s32 $0x400, s4;
	[sflag:s5] =	ssyncadd.s32 $0xFFFFC000  }
0x1c: {  	[tilespmem:s2], [sflag:$0x2] =	stream.linear.gather [hbm4b:s10+s2], $0x100, $0x38;
	[tilespmem:$0x4100] =	vst v63  }
0x1d: {  	_ =	swait.ge [sflag:s5], $0x100  }
0x1e: {  	[sflag:s5] =	ssyncset.done $0x0  }
0x1f: {  	[sflag:s5] =	ssyncadd.s32 $0xFFFFFF00  }
0x20: {  	[tilespmem:s8], [sflag:$0x1] =	stream.indirect.gather [hbm4b:s6+s7], $0x80, s2, s7, $0xb8;
	[tilespmem:$0x4100] =	vst v63  }
0x21: {  	_ =	swait.ge [sflag:s9], $0x4000  }
0x22: {  	[sflag:s9] =	ssyncset.done $0x0  }
0x23: {  	s11 =	sadd.s32 $0x20000, s3;
	[sflag:s9] =	ssyncadd.s32 $0xFFFFC000  }
0x24: {  	[hbm4b:s11+s2] =	stream.linear.scatter [tilespmem:s8], [sflag:$0x2], $0x4000, $0x38;
	[tilespmem:$0x4100] =	vst v63  }
0x25: {  	_ =	swait.ge [sflag:s5], $0x4000  }
0x26: {  	[sflag:s5] =	ssyncset.done $0x0  }
0x27: {  	[sflag:s5] =	ssyncadd.s32 $0xFFFFC000  }
0x28: {  	[tilespmem:s8], [sflag:$0x1] =	stream.indirect.gather [hbm4b:s6+s7], $0x80, s7, s7, $0xb8;
	[tilespmem:$0x4100] =	vst v63  }
0x29: {  	_ =	swait.ge [sflag:s9], $0x4000  }
0x2a: {  	[sflag:s9] =	ssyncset.done $0x0  }
0x2b: {  	s12 =	sadd.s32 $0x20800, s3;
	[sflag:s9] =	ssyncadd.s32 $0xFFFFC000  }
0x2c: {  	[hbm4b:s12+s2] =	stream.linear.scatter [tilespmem:s8], [sflag:$0x2], $0x4000, $0x38;
	[tilespmem:$0x4100] =	vst v63  }
0x2d: {  	_ =	swait.ge [sflag:s5], $0x4000  }
0x2e: {  	[sflag:s5] =	ssyncset.done $0x0  }
0x2f: {  	s13 =	sadd.s32 $0x800, s4;
	[sflag:s5] =	ssyncadd.s32 $0xFFFFC000  }
0x30: {  	[tilespmem:s2], [sflag:$0x2] =	stream.linear.gather [hbm4b:s13+s2], $0x100, $0x38;
	[tilespmem:$0x4100] =	vst v63  }
0x31: {  	_ =	swait.ge [sflag:s5], $0x100  }
0x32: {  	[sflag:s5] =	ssyncset.done $0x0  }
0x33: {  	[sflag:s5] =	ssyncadd.s32 $0xFFFFFF00  }
0x34: {  	[tilespmem:s8], [sflag:$0x1] =	stream.indirect.gather [hbm4b:s6+s7], $0x80, s2, s7, $0xb8;
	[tilespmem:$0x4100] =	vst v63  }
0x35: {  	_ =	swait.ge [sflag:s9], $0x4000  }
0x36: {  	[sflag:s9] =	ssyncset.done $0x0  }
0x37: {  	s14 =	sadd.s32 $0x40000, s3;
	[sflag:s9] =	ssyncadd.s32 $0xFFFFC000  }
0x38: {  	[hbm4b:s14+s2] =	stream.linear.scatter [tilespmem:s8], [sflag:$0x2], $0x4000, $0x38;
	[tilespmem:$0x4100] =	vst v63  }
0x39: {  	_ =	swait.ge [sflag:s5], $0x4000  }
0x3a: {  	[sflag:s5] =	ssyncset.done $0x0  }
0x3b: {  	[sflag:s5] =	ssyncadd.s32 $0xFFFFC000  }
0x3c: {  	[tilespmem:s8], [sflag:$0x1] =	stream.indirect.gather [hbm4b:s6+s7], $0x80, s7, s7, $0xb8;
	[tilespmem:$0x4100] =	vst v63  }
0x3d: {  	_ =	swait.ge [sflag:s9], $0x4000  }
0x3e: {  	[sflag:s9] =	ssyncset.done $0x0  }
0x3f: {  	s15 =	sadd.s32 $0x40800, s3;
	[sflag:s9] =	ssyncadd.s32 $0xFFFFC000  }
0x40: {  	[hbm4b:s15+s2] =	stream.linear.scatter [tilespmem:s8], [sflag:$0x2], $0x4000, $0x38;
	[tilespmem:$0x4100] =	vst v63  }
0x41: {  	_ =	swait.ge [sflag:s5], $0x4000  }
0x42: {  	[sflag:s5] =	ssyncset.done $0x0  }
0x43: {  	s16 =	sadd.s32 $0xC00, s4;
	[sflag:s5] =	ssyncadd.s32 $0xFFFFC000  }
0x44: {  	[tilespmem:s2], [sflag:$0x2] =	stream.linear.gather [hbm4b:s16+s2], $0x100, $0x38;
	[tilespmem:$0x4100] =	vst v63  }
0x45: {  	_ =	swait.ge [sflag:s5], $0x100  }
0x46: {  	[sflag:s5] =	ssyncset.done $0x0  }
0x47: {  	[sflag:s5] =	ssyncadd.s32 $0xFFFFFF00  }
0x48: {  	[tilespmem:s8], [sflag:$0x1] =	stream.indirect.gather [hbm4b:s6+s7], $0x80, s2, s7, $0xb8;
	[tilespmem:$0x4100] =	vst v63  }
0x49: {  	_ =	swait.ge [sflag:s9], $0x4000  }
0x4a: {  	[sflag:s9] =	ssyncset.done $0x0  }
0x4b: {  	s17 =	sadd.s32 $0x60000, s3;
	[sflag:s9] =	ssyncadd.s32 $0xFFFFC000  }
0x4c: {  	[hbm4b:s17+s2] =	stream.linear.scatter [tilespmem:s8], [sflag:$0x2], $0x4000, $0x38;
	[tilespmem:$0x4100] =	vst v63  }
0x4d: {  	_ =	swait.ge [sflag:s5], $0x4000  }
0x4e: {  	[sflag:s5] =	ssyncset.done $0x0  }
0x4f: {  	[sflag:s5] =	ssyncadd.s32 $0xFFFFC000  }
0x50: {  	[tilespmem:s8], [sflag:$0x1] =	stream.indirect.gather [hbm4b:s6+s7], $0x80, s7, s7, $0xb8;
	[tilespmem:$0x4100] =	vst v63  }
0x51: {  	_ =	swait.ge [sflag:s9], $0x4000  }
0x52: {  	[sflag:s9] =	ssyncset.done $0x0  }
0x53: {  	s18 =	sadd.s32 $0x60800, s3;
	[sflag:s9] =	ssyncadd.s32 $0xFFFFC000  }
0x54: {  	[hbm4b:s18+s2] =	stream.linear.scatter [tilespmem:s8], [sflag:$0x2], $0x4000, $0x38;
	[tilespmem:$0x4100] =	vst v63  }
0x55: {  	_ =	swait.ge [sflag:s5], $0x4000  }
0x56: {  	[sflag:s5] =	ssyncset.done $0x0  }
0x57: {  	s19 =	sadd.s32 $0x1000, s4;
	[sflag:s5] =	ssyncadd.s32 $0xFFFFC000  }
0x58: {  	[tilespmem:s2], [sflag:$0x2] =	stream.linear.gather [hbm4b:s19+s2], $0x100, $0x38;
	[tilespmem:$0x4100] =	vst v63  }
0x59: {  	_ =	swait.ge [sflag:s5], $0x100  }
0x5a: {  	[sflag:s5] =	ssyncset.done $0x0  }
0x5b: {  	[sflag:s5] =	ssyncadd.s32 $0xFFFFFF00  }
0x5c: {  	[tilespmem:s8], [sflag:$0x1] =	stream.indirect.gather [hbm4b:s6+s7], $0x80, s2, s7, $0xb8;
	[tilespmem:$0x4100] =	vst v63  }
0x5d: {  	_ =	swait.ge [sflag:s9], $0x4000  }
0x5e: {  	[sflag:s9] =	ssyncset.done $0x0  }
0x5f: {  	s20 =	sadd.s32 $0x80000, s3;
	[sflag:s9] =	ssyncadd.s32 $0xFFFFC000  }
0x60: {  	[hbm4b:s20+s2] =	stream.linear.scatter [tilespmem:s8], [sflag:$0x2], $0x4000, $0x38;
	[tilespmem:$0x4100] =	vst v63  }
0x61: {  	_ =	swait.ge [sflag:s5], $0x4000  }
0x62: {  	[sflag:s5] =	ssyncset.done $0x0  }
0x63: {  	[sflag:s5] =	ssyncadd.s32 $0xFFFFC000  }
0x64: {  	[tilespmem:s8], [sflag:$0x1] =	stream.indirect.gather [hbm4b:s6+s7], $0x80, s7, s7, $0xb8;
	[tilespmem:$0x4100] =	vst v63  }
0x65: {  	_ =	swait.ge [sflag:s9], $0x4000  }
0x66: {  	[sflag:s9] =	ssyncset.done $0x0  }
0x67: {  	s21 =	sadd.s32 $0x80800, s3;
	[sflag:s9] =	ssyncadd.s32 $0xFFFFC000  }
0x68: {  	[hbm4b:s21+s2] =	stream.linear.scatter [tilespmem:s8], [sflag:$0x2], $0x4000, $0x38;
	[tilespmem:$0x4100] =	vst v63  }
0x69: {  	_ =	swait.ge [sflag:s5], $0x4000  }
0x6a: {  	[sflag:s5] =	ssyncset.done $0x0  }
0x6b: {  	s22 =	sadd.s32 $0x1400, s4;
	[sflag:s5] =	ssyncadd.s32 $0xFFFFC000  }
0x6c: {  	[tilespmem:s2], [sflag:$0x2] =	stream.linear.gather [hbm4b:s22+s2], $0x100, $0x38;
	[tilespmem:$0x4100] =	vst v63  }
0x6d: {  	_ =	swait.ge [sflag:s5], $0x100  }
0x6e: {  	[sflag:s5] =	ssyncset.done $0x0  }
0x6f: {  	[sflag:s5] =	ssyncadd.s32 $0xFFFFFF00  }
0x70: {  	[tilespmem:s8], [sflag:$0x1] =	stream.indirect.gather [hbm4b:s6+s7], $0x80, s2, s7, $0xb8;
	[tilespmem:$0x4100] =	vst v63  }
0x71: {  	_ =	swait.ge [sflag:s9], $0x4000  }
0x72: {  	[sflag:s9] =	ssyncset.done $0x0  }
0x73: {  	s23 =	sadd.s32 $0xA0000, s3;
	[sflag:s9] =	ssyncadd.s32 $0xFFFFC000  }
0x74: {  	[hbm4b:s23+s2] =	stream.linear.scatter [tilespmem:s8], [sflag:$0x2], $0x4000, $0x38;
	[tilespmem:$0x4100] =	vst v63  }
0x75: {  	_ =	swait.ge [sflag:s5], $0x4000  }
0x76: {  	[sflag:s5] =	ssyncset.done $0x0  }
0x77: {  	[sflag:s5] =	ssyncadd.s32 $0xFFFFC000  }
0x78: {  	[tilespmem:s8], [sflag:$0x1] =	stream.indirect.gather [hbm4b:s6+s7], $0x80, s7, s7, $0xb8;
	[tilespmem:$0x4100] =	vst v63  }
0x79: {  	_ =	swait.ge [sflag:s9], $0x4000  }
0x7a: {  	[sflag:s9] =	ssyncset.done $0x0  }
0x7b: {  	s24 =	sadd.s32 $0xA0800, s3;
	[sflag:s9] =	ssyncadd.s32 $0xFFFFC000  }
0x7c: {  	[hbm4b:s24+s2] =	stream.linear.scatter [tilespmem:s8], [sflag:$0x2], $0x4000, $0x38;
	[tilespmem:$0x4100] =	vst v63  }
0x7d: {  	_ =	swait.ge [sflag:s5], $0x4000  }
0x7e: {  	[sflag:s5] =	ssyncset.done $0x0  }
0x7f: {  	s25 =	sadd.s32 $0x1800, s4;
	[sflag:s5] =	ssyncadd.s32 $0xFFFFC000  }
0x80: {  	[tilespmem:s2], [sflag:$0x2] =	stream.linear.gather [hbm4b:s25+s2], $0x100, $0x38;
	[tilespmem:$0x4100] =	vst v63  }
0x81: {  	_ =	swait.ge [sflag:s5], $0x100  }
0x82: {  	[sflag:s5] =	ssyncset.done $0x0  }
0x83: {  	[sflag:s5] =	ssyncadd.s32 $0xFFFFFF00  }
0x84: {  	[tilespmem:s8], [sflag:$0x1] =	stream.indirect.gather [hbm4b:s6+s7], $0x80, s2, s7, $0xb8;
	[tilespmem:$0x4100] =	vst v63  }
0x85: {  	_ =	swait.ge [sflag:s9], $0x4000  }
0x86: {  	[sflag:s9] =	ssyncset.done $0x0  }
0x87: {  	s26 =	sadd.s32 $0xC0000, s3;
	[sflag:s9] =	ssyncadd.s32 $0xFFFFC000  }
0x88: {  	[hbm4b:s26+s2] =	stream.linear.scatter [tilespmem:s8], [sflag:$0x2], $0x4000, $0x38;
	[tilespmem:$0x4100] =	vst v63  }
0x89: {  	_ =	swait.ge [sflag:s5], $0x4000  }
0x8a: {  	[sflag:s5] =	ssyncset.done $0x0  }
0x8b: {  	[sflag:s5] =	ssyncadd.s32 $0xFFFFC000  }
0x8c: {  	[tilespmem:s8], [sflag:$0x1] =	stream.indirect.gather [hbm4b:s6+s7], $0x80, s7, s7, $0xb8;
	[tilespmem:$0x4100] =	vst v63  }
0x8d: {  	_ =	swait.ge [sflag:s9], $0x4000  }
0x8e: {  	[sflag:s9] =	ssyncset.done $0x0  }
0x8f: {  	s28 =	sadd.s32 $0xC0800, s3;
	[sflag:s9] =	ssyncadd.s32 $0xFFFFC000  }
0x90: {  	[hbm4b:s28+s2] =	stream.linear.scatter [tilespmem:s8], [sflag:$0x2], $0x4000, $0x38;
	[tilespmem:$0x4100] =	vst v63  }
0x91: {  	_ =	swait.ge [sflag:s5], $0x4000  }
0x92: {  	[sflag:s5] =	ssyncset.done $0x0  }
0x93: {  	s29 =	sadd.s32 $0x1C00, s4;
	[sflag:s5] =	ssyncadd.s32 $0xFFFFC000  }
0x94: {  	[tilespmem:s2], [sflag:$0x2] =	stream.linear.gather [hbm4b:s29+s2], $0x100, $0x38;
	[tilespmem:$0x4100] =	vst v63  }
0x95: {  	_ =	swait.ge [sflag:s5], $0x100  }
0x96: {  	[sflag:s5] =	ssyncset.done $0x0  }
0x97: {  	[sflag:s5] =	ssyncadd.s32 $0xFFFFFF00  }
0x98: {  	[tilespmem:s8], [sflag:$0x1] =	stream.indirect.gather [hbm4b:s6+s7], $0x80, s2, s7, $0xb8;
	[tilespmem:$0x4100] =	vst v63  }
0x99: {  	_ =	swait.ge [sflag:s9], $0x4000  }
0x9a: {  	[sflag:s9] =	ssyncset.done $0x0  }
0x9b: {  	s1 =	ssub.s32 $0x2, s1;
	s30 =	sadd.s32 $0xE0000, s3;
	[sflag:s9] =	ssyncadd.s32 $0xFFFFC000  }
0x9c: {  	[hbm4b:s30+s2] =	stream.linear.scatter [tilespmem:s8], [sflag:$0x2], $0x4000, $0x38;
	[tilespmem:$0x4100] =	vst v63  }
0x9d: {  	s31 =	sshrl.u32 s1, $0x1;
	_ =	swait.ge [sflag:s5], $0x4000  }
0x9e: {  	s1 =	ssub.s32 s1, s31;
	[sflag:s5] =	ssyncset.done $0x0  }
0x9f: {  	s1 =	smax.u32 s1, $0x1;
	[sflag:s5] =	ssyncadd.s32 $0xFFFFC000  }
0xa0: {  	[tilespmem:s8], [sflag:$0x1] =	stream.indirect.gather [hbm4b:s6+s7], $0x80, s7, s7, $0xb8;
	[tilespmem:$0x4100] =	vst v63  }
0xa1: {  	p0 =	sne.s32 s1, $0x1;
	_ =	swait.ge [sflag:s9], $0x4000  }
.Ltmp0:
0xa2: {  	[sflag:s9] =	ssyncset.done $0x0;
	(pc) =	sbr.rel @!p0 .LBB2_2-.Ltmp0, $4  }
0xa3: {  	s31 =	sadd.s32 $0xE0800, s3;
	[sflag:s9] =	ssyncadd.s32 $0xFFFFC000  }
0xa4: {  	[hbm4b:s31+s2] =	stream.linear.scatter [tilespmem:s8], [sflag:$0x2], $0x4000, $0x38;
	[tilespmem:$0x4100] =	vst v63  }
0xa5: {  	_ =	swait.ge [sflag:s5], $0x4000  }
0xa6: {  	s1 =	sadd.s32 $0xFFFFFFFF, s1;
	[sflag:s5] =	ssyncset.done $0x0  }
.LBB2_1:
0xa7: {  	[sflag:s5] =	ssyncadd.s32 $0xFFFFC000  }
0xa8: {  	[tilespmem:s2], [sflag:$0x2] =	stream.linear.gather [hbm4b:s4+s2], $0x100, $0x38;
	[tilespmem:$0x4100] =	vst v63  }
0xa9: {  	_ =	swait.ge [sflag:s5], $0x100  }
0xaa: {  	[sflag:s5] =	ssyncset.done $0x0  }
0xab: {  	[sflag:s5] =	ssyncadd.s32 $0xFFFFFF00  }
0xac: {  	[tilespmem:s8], [sflag:$0x1] =	stream.indirect.gather [hbm4b:s6+s7], $0x80, s2, s7, $0xb8;
	[tilespmem:$0x4100] =	vst v63  }
0xad: {  	_ =	swait.ge [sflag:s9], $0x4000  }
0xae: {  	[sflag:s9] =	ssyncset.done $0x0  }
0xaf: {  	[sflag:s9] =	ssyncadd.s32 $0xFFFFC000  }
0xb0: {  	[hbm4b:s3+s2] =	stream.linear.scatter [tilespmem:s8], [sflag:$0x2], $0x4000, $0x38;
	[tilespmem:$0x4100] =	vst v63  }
0xb1: {  	_ =	swait.ge [sflag:s5], $0x4000  }
0xb2: {  	[sflag:s5] =	ssyncset.done $0x0  }
0xb3: {  	[sflag:s5] =	ssyncadd.s32 $0xFFFFC000  }
0xb4: {  	[tilespmem:s8], [sflag:$0x1] =	stream.indirect.gather [hbm4b:s6+s7], $0x80, s7, s7, $0xb8;
	[tilespmem:$0x4100] =	vst v63  }
0xb5: {  	_ =	swait.ge [sflag:s9], $0x4000  }
0xb6: {  	[sflag:s9] =	ssyncset.done $0x0  }
0xb7: {  	s0 =	rddreg [dreg:$0x3];
	[sflag:s9] =	ssyncadd.s32 $0xFFFFC000  }
0xb8: {  	[hbm4b:s0+s2] =	stream.linear.scatter [tilespmem:s8], [sflag:$0x2], $0x4000, $0x38;
	[tilespmem:$0x4100] =	vst v63  }
0xb9: {  	_ =	swait.ge [sflag:s5], $0x4000  }
0xba: {  	[sflag:s5] =	ssyncset.done $0x0  }
0xbb: {  	[sflag:s5] =	ssyncadd.s32 $0xFFFFC000  }
0xbc: {  	[tilespmem:s2], [sflag:$0x2] =	stream.linear.gather [hbm4b:s10+s2], $0x100, $0x38;
	[tilespmem:$0x4100] =	vst v63  }
0xbd: {  	_ =	swait.ge [sflag:s5], $0x100  }
0xbe: {  	[sflag:s5] =	ssyncset.done $0x0  }
0xbf: {  	[sflag:s5] =	ssyncadd.s32 $0xFFFFFF00  }
0xc0: {  	[tilespmem:s8], [sflag:$0x1] =	stream.indirect.gather [hbm4b:s6+s7], $0x80, s2, s7, $0xb8;
	[tilespmem:$0x4100] =	vst v63  }
0xc1: {  	_ =	swait.ge [sflag:s9], $0x4000  }
0xc2: {  	[sflag:s9] =	ssyncset.done $0x0  }
0xc3: {  	[sflag:s9] =	ssyncadd.s32 $0xFFFFC000  }
0xc4: {  	[hbm4b:s11+s2] =	stream.linear.scatter [tilespmem:s8], [sflag:$0x2], $0x4000, $0x38;
	[tilespmem:$0x4100] =	vst v63  }
0xc5: {  	_ =	swait.ge [sflag:s5], $0x4000  }
0xc6: {  	[sflag:s5] =	ssyncset.done $0x0  }
0xc7: {  	[sflag:s5] =	ssyncadd.s32 $0xFFFFC000  }
0xc8: {  	[tilespmem:s8], [sflag:$0x1] =	stream.indirect.gather [hbm4b:s6+s7], $0x80, s7, s7, $0xb8;
	[tilespmem:$0x4100] =	vst v63  }
0xc9: {  	_ =	swait.ge [sflag:s9], $0x4000  }
0xca: {  	[sflag:s9] =	ssyncset.done $0x0  }
0xcb: {  	[sflag:s9] =	ssyncadd.s32 $0xFFFFC000  }
0xcc: {  	[hbm4b:s12+s2] =	stream.linear.scatter [tilespmem:s8], [sflag:$0x2], $0x4000, $0x38;
	[tilespmem:$0x4100] =	vst v63  }
0xcd: {  	_ =	swait.ge [sflag:s5], $0x4000  }
0xce: {  	[sflag:s5] =	ssyncset.done $0x0  }
0xcf: {  	[sflag:s5] =	ssyncadd.s32 $0xFFFFC000  }
0xd0: {  	[tilespmem:s2], [sflag:$0x2] =	stream.linear.gather [hbm4b:s13+s2], $0x100, $0x38;
	[tilespmem:$0x4100] =	vst v63  }
0xd1: {  	_ =	swait.ge [sflag:s5], $0x100  }
0xd2: {  	[sflag:s5] =	ssyncset.done $0x0  }
0xd3: {  	[sflag:s5] =	ssyncadd.s32 $0xFFFFFF00  }
0xd4: {  	[tilespmem:s8], [sflag:$0x1] =	stream.indirect.gather [hbm4b:s6+s7], $0x80, s2, s7, $0xb8;
	[tilespmem:$0x4100] =	vst v63  }
0xd5: {  	_ =	swait.ge [sflag:s9], $0x4000  }
0xd6: {  	[sflag:s9] =	ssyncset.done $0x0  }
0xd7: {  	[sflag:s9] =	ssyncadd.s32 $0xFFFFC000  }
0xd8: {  	[hbm4b:s14+s2] =	stream.linear.scatter [tilespmem:s8], [sflag:$0x2], $0x4000, $0x38;
	[tilespmem:$0x4100] =	vst v63  }
0xd9: {  	_ =	swait.ge [sflag:s5], $0x4000  }
0xda: {  	[sflag:s5] =	ssyncset.done $0x0  }
0xdb: {  	[sflag:s5] =	ssyncadd.s32 $0xFFFFC000  }
0xdc: {  	[tilespmem:s8], [sflag:$0x1] =	stream.indirect.gather [hbm4b:s6+s7], $0x80, s7, s7, $0xb8;
	[tilespmem:$0x4100] =	vst v63  }
0xdd: {  	_ =	swait.ge [sflag:s9], $0x4000  }
0xde: {  	[sflag:s9] =	ssyncset.done $0x0  }
0xdf: {  	[sflag:s9] =	ssyncadd.s32 $0xFFFFC000  }
0xe0: {  	[hbm4b:s15+s2] =	stream.linear.scatter [tilespmem:s8], [sflag:$0x2], $0x4000, $0x38;
	[tilespmem:$0x4100] =	vst v63  }
0xe1: {  	_ =	swait.ge [sflag:s5], $0x4000  }
0xe2: {  	[sflag:s5] =	ssyncset.done $0x0  }
0xe3: {  	[sflag:s5] =	ssyncadd.s32 $0xFFFFC000  }
0xe4: {  	[tilespmem:s2], [sflag:$0x2] =	stream.linear.gather [hbm4b:s16+s2], $0x100, $0x38;
	[tilespmem:$0x4100] =	vst v63  }
0xe5: {  	_ =	swait.ge [sflag:s5], $0x100  }
0xe6: {  	[sflag:s5] =	ssyncset.done $0x0  }
0xe7: {  	[sflag:s5] =	ssyncadd.s32 $0xFFFFFF00  }
0xe8: {  	[tilespmem:s8], [sflag:$0x1] =	stream.indirect.gather [hbm4b:s6+s7], $0x80, s2, s7, $0xb8;
	[tilespmem:$0x4100] =	vst v63  }
0xe9: {  	_ =	swait.ge [sflag:s9], $0x4000  }
0xea: {  	[sflag:s9] =	ssyncset.done $0x0  }
0xeb: {  	[sflag:s9] =	ssyncadd.s32 $0xFFFFC000  }
0xec: {  	[hbm4b:s17+s2] =	stream.linear.scatter [tilespmem:s8], [sflag:$0x2], $0x4000, $0x38;
	[tilespmem:$0x4100] =	vst v63  }
0xed: {  	_ =	swait.ge [sflag:s5], $0x4000  }
0xee: {  	[sflag:s5] =	ssyncset.done $0x0  }
0xef: {  	[sflag:s5] =	ssyncadd.s32 $0xFFFFC000  }
0xf0: {  	[tilespmem:s8], [sflag:$0x1] =	stream.indirect.gather [hbm4b:s6+s7], $0x80, s7, s7, $0xb8;
	[tilespmem:$0x4100] =	vst v63  }
0xf1: {  	_ =	swait.ge [sflag:s9], $0x4000  }
0xf2: {  	[sflag:s9] =	ssyncset.done $0x0  }
0xf3: {  	[sflag:s9] =	ssyncadd.s32 $0xFFFFC000  }
0xf4: {  	[hbm4b:s18+s2] =	stream.linear.scatter [tilespmem:s8], [sflag:$0x2], $0x4000, $0x38;
	[tilespmem:$0x4100] =	vst v63  }
0xf5: {  	_ =	swait.ge [sflag:s5], $0x4000  }
0xf6: {  	[sflag:s5] =	ssyncset.done $0x0  }
0xf7: {  	[sflag:s5] =	ssyncadd.s32 $0xFFFFC000  }
0xf8: {  	[tilespmem:s2], [sflag:$0x2] =	stream.linear.gather [hbm4b:s19+s2], $0x100, $0x38;
	[tilespmem:$0x4100] =	vst v63  }
0xf9: {  	_ =	swait.ge [sflag:s5], $0x100  }
0xfa: {  	[sflag:s5] =	ssyncset.done $0x0  }
0xfb: {  	[sflag:s5] =	ssyncadd.s32 $0xFFFFFF00  }
0xfc: {  	[tilespmem:s8], [sflag:$0x1] =	stream.indirect.gather [hbm4b:s6+s7], $0x80, s2, s7, $0xb8;
	[tilespmem:$0x4100] =	vst v63  }
0xfd: {  	_ =	swait.ge [sflag:s9], $0x4000  }
0xfe: {  	[sflag:s9] =	ssyncset.done $0x0  }
0xff: {  	[sflag:s9] =	ssyncadd.s32 $0xFFFFC000  }
0x100: {  	[hbm4b:s20+s2] =	stream.linear.scatter [tilespmem:s8], [sflag:$0x2], $0x4000, $0x38;
	[tilespmem:$0x4100] =	vst v63  }
0x101: {  	_ =	swait.ge [sflag:s5], $0x4000  }
0x102: {  	[sflag:s5] =	ssyncset.done $0x0  }
0x103: {  	[sflag:s5] =	ssyncadd.s32 $0xFFFFC000  }
0x104: {  	[tilespmem:s8], [sflag:$0x1] =	stream.indirect.gather [hbm4b:s6+s7], $0x80, s7, s7, $0xb8;
	[tilespmem:$0x4100] =	vst v63  }
0x105: {  	_ =	swait.ge [sflag:s9], $0x4000  }
0x106: {  	[sflag:s9] =	ssyncset.done $0x0  }
0x107: {  	[sflag:s9] =	ssyncadd.s32 $0xFFFFC000  }
0x108: {  	[hbm4b:s21+s2] =	stream.linear.scatter [tilespmem:s8], [sflag:$0x2], $0x4000, $0x38;
	[tilespmem:$0x4100] =	vst v63  }
0x109: {  	_ =	swait.ge [sflag:s5], $0x4000  }
0x10a: {  	[sflag:s5] =	ssyncset.done $0x0  }
0x10b: {  	[sflag:s5] =	ssyncadd.s32 $0xFFFFC000  }
0x10c: {  	[tilespmem:s2], [sflag:$0x2] =	stream.linear.gather [hbm4b:s22+s2], $0x100, $0x38;
	[tilespmem:$0x4100] =	vst v63  }
0x10d: {  	_ =	swait.ge [sflag:s5], $0x100  }
0x10e: {  	[sflag:s5] =	ssyncset.done $0x0  }
0x10f: {  	[sflag:s5] =	ssyncadd.s32 $0xFFFFFF00  }
0x110: {  	[tilespmem:s8], [sflag:$0x1] =	stream.indirect.gather [hbm4b:s6+s7], $0x80, s2, s7, $0xb8;
	[tilespmem:$0x4100] =	vst v63  }
0x111: {  	_ =	swait.ge [sflag:s9], $0x4000  }
0x112: {  	[sflag:s9] =	ssyncset.done $0x0  }
0x113: {  	[sflag:s9] =	ssyncadd.s32 $0xFFFFC000  }
0x114: {  	[hbm4b:s23+s2] =	stream.linear.scatter [tilespmem:s8], [sflag:$0x2], $0x4000, $0x38;
	[tilespmem:$0x4100] =	vst v63  }
0x115: {  	_ =	swait.ge [sflag:s5], $0x4000  }
0x116: {  	[sflag:s5] =	ssyncset.done $0x0  }
0x117: {  	[sflag:s5] =	ssyncadd.s32 $0xFFFFC000  }
0x118: {  	[tilespmem:s8], [sflag:$0x1] =	stream.indirect.gather [hbm4b:s6+s7], $0x80, s7, s7, $0xb8;
	[tilespmem:$0x4100] =	vst v63  }
0x119: {  	_ =	swait.ge [sflag:s9], $0x4000  }
0x11a: {  	[sflag:s9] =	ssyncset.done $0x0  }
0x11b: {  	[sflag:s9] =	ssyncadd.s32 $0xFFFFC000  }
0x11c: {  	[hbm4b:s24+s2] =	stream.linear.scatter [tilespmem:s8], [sflag:$0x2], $0x4000, $0x38;
	[tilespmem:$0x4100] =	vst v63  }
0x11d: {  	_ =	swait.ge [sflag:s5], $0x4000  }
0x11e: {  	[sflag:s5] =	ssyncset.done $0x0  }
0x11f: {  	[sflag:s5] =	ssyncadd.s32 $0xFFFFC000  }
0x120: {  	[tilespmem:s2], [sflag:$0x2] =	stream.linear.gather [hbm4b:s25+s2], $0x100, $0x38;
	[tilespmem:$0x4100] =	vst v63  }
0x121: {  	_ =	swait.ge [sflag:s5], $0x100  }
0x122: {  	[sflag:s5] =	ssyncset.done $0x0  }
0x123: {  	[sflag:s5] =	ssyncadd.s32 $0xFFFFFF00  }
0x124: {  	[tilespmem:s8], [sflag:$0x1] =	stream.indirect.gather [hbm4b:s6+s7], $0x80, s2, s7, $0xb8;
	[tilespmem:$0x4100] =	vst v63  }
0x125: {  	_ =	swait.ge [sflag:s9], $0x4000  }
0x126: {  	[sflag:s9] =	ssyncset.done $0x0  }
0x127: {  	[sflag:s9] =	ssyncadd.s32 $0xFFFFC000  }
0x128: {  	[hbm4b:s26+s2] =	stream.linear.scatter [tilespmem:s8], [sflag:$0x2], $0x4000, $0x38;
	[tilespmem:$0x4100] =	vst v63  }
0x129: {  	_ =	swait.ge [sflag:s5], $0x4000  }
0x12a: {  	[sflag:s5] =	ssyncset.done $0x0  }
0x12b: {  	[sflag:s5] =	ssyncadd.s32 $0xFFFFC000  }
0x12c: {  	[tilespmem:s8], [sflag:$0x1] =	stream.indirect.gather [hbm4b:s6+s7], $0x80, s7, s7, $0xb8;
	[tilespmem:$0x4100] =	vst v63  }
0x12d: {  	_ =	swait.ge [sflag:s9], $0x4000  }
0x12e: {  	[sflag:s9] =	ssyncset.done $0x0  }
0x12f: {  	[sflag:s9] =	ssyncadd.s32 $0xFFFFC000  }
0x130: {  	[hbm4b:s28+s2] =	stream.linear.scatter [tilespmem:s8], [sflag:$0x2], $0x4000, $0x38;
	[tilespmem:$0x4100] =	vst v63  }
0x131: {  	_ =	swait.ge [sflag:s5], $0x4000  }
0x132: {  	[sflag:s5] =	ssyncset.done $0x0  }
0x133: {  	[sflag:s5] =	ssyncadd.s32 $0xFFFFC000  }
0x134: {  	[tilespmem:s2], [sflag:$0x2] =	stream.linear.gather [hbm4b:s29+s2], $0x100, $0x38;
	[tilespmem:$0x4100] =	vst v63  }
0x135: {  	_ =	swait.ge [sflag:s5], $0x100  }
0x136: {  	[sflag:s5] =	ssyncset.done $0x0  }
0x137: {  	[sflag:s5] =	ssyncadd.s32 $0xFFFFFF00  }
0x138: {  	[tilespmem:s8], [sflag:$0x1] =	stream.indirect.gather [hbm4b:s6+s7], $0x80, s2, s7, $0xb8;
	[tilespmem:$0x4100] =	vst v63  }
0x139: {  	_ =	swait.ge [sflag:s9], $0x4000  }
0x13a: {  	[sflag:s9] =	ssyncset.done $0x0  }
0x13b: {  	[sflag:s9] =	ssyncadd.s32 $0xFFFFC000  }
0x13c: {  	[hbm4b:s30+s2] =	stream.linear.scatter [tilespmem:s8], [sflag:$0x2], $0x4000, $0x38;
	[tilespmem:$0x4100] =	vst v63  }
0x13d: {  	_ =	swait.ge [sflag:s5], $0x4000  }
0x13e: {  	[sflag:s5] =	ssyncset.done $0x0  }
0x13f: {  	[sflag:s5] =	ssyncadd.s32 $0xFFFFC000  }
0x140: {  	[tilespmem:s8], [sflag:$0x1] =	stream.indirect.gather [hbm4b:s6+s7], $0x80, s7, s7, $0xb8;
	[tilespmem:$0x4100] =	vst v63  }
0x141: {  	p0 =	sne.s32 s1, $0x1;
	_ =	swait.ge [sflag:s9], $0x4000  }
.Ltmp1:
0x142: {  	[sflag:s9] =	ssyncset.done $0x0;
	(pc) =	sbr.rel @p0 .LBB2_1-.Ltmp1, $4  }
0x143: {  	[sflag:s9] =	ssyncadd.s32 $0xFFFFC000  }
0x144: {  	[hbm4b:s31+s2] =	stream.linear.scatter [tilespmem:s8], [sflag:$0x2], $0x4000, $0x38;
	[tilespmem:$0x4100] =	vst v63  }
0x145: {  	_ =	swait.ge [sflag:s5], $0x4000  }
0x146: {  	s1 =	sadd.s32 $0xFFFFFFFF, s1;
	[sflag:s5] =	ssyncset.done $0x0  }
.LBB2_2:
0x147: {  	[sflag:s5] =	ssyncadd.s32 $0xFFFFC000  }
0x148: {  	_ =	sfence.sel $0x180000  }
0x149: {  	[bflag:$0x0] =	sbarrier.arrive $0xFFFF  }
0x14a: {  	_ =	strace $0x9000004A  }
0x14b: {  	s0 =	stileid.u32;
	[bflag:$0x2] =	sbarrier.arrive $0xFFFF  }
0x14c: {  	p0 =	sne.s32 s0, $0x0;
	s0 =	rddreg [dreg:$0x2]  }
0x14d: {  	s0 =	sadd.s32 @!p0 $0x100000, s0  }
0x14e: {  	[sflag:s0] =	ssyncadd.tile.s32 @!p0 $0x1;
	_ =	shalt  }
.Lfunc_end2:
_tile_overlayer_lowered:
.L_overlay_start_2:
0x14f: {  	(tag) =	ssettag $0x2  }
0x150: {  	s0 =	rddreg [dreg:$0x0];
	s2 =	stileid.u32  }
0x151: {  	s1 =	rddreg [dreg:$0x1];
	p0 =	sne.s32 s2, $0x0  }
0x152: {  	s3 =	rddreg [dreg:$0x2];
	[bflag:$0x3] =	sbarrier.arrive $0xFFFF;
	s2 =	simm.s32 @!p0 $0x1C02  }
0x153: {  	[timem:s3], [sflag:s2] =	dma.local @!p0 [hbm:s0], s1  }
0x154: {  	s0 =	simm.s32 @!p0 $0x2  }
0x155: {  	_ =	swait.ge @!p0 [sflag:s0], s1  }
0x156: {  	s1 =	ssub.s32 @!p0 $0x0, s1;
	[sflag:s0] =	ssyncset.done @!p0 $0x0  }
0x157: {  	[sflag:s0] =	ssyncadd.s32 @!p0 s1  }
0x158: {  	[bflag:$0x3] =	sbarrier.arrive $0xFFFF  }
0x159: {  	_ =	shalt  }

// kernel: kernel.7.cloned.1.call-start
scs
__scs_entry_jumppad:
0x0: {  	(pc) =	sbr.rel $0x88, $3  }
0x1: {  	(tag) =	ssettag $0x0;
	lr =	simm.s32 $0x1  }
0x2: {  	[smem:$0x3F97] =	sst lr;
	_ =	strace $0xD0000000  }
0x3: {  	_ = 	snop  }
0x4: {  	_ = 	snop  }
0x5: {  	_ = 	snop  }
0x6: {  	_ = 	snop  }
0x7: {  	_ = 	snop  }
__scs_overlays_trampoline_lowered:
0x8: {  	[smem:$0x3FA6] =	sst s0  }
0x9: {  	[smem:$0x3FA7] =	sst s1  }
0xa: {  	[smem:$0x3FA8] =	sst s2  }
0xb: {  	[smem:$0x3FA9] =	sst s3  }
0xc: {  	[smem:$0x3FAA] =	sst s4  }
0xd: {  	[smem:$0x3FAB] =	sst s5  }
0xe: {  	[smem:$0x3FAC] =	sst s6  }
0xf: {  	[smem:$0x3FAD] =	sst s7  }
0x10: {  	[smem:$0x3FAE] =	sst s8  }
0x11: {  	[smem:$0x3FAF] =	sst s9;
	s0 =	simm.s32 @!p0 $0x0  }
0x12: {  	s1 =	sld [smem:$0x3F95];
	s0 =	simm.s32 @p0 $0x1  }
0x13: {  	[smem:$0x3FB0] =	sst s0;
	s0 =	simm.s32 @!p1 $0x0  }
0x14: {  	s2 =	sld [smem:$0x3F94];
	s0 =	simm.s32 @p1 $0x1  }
0x15: {  	[smem:$0x3FB1] =	sst s0;
	s0 =	simm.s32 @!p2 $0x0  }
0x16: {  	s3 =	sld [smem:$0x3FDB];
	s0 =	simm.s32 @p2 $0x1  }
0x17: {  	s4 =	simm.s32 $0x1BF5;
	[smem:$0x3FB3] =	sst s0  }
0x18: {  	s0 =	sld [smem:$0x3F96];
	_ =	swait.ge [sflag:s4], $0x0  }
0x19: {  	s7 =	sld [smem:$0x3F97]  }
0x1a: {  	s8 =	sadd.s32 $0xFFFFE003, lr  }
0x1b: {  	s9 =	sadd.s32 $0xFFFFFEF7, lr;
	s5 =	simm.s32 $0xFFFFFFFF;
	p2 =	slt.u32 s8, $0xFFFFF086  }
0x1c: {  	p1 =	slt.u32 s9, $0xF7A;
	s5 =	simm.s32 @!p2 $0x0  }
0x1d: {  	s5 =	simm.s32 @p1 $0x1;
	p0 =	seq.s32 s7, s2  }
0x1e: {  	s7 =	smul.u32 @!p0 $0xF7A, s2;
	p2 =	seq.s32 @!p0 s5, $0x0  }
0x1f: {  	s9 =	smul.u32 $0xF7A, s1;
	s8 =	simm.s32 @!p0 $0x1BF5;
	p2 =	por !p2, p0  }
0x20: {  	[sflag:s8] =	ssyncset.s32 @!p0 $0xFFFFF086;
	s6 =	sadd.s32 @!p0 s3, s7;
	s7 =	simm.s32 @!p0 $0x108  }
0x21: {  	s3 =	sadd.s32 s3, s9;
	s6 =	sadd.s32 @!p0 $0x88, s6;
	s7 =	simm.s32 @p2 $0x1082  }
0x22: {  	[simem:s7], [sflag:s8] =	dma.local @!p0 [hbm:s6], $0xF7A  }
0x23: {  	s9 =	sor.u32 $0xD0000000, s2;
	s6 =	simm.s32 $0x108;
	_ =	swait.ge @!p0 [sflag:s8], $0x0  }
0x24: {  	s3 =	sadd.s32 $0x88, s3;
	s6 =	simm.s32 @!p1 $0x1082;
	[sflag:s4] =	ssyncset.s32 $0xFFFFF086  }
0x25: {  	[simem:s6], [sflag:s4] =	dma.local [hbm:s3], $0xF7A  }
0x26: {  	[smem:$0x3F97] =	sst s1;
	(tag) =	ssettag s2;
	_ =	strace s9  }
0x27: {  	s1 =	sld [smem:$0x3FA7]  }
0x28: {  	s2 =	sld [smem:$0x3FA8]  }
0x29: {  	s4 =	sld [smem:$0x3FAA]  }
0x2a: {  	p0 =	seq.s32 s5, $0x0;
	s5 =	sld [smem:$0x3FAB]  }
0x2b: {  	s6 =	sld [smem:$0x3FAC]  }
0x2c: {  	s7 =	sld [smem:$0x3FAD]  }
0x2d: {  	s3 =	simm.s32 $0x108;
	s8 =	sld [smem:$0x3FAE]  }
0x2e: {  	s3 =	simm.s32 @!p0 $0x1082;
	s9 =	sld [smem:$0x3FAF]  }
0x2f: {  	lr =	sadd.s32 s0, s3;
	s0 =	sld [smem:$0x3FA6]  }
0x30: {  	s3 =	sld [smem:$0x3FA9]  }
0x31: {  	[smem:$0x3FB2] =	sst s10  }
0x32: {  	s10 =	sld [smem:$0x3FB0];
	_ =	sdelay $0x3  }
0x33: {  	p0 =	seq.s32 s10, $0x1;
	s10 =	sld [smem:$0x3FB2];
	_ =	sdelay $0x3  }
0x34: {  	[smem:$0x3FB2] =	sst s10  }
0x35: {  	s10 =	sld [smem:$0x3FB1];
	_ =	sdelay $0x3  }
0x36: {  	p1 =	seq.s32 s10, $0x1;
	s10 =	sld [smem:$0x3FB2];
	_ =	sdelay $0x3  }
0x37: {  	[smem:$0x3FB2] =	sst s10  }
0x38: {  	s10 =	sld [smem:$0x3FB3]  }
0x39: {  	_ = 	snop;
	(pc) =	sbr.ind lr, $3  }
0x3a: {  	_ = 	snop  }
0x3b: {  	_ = 	snop  }
0x3c: {  	p2 =	seq.s32 s10, $0x1;
	s10 =	sld [smem:$0x3FB2]  }
0x3d: {  	_ =	shalt  }
0x3e: {  	_ =	shalt  }
0x3f: {  	_ =	shalt  }
0x40: {  	_ =	shalt  }
0x41: {  	_ =	shalt  }
0x42: {  	_ =	shalt  }
0x43: {  	_ =	shalt  }
0x44: {  	_ =	shalt  }
0x45: {  	_ =	shalt  }
0x46: {  	_ =	shalt  }
0x47: {  	_ =	shalt  }
0x48: {  	_ =	shalt  }
0x49: {  	_ =	shalt  }
0x4a: {  	_ =	shalt  }
0x4b: {  	_ =	shalt  }
0x4c: {  	_ =	shalt  }
0x4d: {  	_ =	shalt  }
0x4e: {  	_ =	shalt  }
0x4f: {  	_ =	shalt  }
0x50: {  	_ =	shalt  }
0x51: {  	_ =	shalt  }
0x52: {  	_ =	shalt  }
0x53: {  	_ =	shalt  }
0x54: {  	_ =	shalt  }
0x55: {  	_ =	shalt  }
0x56: {  	_ =	shalt  }
0x57: {  	_ =	shalt  }
0x58: {  	_ =	shalt  }
0x59: {  	_ =	shalt  }
0x5a: {  	_ =	shalt  }
0x5b: {  	_ =	shalt  }
0x5c: {  	_ =	shalt  }
0x5d: {  	_ =	shalt  }
0x5e: {  	_ =	shalt  }
0x5f: {  	_ =	shalt  }
0x60: {  	_ =	shalt  }
0x61: {  	_ =	shalt  }
0x62: {  	_ =	shalt  }
0x63: {  	_ =	shalt  }
0x64: {  	_ =	shalt  }
0x65: {  	_ =	shalt  }
0x66: {  	_ =	shalt  }
0x67: {  	_ =	shalt  }
0x68: {  	_ =	shalt  }
0x69: {  	_ =	shalt  }
0x6a: {  	_ =	shalt  }
0x6b: {  	_ =	shalt  }
0x6c: {  	_ =	shalt  }
0x6d: {  	_ =	shalt  }
0x6e: {  	_ =	shalt  }
0x6f: {  	_ =	shalt  }
0x70: {  	_ =	shalt  }
0x71: {  	_ =	shalt  }
0x72: {  	_ =	shalt  }
0x73: {  	_ =	shalt  }
0x74: {  	_ =	shalt  }
0x75: {  	_ =	shalt  }
0x76: {  	_ =	shalt  }
0x77: {  	_ =	shalt  }
0x78: {  	_ =	shalt  }
0x79: {  	_ =	shalt  }
0x7a: {  	_ =	shalt  }
0x7b: {  	_ =	shalt  }
0x7c: {  	_ =	shalt  }
0x7d: {  	_ =	shalt  }
0x7e: {  	_ =	shalt  }
0x7f: {  	_ =	shalt  }
0x80: {  	_ =	shalt  }
0x81: {  	_ =	shalt  }
0x82: {  	_ =	shalt  }
0x83: {  	_ =	shalt  }
0x84: {  	_ =	shalt  }
0x85: {  	_ =	shalt  }
0x86: {  	_ =	shalt  }
0x87: {  	_ =	shalt  }
.Lfunc_end0:
.L_simem_size_0:
called_computation_lowered:
.L_overlay_start_0:
0x88: {  	s2 =	sld [smem:$0x3FD9]  }
0x89: {  	s3 =	sld [smem:$0x3FFE];
	_ =	sdelay $0x1  }
0x8a: {  	s1 =	srdreg.scid  }
0x8b: {  	s0 =	sand.u32 $0x1, s1  }
0x8c: {  	s14 =	sshll.u32 s0, $0xA;
	s2 =	sadd.s32 s3, s2  }
0x8d: {  	s2 =	sadd.s32 s2, s14  }
0x8e: {  	[smem:$0x3FBE] =	sst s2  }
0x8f: {  	_ = 	snop  }
0x90: {  	s2 =	sld [smem:$0x3FD0];
	_ =	sdelay $0x2  }
0x91: {  	s15 =	simm.s32 $0xA;
	s4 =	simm.s32 $0x10  }
0x92: {  	[smem:s4], [sflag:s15] =	dma.local [hbm:s2], $0x1  }
0x93: {  	_ =	swait.eq [sflag:s15], $0x1  }
0x94: {  	[sflag:s15] =	ssyncset.done $0x0  }
0x95: {  	[sflag:s15] =	ssyncadd.s32 $0xFFFFFFFF  }
0x96: {  	s16 =	sld [smem:$0x11];
	(tm) =	ssettm $0x1  }
0x97: {  	s17 =	sld [smem:$0x3FFB];
	_ =	sdelay $0x3  }
0x98: {  	_ =	strace s17  }
0x99: {  	s3 =	sld [smem:$0x3FFC];
	_ =	sdelay $0x3  }
0x9a: {  	_ =	strace s3  }
0x9b: {  	s3 =	sld [smem:$0x3FFD];
	_ =	sdelay $0x3  }
0x9c: {  	_ =	strace s3  }
0x9d: {  	_ =	strace $0x8FFFFFFF  }
0x9e: {  	s18 =	sld [smem:$0x3FDB];
	_ =	sdelay $0x1  }
0x9f: {  	s19 =	simm.s32 $_scs_section_size  }
0xa0: {  	s5 =	simm.s32 $_size__tile_overlayer_lowered;
	s6 =	simm.s32 $_tile_overlayer_lowered  }
0xa1: {  	s22 =	simm.s32 $0x1BFF;
	s21 =	sshll.u32 s6, $0x1;
	s3 =	sadd.s32 s19, s18  }
0xa2: {  	s7 =	simm.s32 $0x0;
	s20 =	sshll.u32 s5, $0x1;
	s5 =	sadd.s32 s21, s3  }
0xa3: {  	[timem:s7], [sflag:s22] =	dma.local [hbm:s5], s20  }
0xa4: {  	_ =	swait.ge [sflag:s22], s20  }
0xa5: {  	s4 =	ssub.s32 $0x0, s20;
	[sflag:s22] =	ssyncset.done $0x0  }
0xa6: {  	[sflag:s22] =	ssyncadd.s32 s4;
	_ =	sdelay $0x1  }
0xa7: {  	s23 =	simm.s32 $0x1B8B  }
0xa8: {  	_ =	swait.ge [sflag:s23], $0x1  }
0xa9: {  	[sflag:s23] =	ssyncset.done $0x0  }
0xaa: {  	s25 =	simm.s32 $0x1B8E;
	s24 =	sld [smem:$0x3FFE];
	[sflag:s23] =	ssyncadd.s32 $0xFFFFFFFF  }
0xab: {  	s26 =	simm.s32 $execute0_lowered;
	[smem:$0x3FD2] =	sst s25  }
0xac: {  	s5 =	sshll.u32 s26, $0x1;
	_ =	strace $0x80000046;
	[dreg:$0x1] =	wrdreg $0xFFFFFFFF  }
0xad: {  	s28 =	simm.s32 $_size_execute0_lowered;
	s3 =	sadd.s32 s3, s5;
	[dreg:$0x0] =	wrdreg $0x0  }
0xae: {  	s5 =	sshll.u32 s28, $0x1;
	[dreg:$0x2] =	wrdreg s3  }
0xaf: {  	[dreg:$0x3] =	wrdreg s5  }
0xb0: {  	[dreg:$0x4] =	wrdreg $0xC0  }
0xb1: {  	_ =	task [dreg:s7], $0x5FFFF  }
0xb2: {  	[dreg:$0x1] =	wrdreg $0xFFFFFFFF  }
0xb3: {  	[dreg:$0x0] =	wrdreg $0x60  }
0xb4: {  	[dreg:$0x2] =	wrdreg s24  }
0xb5: {  	[dreg:$0x3] =	wrdreg s16  }
0xb6: {  	[dreg:$0x4] =	wrdreg $0x9  }
0xb7: {  	_ =	task.clear_ibuf [dreg:s7], $0x5FFFF;
	_ =	strace $0x90000046  }
0xb8: {  	s29 =	simm.s32 $0x9;
	_ =	strace $0x80000048  }
0xb9: {  	_ =	swait.ge [sflag:s29], $0x1  }
0xba: {  	[sflag:s29] =	ssyncadd.s32 $0xFFFFFFFF  }
0xbb: {  	_ =	strace $0x90000048  }
0xbc: {  	_ =	sfence  }
0xbd: {  	s30 =	sld [smem:$0x0];
	_ =	sdelay $0x2  }
0xbe: {  	s31 =	sshll.u32 s1, $0xD;
	s1 =	sshrl.u32 s1, $0x2  }
0xbf: {  	s3 =	sand.u32 $0x4000, s31;
	s1 =	sadd.s32 s1, s30  }
0xc0: {  	s0 =	sor.u32 s3, s0;
	s1 =	sshll.u32 s1, $0x11  }
0xc1: {  	s0 =	sor.u32 s1, s0  }
0xc2: {  	s0 =	sadd.s32 $0x8F2B, s0  }
0xc3: {  	[sflag:s0] =	ssyncadd.remote.s32 $0x1  }
0xc4: {  	_ =	sfence.sel $0xFFFF  }
0xc5: {  	[dreg:$0x0] =	wrdreg $0xFFFFFFFF;
	(pc) =	sbr.abs _section_cstart, $3  }
0xc6: {  	[dreg:$0x1] =	wrdreg $0xFFFFFFFF  }
0xc7: {  	_ =	task.clear_ibuf [dreg:s7], $0x2FFFF;
	_ =	strace $0x9FFFFFFF  }
0xc8: {  	(tm) =	ssettm $0x7FFFFFFF  }
0xc9: {  	_ =	shalt  }
tec
execute0_lowered:
.L_overlay_start_1:
0x0: {  	(tag) =	ssettag $0x1  }
0x1: {  	s0 =	srdreg.scid;
	s2 =	stileid.u32  }
0x2: {  	s1 =	rddreg [dreg:$0x0];
	s0 =	sand.u32 $0x1, s0;
	s2 =	sshll.u32 s2, $0x1  }
0x3: {  	s3 =	rddreg [dreg:$0x1];
	s4 =	sor.u32 s0, s2  }
0x4: {  	s2 =	simm.s32 $0x0;
	s5 =	sshll.u32 s4, $0x5;
	s4 =	sshll.u32 s4, $0xD  }
0x5: {  	[smem:$0x7FF] =	sst s2;
	s4 =	sadd.s32 s1, s4  }
0x6: {  	s6 =	sadd.s32 s3, s5;
	_ =	strace $0x80000047;
	[dreg:$0xc] =	wrdreg s4  }
0x7: {  	s3 =	sadd.s32 $0x400, s6;
	[dreg:$0xb] =	wrdreg s6  }
0x8: {  	s23 =	sadd.s32 $0x800, s6;
	[dreg:$0x3] =	wrdreg s3  }
0x9: {  	s24 =	sadd.s32 $0xC00, s6;
	[dreg:$0x4] =	wrdreg s23  }
0xa: {  	s8 =	simm.s32 $0x2;
	s25 =	sadd.s32 $0x40000, s4;
	[dreg:$0x5] =	wrdreg s24  }
0xb: {  	s14 =	simm.s32 $0x1;
	s26 =	sadd.s32 $0x1000, s6;
	[dreg:$0x6] =	wrdreg s25  }
0xc: {  	s0 =	ssub.s32 $0x2, s0;
	s28 =	sadd.s32 $0x1400, s6;
	[dreg:$0x7] =	wrdreg s26  }
0xd: {  	v2 =	vlaneseq.u32;
	s29 =	sshrl.u32 s0, $0x1;
	s30 =	sadd.s32 $0x1800, s6;
	[dreg:$0x8] =	wrdreg s28  }
0xe: {  	vm0 =	vmmov $0xffff;
	v1 =	vshrl.u32 v2, $0x3;
	s0 =	ssub.s32 s0, s29;
	s31 =	sadd.s32 $0x1C00, s6;
	[dreg:$0x9] =	wrdreg s30  }
0xf: {  	v0 =	vand.u32 $0x7, v2;
	v2 =	vor.u32 $0x8, v2;
	v1 =	vmul.u32 $0x8, v1;
	s5 =	sadd.s32 $0x80000, s1;
	s0 =	smax.u32 s0, $0x1;
	[dreg:$0xa] =	wrdreg s31  }
.LBB2_1:
0x10: {  	[dreg:$0xd] =	wrdreg s0  }
0x11: {  	s15 =	rddreg [dreg:$0xc];
	s22 =	simm.s32 $0x100  }
0x12: {  	[tilespmem:s22], [sflag:$0x2] =	stream.linear.gather [hbm4b:s15+s2], $0x10000, $0x38;
	[tilespmem:$0x10100] =	vst v63  }
0x13: {  	_ =	swait.ge [sflag:s8], $0x10000  }
0x14: {  	[sflag:s8] =	ssyncset.done $0x0  }
0x15: {  	s24 =	rddreg [dreg:$0xb];
	[sflag:s8] =	ssyncadd.s32 $0xFFFF0000  }
0x16: {  	[tilespmem:s2], [sflag:$0x2] =	stream.linear.gather [hbm4b:s24+s2], $0x100, $0x38;
	[tilespmem:$0x10100] =	vst v63  }
0x17: {  	_ =	swait.ge [sflag:s8], $0x100  }
0x18: {  	[sflag:s8] =	ssyncset.done $0x0  }
0x19: {  	[sflag:s8] =	ssyncadd.s32 $0xFFFFFF00  }
0x1a: {  	v3 =	vld [tilespmem:$0x0];
	_ =	sdelay $0x4  }
0x1b: {  	v4 =	vshll.u32 v3, $0x1  }
0x1c: {  	v3 =	vand.u32 $0x7, v3;
	v4 =	vand.u32 $0xFFFFFFF0, v4  }
0x1d: {  	v3 =	vor.u32 v3, v4  }
0x1e: {  	v4 =	vperm.xlane v3, v0;
	_ =	sdelay $0x1  }
0x1f: {  	v3 =	vperm.xlane v3, v2;
	v4 =	vadd.s32 v1, v4;
	_ =	sdelay $0x1  }
0x20: {  	v3 =	vadd.s32 v1, v3;
	_ =	sdelay $0x1  }
0x21: {  	s23 =	simm.s32 $0x100  }
0x22: {  	[hbm4b:s5+s2] =	stream.indirect_vreg.scatter [tilespmem:s23], [sflag:$0x1], $0x80, v4, vm0, $0xb8;
	[tilespmem:$0x10100] =	vst v63  }
0x23: {  	s25 =	simm.s32 $0x900  }
0x24: {  	[hbm4b:s5+s2] =	stream.indirect_vreg.scatter [tilespmem:s25], [sflag:$0x1], $0x80, v3, vm0, $0xb8;
	[tilespmem:$0x10100] =	vst v63  }
0x25: {  	v3 =	vld [tilespmem:$0x10];
	_ =	sdelay $0x4  }
0x26: {  	v49 =	vshll.u32 v3, $0x1  }
0x27: {  	v3 =	vand.u32 $0x7, v3;
	v4 =	vand.u32 $0xFFFFFFF0, v49  }
0x28: {  	v3 =	vor.u32 v3, v4  }
0x29: {  	v4 =	vperm.xlane v3, v0;
	_ =	sdelay $0x1  }
0x2a: {  	v3 =	vperm.xlane v3, v2;
	v4 =	vadd.s32 v1, v4;
	_ =	sdelay $0x1  }
0x2b: {  	v3 =	vadd.s32 v1, v3;
	_ =	sdelay $0x1  }
0x2c: {  	s26 =	simm.s32 $0x1100  }
0x2d: {  	[hbm4b:s5+s2] =	stream.indirect_vreg.scatter [tilespmem:s26], [sflag:$0x1], $0x80, v4, vm0, $0xb8;
	[tilespmem:$0x10100] =	vst v63  }
0x2e: {  	s28 =	simm.s32 $0x1900  }
0x2f: {  	[hbm4b:s5+s2] =	stream.indirect_vreg.scatter [tilespmem:s28], [sflag:$0x1], $0x80, v3, vm0, $0xb8;
	[tilespmem:$0x10100] =	vst v63  }
0x30: {  	v3 =	vld [tilespmem:$0x20];
	_ =	sdelay $0x4  }
0x31: {  	v50 =	vshll.u32 v3, $0x1  }
0x32: {  	v3 =	vand.u32 $0x7, v3;
	v4 =	vand.u32 $0xFFFFFFF0, v50  }
0x33: {  	v3 =	vor.u32 v3, v4  }
0x34: {  	v4 =	vperm.xlane v3, v0;
	_ =	sdelay $0x1  }
0x35: {  	v3 =	vperm.xlane v3, v2;
	v4 =	vadd.s32 v1, v4;
	_ =	sdelay $0x1  }
0x36: {  	v3 =	vadd.s32 v1, v3;
	_ =	sdelay $0x1  }
0x37: {  	s29 =	simm.s32 $0x2100  }
0x38: {  	[hbm4b:s5+s2] =	stream.indirect_vreg.scatter [tilespmem:s29], [sflag:$0x1], $0x80, v4, vm0, $0xb8;
	[tilespmem:$0x10100] =	vst v63  }
0x39: {  	s30 =	simm.s32 $0x2900  }
0x3a: {  	[hbm4b:s5+s2] =	stream.indirect_vreg.scatter [tilespmem:s30], [sflag:$0x1], $0x80, v3, vm0, $0xb8;
	[tilespmem:$0x10100] =	vst v63  }
0x3b: {  	v3 =	vld [tilespmem:$0x30];
	_ =	sdelay $0x4  }
0x3c: {  	v51 =	vshll.u32 v3, $0x1  }
0x3d: {  	v3 =	vand.u32 $0x7, v3;
	v4 =	vand.u32 $0xFFFFFFF0, v51  }
0x3e: {  	v3 =	vor.u32 v3, v4  }
0x3f: {  	v4 =	vperm.xlane v3, v0;
	_ =	sdelay $0x1  }
0x40: {  	v3 =	vperm.xlane v3, v2;
	v4 =	vadd.s32 v1, v4;
	_ =	sdelay $0x1  }
0x41: {  	v3 =	vadd.s32 v1, v3;
	_ =	sdelay $0x1  }
0x42: {  	s31 =	simm.s32 $0x3100  }
0x43: {  	[hbm4b:s5+s2] =	stream.indirect_vreg.scatter [tilespmem:s31], [sflag:$0x1], $0x80, v4, vm0, $0xb8;
	[tilespmem:$0x10100] =	vst v63  }
0x44: {  	s1 =	simm.s32 $0x3900  }
0x45: {  	[hbm4b:s5+s2] =	stream.indirect_vreg.scatter [tilespmem:s1], [sflag:$0x1], $0x80, v3, vm0, $0xb8;
	[tilespmem:$0x10100] =	vst v63  }
0x46: {  	v3 =	vld [tilespmem:$0x40];
	_ =	sdelay $0x4  }
0x47: {  	v52 =	vshll.u32 v3, $0x1  }
0x48: {  	v3 =	vand.u32 $0x7, v3;
	v4 =	vand.u32 $0xFFFFFFF0, v52  }
0x49: {  	v3 =	vor.u32 v3, v4  }
0x4a: {  	v4 =	vperm.xlane v3, v0;
	_ =	sdelay $0x1  }
0x4b: {  	v3 =	vperm.xlane v3, v2;
	v4 =	vadd.s32 v1, v4;
	_ =	sdelay $0x1  }
0x4c: {  	v3 =	vadd.s32 v1, v3;
	_ =	sdelay $0x1  }
0x4d: {  	s3 =	simm.s32 $0x4100  }
0x4e: {  	[hbm4b:s5+s2] =	stream.indirect_vreg.scatter [tilespmem:s3], [sflag:$0x1], $0x80, v4, vm0, $0xb8;
	[tilespmem:$0x10100] =	vst v63  }
0x4f: {  	s7 =	simm.s32 $0x4900  }
0x50: {  	[hbm4b:s5+s2] =	stream.indirect_vreg.scatter [tilespmem:s7], [sflag:$0x1], $0x80, v3, vm0, $0xb8;
	[tilespmem:$0x10100] =	vst v63  }
0x51: {  	v3 =	vld [tilespmem:$0x50];
	_ =	sdelay $0x4  }
0x52: {  	v53 =	vshll.u32 v3, $0x1  }
0x53: {  	v3 =	vand.u32 $0x7, v3;
	v4 =	vand.u32 $0xFFFFFFF0, v53  }
0x54: {  	v3 =	vor.u32 v3, v4  }
0x55: {  	v4 =	vperm.xlane v3, v0;
	_ =	sdelay $0x1  }
0x56: {  	v3 =	vperm.xlane v3, v2;
	v4 =	vadd.s32 v1, v4;
	_ =	sdelay $0x1  }
0x57: {  	v3 =	vadd.s32 v1, v3;
	_ =	sdelay $0x1  }
0x58: {  	s9 =	simm.s32 $0x5100  }
0x59: {  	[hbm4b:s5+s2] =	stream.indirect_vreg.scatter [tilespmem:s9], [sflag:$0x1], $0x80, v4, vm0, $0xb8;
	[tilespmem:$0x10100] =	vst v63  }
0x5a: {  	s10 =	simm.s32 $0x5900  }
0x5b: {  	[hbm4b:s5+s2] =	stream.indirect_vreg.scatter [tilespmem:s10], [sflag:$0x1], $0x80, v3, vm0, $0xb8;
	[tilespmem:$0x10100] =	vst v63  }
0x5c: {  	v3 =	vld [tilespmem:$0x60];
	_ =	sdelay $0x4  }
0x5d: {  	v54 =	vshll.u32 v3, $0x1  }
0x5e: {  	v3 =	vand.u32 $0x7, v3;
	v4 =	vand.u32 $0xFFFFFFF0, v54  }
0x5f: {  	v3 =	vor.u32 v3, v4  }
0x60: {  	v4 =	vperm.xlane v3, v0;
	_ =	sdelay $0x1  }
0x61: {  	v3 =	vperm.xlane v3, v2;
	v4 =	vadd.s32 v1, v4;
	_ =	sdelay $0x1  }
0x62: {  	v3 =	vadd.s32 v1, v3;
	_ =	sdelay $0x1  }
0x63: {  	s11 =	simm.s32 $0x6100  }
0x64: {  	[hbm4b:s5+s2] =	stream.indirect_vreg.scatter [tilespmem:s11], [sflag:$0x1], $0x80, v4, vm0, $0xb8;
	[tilespmem:$0x10100] =	vst v63  }
0x65: {  	s12 =	simm.s32 $0x6900  }
0x66: {  	[hbm4b:s5+s2] =	stream.indirect_vreg.scatter [tilespmem:s12], [sflag:$0x1], $0x80, v3, vm0, $0xb8;
	[tilespmem:$0x10100] =	vst v63  }
0x67: {  	v3 =	vld [tilespmem:$0x70];
	_ =	sdelay $0x4  }
0x68: {  	v55 =	vshll.u32 v3, $0x1  }
0x69: {  	v3 =	vand.u32 $0x7, v3;
	v4 =	vand.u32 $0xFFFFFFF0, v55  }
0x6a: {  	v3 =	vor.u32 v3, v4  }
0x6b: {  	v4 =	vperm.xlane v3, v0;
	_ =	sdelay $0x1  }
0x6c: {  	v3 =	vperm.xlane v3, v2;
	v4 =	vadd.s32 v1, v4;
	_ =	sdelay $0x1  }
0x6d: {  	v3 =	vadd.s32 v1, v3;
	_ =	sdelay $0x1  }
0x6e: {  	s13 =	simm.s32 $0x7100  }
0x6f: {  	[hbm4b:s5+s2] =	stream.indirect_vreg.scatter [tilespmem:s13], [sflag:$0x1], $0x80, v4, vm0, $0xb8;
	[tilespmem:$0x10100] =	vst v63  }
0x70: {  	s15 =	simm.s32 $0x7900  }
0x71: {  	[hbm4b:s5+s2] =	stream.indirect_vreg.scatter [tilespmem:s15], [sflag:$0x1], $0x80, v3, vm0, $0xb8;
	[tilespmem:$0x10100] =	vst v63  }
0x72: {  	v3 =	vld [tilespmem:$0x80];
	_ =	sdelay $0x4  }
0x73: {  	v56 =	vshll.u32 v3, $0x1  }
0x74: {  	v3 =	vand.u32 $0x7, v3;
	v4 =	vand.u32 $0xFFFFFFF0, v56  }
0x75: {  	v3 =	vor.u32 v3, v4  }
0x76: {  	v4 =	vperm.xlane v3, v0;
	_ =	sdelay $0x1  }
0x77: {  	v3 =	vperm.xlane v3, v2;
	v4 =	vadd.s32 v1, v4;
	_ =	sdelay $0x1  }
0x78: {  	v3 =	vadd.s32 v1, v3;
	_ =	sdelay $0x1  }
0x79: {  	s16 =	simm.s32 $0x8100  }
0x7a: {  	[hbm4b:s5+s2] =	stream.indirect_vreg.scatter [tilespmem:s16], [sflag:$0x1], $0x80, v4, vm0, $0xb8;
	[tilespmem:$0x10100] =	vst v63  }
0x7b: {  	s3 =	simm.s32 $0x8900  }
0x7c: {  	[hbm4b:s5+s2] =	stream.indirect_vreg.scatter [tilespmem:s3], [sflag:$0x1], $0x80, v3, vm0, $0xb8;
	[tilespmem:$0x10100] =	vst v63  }
0x7d: {  	v3 =	vld [tilespmem:$0x90];
	_ =	sdelay $0x4  }
0x7e: {  	v57 =	vshll.u32 v3, $0x1  }
0x7f: {  	v3 =	vand.u32 $0x7, v3;
	v4 =	vand.u32 $0xFFFFFFF0, v57  }
0x80: {  	v3 =	vor.u32 v3, v4  }
0x81: {  	v4 =	vperm.xlane v3, v0;
	_ =	sdelay $0x1  }
0x82: {  	v3 =	vperm.xlane v3, v2;
	v4 =	vadd.s32 v1, v4;
	_ =	sdelay $0x1  }
0x83: {  	v3 =	vadd.s32 v1, v3;
	_ =	sdelay $0x1  }
0x84: {  	s17 =	simm.s32 $0x9100  }
0x85: {  	[hbm4b:s5+s2] =	stream.indirect_vreg.scatter [tilespmem:s17], [sflag:$0x1], $0x80, v4, vm0, $0xb8;
	[tilespmem:$0x10100] =	vst v63  }
0x86: {  	s18 =	simm.s32 $0x9900  }
0x87: {  	[hbm4b:s5+s2] =	stream.indirect_vreg.scatter [tilespmem:s18], [sflag:$0x1], $0x80, v3, vm0, $0xb8;
	[tilespmem:$0x10100] =	vst v63  }
0x88: {  	v3 =	vld [tilespmem:$0xA0];
	_ =	sdelay $0x4  }
0x89: {  	v58 =	vshll.u32 v3, $0x1  }
0x8a: {  	v3 =	vand.u32 $0x7, v3;
	v4 =	vand.u32 $0xFFFFFFF0, v58  }
0x8b: {  	v3 =	vor.u32 v3, v4  }
0x8c: {  	v4 =	vperm.xlane v3, v0;
	_ =	sdelay $0x1  }
0x8d: {  	v3 =	vperm.xlane v3, v2;
	v4 =	vadd.s32 v1, v4;
	_ =	sdelay $0x1  }
0x8e: {  	v3 =	vadd.s32 v1, v3;
	_ =	sdelay $0x1  }
0x8f: {  	s20 =	simm.s32 $0xA100  }
0x90: {  	[hbm4b:s5+s2] =	stream.indirect_vreg.scatter [tilespmem:s20], [sflag:$0x1], $0x80, v4, vm0, $0xb8;
	[tilespmem:$0x10100] =	vst v63  }
0x91: {  	s21 =	simm.s32 $0xA900  }
0x92: {  	[hbm4b:s5+s2] =	stream.indirect_vreg.scatter [tilespmem:s21], [sflag:$0x1], $0x80, v3, vm0, $0xb8;
	[tilespmem:$0x10100] =	vst v63  }
0x93: {  	v3 =	vld [tilespmem:$0xB0];
	_ =	sdelay $0x4  }
0x94: {  	v59 =	vshll.u32 v3, $0x1  }
0x95: {  	v3 =	vand.u32 $0x7, v3;
	v4 =	vand.u32 $0xFFFFFFF0, v59  }
0x96: {  	v3 =	vor.u32 v3, v4  }
0x97: {  	v4 =	vperm.xlane v3, v0;
	_ =	sdelay $0x1  }
0x98: {  	v3 =	vperm.xlane v3, v2;
	v4 =	vadd.s32 v1, v4;
	_ =	sdelay $0x1  }
0x99: {  	v3 =	vadd.s32 v1, v3;
	_ =	sdelay $0x1  }
0x9a: {  	s22 =	simm.s32 $0xB100  }
0x9b: {  	[hbm4b:s5+s2] =	stream.indirect_vreg.scatter [tilespmem:s22], [sflag:$0x1], $0x80, v4, vm0, $0xb8;
	[tilespmem:$0x10100] =	vst v63  }
0x9c: {  	s23 =	simm.s32 $0xB900  }
0x9d: {  	[hbm4b:s5+s2] =	stream.indirect_vreg.scatter [tilespmem:s23], [sflag:$0x1], $0x80, v3, vm0, $0xb8;
	[tilespmem:$0x10100] =	vst v63  }
0x9e: {  	v3 =	vld [tilespmem:$0xC0];
	_ =	sdelay $0x4  }
0x9f: {  	v60 =	vshll.u32 v3, $0x1  }
0xa0: {  	v3 =	vand.u32 $0x7, v3;
	v4 =	vand.u32 $0xFFFFFFF0, v60  }
0xa1: {  	v3 =	vor.u32 v3, v4  }
0xa2: {  	v4 =	vperm.xlane v3, v0;
	_ =	sdelay $0x1  }
0xa3: {  	v3 =	vperm.xlane v3, v2;
	v4 =	vadd.s32 v1, v4;
	_ =	sdelay $0x1  }
0xa4: {  	v3 =	vadd.s32 v1, v3;
	_ =	sdelay $0x1  }
0xa5: {  	s24 =	simm.s32 $0xC100  }
0xa6: {  	[hbm4b:s5+s2] =	stream.indirect_vreg.scatter [tilespmem:s24], [sflag:$0x1], $0x80, v4, vm0, $0xb8;
	[tilespmem:$0x10100] =	vst v63  }
0xa7: {  	s25 =	simm.s32 $0xC900  }
0xa8: {  	[hbm4b:s5+s2] =	stream.indirect_vreg.scatter [tilespmem:s25], [sflag:$0x1], $0x80, v3, vm0, $0xb8;
	[tilespmem:$0x10100] =	vst v63  }
0xa9: {  	v3 =	vld [tilespmem:$0xD0];
	_ =	sdelay $0x4  }
0xaa: {  	v61 =	vshll.u32 v3, $0x1  }
0xab: {  	v3 =	vand.u32 $0x7, v3;
	v4 =	vand.u32 $0xFFFFFFF0, v61  }
0xac: {  	v3 =	vor.u32 v3, v4  }
0xad: {  	v4 =	vperm.xlane v3, v0;
	_ =	sdelay $0x1  }
0xae: {  	v3 =	vperm.xlane v3, v2;
	v4 =	vadd.s32 v1, v4;
	_ =	sdelay $0x1  }
0xaf: {  	v3 =	vadd.s32 v1, v3;
	_ =	sdelay $0x1  }
0xb0: {  	s26 =	simm.s32 $0xD100  }
0xb1: {  	[hbm4b:s5+s2] =	stream.indirect_vreg.scatter [tilespmem:s26], [sflag:$0x1], $0x80, v4, vm0, $0xb8;
	[tilespmem:$0x10100] =	vst v63  }
0xb2: {  	s28 =	simm.s32 $0xD900  }
0xb3: {  	[hbm4b:s5+s2] =	stream.indirect_vreg.scatter [tilespmem:s28], [sflag:$0x1], $0x80, v3, vm0, $0xb8;
	[tilespmem:$0x10100] =	vst v63  }
0xb4: {  	v3 =	vld [tilespmem:$0xE0];
	_ =	sdelay $0x4  }
0xb5: {  	v62 =	vshll.u32 v3, $0x1  }
0xb6: {  	v3 =	vand.u32 $0x7, v3;
	v4 =	vand.u32 $0xFFFFFFF0, v62  }
0xb7: {  	v3 =	vor.u32 v3, v4  }
0xb8: {  	v4 =	vperm.xlane v3, v0;
	_ =	sdelay $0x1  }
0xb9: {  	v3 =	vperm.xlane v3, v2;
	v4 =	vadd.s32 v1, v4;
	_ =	sdelay $0x1  }
0xba: {  	v3 =	vadd.s32 v1, v3;
	_ =	sdelay $0x1  }
0xbb: {  	s29 =	simm.s32 $0xE100  }
0xbc: {  	[hbm4b:s5+s2] =	stream.indirect_vreg.scatter [tilespmem:s29], [sflag:$0x1], $0x80, v4, vm0, $0xb8;
	[tilespmem:$0x10100] =	vst v63  }
0xbd: {  	s30 =	simm.s32 $0xE900  }
0xbe: {  	[hbm4b:s5+s2] =	stream.indirect_vreg.scatter [tilespmem:s30], [sflag:$0x1], $0x80, v3, vm0, $0xb8;
	[tilespmem:$0x10100] =	vst v63  }
0xbf: {  	v3 =	vld [tilespmem:$0xF0];
	_ =	sdelay $0x4  }
0xc0: {  	v63 =	vshll.u32 v3, $0x1  }
0xc1: {  	v3 =	vand.u32 $0x7, v3;
	v4 =	vand.u32 $0xFFFFFFF0, v63  }
0xc2: {  	v3 =	vor.u32 v3, v4  }
0xc3: {  	v4 =	vperm.xlane v3, v0;
	_ =	sdelay $0x1  }
0xc4: {  	v3 =	vperm.xlane v3, v2;
	v4 =	vadd.s32 v1, v4;
	_ =	sdelay $0x1  }
0xc5: {  	v3 =	vadd.s32 v1, v3;
	_ =	sdelay $0x1  }
0xc6: {  	s31 =	simm.s32 $0xF100  }
0xc7: {  	[hbm4b:s5+s2] =	stream.indirect_vreg.scatter [tilespmem:s31], [sflag:$0x1], $0x80, v4, vm0, $0xb8;
	[tilespmem:$0x10100] =	vst v63  }
0xc8: {  	s0 =	simm.s32 $0xF900  }
0xc9: {  	[hbm4b:s5+s2] =	stream.indirect_vreg.scatter [tilespmem:s0], [sflag:$0x1], $0x80, v3, vm0, $0xb8;
	[tilespmem:$0x10100] =	vst v63  }
0xca: {  	_ =	swait.ge [sflag:s14], $0x8000  }
0xcb: {  	[sflag:s14] =	ssyncset.done $0x0  }
0xcc: {  	[sflag:s14] =	ssyncadd.s32 $0xFFFF8000  }
0xcd: {  	_ =	swait.ge [sflag:s14], $0x8000  }
0xce: {  	[sflag:s14] =	ssyncset.done $0x0  }
0xcf: {  	s1 =	rddreg [dreg:$0x3];
	[sflag:s14] =	ssyncadd.s32 $0xFFFF8000  }
0xd0: {  	[tilespmem:s2], [sflag:$0x2] =	stream.linear.gather [hbm4b:s1+s2], $0x100, $0x38;
	[tilespmem:$0x10100] =	vst v63  }
0xd1: {  	_ =	swait.ge [sflag:s8], $0x100  }
0xd2: {  	[sflag:s8] =	ssyncset.done $0x0  }
0xd3: {  	[sflag:s8] =	ssyncadd.s32 $0xFFFFFF00  }
0xd4: {  	v3 =	vld [tilespmem:$0x0];
	_ =	sdelay $0x4  }
0xd5: {  	v8 =	vshll.u32 v3, $0x1  }
0xd6: {  	v3 =	vand.u32 $0x7, v3;
	v4 =	vand.u32 $0xFFFFFFF0, v8  }
0xd7: {  	v3 =	vor.u32 v3, v4  }
0xd8: {  	v4 =	vperm.xlane v3, v0;
	_ =	sdelay $0x1  }
0xd9: {  	v3 =	vperm.xlane v3, v2;
	v4 =	vadd.s32 v1, v4;
	_ =	sdelay $0x1  }
0xda: {  	v3 =	vadd.s32 v1, v3;
	_ =	sdelay $0x1  }
0xdb: {  	s4 =	simm.s32 $0x100  }
0xdc: {  	[hbm4b:s5+s2] =	stream.indirect_vreg.scatter [tilespmem:s4], [sflag:$0x1], $0x80, v4, vm0, $0xb8;
	[tilespmem:$0x10100] =	vst v63  }
0xdd: {  	s18 =	simm.s32 $0x900  }
0xde: {  	[hbm4b:s5+s2] =	stream.indirect_vreg.scatter [tilespmem:s18], [sflag:$0x1], $0x80, v3, vm0, $0xb8;
	[tilespmem:$0x10100] =	vst v63  }
0xdf: {  	v3 =	vld [tilespmem:$0x10];
	_ =	sdelay $0x4  }
0xe0: {  	v9 =	vshll.u32 v3, $0x1  }
0xe1: {  	v3 =	vand.u32 $0x7, v3;
	v4 =	vand.u32 $0xFFFFFFF0, v9  }
0xe2: {  	v3 =	vor.u32 v3, v4  }
0xe3: {  	v4 =	vperm.xlane v3, v0;
	_ =	sdelay $0x1  }
0xe4: {  	v3 =	vperm.xlane v3, v2;
	v4 =	vadd.s32 v1, v4;
	_ =	sdelay $0x1  }
0xe5: {  	v3 =	vadd.s32 v1, v3;
	_ =	sdelay $0x1  }
0xe6: {  	s6 =	simm.s32 $0x1100  }
0xe7: {  	[hbm4b:s5+s2] =	stream.indirect_vreg.scatter [tilespmem:s6], [sflag:$0x1], $0x80, v4, vm0, $0xb8;
	[tilespmem:$0x10100] =	vst v63  }
0xe8: {  	s19 =	simm.s32 $0x1900  }
0xe9: {  	[hbm4b:s5+s2] =	stream.indirect_vreg.scatter [tilespmem:s19], [sflag:$0x1], $0x80, v3, vm0, $0xb8;
	[tilespmem:$0x10100] =	vst v63  }
0xea: {  	v3 =	vld [tilespmem:$0x20];
	_ =	sdelay $0x4  }
0xeb: {  	v10 =	vshll.u32 v3, $0x1  }
0xec: {  	v3 =	vand.u32 $0x7, v3;
	v4 =	vand.u32 $0xFFFFFFF0, v10  }
0xed: {  	v3 =	vor.u32 v3, v4  }
0xee: {  	v4 =	vperm.xlane v3, v0;
	_ =	sdelay $0x1  }
0xef: {  	v3 =	vperm.xlane v3, v2;
	v4 =	vadd.s32 v1, v4;
	_ =	sdelay $0x1  }
0xf0: {  	v3 =	vadd.s32 v1, v3;
	_ =	sdelay $0x1  }
0xf1: {  	s19 =	simm.s32 $0x2100  }
0xf2: {  	[hbm4b:s5+s2] =	stream.indirect_vreg.scatter [tilespmem:s19], [sflag:$0x1], $0x80, v4, vm0, $0xb8;
	[tilespmem:$0x10100] =	vst v63  }
0xf3: {  	s20 =	simm.s32 $0x2900  }
0xf4: {  	[hbm4b:s5+s2] =	stream.indirect_vreg.scatter [tilespmem:s20], [sflag:$0x1], $0x80, v3, vm0, $0xb8;
	[tilespmem:$0x10100] =	vst v63  }
0xf5: {  	v3 =	vld [tilespmem:$0x30];
	_ =	sdelay $0x4  }
0xf6: {  	v11 =	vshll.u32 v3, $0x1  }
0xf7: {  	v3 =	vand.u32 $0x7, v3;
	v4 =	vand.u32 $0xFFFFFFF0, v11  }
0xf8: {  	v3 =	vor.u32 v3, v4  }
0xf9: {  	v4 =	vperm.xlane v3, v0;
	_ =	sdelay $0x1  }
0xfa: {  	v3 =	vperm.xlane v3, v2;
	v4 =	vadd.s32 v1, v4;
	_ =	sdelay $0x1  }
0xfb: {  	v3 =	vadd.s32 v1, v3;
	_ =	sdelay $0x1  }
0xfc: {  	s21 =	simm.s32 $0x3100  }
0xfd: {  	[hbm4b:s5+s2] =	stream.indirect_vreg.scatter [tilespmem:s21], [sflag:$0x1], $0x80, v4, vm0, $0xb8;
	[tilespmem:$0x10100] =	vst v63  }
0xfe: {  	s22 =	simm.s32 $0x3900  }
0xff: {  	[hbm4b:s5+s2] =	stream.indirect_vreg.scatter [tilespmem:s22], [sflag:$0x1], $0x80, v3, vm0, $0xb8;
	[tilespmem:$0x10100] =	vst v63  }
0x100: {  	v3 =	vld [tilespmem:$0x40];
	_ =	sdelay $0x4  }
0x101: {  	v12 =	vshll.u32 v3, $0x1  }
0x102: {  	v3 =	vand.u32 $0x7, v3;
	v4 =	vand.u32 $0xFFFFFFF0, v12  }
0x103: {  	v3 =	vor.u32 v3, v4  }
0x104: {  	v4 =	vperm.xlane v3, v0;
	_ =	sdelay $0x1  }
0x105: {  	v3 =	vperm.xlane v3, v2;
	v4 =	vadd.s32 v1, v4;
	_ =	sdelay $0x1  }
0x106: {  	v3 =	vadd.s32 v1, v3;
	_ =	sdelay $0x1  }
0x107: {  	s23 =	simm.s32 $0x4100  }
0x108: {  	[hbm4b:s5+s2] =	stream.indirect_vreg.scatter [tilespmem:s23], [sflag:$0x1], $0x80, v4, vm0, $0xb8;
	[tilespmem:$0x10100] =	vst v63  }
0x109: {  	s24 =	simm.s32 $0x4900  }
0x10a: {  	[hbm4b:s5+s2] =	stream.indirect_vreg.scatter [tilespmem:s24], [sflag:$0x1], $0x80, v3, vm0, $0xb8;
	[tilespmem:$0x10100] =	vst v63  }
0x10b: {  	v3 =	vld [tilespmem:$0x50];
	_ =	sdelay $0x4  }
0x10c: {  	v13 =	vshll.u32 v3, $0x1  }
0x10d: {  	v3 =	vand.u32 $0x7, v3;
	v4 =	vand.u32 $0xFFFFFFF0, v13  }
0x10e: {  	v3 =	vor.u32 v3, v4  }
0x10f: {  	v4 =	vperm.xlane v3, v0;
	_ =	sdelay $0x1  }
0x110: {  	v3 =	vperm.xlane v3, v2;
	v4 =	vadd.s32 v1, v4;
	_ =	sdelay $0x1  }
0x111: {  	v3 =	vadd.s32 v1, v3;
	_ =	sdelay $0x1  }
0x112: {  	s25 =	simm.s32 $0x5100  }
0x113: {  	[hbm4b:s5+s2] =	stream.indirect_vreg.scatter [tilespmem:s25], [sflag:$0x1], $0x80, v4, vm0, $0xb8;
	[tilespmem:$0x10100] =	vst v63  }
0x114: {  	s26 =	simm.s32 $0x5900  }
0x115: {  	[hbm4b:s5+s2] =	stream.indirect_vreg.scatter [tilespmem:s26], [sflag:$0x1], $0x80, v3, vm0, $0xb8;
	[tilespmem:$0x10100] =	vst v63  }
0x116: {  	v3 =	vld [tilespmem:$0x60];
	_ =	sdelay $0x4  }
0x117: {  	v14 =	vshll.u32 v3, $0x1  }
0x118: {  	v3 =	vand.u32 $0x7, v3;
	v4 =	vand.u32 $0xFFFFFFF0, v14  }
0x119: {  	v3 =	vor.u32 v3, v4  }
0x11a: {  	v4 =	vperm.xlane v3, v0;
	_ =	sdelay $0x1  }
0x11b: {  	v3 =	vperm.xlane v3, v2;
	v4 =	vadd.s32 v1, v4;
	_ =	sdelay $0x1  }
0x11c: {  	v3 =	vadd.s32 v1, v3;
	_ =	sdelay $0x1  }
0x11d: {  	s28 =	simm.s32 $0x6100  }
0x11e: {  	[hbm4b:s5+s2] =	stream.indirect_vreg.scatter [tilespmem:s28], [sflag:$0x1], $0x80, v4, vm0, $0xb8;
	[tilespmem:$0x10100] =	vst v63  }
0x11f: {  	s29 =	simm.s32 $0x6900  }
0x120: {  	[hbm4b:s5+s2] =	stream.indirect_vreg.scatter [tilespmem:s29], [sflag:$0x1], $0x80, v3, vm0, $0xb8;
	[tilespmem:$0x10100] =	vst v63  }
0x121: {  	v3 =	vld [tilespmem:$0x70];
	_ =	sdelay $0x4  }
0x122: {  	v15 =	vshll.u32 v3, $0x1  }
0x123: {  	v3 =	vand.u32 $0x7, v3;
	v4 =	vand.u32 $0xFFFFFFF0, v15  }
0x124: {  	v3 =	vor.u32 v3, v4  }
0x125: {  	v4 =	vperm.xlane v3, v0;
	_ =	sdelay $0x1  }
0x126: {  	v3 =	vperm.xlane v3, v2;
	v4 =	vadd.s32 v1, v4;
	_ =	sdelay $0x1  }
0x127: {  	v3 =	vadd.s32 v1, v3;
	_ =	sdelay $0x1  }
0x128: {  	s30 =	simm.s32 $0x7100  }
0x129: {  	[hbm4b:s5+s2] =	stream.indirect_vreg.scatter [tilespmem:s30], [sflag:$0x1], $0x80, v4, vm0, $0xb8;
	[tilespmem:$0x10100] =	vst v63  }
0x12a: {  	s31 =	simm.s32 $0x7900  }
0x12b: {  	[hbm4b:s5+s2] =	stream.indirect_vreg.scatter [tilespmem:s31], [sflag:$0x1], $0x80, v3, vm0, $0xb8;
	[tilespmem:$0x10100] =	vst v63  }
0x12c: {  	v3 =	vld [tilespmem:$0x80];
	_ =	sdelay $0x4  }
0x12d: {  	v16 =	vshll.u32 v3, $0x1  }
0x12e: {  	v3 =	vand.u32 $0x7, v3;
	v4 =	vand.u32 $0xFFFFFFF0, v16  }
0x12f: {  	v3 =	vor.u32 v3, v4  }
0x130: {  	v4 =	vperm.xlane v3, v0;
	_ =	sdelay $0x1  }
0x131: {  	v3 =	vperm.xlane v3, v2;
	v4 =	vadd.s32 v1, v4;
	_ =	sdelay $0x1  }
0x132: {  	v3 =	vadd.s32 v1, v3;
	_ =	sdelay $0x1  }
0x133: {  	s6 =	simm.s32 $0x8100  }
0x134: {  	[hbm4b:s5+s2] =	stream.indirect_vreg.scatter [tilespmem:s6], [sflag:$0x1], $0x80, v4, vm0, $0xb8;
	[tilespmem:$0x10100] =	vst v63  }
0x135: {  	s7 =	simm.s32 $0x8900  }
0x136: {  	[hbm4b:s5+s2] =	stream.indirect_vreg.scatter [tilespmem:s7], [sflag:$0x1], $0x80, v3, vm0, $0xb8;
	[tilespmem:$0x10100] =	vst v63  }
0x137: {  	v3 =	vld [tilespmem:$0x90];
	_ =	sdelay $0x4  }
0x138: {  	v17 =	vshll.u32 v3, $0x1  }
0x139: {  	v3 =	vand.u32 $0x7, v3;
	v4 =	vand.u32 $0xFFFFFFF0, v17  }
0x13a: {  	v3 =	vor.u32 v3, v4  }
0x13b: {  	v4 =	vperm.xlane v3, v0;
	_ =	sdelay $0x1  }
0x13c: {  	v3 =	vperm.xlane v3, v2;
	v4 =	vadd.s32 v1, v4;
	_ =	sdelay $0x1  }
0x13d: {  	v3 =	vadd.s32 v1, v3;
	_ =	sdelay $0x1  }
0x13e: {  	s7 =	simm.s32 $0x9100  }
0x13f: {  	[hbm4b:s5+s2] =	stream.indirect_vreg.scatter [tilespmem:s7], [sflag:$0x1], $0x80, v4, vm0, $0xb8;
	[tilespmem:$0x10100] =	vst v63  }
0x140: {  	s9 =	simm.s32 $0x9900  }
0x141: {  	[hbm4b:s5+s2] =	stream.indirect_vreg.scatter [tilespmem:s9], [sflag:$0x1], $0x80, v3, vm0, $0xb8;
	[tilespmem:$0x10100] =	vst v63  }
0x142: {  	v3 =	vld [tilespmem:$0xA0];
	_ =	sdelay $0x4  }
0x143: {  	v18 =	vshll.u32 v3, $0x1  }
0x144: {  	v3 =	vand.u32 $0x7, v3;
	v4 =	vand.u32 $0xFFFFFFF0, v18  }
0x145: {  	v3 =	vor.u32 v3, v4  }
0x146: {  	v4 =	vperm.xlane v3, v0;
	_ =	sdelay $0x1  }
0x147: {  	v3 =	vperm.xlane v3, v2;
	v4 =	vadd.s32 v1, v4;
	_ =	sdelay $0x1  }
0x148: {  	v3 =	vadd.s32 v1, v3;
	_ =	sdelay $0x1  }
0x149: {  	s9 =	simm.s32 $0xA100  }
0x14a: {  	[hbm4b:s5+s2] =	stream.indirect_vreg.scatter [tilespmem:s9], [sflag:$0x1], $0x80, v4, vm0, $0xb8;
	[tilespmem:$0x10100] =	vst v63  }
0x14b: {  	s11 =	simm.s32 $0xA900  }
0x14c: {  	[hbm4b:s5+s2] =	stream.indirect_vreg.scatter [tilespmem:s11], [sflag:$0x1], $0x80, v3, vm0, $0xb8;
	[tilespmem:$0x10100] =	vst v63  }
0x14d: {  	v3 =	vld [tilespmem:$0xB0];
	_ =	sdelay $0x4  }
0x14e: {  	v19 =	vshll.u32 v3, $0x1  }
0x14f: {  	v3 =	vand.u32 $0x7, v3;
	v4 =	vand.u32 $0xFFFFFFF0, v19  }
0x150: {  	v3 =	vor.u32 v3, v4  }
0x151: {  	v4 =	vperm.xlane v3, v0;
	_ =	sdelay $0x1  }
0x152: {  	v3 =	vperm.xlane v3, v2;
	v4 =	vadd.s32 v1, v4;
	_ =	sdelay $0x1  }
0x153: {  	v3 =	vadd.s32 v1, v3;
	_ =	sdelay $0x1  }
0x154: {  	s11 =	simm.s32 $0xB100  }
0x155: {  	[hbm4b:s5+s2] =	stream.indirect_vreg.scatter [tilespmem:s11], [sflag:$0x1], $0x80, v4, vm0, $0xb8;
	[tilespmem:$0x10100] =	vst v63  }
0x156: {  	s13 =	simm.s32 $0xB900  }
0x157: {  	[hbm4b:s5+s2] =	stream.indirect_vreg.scatter [tilespmem:s13], [sflag:$0x1], $0x80, v3, vm0, $0xb8;
	[tilespmem:$0x10100] =	vst v63  }
0x158: {  	v3 =	vld [tilespmem:$0xC0];
	_ =	sdelay $0x4  }
0x159: {  	v20 =	vshll.u32 v3, $0x1  }
0x15a: {  	v3 =	vand.u32 $0x7, v3;
	v4 =	vand.u32 $0xFFFFFFF0, v20  }
0x15b: {  	v3 =	vor.u32 v3, v4  }
0x15c: {  	v4 =	vperm.xlane v3, v0;
	_ =	sdelay $0x1  }
0x15d: {  	v3 =	vperm.xlane v3, v2;
	v4 =	vadd.s32 v1, v4;
	_ =	sdelay $0x1  }
0x15e: {  	v3 =	vadd.s32 v1, v3;
	_ =	sdelay $0x1  }
0x15f: {  	s13 =	simm.s32 $0xC100  }
0x160: {  	[hbm4b:s5+s2] =	stream.indirect_vreg.scatter [tilespmem:s13], [sflag:$0x1], $0x80, v4, vm0, $0xb8;
	[tilespmem:$0x10100] =	vst v63  }
0x161: {  	s17 =	simm.s32 $0xC900  }
0x162: {  	[hbm4b:s5+s2] =	stream.indirect_vreg.scatter [tilespmem:s17], [sflag:$0x1], $0x80, v3, vm0, $0xb8;
	[tilespmem:$0x10100] =	vst v63  }
0x163: {  	v3 =	vld [tilespmem:$0xD0];
	_ =	sdelay $0x4  }
0x164: {  	v21 =	vshll.u32 v3, $0x1  }
0x165: {  	v3 =	vand.u32 $0x7, v3;
	v4 =	vand.u32 $0xFFFFFFF0, v21  }
0x166: {  	v3 =	vor.u32 v3, v4  }
0x167: {  	v4 =	vperm.xlane v3, v0;
	_ =	sdelay $0x1  }
0x168: {  	v3 =	vperm.xlane v3, v2;
	v4 =	vadd.s32 v1, v4;
	_ =	sdelay $0x1  }
0x169: {  	v3 =	vadd.s32 v1, v3;
	_ =	sdelay $0x1  }
0x16a: {  	s17 =	simm.s32 $0xD100  }
0x16b: {  	[hbm4b:s5+s2] =	stream.indirect_vreg.scatter [tilespmem:s17], [sflag:$0x1], $0x80, v4, vm0, $0xb8;
	[tilespmem:$0x10100] =	vst v63  }
0x16c: {  	s10 =	simm.s32 $0xD900  }
0x16d: {  	[hbm4b:s5+s2] =	stream.indirect_vreg.scatter [tilespmem:s10], [sflag:$0x1], $0x80, v3, vm0, $0xb8;
	[tilespmem:$0x10100] =	vst v63  }
0x16e: {  	v3 =	vld [tilespmem:$0xE0];
	_ =	sdelay $0x4  }
0x16f: {  	v22 =	vshll.u32 v3, $0x1  }
0x170: {  	v3 =	vand.u32 $0x7, v3;
	v4 =	vand.u32 $0xFFFFFFF0, v22  }
0x171: {  	v3 =	vor.u32 v3, v4  }
0x172: {  	v4 =	vperm.xlane v3, v0;
	_ =	sdelay $0x1  }
0x173: {  	v3 =	vperm.xlane v3, v2;
	v4 =	vadd.s32 v1, v4;
	_ =	sdelay $0x1  }
0x174: {  	v3 =	vadd.s32 v1, v3;
	_ =	sdelay $0x1  }
0x175: {  	s15 =	simm.s32 $0xE100  }
0x176: {  	[hbm4b:s5+s2] =	stream.indirect_vreg.scatter [tilespmem:s15], [sflag:$0x1], $0x80, v4, vm0, $0xb8;
	[tilespmem:$0x10100] =	vst v63  }
0x177: {  	s12 =	simm.s32 $0xE900  }
0x178: {  	[hbm4b:s5+s2] =	stream.indirect_vreg.scatter [tilespmem:s12], [sflag:$0x1], $0x80, v3, vm0, $0xb8;
	[tilespmem:$0x10100] =	vst v63  }
0x179: {  	v3 =	vld [tilespmem:$0xF0];
	_ =	sdelay $0x4  }
0x17a: {  	v23 =	vshll.u32 v3, $0x1  }
0x17b: {  	v3 =	vand.u32 $0x7, v3;
	v4 =	vand.u32 $0xFFFFFFF0, v23  }
0x17c: {  	v3 =	vor.u32 v3, v4  }
0x17d: {  	v4 =	vperm.xlane v3, v0;
	_ =	sdelay $0x1  }
0x17e: {  	v3 =	vperm.xlane v3, v2;
	v4 =	vadd.s32 v1, v4;
	_ =	sdelay $0x1  }
0x17f: {  	v3 =	vadd.s32 v1, v3;
	_ =	sdelay $0x1  }
0x180: {  	s3 =	simm.s32 $0xF100  }
0x181: {  	[hbm4b:s5+s2] =	stream.indirect_vreg.scatter [tilespmem:s3], [sflag:$0x1], $0x80, v4, vm0, $0xb8;
	[tilespmem:$0x10100] =	vst v63  }
0x182: {  	s16 =	simm.s32 $0xF900  }
0x183: {  	[hbm4b:s5+s2] =	stream.indirect_vreg.scatter [tilespmem:s16], [sflag:$0x1], $0x80, v3, vm0, $0xb8;
	[tilespmem:$0x10100] =	vst v63  }
0x184: {  	_ =	swait.ge [sflag:s14], $0x8000  }
0x185: {  	[sflag:s14] =	ssyncset.done $0x0  }
0x186: {  	[sflag:s14] =	ssyncadd.s32 $0xFFFF8000  }
0x187: {  	_ =	swait.ge [sflag:s14], $0x8000  }
0x188: {  	[sflag:s14] =	ssyncset.done $0x0  }
0x189: {  	s12 =	rddreg [dreg:$0x4];
	[sflag:s14] =	ssyncadd.s32 $0xFFFF8000  }
0x18a: {  	[tilespmem:s2], [sflag:$0x2] =	stream.linear.gather [hbm4b:s12+s2], $0x100, $0x38;
	[tilespmem:$0x10100] =	vst v63  }
0x18b: {  	_ =	swait.ge [sflag:s8], $0x100  }
0x18c: {  	[sflag:s8] =	ssyncset.done $0x0  }
0x18d: {  	[sflag:s8] =	ssyncadd.s32 $0xFFFFFF00  }
0x18e: {  	v3 =	vld [tilespmem:$0x0];
	_ =	sdelay $0x4  }
0x18f: {  	v24 =	vshll.u32 v3, $0x1  }
0x190: {  	v3 =	vand.u32 $0x7, v3;
	v4 =	vand.u32 $0xFFFFFFF0, v24  }
0x191: {  	v3 =	vor.u32 v3, v4  }
0x192: {  	v4 =	vperm.xlane v3, v0;
	_ =	sdelay $0x1  }
0x193: {  	v3 =	vperm.xlane v3, v2;
	v4 =	vadd.s32 v1, v4;
	_ =	sdelay $0x1  }
0x194: {  	v3 =	vadd.s32 v1, v3;
	_ =	sdelay $0x1  }
0x195: {  	s4 =	simm.s32 $0x100  }
0x196: {  	[hbm4b:s5+s2] =	stream.indirect_vreg.scatter [tilespmem:s4], [sflag:$0x1], $0x80, v4, vm0, $0xb8;
	[tilespmem:$0x10100] =	vst v63  }
0x197: {  	_ = 	snop  }
0x198: {  	[hbm4b:s5+s2] =	stream.indirect_vreg.scatter [tilespmem:s18], [sflag:$0x1], $0x80, v3, vm0, $0xb8;
	[tilespmem:$0x10100] =	vst v63  }
0x199: {  	v3 =	vld [tilespmem:$0x10];
	_ =	sdelay $0x4  }
0x19a: {  	v25 =	vshll.u32 v3, $0x1  }
0x19b: {  	v3 =	vand.u32 $0x7, v3;
	v4 =	vand.u32 $0xFFFFFFF0, v25  }
0x19c: {  	v3 =	vor.u32 v3, v4  }
0x19d: {  	v4 =	vperm.xlane v3, v0;
	_ =	sdelay $0x1  }
0x19e: {  	v3 =	vperm.xlane v3, v2;
	v4 =	vadd.s32 v1, v4;
	_ =	sdelay $0x1  }
0x19f: {  	v3 =	vadd.s32 v1, v3;
	_ =	sdelay $0x1  }
0x1a0: {  	s0 =	simm.s32 $0x1100  }
0x1a1: {  	[hbm4b:s5+s2] =	stream.indirect_vreg.scatter [tilespmem:s0], [sflag:$0x1], $0x80, v4, vm0, $0xb8;
	[tilespmem:$0x10100] =	vst v63  }
0x1a2: {  	s1 =	simm.s32 $0x1900  }
0x1a3: {  	[hbm4b:s5+s2] =	stream.indirect_vreg.scatter [tilespmem:s1], [sflag:$0x1], $0x80, v3, vm0, $0xb8;
	[tilespmem:$0x10100] =	vst v63  }
0x1a4: {  	v3 =	vld [tilespmem:$0x20];
	_ =	sdelay $0x4  }
0x1a5: {  	v26 =	vshll.u32 v3, $0x1  }
0x1a6: {  	v3 =	vand.u32 $0x7, v3;
	v4 =	vand.u32 $0xFFFFFFF0, v26  }
0x1a7: {  	v3 =	vor.u32 v3, v4  }
0x1a8: {  	v4 =	vperm.xlane v3, v0;
	_ =	sdelay $0x1  }
0x1a9: {  	v3 =	vperm.xlane v3, v2;
	v4 =	vadd.s32 v1, v4;
	_ =	sdelay $0x1  }
0x1aa: {  	v3 =	vadd.s32 v1, v3;
	_ =	sdelay $0x2  }
0x1ab: {  	[hbm4b:s5+s2] =	stream.indirect_vreg.scatter [tilespmem:s19], [sflag:$0x1], $0x80, v4, vm0, $0xb8;
	[tilespmem:$0x10100] =	vst v63  }
0x1ac: {  	_ = 	snop  }
0x1ad: {  	[hbm4b:s5+s2] =	stream.indirect_vreg.scatter [tilespmem:s20], [sflag:$0x1], $0x80, v3, vm0, $0xb8;
	[tilespmem:$0x10100] =	vst v63  }
0x1ae: {  	v3 =	vld [tilespmem:$0x30];
	_ =	sdelay $0x4  }
0x1af: {  	v27 =	vshll.u32 v3, $0x1  }
0x1b0: {  	v3 =	vand.u32 $0x7, v3;
	v4 =	vand.u32 $0xFFFFFFF0, v27  }
0x1b1: {  	v3 =	vor.u32 v3, v4  }
0x1b2: {  	v4 =	vperm.xlane v3, v0;
	_ =	sdelay $0x1  }
0x1b3: {  	v3 =	vperm.xlane v3, v2;
	v4 =	vadd.s32 v1, v4;
	_ =	sdelay $0x1  }
0x1b4: {  	v3 =	vadd.s32 v1, v3;
	_ =	sdelay $0x2  }
0x1b5: {  	[hbm4b:s5+s2] =	stream.indirect_vreg.scatter [tilespmem:s21], [sflag:$0x1], $0x80, v4, vm0, $0xb8;
	[tilespmem:$0x10100] =	vst v63  }
0x1b6: {  	_ = 	snop  }
0x1b7: {  	[hbm4b:s5+s2] =	stream.indirect_vreg.scatter [tilespmem:s22], [sflag:$0x1], $0x80, v3, vm0, $0xb8;
	[tilespmem:$0x10100] =	vst v63  }
0x1b8: {  	v3 =	vld [tilespmem:$0x40];
	_ =	sdelay $0x4  }
0x1b9: {  	v28 =	vshll.u32 v3, $0x1  }
0x1ba: {  	v3 =	vand.u32 $0x7, v3;
	v4 =	vand.u32 $0xFFFFFFF0, v28  }
0x1bb: {  	v3 =	vor.u32 v3, v4  }
0x1bc: {  	v4 =	vperm.xlane v3, v0;
	_ =	sdelay $0x1  }
0x1bd: {  	v3 =	vperm.xlane v3, v2;
	v4 =	vadd.s32 v1, v4;
	_ =	sdelay $0x1  }
0x1be: {  	v3 =	vadd.s32 v1, v3;
	_ =	sdelay $0x2  }
0x1bf: {  	[hbm4b:s5+s2] =	stream.indirect_vreg.scatter [tilespmem:s23], [sflag:$0x1], $0x80, v4, vm0, $0xb8;
	[tilespmem:$0x10100] =	vst v63  }
0x1c0: {  	_ = 	snop  }
0x1c1: {  	[hbm4b:s5+s2] =	stream.indirect_vreg.scatter [tilespmem:s24], [sflag:$0x1], $0x80, v3, vm0, $0xb8;
	[tilespmem:$0x10100] =	vst v63  }
0x1c2: {  	v3 =	vld [tilespmem:$0x50];
	_ =	sdelay $0x4  }
0x1c3: {  	v29 =	vshll.u32 v3, $0x1  }
0x1c4: {  	v3 =	vand.u32 $0x7, v3;
	v4 =	vand.u32 $0xFFFFFFF0, v29  }
0x1c5: {  	v3 =	vor.u32 v3, v4  }
0x1c6: {  	v4 =	vperm.xlane v3, v0;
	_ =	sdelay $0x1  }
0x1c7: {  	v3 =	vperm.xlane v3, v2;
	v4 =	vadd.s32 v1, v4;
	_ =	sdelay $0x1  }
0x1c8: {  	v3 =	vadd.s32 v1, v3;
	_ =	sdelay $0x2  }
0x1c9: {  	[hbm4b:s5+s2] =	stream.indirect_vreg.scatter [tilespmem:s25], [sflag:$0x1], $0x80, v4, vm0, $0xb8;
	[tilespmem:$0x10100] =	vst v63  }
0x1ca: {  	_ = 	snop  }
0x1cb: {  	[hbm4b:s5+s2] =	stream.indirect_vreg.scatter [tilespmem:s26], [sflag:$0x1], $0x80, v3, vm0, $0xb8;
	[tilespmem:$0x10100] =	vst v63  }
0x1cc: {  	v3 =	vld [tilespmem:$0x60];
	_ =	sdelay $0x4  }
0x1cd: {  	v30 =	vshll.u32 v3, $0x1  }
0x1ce: {  	v3 =	vand.u32 $0x7, v3;
	v4 =	vand.u32 $0xFFFFFFF0, v30  }
0x1cf: {  	v3 =	vor.u32 v3, v4  }
0x1d0: {  	v4 =	vperm.xlane v3, v0;
	_ =	sdelay $0x1  }
0x1d1: {  	v3 =	vperm.xlane v3, v2;
	v4 =	vadd.s32 v1, v4;
	_ =	sdelay $0x1  }
0x1d2: {  	v3 =	vadd.s32 v1, v3;
	_ =	sdelay $0x2  }
0x1d3: {  	[hbm4b:s5+s2] =	stream.indirect_vreg.scatter [tilespmem:s28], [sflag:$0x1], $0x80, v4, vm0, $0xb8;
	[tilespmem:$0x10100] =	vst v63  }
0x1d4: {  	_ = 	snop  }
0x1d5: {  	[hbm4b:s5+s2] =	stream.indirect_vreg.scatter [tilespmem:s29], [sflag:$0x1], $0x80, v3, vm0, $0xb8;
	[tilespmem:$0x10100] =	vst v63  }
0x1d6: {  	v3 =	vld [tilespmem:$0x70];
	_ =	sdelay $0x4  }
0x1d7: {  	v31 =	vshll.u32 v3, $0x1  }
0x1d8: {  	v3 =	vand.u32 $0x7, v3;
	v4 =	vand.u32 $0xFFFFFFF0, v31  }
0x1d9: {  	v3 =	vor.u32 v3, v4  }
0x1da: {  	v4 =	vperm.xlane v3, v0;
	_ =	sdelay $0x1  }
0x1db: {  	v3 =	vperm.xlane v3, v2;
	v4 =	vadd.s32 v1, v4;
	_ =	sdelay $0x1  }
0x1dc: {  	v3 =	vadd.s32 v1, v3;
	_ =	sdelay $0x2  }
0x1dd: {  	[hbm4b:s5+s2] =	stream.indirect_vreg.scatter [tilespmem:s30], [sflag:$0x1], $0x80, v4, vm0, $0xb8;
	[tilespmem:$0x10100] =	vst v63  }
0x1de: {  	_ = 	snop  }
0x1df: {  	[hbm4b:s5+s2] =	stream.indirect_vreg.scatter [tilespmem:s31], [sflag:$0x1], $0x80, v3, vm0, $0xb8;
	[tilespmem:$0x10100] =	vst v63  }
0x1e0: {  	v3 =	vld [tilespmem:$0x80];
	_ =	sdelay $0x4  }
0x1e1: {  	v32 =	vshll.u32 v3, $0x1  }
0x1e2: {  	v3 =	vand.u32 $0x7, v3;
	v4 =	vand.u32 $0xFFFFFFF0, v32  }
0x1e3: {  	v3 =	vor.u32 v3, v4  }
0x1e4: {  	v4 =	vperm.xlane v3, v0;
	_ =	sdelay $0x1  }
0x1e5: {  	v3 =	vperm.xlane v3, v2;
	v4 =	vadd.s32 v1, v4;
	_ =	sdelay $0x1  }
0x1e6: {  	v3 =	vadd.s32 v1, v3;
	_ =	sdelay $0x2  }
0x1e7: {  	[hbm4b:s5+s2] =	stream.indirect_vreg.scatter [tilespmem:s6], [sflag:$0x1], $0x80, v4, vm0, $0xb8;
	[tilespmem:$0x10100] =	vst v63  }
0x1e8: {  	s15 =	simm.s32 $0x8900  }
0x1e9: {  	[hbm4b:s5+s2] =	stream.indirect_vreg.scatter [tilespmem:s15], [sflag:$0x1], $0x80, v3, vm0, $0xb8;
	[tilespmem:$0x10100] =	vst v63  }
0x1ea: {  	v3 =	vld [tilespmem:$0x90];
	_ =	sdelay $0x4  }
0x1eb: {  	v33 =	vshll.u32 v3, $0x1  }
0x1ec: {  	v3 =	vand.u32 $0x7, v3;
	v4 =	vand.u32 $0xFFFFFFF0, v33  }
0x1ed: {  	v3 =	vor.u32 v3, v4  }
0x1ee: {  	v4 =	vperm.xlane v3, v0;
	_ =	sdelay $0x1  }
0x1ef: {  	v3 =	vperm.xlane v3, v2;
	v4 =	vadd.s32 v1, v4;
	_ =	sdelay $0x1  }
0x1f0: {  	v3 =	vadd.s32 v1, v3;
	_ =	sdelay $0x2  }
0x1f1: {  	[hbm4b:s5+s2] =	stream.indirect_vreg.scatter [tilespmem:s7], [sflag:$0x1], $0x80, v4, vm0, $0xb8;
	[tilespmem:$0x10100] =	vst v63  }
0x1f2: {  	s24 =	simm.s32 $0x9900  }
0x1f3: {  	[hbm4b:s5+s2] =	stream.indirect_vreg.scatter [tilespmem:s24], [sflag:$0x1], $0x80, v3, vm0, $0xb8;
	[tilespmem:$0x10100] =	vst v63  }
0x1f4: {  	v3 =	vld [tilespmem:$0xA0];
	_ =	sdelay $0x4  }
0x1f5: {  	v34 =	vshll.u32 v3, $0x1  }
0x1f6: {  	v3 =	vand.u32 $0x7, v3;
	v4 =	vand.u32 $0xFFFFFFF0, v34  }
0x1f7: {  	v3 =	vor.u32 v3, v4  }
0x1f8: {  	v4 =	vperm.xlane v3, v0;
	_ =	sdelay $0x1  }
0x1f9: {  	v3 =	vperm.xlane v3, v2;
	v4 =	vadd.s32 v1, v4;
	_ =	sdelay $0x1  }
0x1fa: {  	v3 =	vadd.s32 v1, v3;
	_ =	sdelay $0x2  }
0x1fb: {  	[hbm4b:s5+s2] =	stream.indirect_vreg.scatter [tilespmem:s9], [sflag:$0x1], $0x80, v4, vm0, $0xb8;
	[tilespmem:$0x10100] =	vst v63  }
0x1fc: {  	s26 =	simm.s32 $0xA900  }
0x1fd: {  	[hbm4b:s5+s2] =	stream.indirect_vreg.scatter [tilespmem:s26], [sflag:$0x1], $0x80, v3, vm0, $0xb8;
	[tilespmem:$0x10100] =	vst v63  }
0x1fe: {  	v3 =	vld [tilespmem:$0xB0];
	_ =	sdelay $0x4  }
0x1ff: {  	v35 =	vshll.u32 v3, $0x1  }
0x200: {  	v3 =	vand.u32 $0x7, v3;
	v4 =	vand.u32 $0xFFFFFFF0, v35  }
0x201: {  	v3 =	vor.u32 v3, v4  }
0x202: {  	v4 =	vperm.xlane v3, v0;
	_ =	sdelay $0x1  }
0x203: {  	v3 =	vperm.xlane v3, v2;
	v4 =	vadd.s32 v1, v4;
	_ =	sdelay $0x1  }
0x204: {  	v3 =	vadd.s32 v1, v3;
	_ =	sdelay $0x2  }
0x205: {  	[hbm4b:s5+s2] =	stream.indirect_vreg.scatter [tilespmem:s11], [sflag:$0x1], $0x80, v4, vm0, $0xb8;
	[tilespmem:$0x10100] =	vst v63  }
0x206: {  	s28 =	simm.s32 $0xB900  }
0x207: {  	[hbm4b:s5+s2] =	stream.indirect_vreg.scatter [tilespmem:s28], [sflag:$0x1], $0x80, v3, vm0, $0xb8;
	[tilespmem:$0x10100] =	vst v63  }
0x208: {  	v3 =	vld [tilespmem:$0xC0];
	_ =	sdelay $0x4  }
0x209: {  	v36 =	vshll.u32 v3, $0x1  }
0x20a: {  	v3 =	vand.u32 $0x7, v3;
	v4 =	vand.u32 $0xFFFFFFF0, v36  }
0x20b: {  	v3 =	vor.u32 v3, v4  }
0x20c: {  	v4 =	vperm.xlane v3, v0;
	_ =	sdelay $0x1  }
0x20d: {  	v3 =	vperm.xlane v3, v2;
	v4 =	vadd.s32 v1, v4;
	_ =	sdelay $0x1  }
0x20e: {  	v3 =	vadd.s32 v1, v3;
	_ =	sdelay $0x2  }
0x20f: {  	[hbm4b:s5+s2] =	stream.indirect_vreg.scatter [tilespmem:s13], [sflag:$0x1], $0x80, v4, vm0, $0xb8;
	[tilespmem:$0x10100] =	vst v63  }
0x210: {  	s15 =	simm.s32 $0xC900  }
0x211: {  	[hbm4b:s5+s2] =	stream.indirect_vreg.scatter [tilespmem:s15], [sflag:$0x1], $0x80, v3, vm0, $0xb8;
	[tilespmem:$0x10100] =	vst v63  }
0x212: {  	v3 =	vld [tilespmem:$0xD0];
	_ =	sdelay $0x4  }
0x213: {  	v37 =	vshll.u32 v3, $0x1  }
0x214: {  	v3 =	vand.u32 $0x7, v3;
	v4 =	vand.u32 $0xFFFFFFF0, v37  }
0x215: {  	v3 =	vor.u32 v3, v4  }
0x216: {  	v4 =	vperm.xlane v3, v0;
	_ =	sdelay $0x1  }
0x217: {  	v3 =	vperm.xlane v3, v2;
	v4 =	vadd.s32 v1, v4;
	_ =	sdelay $0x1  }
0x218: {  	v3 =	vadd.s32 v1, v3;
	_ =	sdelay $0x1  }
0x219: {  	s17 =	simm.s32 $0xD100  }
0x21a: {  	[hbm4b:s5+s2] =	stream.indirect_vreg.scatter [tilespmem:s17], [sflag:$0x1], $0x80, v4, vm0, $0xb8;
	[tilespmem:$0x10100] =	vst v63  }
0x21b: {  	s17 =	simm.s32 $0xD900  }
0x21c: {  	[hbm4b:s5+s2] =	stream.indirect_vreg.scatter [tilespmem:s17], [sflag:$0x1], $0x80, v3, vm0, $0xb8;
	[tilespmem:$0x10100] =	vst v63  }
0x21d: {  	v3 =	vld [tilespmem:$0xE0];
	_ =	sdelay $0x4  }
0x21e: {  	v38 =	vshll.u32 v3, $0x1  }
0x21f: {  	v3 =	vand.u32 $0x7, v3;
	v4 =	vand.u32 $0xFFFFFFF0, v38  }
0x220: {  	v3 =	vor.u32 v3, v4  }
0x221: {  	v4 =	vperm.xlane v3, v0;
	_ =	sdelay $0x1  }
0x222: {  	v3 =	vperm.xlane v3, v2;
	v4 =	vadd.s32 v1, v4;
	_ =	sdelay $0x1  }
0x223: {  	v3 =	vadd.s32 v1, v3;
	_ =	sdelay $0x1  }
0x224: {  	s24 =	simm.s32 $0xE100  }
0x225: {  	[hbm4b:s5+s2] =	stream.indirect_vreg.scatter [tilespmem:s24], [sflag:$0x1], $0x80, v4, vm0, $0xb8;
	[tilespmem:$0x10100] =	vst v63  }
0x226: {  	s28 =	simm.s32 $0xE900  }
0x227: {  	[hbm4b:s5+s2] =	stream.indirect_vreg.scatter [tilespmem:s28], [sflag:$0x1], $0x80, v3, vm0, $0xb8;
	[tilespmem:$0x10100] =	vst v63  }
0x228: {  	v3 =	vld [tilespmem:$0xF0];
	_ =	sdelay $0x4  }
0x229: {  	v39 =	vshll.u32 v3, $0x1  }
0x22a: {  	v3 =	vand.u32 $0x7, v3;
	v4 =	vand.u32 $0xFFFFFFF0, v39  }
0x22b: {  	v3 =	vor.u32 v3, v4  }
0x22c: {  	v4 =	vperm.xlane v3, v0;
	_ =	sdelay $0x1  }
0x22d: {  	v3 =	vperm.xlane v3, v2;
	v4 =	vadd.s32 v1, v4;
	_ =	sdelay $0x1  }
0x22e: {  	v3 =	vadd.s32 v1, v3;
	_ =	sdelay $0x1  }
0x22f: {  	s24 =	simm.s32 $0xF100  }
0x230: {  	[hbm4b:s5+s2] =	stream.indirect_vreg.scatter [tilespmem:s24], [sflag:$0x1], $0x80, v4, vm0, $0xb8;
	[tilespmem:$0x10100] =	vst v63  }
0x231: {  	s15 =	simm.s32 $0xF900  }
0x232: {  	[hbm4b:s5+s2] =	stream.indirect_vreg.scatter [tilespmem:s15], [sflag:$0x1], $0x80, v3, vm0, $0xb8;
	[tilespmem:$0x10100] =	vst v63  }
0x233: {  	_ =	swait.ge [sflag:s14], $0x8000  }
0x234: {  	[sflag:s14] =	ssyncset.done $0x0  }
0x235: {  	[sflag:s14] =	ssyncadd.s32 $0xFFFF8000  }
0x236: {  	_ =	swait.ge [sflag:s14], $0x8000  }
0x237: {  	[sflag:s14] =	ssyncset.done $0x0  }
0x238: {  	s15 =	rddreg [dreg:$0x5];
	[sflag:s14] =	ssyncadd.s32 $0xFFFF8000  }
0x239: {  	[tilespmem:s2], [sflag:$0x2] =	stream.linear.gather [hbm4b:s15+s2], $0x100, $0x38;
	[tilespmem:$0x10100] =	vst v63  }
0x23a: {  	_ =	swait.ge [sflag:s8], $0x100  }
0x23b: {  	[sflag:s8] =	ssyncset.done $0x0  }
0x23c: {  	[sflag:s8] =	ssyncadd.s32 $0xFFFFFF00  }
0x23d: {  	v3 =	vld [tilespmem:$0x0];
	_ =	sdelay $0x4  }
0x23e: {  	v40 =	vshll.u32 v3, $0x1  }
0x23f: {  	v3 =	vand.u32 $0x7, v3;
	v4 =	vand.u32 $0xFFFFFFF0, v40  }
0x240: {  	v3 =	vor.u32 v3, v4  }
0x241: {  	v4 =	vperm.xlane v3, v0;
	_ =	sdelay $0x1  }
0x242: {  	v3 =	vperm.xlane v3, v2;
	v4 =	vadd.s32 v1, v4;
	_ =	sdelay $0x1  }
0x243: {  	v3 =	vadd.s32 v1, v3;
	_ =	sdelay $0x1  }
0x244: {  	s12 =	simm.s32 $0x100  }
0x245: {  	[hbm4b:s5+s2] =	stream.indirect_vreg.scatter [tilespmem:s12], [sflag:$0x1], $0x80, v4, vm0, $0xb8;
	[tilespmem:$0x10100] =	vst v63  }
0x246: {  	s18 =	simm.s32 $0x900  }
0x247: {  	[hbm4b:s5+s2] =	stream.indirect_vreg.scatter [tilespmem:s18], [sflag:$0x1], $0x80, v3, vm0, $0xb8;
	[tilespmem:$0x10100] =	vst v63  }
0x248: {  	v3 =	vld [tilespmem:$0x10];
	_ =	sdelay $0x4  }
0x249: {  	v41 =	vshll.u32 v3, $0x1  }
0x24a: {  	v3 =	vand.u32 $0x7, v3;
	v4 =	vand.u32 $0xFFFFFFF0, v41  }
0x24b: {  	v3 =	vor.u32 v3, v4  }
0x24c: {  	v4 =	vperm.xlane v3, v0;
	_ =	sdelay $0x1  }
0x24d: {  	v3 =	vperm.xlane v3, v2;
	v4 =	vadd.s32 v1, v4;
	_ =	sdelay $0x1  }
0x24e: {  	v3 =	vadd.s32 v1, v3;
	_ =	sdelay $0x1  }
0x24f: {  	s16 =	simm.s32 $0x1100  }
0x250: {  	[hbm4b:s5+s2] =	stream.indirect_vreg.scatter [tilespmem:s16], [sflag:$0x1], $0x80, v4, vm0, $0xb8;
	[tilespmem:$0x10100] =	vst v63  }
0x251: {  	s16 =	simm.s32 $0x1900  }
0x252: {  	[hbm4b:s5+s2] =	stream.indirect_vreg.scatter [tilespmem:s16], [sflag:$0x1], $0x80, v3, vm0, $0xb8;
	[tilespmem:$0x10100] =	vst v63  }
0x253: {  	v3 =	vld [tilespmem:$0x20];
	_ =	sdelay $0x4  }
0x254: {  	v42 =	vshll.u32 v3, $0x1  }
0x255: {  	v3 =	vand.u32 $0x7, v3;
	v4 =	vand.u32 $0xFFFFFFF0, v42  }
0x256: {  	v3 =	vor.u32 v3, v4  }
0x257: {  	v4 =	vperm.xlane v3, v0;
	_ =	sdelay $0x1  }
0x258: {  	v3 =	vperm.xlane v3, v2;
	v4 =	vadd.s32 v1, v4;
	_ =	sdelay $0x1  }
0x259: {  	v3 =	vadd.s32 v1, v3;
	_ =	sdelay $0x1  }
0x25a: {  	s19 =	simm.s32 $0x2100  }
0x25b: {  	[hbm4b:s5+s2] =	stream.indirect_vreg.scatter [tilespmem:s19], [sflag:$0x1], $0x80, v4, vm0, $0xb8;
	[tilespmem:$0x10100] =	vst v63  }
0x25c: {  	s20 =	simm.s32 $0x2900  }
0x25d: {  	[hbm4b:s5+s2] =	stream.indirect_vreg.scatter [tilespmem:s20], [sflag:$0x1], $0x80, v3, vm0, $0xb8;
	[tilespmem:$0x10100] =	vst v63  }
0x25e: {  	v3 =	vld [tilespmem:$0x30];
	_ =	sdelay $0x4  }
0x25f: {  	v43 =	vshll.u32 v3, $0x1  }
0x260: {  	v3 =	vand.u32 $0x7, v3;
	v4 =	vand.u32 $0xFFFFFFF0, v43  }
0x261: {  	v3 =	vor.u32 v3, v4  }
0x262: {  	v4 =	vperm.xlane v3, v0;
	_ =	sdelay $0x1  }
0x263: {  	v3 =	vperm.xlane v3, v2;
	v4 =	vadd.s32 v1, v4;
	_ =	sdelay $0x1  }
0x264: {  	v3 =	vadd.s32 v1, v3;
	_ =	sdelay $0x1  }
0x265: {  	s21 =	simm.s32 $0x3100  }
0x266: {  	[hbm4b:s5+s2] =	stream.indirect_vreg.scatter [tilespmem:s21], [sflag:$0x1], $0x80, v4, vm0, $0xb8;
	[tilespmem:$0x10100] =	vst v63  }
0x267: {  	s22 =	simm.s32 $0x3900  }
0x268: {  	[hbm4b:s5+s2] =	stream.indirect_vreg.scatter [tilespmem:s22], [sflag:$0x1], $0x80, v3, vm0, $0xb8;
	[tilespmem:$0x10100] =	vst v63  }
0x269: {  	v3 =	vld [tilespmem:$0x40];
	_ =	sdelay $0x4  }
0x26a: {  	v44 =	vshll.u32 v3, $0x1  }
0x26b: {  	v3 =	vand.u32 $0x7, v3;
	v4 =	vand.u32 $0xFFFFFFF0, v44  }
0x26c: {  	v3 =	vor.u32 v3, v4  }
0x26d: {  	v4 =	vperm.xlane v3, v0;
	_ =	sdelay $0x1  }
0x26e: {  	v3 =	vperm.xlane v3, v2;
	v4 =	vadd.s32 v1, v4;
	_ =	sdelay $0x1  }
0x26f: {  	v3 =	vadd.s32 v1, v3;
	_ =	sdelay $0x1  }
0x270: {  	s0 =	simm.s32 $0x4100  }
0x271: {  	[hbm4b:s5+s2] =	stream.indirect_vreg.scatter [tilespmem:s0], [sflag:$0x1], $0x80, v4, vm0, $0xb8;
	[tilespmem:$0x10100] =	vst v63  }
0x272: {  	s1 =	simm.s32 $0x4900  }
0x273: {  	[hbm4b:s5+s2] =	stream.indirect_vreg.scatter [tilespmem:s1], [sflag:$0x1], $0x80, v3, vm0, $0xb8;
	[tilespmem:$0x10100] =	vst v63  }
0x274: {  	v3 =	vld [tilespmem:$0x50];
	_ =	sdelay $0x4  }
0x275: {  	v45 =	vshll.u32 v3, $0x1  }
0x276: {  	v3 =	vand.u32 $0x7, v3;
	v4 =	vand.u32 $0xFFFFFFF0, v45  }
0x277: {  	v3 =	vor.u32 v3, v4  }
0x278: {  	v4 =	vperm.xlane v3, v0;
	_ =	sdelay $0x1  }
0x279: {  	v3 =	vperm.xlane v3, v2;
	v4 =	vadd.s32 v1, v4;
	_ =	sdelay $0x1  }
0x27a: {  	v3 =	vadd.s32 v1, v3;
	_ =	sdelay $0x1  }
0x27b: {  	s3 =	simm.s32 $0x5100  }
0x27c: {  	[hbm4b:s5+s2] =	stream.indirect_vreg.scatter [tilespmem:s3], [sflag:$0x1], $0x80, v4, vm0, $0xb8;
	[tilespmem:$0x10100] =	vst v63  }
0x27d: {  	s4 =	simm.s32 $0x5900  }
0x27e: {  	[hbm4b:s5+s2] =	stream.indirect_vreg.scatter [tilespmem:s4], [sflag:$0x1], $0x80, v3, vm0, $0xb8;
	[tilespmem:$0x10100] =	vst v63  }
0x27f: {  	v3 =	vld [tilespmem:$0x60];
	_ =	sdelay $0x4  }
0x280: {  	v46 =	vshll.u32 v3, $0x1  }
0x281: {  	v3 =	vand.u32 $0x7, v3;
	v4 =	vand.u32 $0xFFFFFFF0, v46  }
0x282: {  	v3 =	vor.u32 v3, v4  }
0x283: {  	v4 =	vperm.xlane v3, v0;
	_ =	sdelay $0x1  }
0x284: {  	v3 =	vperm.xlane v3, v2;
	v4 =	vadd.s32 v1, v4;
	_ =	sdelay $0x1  }
0x285: {  	v3 =	vadd.s32 v1, v3;
	_ =	sdelay $0x1  }
0x286: {  	s10 =	simm.s32 $0x6100  }
0x287: {  	[hbm4b:s5+s2] =	stream.indirect_vreg.scatter [tilespmem:s10], [sflag:$0x1], $0x80, v4, vm0, $0xb8;
	[tilespmem:$0x10100] =	vst v63  }
0x288: {  	s23 =	simm.s32 $0x6900  }
0x289: {  	[hbm4b:s5+s2] =	stream.indirect_vreg.scatter [tilespmem:s23], [sflag:$0x1], $0x80, v3, vm0, $0xb8;
	[tilespmem:$0x10100] =	vst v63  }
0x28a: {  	v3 =	vld [tilespmem:$0x70];
	_ =	sdelay $0x4  }
0x28b: {  	v47 =	vshll.u32 v3, $0x1  }
0x28c: {  	v3 =	vand.u32 $0x7, v3;
	v4 =	vand.u32 $0xFFFFFFF0, v47  }
0x28d: {  	v3 =	vor.u32 v3, v4  }
0x28e: {  	v4 =	vperm.xlane v3, v0;
	_ =	sdelay $0x1  }
0x28f: {  	v3 =	vperm.xlane v3, v2;
	v4 =	vadd.s32 v1, v4;
	_ =	sdelay $0x1  }
0x290: {  	v3 =	vadd.s32 v1, v3;
	_ =	sdelay $0x1  }
0x291: {  	s30 =	simm.s32 $0x7100  }
0x292: {  	[hbm4b:s5+s2] =	stream.indirect_vreg.scatter [tilespmem:s30], [sflag:$0x1], $0x80, v4, vm0, $0xb8;
	[tilespmem:$0x10100] =	vst v63  }
0x293: {  	s31 =	simm.s32 $0x7900  }
0x294: {  	[hbm4b:s5+s2] =	stream.indirect_vreg.scatter [tilespmem:s31], [sflag:$0x1], $0x80, v3, vm0, $0xb8;
	[tilespmem:$0x10100] =	vst v63  }
0x295: {  	v3 =	vld [tilespmem:$0x80];
	_ =	sdelay $0x4  }
0x296: {  	v48 =	vshll.u32 v3, $0x1  }
0x297: {  	v3 =	vand.u32 $0x7, v3;
	v4 =	vand.u32 $0xFFFFFFF0, v48  }
0x298: {  	v3 =	vor.u32 v3, v4  }
0x299: {  	v4 =	vperm.xlane v3, v0;
	_ =	sdelay $0x1  }
0x29a: {  	v3 =	vperm.xlane v3, v2;
	v4 =	vadd.s32 v1, v4;
	_ =	sdelay $0x1  }
0x29b: {  	v3 =	vadd.s32 v1, v3;
	_ =	sdelay $0x1  }
0x29c: {  	s29 =	simm.s32 $0x8100  }
0x29d: {  	[hbm4b:s5+s2] =	stream.indirect_vreg.scatter [tilespmem:s29], [sflag:$0x1], $0x80, v4, vm0, $0xb8;
	[tilespmem:$0x10100] =	vst v63  }
0x29e: {  	s25 =	simm.s32 $0x8900  }
0x29f: {  	[hbm4b:s5+s2] =	stream.indirect_vreg.scatter [tilespmem:s25], [sflag:$0x1], $0x80, v3, vm0, $0xb8;
	[tilespmem:$0x10100] =	vst v63  }
0x2a0: {  	v3 =	vld [tilespmem:$0x90];
	_ =	sdelay $0x4  }
0x2a1: {  	v49 =	vshll.u32 v3, $0x1  }
0x2a2: {  	v3 =	vand.u32 $0x7, v3;
	v4 =	vand.u32 $0xFFFFFFF0, v49  }
0x2a3: {  	v3 =	vor.u32 v3, v4  }
0x2a4: {  	v4 =	vperm.xlane v3, v0;
	_ =	sdelay $0x1  }
0x2a5: {  	v3 =	vperm.xlane v3, v2;
	v4 =	vadd.s32 v1, v4;
	_ =	sdelay $0x1  }
0x2a6: {  	v3 =	vadd.s32 v1, v3;
	_ =	sdelay $0x1  }
0x2a7: {  	s6 =	simm.s32 $0x9100  }
0x2a8: {  	[hbm4b:s5+s2] =	stream.indirect_vreg.scatter [tilespmem:s6], [sflag:$0x1], $0x80, v4, vm0, $0xb8;
	[tilespmem:$0x10100] =	vst v63  }
0x2a9: {  	s4 =	simm.s32 $0x9900  }
0x2aa: {  	[hbm4b:s5+s2] =	stream.indirect_vreg.scatter [tilespmem:s4], [sflag:$0x1], $0x80, v3, vm0, $0xb8;
	[tilespmem:$0x10100] =	vst v63  }
0x2ab: {  	v3 =	vld [tilespmem:$0xA0];
	_ =	sdelay $0x4  }
0x2ac: {  	v50 =	vshll.u32 v3, $0x1  }
0x2ad: {  	v3 =	vand.u32 $0x7, v3;
	v4 =	vand.u32 $0xFFFFFFF0, v50  }
0x2ae: {  	v3 =	vor.u32 v3, v4  }
0x2af: {  	v4 =	vperm.xlane v3, v0;
	_ =	sdelay $0x1  }
0x2b0: {  	v3 =	vperm.xlane v3, v2;
	v4 =	vadd.s32 v1, v4;
	_ =	sdelay $0x1  }
0x2b1: {  	v3 =	vadd.s32 v1, v3;
	_ =	sdelay $0x1  }
0x2b2: {  	s7 =	simm.s32 $0xA100  }
0x2b3: {  	[hbm4b:s5+s2] =	stream.indirect_vreg.scatter [tilespmem:s7], [sflag:$0x1], $0x80, v4, vm0, $0xb8;
	[tilespmem:$0x10100] =	vst v63  }
0x2b4: {  	s6 =	simm.s32 $0xA900  }
0x2b5: {  	[hbm4b:s5+s2] =	stream.indirect_vreg.scatter [tilespmem:s6], [sflag:$0x1], $0x80, v3, vm0, $0xb8;
	[tilespmem:$0x10100] =	vst v63  }
0x2b6: {  	v3 =	vld [tilespmem:$0xB0];
	_ =	sdelay $0x4  }
0x2b7: {  	v51 =	vshll.u32 v3, $0x1  }
0x2b8: {  	v3 =	vand.u32 $0x7, v3;
	v4 =	vand.u32 $0xFFFFFFF0, v51  }
0x2b9: {  	v3 =	vor.u32 v3, v4  }
0x2ba: {  	v4 =	vperm.xlane v3, v0;
	_ =	sdelay $0x1  }
0x2bb: {  	v3 =	vperm.xlane v3, v2;
	v4 =	vadd.s32 v1, v4;
	_ =	sdelay $0x1  }
0x2bc: {  	v3 =	vadd.s32 v1, v3;
	_ =	sdelay $0x1  }
0x2bd: {  	s9 =	simm.s32 $0xB100  }
0x2be: {  	[hbm4b:s5+s2] =	stream.indirect_vreg.scatter [tilespmem:s9], [sflag:$0x1], $0x80, v4, vm0, $0xb8;
	[tilespmem:$0x10100] =	vst v63  }
0x2bf: {  	s7 =	simm.s32 $0xB900  }
0x2c0: {  	[hbm4b:s5+s2] =	stream.indirect_vreg.scatter [tilespmem:s7], [sflag:$0x1], $0x80, v3, vm0, $0xb8;
	[tilespmem:$0x10100] =	vst v63  }
0x2c1: {  	v3 =	vld [tilespmem:$0xC0];
	_ =	sdelay $0x4  }
0x2c2: {  	v52 =	vshll.u32 v3, $0x1  }
0x2c3: {  	v3 =	vand.u32 $0x7, v3;
	v4 =	vand.u32 $0xFFFFFFF0, v52  }
0x2c4: {  	v3 =	vor.u32 v3, v4  }
0x2c5: {  	v4 =	vperm.xlane v3, v0;
	_ =	sdelay $0x1  }
0x2c6: {  	v3 =	vperm.xlane v3, v2;
	v4 =	vadd.s32 v1, v4;
	_ =	sdelay $0x1  }
0x2c7: {  	v3 =	vadd.s32 v1, v3;
	_ =	sdelay $0x1  }
0x2c8: {  	s11 =	simm.s32 $0xC100  }
0x2c9: {  	[hbm4b:s5+s2] =	stream.indirect_vreg.scatter [tilespmem:s11], [sflag:$0x1], $0x80, v4, vm0, $0xb8;
	[tilespmem:$0x10100] =	vst v63  }
0x2ca: {  	s9 =	simm.s32 $0xC900  }
0x2cb: {  	[hbm4b:s5+s2] =	stream.indirect_vreg.scatter [tilespmem:s9], [sflag:$0x1], $0x80, v3, vm0, $0xb8;
	[tilespmem:$0x10100] =	vst v63  }
0x2cc: {  	v3 =	vld [tilespmem:$0xD0];
	_ =	sdelay $0x4  }
0x2cd: {  	v53 =	vshll.u32 v3, $0x1  }
0x2ce: {  	v3 =	vand.u32 $0x7, v3;
	v4 =	vand.u32 $0xFFFFFFF0, v53  }
0x2cf: {  	v3 =	vor.u32 v3, v4  }
0x2d0: {  	v4 =	vperm.xlane v3, v0;
	_ =	sdelay $0x1  }
0x2d1: {  	v3 =	vperm.xlane v3, v2;
	v4 =	vadd.s32 v1, v4;
	_ =	sdelay $0x1  }
0x2d2: {  	v3 =	vadd.s32 v1, v3;
	_ =	sdelay $0x1  }
0x2d3: {  	s13 =	simm.s32 $0xD100  }
0x2d4: {  	[hbm4b:s5+s2] =	stream.indirect_vreg.scatter [tilespmem:s13], [sflag:$0x1], $0x80, v4, vm0, $0xb8;
	[tilespmem:$0x10100] =	vst v63  }
0x2d5: {  	s26 =	simm.s32 $0xD900  }
0x2d6: {  	[hbm4b:s5+s2] =	stream.indirect_vreg.scatter [tilespmem:s26], [sflag:$0x1], $0x80, v3, vm0, $0xb8;
	[tilespmem:$0x10100] =	vst v63  }
0x2d7: {  	v3 =	vld [tilespmem:$0xE0];
	_ =	sdelay $0x4  }
0x2d8: {  	v54 =	vshll.u32 v3, $0x1  }
0x2d9: {  	v3 =	vand.u32 $0x7, v3;
	v4 =	vand.u32 $0xFFFFFFF0, v54  }
0x2da: {  	v3 =	vor.u32 v3, v4  }
0x2db: {  	v4 =	vperm.xlane v3, v0;
	_ =	sdelay $0x1  }
0x2dc: {  	v3 =	vperm.xlane v3, v2;
	v4 =	vadd.s32 v1, v4;
	_ =	sdelay $0x1  }
0x2dd: {  	v3 =	vadd.s32 v1, v3;
	_ =	sdelay $0x1  }
0x2de: {  	s17 =	simm.s32 $0xE100  }
0x2df: {  	[hbm4b:s5+s2] =	stream.indirect_vreg.scatter [tilespmem:s17], [sflag:$0x1], $0x80, v4, vm0, $0xb8;
	[tilespmem:$0x10100] =	vst v63  }
0x2e0: {  	s28 =	simm.s32 $0xE900  }
0x2e1: {  	[hbm4b:s5+s2] =	stream.indirect_vreg.scatter [tilespmem:s28], [sflag:$0x1], $0x80, v3, vm0, $0xb8;
	[tilespmem:$0x10100] =	vst v63  }
0x2e2: {  	v3 =	vld [tilespmem:$0xF0];
	_ =	sdelay $0x4  }
0x2e3: {  	v55 =	vshll.u32 v3, $0x1  }
0x2e4: {  	v3 =	vand.u32 $0x7, v3;
	v4 =	vand.u32 $0xFFFFFFF0, v55  }
0x2e5: {  	v3 =	vor.u32 v3, v4  }
0x2e6: {  	v4 =	vperm.xlane v3, v0;
	_ =	sdelay $0x1  }
0x2e7: {  	v3 =	vperm.xlane v3, v2;
	v4 =	vadd.s32 v1, v4;
	_ =	sdelay $0x1  }
0x2e8: {  	v3 =	vadd.s32 v1, v3;
	_ =	sdelay $0x1  }
0x2e9: {  	s24 =	simm.s32 $0xF100  }
0x2ea: {  	[hbm4b:s5+s2] =	stream.indirect_vreg.scatter [tilespmem:s24], [sflag:$0x1], $0x80, v4, vm0, $0xb8;
	[tilespmem:$0x10100] =	vst v63  }
0x2eb: {  	s11 =	simm.s32 $0xF900  }
0x2ec: {  	[hbm4b:s5+s2] =	stream.indirect_vreg.scatter [tilespmem:s11], [sflag:$0x1], $0x80, v3, vm0, $0xb8;
	[tilespmem:$0x10100] =	vst v63  }
0x2ed: {  	_ =	swait.ge [sflag:s14], $0x8000  }
0x2ee: {  	[sflag:s14] =	ssyncset.done $0x0  }
0x2ef: {  	[sflag:s14] =	ssyncadd.s32 $0xFFFF8000  }
0x2f0: {  	_ =	swait.ge [sflag:s14], $0x8000  }
0x2f1: {  	[sflag:s14] =	ssyncset.done $0x0  }
0x2f2: {  	s16 =	simm.s32 $0x100;
	s13 =	rddreg [dreg:$0x6];
	[sflag:s14] =	ssyncadd.s32 $0xFFFF8000  }
0x2f3: {  	[tilespmem:s16], [sflag:$0x2] =	stream.linear.gather [hbm4b:s13+s2], $0x10000, $0x38;
	[tilespmem:$0x10100] =	vst v63  }
0x2f4: {  	_ =	swait.ge [sflag:s8], $0x10000  }
0x2f5: {  	[sflag:s8] =	ssyncset.done $0x0  }
0x2f6: {  	s17 =	rddreg [dreg:$0x7];
	[sflag:s8] =	ssyncadd.s32 $0xFFFF0000  }
0x2f7: {  	[tilespmem:s2], [sflag:$0x2] =	stream.linear.gather [hbm4b:s17+s2], $0x100, $0x38;
	[tilespmem:$0x10100] =	vst v63  }
0x2f8: {  	_ =	swait.ge [sflag:s8], $0x100  }
0x2f9: {  	[sflag:s8] =	ssyncset.done $0x0  }
0x2fa: {  	[sflag:s8] =	ssyncadd.s32 $0xFFFFFF00  }
0x2fb: {  	v3 =	vld [tilespmem:$0x0];
	_ =	sdelay $0x4  }
0x2fc: {  	v56 =	vshll.u32 v3, $0x1  }
0x2fd: {  	v3 =	vand.u32 $0x7, v3;
	v4 =	vand.u32 $0xFFFFFFF0, v56  }
0x2fe: {  	v3 =	vor.u32 v3, v4  }
0x2ff: {  	v4 =	vperm.xlane v3, v0;
	_ =	sdelay $0x1  }
0x300: {  	v3 =	vperm.xlane v3, v2;
	v4 =	vadd.s32 v1, v4;
	_ =	sdelay $0x1  }
0x301: {  	v3 =	vadd.s32 v1, v3;
	_ =	sdelay $0x2  }
0x302: {  	[hbm4b:s5+s2] =	stream.indirect_vreg.scatter [tilespmem:s16], [sflag:$0x1], $0x80, v4, vm0, $0xb8;
	[tilespmem:$0x10100] =	vst v63  }
0x303: {  	s18 =	simm.s32 $0x900  }
0x304: {  	[hbm4b:s5+s2] =	stream.indirect_vreg.scatter [tilespmem:s18], [sflag:$0x1], $0x80, v3, vm0, $0xb8;
	[tilespmem:$0x10100] =	vst v63  }
0x305: {  	v3 =	vld [tilespmem:$0x10];
	_ =	sdelay $0x4  }
0x306: {  	v57 =	vshll.u32 v3, $0x1  }
0x307: {  	v3 =	vand.u32 $0x7, v3;
	v4 =	vand.u32 $0xFFFFFFF0, v57  }
0x308: {  	v3 =	vor.u32 v3, v4  }
0x309: {  	v4 =	vperm.xlane v3, v0;
	_ =	sdelay $0x1  }
0x30a: {  	v3 =	vperm.xlane v3, v2;
	v4 =	vadd.s32 v1, v4;
	_ =	sdelay $0x1  }
0x30b: {  	v3 =	vadd.s32 v1, v3;
	_ =	sdelay $0x1  }
0x30c: {  	s6 =	simm.s32 $0x1100  }
0x30d: {  	[hbm4b:s5+s2] =	stream.indirect_vreg.scatter [tilespmem:s6], [sflag:$0x1], $0x80, v4, vm0, $0xb8;
	[tilespmem:$0x10100] =	vst v63  }
0x30e: {  	s13 =	simm.s32 $0x1900  }
0x30f: {  	[hbm4b:s5+s2] =	stream.indirect_vreg.scatter [tilespmem:s13], [sflag:$0x1], $0x80, v3, vm0, $0xb8;
	[tilespmem:$0x10100] =	vst v63  }
0x310: {  	v3 =	vld [tilespmem:$0x20];
	_ =	sdelay $0x4  }
0x311: {  	v58 =	vshll.u32 v3, $0x1  }
0x312: {  	v3 =	vand.u32 $0x7, v3;
	v4 =	vand.u32 $0xFFFFFFF0, v58  }
0x313: {  	v3 =	vor.u32 v3, v4  }
0x314: {  	v4 =	vperm.xlane v3, v0;
	_ =	sdelay $0x1  }
0x315: {  	v3 =	vperm.xlane v3, v2;
	v4 =	vadd.s32 v1, v4;
	_ =	sdelay $0x1  }
0x316: {  	v3 =	vadd.s32 v1, v3;
	_ =	sdelay $0x1  }
0x317: {  	s19 =	simm.s32 $0x2100  }
0x318: {  	[hbm4b:s5+s2] =	stream.indirect_vreg.scatter [tilespmem:s19], [sflag:$0x1], $0x80, v4, vm0, $0xb8;
	[tilespmem:$0x10100] =	vst v63  }
0x319: {  	s20 =	simm.s32 $0x2900  }
0x31a: {  	[hbm4b:s5+s2] =	stream.indirect_vreg.scatter [tilespmem:s20], [sflag:$0x1], $0x80, v3, vm0, $0xb8;
	[tilespmem:$0x10100] =	vst v63  }
0x31b: {  	v3 =	vld [tilespmem:$0x30];
	_ =	sdelay $0x4  }
0x31c: {  	v59 =	vshll.u32 v3, $0x1  }
0x31d: {  	v3 =	vand.u32 $0x7, v3;
	v4 =	vand.u32 $0xFFFFFFF0, v59  }
0x31e: {  	v3 =	vor.u32 v3, v4  }
0x31f: {  	v4 =	vperm.xlane v3, v0;
	_ =	sdelay $0x1  }
0x320: {  	v3 =	vperm.xlane v3, v2;
	v4 =	vadd.s32 v1, v4;
	_ =	sdelay $0x1  }
0x321: {  	v3 =	vadd.s32 v1, v3;
	_ =	sdelay $0x1  }
0x322: {  	s21 =	simm.s32 $0x3100  }
0x323: {  	[hbm4b:s5+s2] =	stream.indirect_vreg.scatter [tilespmem:s21], [sflag:$0x1], $0x80, v4, vm0, $0xb8;
	[tilespmem:$0x10100] =	vst v63  }
0x324: {  	s22 =	simm.s32 $0x3900  }
0x325: {  	[hbm4b:s5+s2] =	stream.indirect_vreg.scatter [tilespmem:s22], [sflag:$0x1], $0x80, v3, vm0, $0xb8;
	[tilespmem:$0x10100] =	vst v63  }
0x326: {  	v3 =	vld [tilespmem:$0x40];
	_ =	sdelay $0x4  }
0x327: {  	v60 =	vshll.u32 v3, $0x1  }
0x328: {  	v3 =	vand.u32 $0x7, v3;
	v4 =	vand.u32 $0xFFFFFFF0, v60  }
0x329: {  	v3 =	vor.u32 v3, v4  }
0x32a: {  	v4 =	vperm.xlane v3, v0;
	_ =	sdelay $0x1  }
0x32b: {  	v3 =	vperm.xlane v3, v2;
	v4 =	vadd.s32 v1, v4;
	_ =	sdelay $0x1  }
0x32c: {  	v3 =	vadd.s32 v1, v3;
	_ =	sdelay $0x1  }
0x32d: {  	s18 =	simm.s32 $0x4100  }
0x32e: {  	[hbm4b:s5+s2] =	stream.indirect_vreg.scatter [tilespmem:s18], [sflag:$0x1], $0x80, v4, vm0, $0xb8;
	[tilespmem:$0x10100] =	vst v63  }
0x32f: {  	s19 =	simm.s32 $0x4900  }
0x330: {  	[hbm4b:s5+s2] =	stream.indirect_vreg.scatter [tilespmem:s19], [sflag:$0x1], $0x80, v3, vm0, $0xb8;
	[tilespmem:$0x10100] =	vst v63  }
0x331: {  	v3 =	vld [tilespmem:$0x50];
	_ =	sdelay $0x4  }
0x332: {  	v61 =	vshll.u32 v3, $0x1  }
0x333: {  	v3 =	vand.u32 $0x7, v3;
	v4 =	vand.u32 $0xFFFFFFF0, v61  }
0x334: {  	v3 =	vor.u32 v3, v4  }
0x335: {  	v4 =	vperm.xlane v3, v0;
	_ =	sdelay $0x1  }
0x336: {  	v3 =	vperm.xlane v3, v2;
	v4 =	vadd.s32 v1, v4;
	_ =	sdelay $0x1  }
0x337: {  	v3 =	vadd.s32 v1, v3;
	_ =	sdelay $0x1  }
0x338: {  	s20 =	simm.s32 $0x5100  }
0x339: {  	[hbm4b:s5+s2] =	stream.indirect_vreg.scatter [tilespmem:s20], [sflag:$0x1], $0x80, v4, vm0, $0xb8;
	[tilespmem:$0x10100] =	vst v63  }
0x33a: {  	s21 =	simm.s32 $0x5900  }
0x33b: {  	[hbm4b:s5+s2] =	stream.indirect_vreg.scatter [tilespmem:s21], [sflag:$0x1], $0x80, v3, vm0, $0xb8;
	[tilespmem:$0x10100] =	vst v63  }
0x33c: {  	v3 =	vld [tilespmem:$0x60];
	_ =	sdelay $0x4  }
0x33d: {  	v62 =	vshll.u32 v3, $0x1  }
0x33e: {  	v3 =	vand.u32 $0x7, v3;
	v4 =	vand.u32 $0xFFFFFFF0, v62  }
0x33f: {  	v3 =	vor.u32 v3, v4  }
0x340: {  	v4 =	vperm.xlane v3, v0;
	_ =	sdelay $0x1  }
0x341: {  	v3 =	vperm.xlane v3, v2;
	v4 =	vadd.s32 v1, v4;
	_ =	sdelay $0x1  }
0x342: {  	v3 =	vadd.s32 v1, v3;
	_ =	sdelay $0x1  }
0x343: {  	s4 =	simm.s32 $0x6100  }
0x344: {  	[hbm4b:s5+s2] =	stream.indirect_vreg.scatter [tilespmem:s4], [sflag:$0x1], $0x80, v4, vm0, $0xb8;
	[tilespmem:$0x10100] =	vst v63  }
0x345: {  	s22 =	simm.s32 $0x6900  }
0x346: {  	[hbm4b:s5+s2] =	stream.indirect_vreg.scatter [tilespmem:s22], [sflag:$0x1], $0x80, v3, vm0, $0xb8;
	[tilespmem:$0x10100] =	vst v63  }
0x347: {  	v3 =	vld [tilespmem:$0x70];
	_ =	sdelay $0x4  }
0x348: {  	v63 =	vshll.u32 v3, $0x1  }
0x349: {  	v3 =	vand.u32 $0x7, v3;
	v4 =	vand.u32 $0xFFFFFFF0, v63  }
0x34a: {  	v3 =	vor.u32 v3, v4  }
0x34b: {  	v4 =	vperm.xlane v3, v0;
	_ =	sdelay $0x1  }
0x34c: {  	v3 =	vperm.xlane v3, v2;
	v4 =	vadd.s32 v1, v4;
	_ =	sdelay $0x1  }
0x34d: {  	v3 =	vadd.s32 v1, v3;
	_ =	sdelay $0x1  }
0x34e: {  	s23 =	simm.s32 $0x7100  }
0x34f: {  	[hbm4b:s5+s2] =	stream.indirect_vreg.scatter [tilespmem:s23], [sflag:$0x1], $0x80, v4, vm0, $0xb8;
	[tilespmem:$0x10100] =	vst v63  }
0x350: {  	s31 =	simm.s32 $0x7900  }
0x351: {  	[hbm4b:s5+s2] =	stream.indirect_vreg.scatter [tilespmem:s31], [sflag:$0x1], $0x80, v3, vm0, $0xb8;
	[tilespmem:$0x10100] =	vst v63  }
0x352: {  	v3 =	vld [tilespmem:$0x80];
	_ =	sdelay $0x4  }
0x353: {  	v8 =	vshll.u32 v3, $0x1  }
0x354: {  	v3 =	vand.u32 $0x7, v3;
	v4 =	vand.u32 $0xFFFFFFF0, v8  }
0x355: {  	v3 =	vor.u32 v3, v4  }
0x356: {  	v4 =	vperm.xlane v3, v0;
	_ =	sdelay $0x1  }
0x357: {  	v3 =	vperm.xlane v3, v2;
	v4 =	vadd.s32 v1, v4;
	_ =	sdelay $0x1  }
0x358: {  	v3 =	vadd.s32 v1, v3;
	_ =	sdelay $0x1  }
0x359: {  	s12 =	simm.s32 $0x8100  }
0x35a: {  	[hbm4b:s5+s2] =	stream.indirect_vreg.scatter [tilespmem:s12], [sflag:$0x1], $0x80, v4, vm0, $0xb8;
	[tilespmem:$0x10100] =	vst v63  }
0x35b: {  	s31 =	simm.s32 $0x8900  }
0x35c: {  	[hbm4b:s5+s2] =	stream.indirect_vreg.scatter [tilespmem:s31], [sflag:$0x1], $0x80, v3, vm0, $0xb8;
	[tilespmem:$0x10100] =	vst v63  }
0x35d: {  	v3 =	vld [tilespmem:$0x90];
	_ =	sdelay $0x4  }
0x35e: {  	v9 =	vshll.u32 v3, $0x1  }
0x35f: {  	v3 =	vand.u32 $0x7, v3;
	v4 =	vand.u32 $0xFFFFFFF0, v9  }
0x360: {  	v3 =	vor.u32 v3, v4  }
0x361: {  	v4 =	vperm.xlane v3, v0;
	_ =	sdelay $0x1  }
0x362: {  	v3 =	vperm.xlane v3, v2;
	v4 =	vadd.s32 v1, v4;
	_ =	sdelay $0x1  }
0x363: {  	v3 =	vadd.s32 v1, v3;
	_ =	sdelay $0x1  }
0x364: {  	s3 =	simm.s32 $0x9100  }
0x365: {  	[hbm4b:s5+s2] =	stream.indirect_vreg.scatter [tilespmem:s3], [sflag:$0x1], $0x80, v4, vm0, $0xb8;
	[tilespmem:$0x10100] =	vst v63  }
0x366: {  	s7 =	simm.s32 $0x9900  }
0x367: {  	[hbm4b:s5+s2] =	stream.indirect_vreg.scatter [tilespmem:s7], [sflag:$0x1], $0x80, v3, vm0, $0xb8;
	[tilespmem:$0x10100] =	vst v63  }
0x368: {  	v3 =	vld [tilespmem:$0xA0];
	_ =	sdelay $0x4  }
0x369: {  	v10 =	vshll.u32 v3, $0x1  }
0x36a: {  	v3 =	vand.u32 $0x7, v3;
	v4 =	vand.u32 $0xFFFFFFF0, v10  }
0x36b: {  	v3 =	vor.u32 v3, v4  }
0x36c: {  	v4 =	vperm.xlane v3, v0;
	_ =	sdelay $0x1  }
0x36d: {  	v3 =	vperm.xlane v3, v2;
	v4 =	vadd.s32 v1, v4;
	_ =	sdelay $0x1  }
0x36e: {  	v3 =	vadd.s32 v1, v3;
	_ =	sdelay $0x1  }
0x36f: {  	s10 =	simm.s32 $0xA100  }
0x370: {  	[hbm4b:s5+s2] =	stream.indirect_vreg.scatter [tilespmem:s10], [sflag:$0x1], $0x80, v4, vm0, $0xb8;
	[tilespmem:$0x10100] =	vst v63  }
0x371: {  	s9 =	simm.s32 $0xA900  }
0x372: {  	[hbm4b:s5+s2] =	stream.indirect_vreg.scatter [tilespmem:s9], [sflag:$0x1], $0x80, v3, vm0, $0xb8;
	[tilespmem:$0x10100] =	vst v63  }
0x373: {  	v3 =	vld [tilespmem:$0xB0];
	_ =	sdelay $0x4  }
0x374: {  	v11 =	vshll.u32 v3, $0x1  }
0x375: {  	v3 =	vand.u32 $0x7, v3;
	v4 =	vand.u32 $0xFFFFFFF0, v11  }
0x376: {  	v3 =	vor.u32 v3, v4  }
0x377: {  	v4 =	vperm.xlane v3, v0;
	_ =	sdelay $0x1  }
0x378: {  	v3 =	vperm.xlane v3, v2;
	v4 =	vadd.s32 v1, v4;
	_ =	sdelay $0x1  }
0x379: {  	v3 =	vadd.s32 v1, v3;
	_ =	sdelay $0x1  }
0x37a: {  	s0 =	simm.s32 $0xB100  }
0x37b: {  	[hbm4b:s5+s2] =	stream.indirect_vreg.scatter [tilespmem:s0], [sflag:$0x1], $0x80, v4, vm0, $0xb8;
	[tilespmem:$0x10100] =	vst v63  }
0x37c: {  	s11 =	simm.s32 $0xB900  }
0x37d: {  	[hbm4b:s5+s2] =	stream.indirect_vreg.scatter [tilespmem:s11], [sflag:$0x1], $0x80, v3, vm0, $0xb8;
	[tilespmem:$0x10100] =	vst v63  }
0x37e: {  	v3 =	vld [tilespmem:$0xC0];
	_ =	sdelay $0x4  }
0x37f: {  	v12 =	vshll.u32 v3, $0x1  }
0x380: {  	v3 =	vand.u32 $0x7, v3;
	v4 =	vand.u32 $0xFFFFFFF0, v12  }
0x381: {  	v3 =	vor.u32 v3, v4  }
0x382: {  	v4 =	vperm.xlane v3, v0;
	_ =	sdelay $0x1  }
0x383: {  	v3 =	vperm.xlane v3, v2;
	v4 =	vadd.s32 v1, v4;
	_ =	sdelay $0x1  }
0x384: {  	v3 =	vadd.s32 v1, v3;
	_ =	sdelay $0x1  }
0x385: {  	s1 =	simm.s32 $0xC100  }
0x386: {  	[hbm4b:s5+s2] =	stream.indirect_vreg.scatter [tilespmem:s1], [sflag:$0x1], $0x80, v4, vm0, $0xb8;
	[tilespmem:$0x10100] =	vst v63  }
0x387: {  	s17 =	simm.s32 $0xC900  }
0x388: {  	[hbm4b:s5+s2] =	stream.indirect_vreg.scatter [tilespmem:s17], [sflag:$0x1], $0x80, v3, vm0, $0xb8;
	[tilespmem:$0x10100] =	vst v63  }
0x389: {  	v3 =	vld [tilespmem:$0xD0];
	_ =	sdelay $0x4  }
0x38a: {  	v13 =	vshll.u32 v3, $0x1  }
0x38b: {  	v3 =	vand.u32 $0x7, v3;
	v4 =	vand.u32 $0xFFFFFFF0, v13  }
0x38c: {  	v3 =	vor.u32 v3, v4  }
0x38d: {  	v4 =	vperm.xlane v3, v0;
	_ =	sdelay $0x1  }
0x38e: {  	v3 =	vperm.xlane v3, v2;
	v4 =	vadd.s32 v1, v4;
	_ =	sdelay $0x1  }
0x38f: {  	v3 =	vadd.s32 v1, v3;
	_ =	sdelay $0x1  }
0x390: {  	s0 =	simm.s32 $0xD100  }
0x391: {  	[hbm4b:s5+s2] =	stream.indirect_vreg.scatter [tilespmem:s0], [sflag:$0x1], $0x80, v4, vm0, $0xb8;
	[tilespmem:$0x10100] =	vst v63  }
0x392: {  	s10 =	simm.s32 $0xD900  }
0x393: {  	[hbm4b:s5+s2] =	stream.indirect_vreg.scatter [tilespmem:s10], [sflag:$0x1], $0x80, v3, vm0, $0xb8;
	[tilespmem:$0x10100] =	vst v63  }
0x394: {  	v3 =	vld [tilespmem:$0xE0];
	_ =	sdelay $0x4  }
0x395: {  	v14 =	vshll.u32 v3, $0x1  }
0x396: {  	v3 =	vand.u32 $0x7, v3;
	v4 =	vand.u32 $0xFFFFFFF0, v14  }
0x397: {  	v3 =	vor.u32 v3, v4  }
0x398: {  	v4 =	vperm.xlane v3, v0;
	_ =	sdelay $0x1  }
0x399: {  	v3 =	vperm.xlane v3, v2;
	v4 =	vadd.s32 v1, v4;
	_ =	sdelay $0x1  }
0x39a: {  	v3 =	vadd.s32 v1, v3;
	_ =	sdelay $0x1  }
0x39b: {  	s1 =	simm.s32 $0xE100  }
0x39c: {  	[hbm4b:s5+s2] =	stream.indirect_vreg.scatter [tilespmem:s1], [sflag:$0x1], $0x80, v4, vm0, $0xb8;
	[tilespmem:$0x10100] =	vst v63  }
0x39d: {  	s12 =	simm.s32 $0xE900  }
0x39e: {  	[hbm4b:s5+s2] =	stream.indirect_vreg.scatter [tilespmem:s12], [sflag:$0x1], $0x80, v3, vm0, $0xb8;
	[tilespmem:$0x10100] =	vst v63  }
0x39f: {  	v3 =	vld [tilespmem:$0xF0];
	_ =	sdelay $0x4  }
0x3a0: {  	v15 =	vshll.u32 v3, $0x1  }
0x3a1: {  	v3 =	vand.u32 $0x7, v3;
	v4 =	vand.u32 $0xFFFFFFF0, v15  }
0x3a2: {  	v3 =	vor.u32 v3, v4  }
0x3a3: {  	v4 =	vperm.xlane v3, v0;
	_ =	sdelay $0x1  }
0x3a4: {  	v3 =	vperm.xlane v3, v2;
	v4 =	vadd.s32 v1, v4;
	_ =	sdelay $0x1  }
0x3a5: {  	v3 =	vadd.s32 v1, v3;
	_ =	sdelay $0x1  }
0x3a6: {  	s3 =	simm.s32 $0xF100  }
0x3a7: {  	[hbm4b:s5+s2] =	stream.indirect_vreg.scatter [tilespmem:s3], [sflag:$0x1], $0x80, v4, vm0, $0xb8;
	[tilespmem:$0x10100] =	vst v63  }
0x3a8: {  	s16 =	simm.s32 $0xF900  }
0x3a9: {  	[hbm4b:s5+s2] =	stream.indirect_vreg.scatter [tilespmem:s16], [sflag:$0x1], $0x80, v3, vm0, $0xb8;
	[tilespmem:$0x10100] =	vst v63  }
0x3aa: {  	_ =	swait.ge [sflag:s14], $0x8000  }
0x3ab: {  	[sflag:s14] =	ssyncset.done $0x0  }
0x3ac: {  	[sflag:s14] =	ssyncadd.s32 $0xFFFF8000  }
0x3ad: {  	_ =	swait.ge [sflag:s14], $0x8000  }
0x3ae: {  	[sflag:s14] =	ssyncset.done $0x0  }
0x3af: {  	s15 =	rddreg [dreg:$0x8];
	[sflag:s14] =	ssyncadd.s32 $0xFFFF8000  }
0x3b0: {  	[tilespmem:s2], [sflag:$0x2] =	stream.linear.gather [hbm4b:s15+s2], $0x100, $0x38;
	[tilespmem:$0x10100] =	vst v63  }
0x3b1: {  	_ =	swait.ge [sflag:s8], $0x100  }
0x3b2: {  	[sflag:s8] =	ssyncset.done $0x0  }
0x3b3: {  	[sflag:s8] =	ssyncadd.s32 $0xFFFFFF00  }
0x3b4: {  	v3 =	vld [tilespmem:$0x0];
	_ =	sdelay $0x4  }
0x3b5: {  	v16 =	vshll.u32 v3, $0x1  }
0x3b6: {  	v3 =	vand.u32 $0x7, v3;
	v4 =	vand.u32 $0xFFFFFFF0, v16  }
0x3b7: {  	v3 =	vor.u32 v3, v4  }
0x3b8: {  	v4 =	vperm.xlane v3, v0;
	_ =	sdelay $0x1  }
0x3b9: {  	v3 =	vperm.xlane v3, v2;
	v4 =	vadd.s32 v1, v4;
	_ =	sdelay $0x1  }
0x3ba: {  	v3 =	vadd.s32 v1, v3;
	_ =	sdelay $0x1  }
0x3bb: {  	s29 =	simm.s32 $0x100  }
0x3bc: {  	[hbm4b:s5+s2] =	stream.indirect_vreg.scatter [tilespmem:s29], [sflag:$0x1], $0x80, v4, vm0, $0xb8;
	[tilespmem:$0x10100] =	vst v63  }
0x3bd: {  	s30 =	simm.s32 $0x900  }
0x3be: {  	[hbm4b:s5+s2] =	stream.indirect_vreg.scatter [tilespmem:s30], [sflag:$0x1], $0x80, v3, vm0, $0xb8;
	[tilespmem:$0x10100] =	vst v63  }
0x3bf: {  	v3 =	vld [tilespmem:$0x10];
	_ =	sdelay $0x4  }
0x3c0: {  	v17 =	vshll.u32 v3, $0x1  }
0x3c1: {  	v3 =	vand.u32 $0x7, v3;
	v4 =	vand.u32 $0xFFFFFFF0, v17  }
0x3c2: {  	v3 =	vor.u32 v3, v4  }
0x3c3: {  	v4 =	vperm.xlane v3, v0;
	_ =	sdelay $0x1  }
0x3c4: {  	v3 =	vperm.xlane v3, v2;
	v4 =	vadd.s32 v1, v4;
	_ =	sdelay $0x1  }
0x3c5: {  	v3 =	vadd.s32 v1, v3;
	_ =	sdelay $0x2  }
0x3c6: {  	[hbm4b:s5+s2] =	stream.indirect_vreg.scatter [tilespmem:s6], [sflag:$0x1], $0x80, v4, vm0, $0xb8;
	[tilespmem:$0x10100] =	vst v63  }
0x3c7: {  	_ = 	snop  }
0x3c8: {  	[hbm4b:s5+s2] =	stream.indirect_vreg.scatter [tilespmem:s13], [sflag:$0x1], $0x80, v3, vm0, $0xb8;
	[tilespmem:$0x10100] =	vst v63  }
0x3c9: {  	v3 =	vld [tilespmem:$0x20];
	_ =	sdelay $0x4  }
0x3ca: {  	v18 =	vshll.u32 v3, $0x1  }
0x3cb: {  	v3 =	vand.u32 $0x7, v3;
	v4 =	vand.u32 $0xFFFFFFF0, v18  }
0x3cc: {  	v3 =	vor.u32 v3, v4  }
0x3cd: {  	v4 =	vperm.xlane v3, v0;
	_ =	sdelay $0x1  }
0x3ce: {  	v3 =	vperm.xlane v3, v2;
	v4 =	vadd.s32 v1, v4;
	_ =	sdelay $0x1  }
0x3cf: {  	v3 =	vadd.s32 v1, v3;
	_ =	sdelay $0x1  }
0x3d0: {  	s24 =	simm.s32 $0x2100  }
0x3d1: {  	[hbm4b:s5+s2] =	stream.indirect_vreg.scatter [tilespmem:s24], [sflag:$0x1], $0x80, v4, vm0, $0xb8;
	[tilespmem:$0x10100] =	vst v63  }
0x3d2: {  	s25 =	simm.s32 $0x2900  }
0x3d3: {  	[hbm4b:s5+s2] =	stream.indirect_vreg.scatter [tilespmem:s25], [sflag:$0x1], $0x80, v3, vm0, $0xb8;
	[tilespmem:$0x10100] =	vst v63  }
0x3d4: {  	v3 =	vld [tilespmem:$0x30];
	_ =	sdelay $0x4  }
0x3d5: {  	v19 =	vshll.u32 v3, $0x1  }
0x3d6: {  	v3 =	vand.u32 $0x7, v3;
	v4 =	vand.u32 $0xFFFFFFF0, v19  }
0x3d7: {  	v3 =	vor.u32 v3, v4  }
0x3d8: {  	v4 =	vperm.xlane v3, v0;
	_ =	sdelay $0x1  }
0x3d9: {  	v3 =	vperm.xlane v3, v2;
	v4 =	vadd.s32 v1, v4;
	_ =	sdelay $0x1  }
0x3da: {  	v3 =	vadd.s32 v1, v3;
	_ =	sdelay $0x1  }
0x3db: {  	s26 =	simm.s32 $0x3100  }
0x3dc: {  	[hbm4b:s5+s2] =	stream.indirect_vreg.scatter [tilespmem:s26], [sflag:$0x1], $0x80, v4, vm0, $0xb8;
	[tilespmem:$0x10100] =	vst v63  }
0x3dd: {  	s28 =	simm.s32 $0x3900  }
0x3de: {  	[hbm4b:s5+s2] =	stream.indirect_vreg.scatter [tilespmem:s28], [sflag:$0x1], $0x80, v3, vm0, $0xb8;
	[tilespmem:$0x10100] =	vst v63  }
0x3df: {  	v3 =	vld [tilespmem:$0x40];
	_ =	sdelay $0x4  }
0x3e0: {  	v20 =	vshll.u32 v3, $0x1  }
0x3e1: {  	v3 =	vand.u32 $0x7, v3;
	v4 =	vand.u32 $0xFFFFFFF0, v20  }
0x3e2: {  	v3 =	vor.u32 v3, v4  }
0x3e3: {  	v4 =	vperm.xlane v3, v0;
	_ =	sdelay $0x1  }
0x3e4: {  	v3 =	vperm.xlane v3, v2;
	v4 =	vadd.s32 v1, v4;
	_ =	sdelay $0x1  }
0x3e5: {  	v3 =	vadd.s32 v1, v3;
	_ =	sdelay $0x2  }
0x3e6: {  	[hbm4b:s5+s2] =	stream.indirect_vreg.scatter [tilespmem:s18], [sflag:$0x1], $0x80, v4, vm0, $0xb8;
	[tilespmem:$0x10100] =	vst v63  }
0x3e7: {  	_ = 	snop  }
0x3e8: {  	[hbm4b:s5+s2] =	stream.indirect_vreg.scatter [tilespmem:s19], [sflag:$0x1], $0x80, v3, vm0, $0xb8;
	[tilespmem:$0x10100] =	vst v63  }
0x3e9: {  	v3 =	vld [tilespmem:$0x50];
	_ =	sdelay $0x4  }
0x3ea: {  	v21 =	vshll.u32 v3, $0x1  }
0x3eb: {  	v3 =	vand.u32 $0x7, v3;
	v4 =	vand.u32 $0xFFFFFFF0, v21  }
0x3ec: {  	v3 =	vor.u32 v3, v4  }
0x3ed: {  	v4 =	vperm.xlane v3, v0;
	_ =	sdelay $0x1  }
0x3ee: {  	v3 =	vperm.xlane v3, v2;
	v4 =	vadd.s32 v1, v4;
	_ =	sdelay $0x1  }
0x3ef: {  	v3 =	vadd.s32 v1, v3;
	_ =	sdelay $0x2  }
0x3f0: {  	[hbm4b:s5+s2] =	stream.indirect_vreg.scatter [tilespmem:s20], [sflag:$0x1], $0x80, v4, vm0, $0xb8;
	[tilespmem:$0x10100] =	vst v63  }
0x3f1: {  	_ = 	snop  }
0x3f2: {  	[hbm4b:s5+s2] =	stream.indirect_vreg.scatter [tilespmem:s21], [sflag:$0x1], $0x80, v3, vm0, $0xb8;
	[tilespmem:$0x10100] =	vst v63  }
0x3f3: {  	v3 =	vld [tilespmem:$0x60];
	_ =	sdelay $0x4  }
0x3f4: {  	v22 =	vshll.u32 v3, $0x1  }
0x3f5: {  	v3 =	vand.u32 $0x7, v3;
	v4 =	vand.u32 $0xFFFFFFF0, v22  }
0x3f6: {  	v3 =	vor.u32 v3, v4  }
0x3f7: {  	v4 =	vperm.xlane v3, v0;
	_ =	sdelay $0x1  }
0x3f8: {  	v3 =	vperm.xlane v3, v2;
	v4 =	vadd.s32 v1, v4;
	_ =	sdelay $0x1  }
0x3f9: {  	v3 =	vadd.s32 v1, v3;
	_ =	sdelay $0x2  }
0x3fa: {  	[hbm4b:s5+s2] =	stream.indirect_vreg.scatter [tilespmem:s4], [sflag:$0x1], $0x80, v4, vm0, $0xb8;
	[tilespmem:$0x10100] =	vst v63  }
0x3fb: {  	_ = 	snop  }
0x3fc: {  	[hbm4b:s5+s2] =	stream.indirect_vreg.scatter [tilespmem:s22], [sflag:$0x1], $0x80, v3, vm0, $0xb8;
	[tilespmem:$0x10100] =	vst v63  }
0x3fd: {  	v3 =	vld [tilespmem:$0x70];
	_ =	sdelay $0x4  }
0x3fe: {  	v23 =	vshll.u32 v3, $0x1  }
0x3ff: {  	v3 =	vand.u32 $0x7, v3;
	v4 =	vand.u32 $0xFFFFFFF0, v23  }
0x400: {  	v3 =	vor.u32 v3, v4  }
0x401: {  	v4 =	vperm.xlane v3, v0;
	_ =	sdelay $0x1  }
0x402: {  	v3 =	vperm.xlane v3, v2;
	v4 =	vadd.s32 v1, v4;
	_ =	sdelay $0x1  }
0x403: {  	v3 =	vadd.s32 v1, v3;
	_ =	sdelay $0x2  }
0x404: {  	[hbm4b:s5+s2] =	stream.indirect_vreg.scatter [tilespmem:s23], [sflag:$0x1], $0x80, v4, vm0, $0xb8;
	[tilespmem:$0x10100] =	vst v63  }
0x405: {  	s22 =	simm.s32 $0x7900  }
0x406: {  	[hbm4b:s5+s2] =	stream.indirect_vreg.scatter [tilespmem:s22], [sflag:$0x1], $0x80, v3, vm0, $0xb8;
	[tilespmem:$0x10100] =	vst v63  }
0x407: {  	v3 =	vld [tilespmem:$0x80];
	_ =	sdelay $0x4  }
0x408: {  	v24 =	vshll.u32 v3, $0x1  }
0x409: {  	v3 =	vand.u32 $0x7, v3;
	v4 =	vand.u32 $0xFFFFFFF0, v24  }
0x40a: {  	v3 =	vor.u32 v3, v4  }
0x40b: {  	v4 =	vperm.xlane v3, v0;
	_ =	sdelay $0x1  }
0x40c: {  	v3 =	vperm.xlane v3, v2;
	v4 =	vadd.s32 v1, v4;
	_ =	sdelay $0x1  }
0x40d: {  	v3 =	vadd.s32 v1, v3;
	_ =	sdelay $0x1  }
0x40e: {  	s23 =	simm.s32 $0x8100  }
0x40f: {  	[hbm4b:s5+s2] =	stream.indirect_vreg.scatter [tilespmem:s23], [sflag:$0x1], $0x80, v4, vm0, $0xb8;
	[tilespmem:$0x10100] =	vst v63  }
0x410: {  	_ = 	snop  }
0x411: {  	[hbm4b:s5+s2] =	stream.indirect_vreg.scatter [tilespmem:s31], [sflag:$0x1], $0x80, v3, vm0, $0xb8;
	[tilespmem:$0x10100] =	vst v63  }
0x412: {  	v3 =	vld [tilespmem:$0x90];
	_ =	sdelay $0x4  }
0x413: {  	v25 =	vshll.u32 v3, $0x1  }
0x414: {  	v3 =	vand.u32 $0x7, v3;
	v4 =	vand.u32 $0xFFFFFFF0, v25  }
0x415: {  	v3 =	vor.u32 v3, v4  }
0x416: {  	v4 =	vperm.xlane v3, v0;
	_ =	sdelay $0x1  }
0x417: {  	v3 =	vperm.xlane v3, v2;
	v4 =	vadd.s32 v1, v4;
	_ =	sdelay $0x1  }
0x418: {  	v3 =	vadd.s32 v1, v3;
	_ =	sdelay $0x1  }
0x419: {  	s6 =	simm.s32 $0x9100  }
0x41a: {  	[hbm4b:s5+s2] =	stream.indirect_vreg.scatter [tilespmem:s6], [sflag:$0x1], $0x80, v4, vm0, $0xb8;
	[tilespmem:$0x10100] =	vst v63  }
0x41b: {  	_ = 	snop  }
0x41c: {  	[hbm4b:s5+s2] =	stream.indirect_vreg.scatter [tilespmem:s7], [sflag:$0x1], $0x80, v3, vm0, $0xb8;
	[tilespmem:$0x10100] =	vst v63  }
0x41d: {  	v3 =	vld [tilespmem:$0xA0];
	_ =	sdelay $0x4  }
0x41e: {  	v26 =	vshll.u32 v3, $0x1  }
0x41f: {  	v3 =	vand.u32 $0x7, v3;
	v4 =	vand.u32 $0xFFFFFFF0, v26  }
0x420: {  	v3 =	vor.u32 v3, v4  }
0x421: {  	v4 =	vperm.xlane v3, v0;
	_ =	sdelay $0x1  }
0x422: {  	v3 =	vperm.xlane v3, v2;
	v4 =	vadd.s32 v1, v4;
	_ =	sdelay $0x1  }
0x423: {  	v3 =	vadd.s32 v1, v3;
	_ =	sdelay $0x1  }
0x424: {  	s7 =	simm.s32 $0xA100  }
0x425: {  	[hbm4b:s5+s2] =	stream.indirect_vreg.scatter [tilespmem:s7], [sflag:$0x1], $0x80, v4, vm0, $0xb8;
	[tilespmem:$0x10100] =	vst v63  }
0x426: {  	_ = 	snop  }
0x427: {  	[hbm4b:s5+s2] =	stream.indirect_vreg.scatter [tilespmem:s9], [sflag:$0x1], $0x80, v3, vm0, $0xb8;
	[tilespmem:$0x10100] =	vst v63  }
0x428: {  	v3 =	vld [tilespmem:$0xB0];
	_ =	sdelay $0x4  }
0x429: {  	v27 =	vshll.u32 v3, $0x1  }
0x42a: {  	v3 =	vand.u32 $0x7, v3;
	v4 =	vand.u32 $0xFFFFFFF0, v27  }
0x42b: {  	v3 =	vor.u32 v3, v4  }
0x42c: {  	v4 =	vperm.xlane v3, v0;
	_ =	sdelay $0x1  }
0x42d: {  	v3 =	vperm.xlane v3, v2;
	v4 =	vadd.s32 v1, v4;
	_ =	sdelay $0x1  }
0x42e: {  	v3 =	vadd.s32 v1, v3;
	_ =	sdelay $0x1  }
0x42f: {  	s9 =	simm.s32 $0xB100  }
0x430: {  	[hbm4b:s5+s2] =	stream.indirect_vreg.scatter [tilespmem:s9], [sflag:$0x1], $0x80, v4, vm0, $0xb8;
	[tilespmem:$0x10100] =	vst v63  }
0x431: {  	_ = 	snop  }
0x432: {  	[hbm4b:s5+s2] =	stream.indirect_vreg.scatter [tilespmem:s11], [sflag:$0x1], $0x80, v3, vm0, $0xb8;
	[tilespmem:$0x10100] =	vst v63  }
0x433: {  	v3 =	vld [tilespmem:$0xC0];
	_ =	sdelay $0x4  }
0x434: {  	v28 =	vshll.u32 v3, $0x1  }
0x435: {  	v3 =	vand.u32 $0x7, v3;
	v4 =	vand.u32 $0xFFFFFFF0, v28  }
0x436: {  	v3 =	vor.u32 v3, v4  }
0x437: {  	v4 =	vperm.xlane v3, v0;
	_ =	sdelay $0x1  }
0x438: {  	v3 =	vperm.xlane v3, v2;
	v4 =	vadd.s32 v1, v4;
	_ =	sdelay $0x1  }
0x439: {  	v3 =	vadd.s32 v1, v3;
	_ =	sdelay $0x1  }
0x43a: {  	s11 =	simm.s32 $0xC100  }
0x43b: {  	[hbm4b:s5+s2] =	stream.indirect_vreg.scatter [tilespmem:s11], [sflag:$0x1], $0x80, v4, vm0, $0xb8;
	[tilespmem:$0x10100] =	vst v63  }
0x43c: {  	_ = 	snop  }
0x43d: {  	[hbm4b:s5+s2] =	stream.indirect_vreg.scatter [tilespmem:s17], [sflag:$0x1], $0x80, v3, vm0, $0xb8;
	[tilespmem:$0x10100] =	vst v63  }
0x43e: {  	v3 =	vld [tilespmem:$0xD0];
	_ =	sdelay $0x4  }
0x43f: {  	v29 =	vshll.u32 v3, $0x1  }
0x440: {  	v3 =	vand.u32 $0x7, v3;
	v4 =	vand.u32 $0xFFFFFFF0, v29  }
0x441: {  	v3 =	vor.u32 v3, v4  }
0x442: {  	v4 =	vperm.xlane v3, v0;
	_ =	sdelay $0x1  }
0x443: {  	v3 =	vperm.xlane v3, v2;
	v4 =	vadd.s32 v1, v4;
	_ =	sdelay $0x1  }
0x444: {  	v3 =	vadd.s32 v1, v3;
	_ =	sdelay $0x2  }
0x445: {  	[hbm4b:s5+s2] =	stream.indirect_vreg.scatter [tilespmem:s0], [sflag:$0x1], $0x80, v4, vm0, $0xb8;
	[tilespmem:$0x10100] =	vst v63  }
0x446: {  	_ = 	snop  }
0x447: {  	[hbm4b:s5+s2] =	stream.indirect_vreg.scatter [tilespmem:s10], [sflag:$0x1], $0x80, v3, vm0, $0xb8;
	[tilespmem:$0x10100] =	vst v63  }
0x448: {  	v3 =	vld [tilespmem:$0xE0];
	_ =	sdelay $0x4  }
0x449: {  	v30 =	vshll.u32 v3, $0x1  }
0x44a: {  	v3 =	vand.u32 $0x7, v3;
	v4 =	vand.u32 $0xFFFFFFF0, v30  }
0x44b: {  	v3 =	vor.u32 v3, v4  }
0x44c: {  	v4 =	vperm.xlane v3, v0;
	_ =	sdelay $0x1  }
0x44d: {  	v3 =	vperm.xlane v3, v2;
	v4 =	vadd.s32 v1, v4;
	_ =	sdelay $0x1  }
0x44e: {  	v3 =	vadd.s32 v1, v3;
	_ =	sdelay $0x2  }
0x44f: {  	[hbm4b:s5+s2] =	stream.indirect_vreg.scatter [tilespmem:s1], [sflag:$0x1], $0x80, v4, vm0, $0xb8;
	[tilespmem:$0x10100] =	vst v63  }
0x450: {  	_ = 	snop  }
0x451: {  	[hbm4b:s5+s2] =	stream.indirect_vreg.scatter [tilespmem:s12], [sflag:$0x1], $0x80, v3, vm0, $0xb8;
	[tilespmem:$0x10100] =	vst v63  }
0x452: {  	v3 =	vld [tilespmem:$0xF0];
	_ =	sdelay $0x4  }
0x453: {  	v31 =	vshll.u32 v3, $0x1  }
0x454: {  	v3 =	vand.u32 $0x7, v3;
	v4 =	vand.u32 $0xFFFFFFF0, v31  }
0x455: {  	v3 =	vor.u32 v3, v4  }
0x456: {  	v4 =	vperm.xlane v3, v0;
	_ =	sdelay $0x1  }
0x457: {  	v3 =	vperm.xlane v3, v2;
	v4 =	vadd.s32 v1, v4;
	_ =	sdelay $0x1  }
0x458: {  	v3 =	vadd.s32 v1, v3;
	_ =	sdelay $0x2  }
0x459: {  	[hbm4b:s5+s2] =	stream.indirect_vreg.scatter [tilespmem:s3], [sflag:$0x1], $0x80, v4, vm0, $0xb8;
	[tilespmem:$0x10100] =	vst v63  }
0x45a: {  	_ = 	snop  }
0x45b: {  	[hbm4b:s5+s2] =	stream.indirect_vreg.scatter [tilespmem:s16], [sflag:$0x1], $0x80, v3, vm0, $0xb8;
	[tilespmem:$0x10100] =	vst v63  }
0x45c: {  	_ =	swait.ge [sflag:s14], $0x8000  }
0x45d: {  	[sflag:s14] =	ssyncset.done $0x0  }
0x45e: {  	[sflag:s14] =	ssyncadd.s32 $0xFFFF8000  }
0x45f: {  	_ =	swait.ge [sflag:s14], $0x8000  }
0x460: {  	[sflag:s14] =	ssyncset.done $0x0  }
0x461: {  	s12 =	rddreg [dreg:$0x9];
	[sflag:s14] =	ssyncadd.s32 $0xFFFF8000  }
0x462: {  	[tilespmem:s2], [sflag:$0x2] =	stream.linear.gather [hbm4b:s12+s2], $0x100, $0x38;
	[tilespmem:$0x10100] =	vst v63  }
0x463: {  	_ =	swait.ge [sflag:s8], $0x100  }
0x464: {  	[sflag:s8] =	ssyncset.done $0x0  }
0x465: {  	[sflag:s8] =	ssyncadd.s32 $0xFFFFFF00  }
0x466: {  	v3 =	vld [tilespmem:$0x0];
	_ =	sdelay $0x4  }
0x467: {  	v32 =	vshll.u32 v3, $0x1  }
0x468: {  	v3 =	vand.u32 $0x7, v3;
	v4 =	vand.u32 $0xFFFFFFF0, v32  }
0x469: {  	v3 =	vor.u32 v3, v4  }
0x46a: {  	v4 =	vperm.xlane v3, v0;
	_ =	sdelay $0x1  }
0x46b: {  	v3 =	vperm.xlane v3, v2;
	v4 =	vadd.s32 v1, v4;
	_ =	sdelay $0x1  }
0x46c: {  	v3 =	vadd.s32 v1, v3;
	_ =	sdelay $0x1  }
0x46d: {  	s15 =	simm.s32 $0x100  }
0x46e: {  	[hbm4b:s5+s2] =	stream.indirect_vreg.scatter [tilespmem:s15], [sflag:$0x1], $0x80, v4, vm0, $0xb8;
	[tilespmem:$0x10100] =	vst v63  }
0x46f: {  	s16 =	simm.s32 $0x900  }
0x470: {  	[hbm4b:s5+s2] =	stream.indirect_vreg.scatter [tilespmem:s16], [sflag:$0x1], $0x80, v3, vm0, $0xb8;
	[tilespmem:$0x10100] =	vst v63  }
0x471: {  	v3 =	vld [tilespmem:$0x10];
	_ =	sdelay $0x4  }
0x472: {  	v33 =	vshll.u32 v3, $0x1  }
0x473: {  	v3 =	vand.u32 $0x7, v3;
	v4 =	vand.u32 $0xFFFFFFF0, v33  }
0x474: {  	v3 =	vor.u32 v3, v4  }
0x475: {  	v4 =	vperm.xlane v3, v0;
	_ =	sdelay $0x1  }
0x476: {  	v3 =	vperm.xlane v3, v2;
	v4 =	vadd.s32 v1, v4;
	_ =	sdelay $0x1  }
0x477: {  	v3 =	vadd.s32 v1, v3;
	_ =	sdelay $0x1  }
0x478: {  	s29 =	simm.s32 $0x1100  }
0x479: {  	[hbm4b:s5+s2] =	stream.indirect_vreg.scatter [tilespmem:s29], [sflag:$0x1], $0x80, v4, vm0, $0xb8;
	[tilespmem:$0x10100] =	vst v63  }
0x47a: {  	s30 =	simm.s32 $0x1900  }
0x47b: {  	[hbm4b:s5+s2] =	stream.indirect_vreg.scatter [tilespmem:s30], [sflag:$0x1], $0x80, v3, vm0, $0xb8;
	[tilespmem:$0x10100] =	vst v63  }
0x47c: {  	v3 =	vld [tilespmem:$0x20];
	_ =	sdelay $0x4  }
0x47d: {  	v34 =	vshll.u32 v3, $0x1  }
0x47e: {  	v3 =	vand.u32 $0x7, v3;
	v4 =	vand.u32 $0xFFFFFFF0, v34  }
0x47f: {  	v3 =	vor.u32 v3, v4  }
0x480: {  	v4 =	vperm.xlane v3, v0;
	_ =	sdelay $0x1  }
0x481: {  	v3 =	vperm.xlane v3, v2;
	v4 =	vadd.s32 v1, v4;
	_ =	sdelay $0x1  }
0x482: {  	v3 =	vadd.s32 v1, v3;
	_ =	sdelay $0x1  }
0x483: {  	s30 =	simm.s32 $0x2100  }
0x484: {  	[hbm4b:s5+s2] =	stream.indirect_vreg.scatter [tilespmem:s30], [sflag:$0x1], $0x80, v4, vm0, $0xb8;
	[tilespmem:$0x10100] =	vst v63  }
0x485: {  	s10 =	simm.s32 $0x2900  }
0x486: {  	[hbm4b:s5+s2] =	stream.indirect_vreg.scatter [tilespmem:s10], [sflag:$0x1], $0x80, v3, vm0, $0xb8;
	[tilespmem:$0x10100] =	vst v63  }
0x487: {  	v3 =	vld [tilespmem:$0x30];
	_ =	sdelay $0x4  }
0x488: {  	v35 =	vshll.u32 v3, $0x1  }
0x489: {  	v3 =	vand.u32 $0x7, v3;
	v4 =	vand.u32 $0xFFFFFFF0, v35  }
0x48a: {  	v3 =	vor.u32 v3, v4  }
0x48b: {  	v4 =	vperm.xlane v3, v0;
	_ =	sdelay $0x1  }
0x48c: {  	v3 =	vperm.xlane v3, v2;
	v4 =	vadd.s32 v1, v4;
	_ =	sdelay $0x1  }
0x48d: {  	v3 =	vadd.s32 v1, v3;
	_ =	sdelay $0x1  }
0x48e: {  	s12 =	simm.s32 $0x3100  }
0x48f: {  	[hbm4b:s5+s2] =	stream.indirect_vreg.scatter [tilespmem:s12], [sflag:$0x1], $0x80, v4, vm0, $0xb8;
	[tilespmem:$0x10100] =	vst v63  }
0x490: {  	s15 =	simm.s32 $0x3900  }
0x491: {  	[hbm4b:s5+s2] =	stream.indirect_vreg.scatter [tilespmem:s15], [sflag:$0x1], $0x80, v3, vm0, $0xb8;
	[tilespmem:$0x10100] =	vst v63  }
0x492: {  	v3 =	vld [tilespmem:$0x40];
	_ =	sdelay $0x4  }
0x493: {  	v36 =	vshll.u32 v3, $0x1  }
0x494: {  	v3 =	vand.u32 $0x7, v3;
	v4 =	vand.u32 $0xFFFFFFF0, v36  }
0x495: {  	v3 =	vor.u32 v3, v4  }
0x496: {  	v4 =	vperm.xlane v3, v0;
	_ =	sdelay $0x1  }
0x497: {  	v3 =	vperm.xlane v3, v2;
	v4 =	vadd.s32 v1, v4;
	_ =	sdelay $0x1  }
0x498: {  	v3 =	vadd.s32 v1, v3;
	_ =	sdelay $0x1  }
0x499: {  	s24 =	simm.s32 $0x4100  }
0x49a: {  	[hbm4b:s5+s2] =	stream.indirect_vreg.scatter [tilespmem:s24], [sflag:$0x1], $0x80, v4, vm0, $0xb8;
	[tilespmem:$0x10100] =	vst v63  }
0x49b: {  	s25 =	simm.s32 $0x4900  }
0x49c: {  	[hbm4b:s5+s2] =	stream.indirect_vreg.scatter [tilespmem:s25], [sflag:$0x1], $0x80, v3, vm0, $0xb8;
	[tilespmem:$0x10100] =	vst v63  }
0x49d: {  	v3 =	vld [tilespmem:$0x50];
	_ =	sdelay $0x4  }
0x49e: {  	v37 =	vshll.u32 v3, $0x1  }
0x49f: {  	v3 =	vand.u32 $0x7, v3;
	v4 =	vand.u32 $0xFFFFFFF0, v37  }
0x4a0: {  	v3 =	vor.u32 v3, v4  }
0x4a1: {  	v4 =	vperm.xlane v3, v0;
	_ =	sdelay $0x1  }
0x4a2: {  	v3 =	vperm.xlane v3, v2;
	v4 =	vadd.s32 v1, v4;
	_ =	sdelay $0x1  }
0x4a3: {  	v3 =	vadd.s32 v1, v3;
	_ =	sdelay $0x1  }
0x4a4: {  	s26 =	simm.s32 $0x5100  }
0x4a5: {  	[hbm4b:s5+s2] =	stream.indirect_vreg.scatter [tilespmem:s26], [sflag:$0x1], $0x80, v4, vm0, $0xb8;
	[tilespmem:$0x10100] =	vst v63  }
0x4a6: {  	s28 =	simm.s32 $0x5900  }
0x4a7: {  	[hbm4b:s5+s2] =	stream.indirect_vreg.scatter [tilespmem:s28], [sflag:$0x1], $0x80, v3, vm0, $0xb8;
	[tilespmem:$0x10100] =	vst v63  }
0x4a8: {  	v3 =	vld [tilespmem:$0x60];
	_ =	sdelay $0x4  }
0x4a9: {  	v38 =	vshll.u32 v3, $0x1  }
0x4aa: {  	v3 =	vand.u32 $0x7, v3;
	v4 =	vand.u32 $0xFFFFFFF0, v38  }
0x4ab: {  	v3 =	vor.u32 v3, v4  }
0x4ac: {  	v4 =	vperm.xlane v3, v0;
	_ =	sdelay $0x1  }
0x4ad: {  	v3 =	vperm.xlane v3, v2;
	v4 =	vadd.s32 v1, v4;
	_ =	sdelay $0x1  }
0x4ae: {  	v3 =	vadd.s32 v1, v3;
	_ =	sdelay $0x1  }
0x4af: {  	s19 =	simm.s32 $0x6100  }
0x4b0: {  	[hbm4b:s5+s2] =	stream.indirect_vreg.scatter [tilespmem:s19], [sflag:$0x1], $0x80, v4, vm0, $0xb8;
	[tilespmem:$0x10100] =	vst v63  }
0x4b1: {  	s16 =	simm.s32 $0x6900  }
0x4b2: {  	[hbm4b:s5+s2] =	stream.indirect_vreg.scatter [tilespmem:s16], [sflag:$0x1], $0x80, v3, vm0, $0xb8;
	[tilespmem:$0x10100] =	vst v63  }
0x4b3: {  	v3 =	vld [tilespmem:$0x70];
	_ =	sdelay $0x4  }
0x4b4: {  	v39 =	vshll.u32 v3, $0x1  }
0x4b5: {  	v3 =	vand.u32 $0x7, v3;
	v4 =	vand.u32 $0xFFFFFFF0, v39  }
0x4b6: {  	v3 =	vor.u32 v3, v4  }
0x4b7: {  	v4 =	vperm.xlane v3, v0;
	_ =	sdelay $0x1  }
0x4b8: {  	v3 =	vperm.xlane v3, v2;
	v4 =	vadd.s32 v1, v4;
	_ =	sdelay $0x1  }
0x4b9: {  	v3 =	vadd.s32 v1, v3;
	_ =	sdelay $0x1  }
0x4ba: {  	s19 =	simm.s32 $0x7100  }
0x4bb: {  	[hbm4b:s5+s2] =	stream.indirect_vreg.scatter [tilespmem:s19], [sflag:$0x1], $0x80, v4, vm0, $0xb8;
	[tilespmem:$0x10100] =	vst v63  }
0x4bc: {  	s26 =	simm.s32 $0x7900  }
0x4bd: {  	[hbm4b:s5+s2] =	stream.indirect_vreg.scatter [tilespmem:s26], [sflag:$0x1], $0x80, v3, vm0, $0xb8;
	[tilespmem:$0x10100] =	vst v63  }
0x4be: {  	v3 =	vld [tilespmem:$0x80];
	_ =	sdelay $0x4  }
0x4bf: {  	v40 =	vshll.u32 v3, $0x1  }
0x4c0: {  	v3 =	vand.u32 $0x7, v3;
	v4 =	vand.u32 $0xFFFFFFF0, v40  }
0x4c1: {  	v3 =	vor.u32 v3, v4  }
0x4c2: {  	v4 =	vperm.xlane v3, v0;
	_ =	sdelay $0x1  }
0x4c3: {  	v3 =	vperm.xlane v3, v2;
	v4 =	vadd.s32 v1, v4;
	_ =	sdelay $0x1  }
0x4c4: {  	v3 =	vadd.s32 v1, v3;
	_ =	sdelay $0x1  }
0x4c5: {  	s29 =	simm.s32 $0x8100  }
0x4c6: {  	[hbm4b:s5+s2] =	stream.indirect_vreg.scatter [tilespmem:s29], [sflag:$0x1], $0x80, v4, vm0, $0xb8;
	[tilespmem:$0x10100] =	vst v63  }
0x4c7: {  	s15 =	simm.s32 $0x8900  }
0x4c8: {  	[hbm4b:s5+s2] =	stream.indirect_vreg.scatter [tilespmem:s15], [sflag:$0x1], $0x80, v3, vm0, $0xb8;
	[tilespmem:$0x10100] =	vst v63  }
0x4c9: {  	v3 =	vld [tilespmem:$0x90];
	_ =	sdelay $0x4  }
0x4ca: {  	v41 =	vshll.u32 v3, $0x1  }
0x4cb: {  	v3 =	vand.u32 $0x7, v3;
	v4 =	vand.u32 $0xFFFFFFF0, v41  }
0x4cc: {  	v3 =	vor.u32 v3, v4  }
0x4cd: {  	v4 =	vperm.xlane v3, v0;
	_ =	sdelay $0x1  }
0x4ce: {  	v3 =	vperm.xlane v3, v2;
	v4 =	vadd.s32 v1, v4;
	_ =	sdelay $0x1  }
0x4cf: {  	v3 =	vadd.s32 v1, v3;
	_ =	sdelay $0x1  }
0x4d0: {  	s4 =	simm.s32 $0x9100  }
0x4d1: {  	[hbm4b:s5+s2] =	stream.indirect_vreg.scatter [tilespmem:s4], [sflag:$0x1], $0x80, v4, vm0, $0xb8;
	[tilespmem:$0x10100] =	vst v63  }
0x4d2: {  	s13 =	simm.s32 $0x9900  }
0x4d3: {  	[hbm4b:s5+s2] =	stream.indirect_vreg.scatter [tilespmem:s13], [sflag:$0x1], $0x80, v3, vm0, $0xb8;
	[tilespmem:$0x10100] =	vst v63  }
0x4d4: {  	v3 =	vld [tilespmem:$0xA0];
	_ =	sdelay $0x4  }
0x4d5: {  	v42 =	vshll.u32 v3, $0x1  }
0x4d6: {  	v3 =	vand.u32 $0x7, v3;
	v4 =	vand.u32 $0xFFFFFFF0, v42  }
0x4d7: {  	v3 =	vor.u32 v3, v4  }
0x4d8: {  	v4 =	vperm.xlane v3, v0;
	_ =	sdelay $0x1  }
0x4d9: {  	v3 =	vperm.xlane v3, v2;
	v4 =	vadd.s32 v1, v4;
	_ =	sdelay $0x1  }
0x4da: {  	v3 =	vadd.s32 v1, v3;
	_ =	sdelay $0x1  }
0x4db: {  	s19 =	simm.s32 $0xA100  }
0x4dc: {  	[hbm4b:s5+s2] =	stream.indirect_vreg.scatter [tilespmem:s19], [sflag:$0x1], $0x80, v4, vm0, $0xb8;
	[tilespmem:$0x10100] =	vst v63  }
0x4dd: {  	s18 =	simm.s32 $0xA900  }
0x4de: {  	[hbm4b:s5+s2] =	stream.indirect_vreg.scatter [tilespmem:s18], [sflag:$0x1], $0x80, v3, vm0, $0xb8;
	[tilespmem:$0x10100] =	vst v63  }
0x4df: {  	v3 =	vld [tilespmem:$0xB0];
	_ =	sdelay $0x4  }
0x4e0: {  	v43 =	vshll.u32 v3, $0x1  }
0x4e1: {  	v3 =	vand.u32 $0x7, v3;
	v4 =	vand.u32 $0xFFFFFFF0, v43  }
0x4e2: {  	v3 =	vor.u32 v3, v4  }
0x4e3: {  	v4 =	vperm.xlane v3, v0;
	_ =	sdelay $0x1  }
0x4e4: {  	v3 =	vperm.xlane v3, v2;
	v4 =	vadd.s32 v1, v4;
	_ =	sdelay $0x1  }
0x4e5: {  	v3 =	vadd.s32 v1, v3;
	_ =	sdelay $0x1  }
0x4e6: {  	s21 =	simm.s32 $0xB100  }
0x4e7: {  	[hbm4b:s5+s2] =	stream.indirect_vreg.scatter [tilespmem:s21], [sflag:$0x1], $0x80, v4, vm0, $0xb8;
	[tilespmem:$0x10100] =	vst v63  }
0x4e8: {  	s20 =	simm.s32 $0xB900  }
0x4e9: {  	[hbm4b:s5+s2] =	stream.indirect_vreg.scatter [tilespmem:s20], [sflag:$0x1], $0x80, v3, vm0, $0xb8;
	[tilespmem:$0x10100] =	vst v63  }
0x4ea: {  	v3 =	vld [tilespmem:$0xC0];
	_ =	sdelay $0x4  }
0x4eb: {  	v44 =	vshll.u32 v3, $0x1  }
0x4ec: {  	v3 =	vand.u32 $0x7, v3;
	v4 =	vand.u32 $0xFFFFFFF0, v44  }
0x4ed: {  	v3 =	vor.u32 v3, v4  }
0x4ee: {  	v4 =	vperm.xlane v3, v0;
	_ =	sdelay $0x1  }
0x4ef: {  	v3 =	vperm.xlane v3, v2;
	v4 =	vadd.s32 v1, v4;
	_ =	sdelay $0x1  }
0x4f0: {  	v3 =	vadd.s32 v1, v3;
	_ =	sdelay $0x1  }
0x4f1: {  	s23 =	simm.s32 $0xC100  }
0x4f2: {  	[hbm4b:s5+s2] =	stream.indirect_vreg.scatter [tilespmem:s23], [sflag:$0x1], $0x80, v4, vm0, $0xb8;
	[tilespmem:$0x10100] =	vst v63  }
0x4f3: {  	s22 =	simm.s32 $0xC900  }
0x4f4: {  	[hbm4b:s5+s2] =	stream.indirect_vreg.scatter [tilespmem:s22], [sflag:$0x1], $0x80, v3, vm0, $0xb8;
	[tilespmem:$0x10100] =	vst v63  }
0x4f5: {  	v3 =	vld [tilespmem:$0xD0];
	_ =	sdelay $0x4  }
0x4f6: {  	v45 =	vshll.u32 v3, $0x1  }
0x4f7: {  	v3 =	vand.u32 $0x7, v3;
	v4 =	vand.u32 $0xFFFFFFF0, v45  }
0x4f8: {  	v3 =	vor.u32 v3, v4  }
0x4f9: {  	v4 =	vperm.xlane v3, v0;
	_ =	sdelay $0x1  }
0x4fa: {  	v3 =	vperm.xlane v3, v2;
	v4 =	vadd.s32 v1, v4;
	_ =	sdelay $0x1  }
0x4fb: {  	v3 =	vadd.s32 v1, v3;
	_ =	sdelay $0x1  }
0x4fc: {  	s6 =	simm.s32 $0xD100  }
0x4fd: {  	[hbm4b:s5+s2] =	stream.indirect_vreg.scatter [tilespmem:s6], [sflag:$0x1], $0x80, v4, vm0, $0xb8;
	[tilespmem:$0x10100] =	vst v63  }
0x4fe: {  	s11 =	simm.s32 $0xD900  }
0x4ff: {  	[hbm4b:s5+s2] =	stream.indirect_vreg.scatter [tilespmem:s11], [sflag:$0x1], $0x80, v3, vm0, $0xb8;
	[tilespmem:$0x10100] =	vst v63  }
0x500: {  	v3 =	vld [tilespmem:$0xE0];
	_ =	sdelay $0x4  }
0x501: {  	v46 =	vshll.u32 v3, $0x1  }
0x502: {  	v3 =	vand.u32 $0x7, v3;
	v4 =	vand.u32 $0xFFFFFFF0, v46  }
0x503: {  	v3 =	vor.u32 v3, v4  }
0x504: {  	v4 =	vperm.xlane v3, v0;
	_ =	sdelay $0x1  }
0x505: {  	v3 =	vperm.xlane v3, v2;
	v4 =	vadd.s32 v1, v4;
	_ =	sdelay $0x1  }
0x506: {  	v3 =	vadd.s32 v1, v3;
	_ =	sdelay $0x1  }
0x507: {  	s7 =	simm.s32 $0xE100  }
0x508: {  	[hbm4b:s5+s2] =	stream.indirect_vreg.scatter [tilespmem:s7], [sflag:$0x1], $0x80, v4, vm0, $0xb8;
	[tilespmem:$0x10100] =	vst v63  }
0x509: {  	s17 =	simm.s32 $0xE900  }
0x50a: {  	[hbm4b:s5+s2] =	stream.indirect_vreg.scatter [tilespmem:s17], [sflag:$0x1], $0x80, v3, vm0, $0xb8;
	[tilespmem:$0x10100] =	vst v63  }
0x50b: {  	v3 =	vld [tilespmem:$0xF0];
	_ =	sdelay $0x4  }
0x50c: {  	v47 =	vshll.u32 v3, $0x1  }
0x50d: {  	v3 =	vand.u32 $0x7, v3;
	v4 =	vand.u32 $0xFFFFFFF0, v47  }
0x50e: {  	v3 =	vor.u32 v3, v4  }
0x50f: {  	v4 =	vperm.xlane v3, v0;
	_ =	sdelay $0x1  }
0x510: {  	v3 =	vperm.xlane v3, v2;
	v4 =	vadd.s32 v1, v4;
	_ =	sdelay $0x1  }
0x511: {  	v3 =	vadd.s32 v1, v3;
	_ =	sdelay $0x1  }
0x512: {  	s9 =	simm.s32 $0xF100  }
0x513: {  	[hbm4b:s5+s2] =	stream.indirect_vreg.scatter [tilespmem:s9], [sflag:$0x1], $0x80, v4, vm0, $0xb8;
	[tilespmem:$0x10100] =	vst v63  }
0x514: {  	s31 =	simm.s32 $0xF900  }
0x515: {  	[hbm4b:s5+s2] =	stream.indirect_vreg.scatter [tilespmem:s31], [sflag:$0x1], $0x80, v3, vm0, $0xb8;
	[tilespmem:$0x10100] =	vst v63  }
0x516: {  	_ =	swait.ge [sflag:s14], $0x8000  }
0x517: {  	[sflag:s14] =	ssyncset.done $0x0  }
0x518: {  	[sflag:s14] =	ssyncadd.s32 $0xFFFF8000  }
0x519: {  	_ =	swait.ge [sflag:s14], $0x8000  }
0x51a: {  	[sflag:s14] =	ssyncset.done $0x0  }
0x51b: {  	s22 =	rddreg [dreg:$0xa];
	[sflag:s14] =	ssyncadd.s32 $0xFFFF8000  }
0x51c: {  	[tilespmem:s2], [sflag:$0x2] =	stream.linear.gather [hbm4b:s22+s2], $0x100, $0x38;
	[tilespmem:$0x10100] =	vst v63  }
0x51d: {  	_ =	swait.ge [sflag:s8], $0x100  }
0x51e: {  	[sflag:s8] =	ssyncset.done $0x0  }
0x51f: {  	[sflag:s8] =	ssyncadd.s32 $0xFFFFFF00  }
0x520: {  	v3 =	vld [tilespmem:$0x0];
	_ =	sdelay $0x4  }
0x521: {  	v48 =	vshll.u32 v3, $0x1  }
0x522: {  	v3 =	vand.u32 $0x7, v3;
	v4 =	vand.u32 $0xFFFFFFF0, v48  }
0x523: {  	v3 =	vor.u32 v3, v4  }
0x524: {  	v4 =	vperm.xlane v3, v0;
	_ =	sdelay $0x1  }
0x525: {  	v3 =	vperm.xlane v3, v2;
	v4 =	vadd.s32 v1, v4;
	_ =	sdelay $0x1  }
0x526: {  	v3 =	vadd.s32 v1, v3;
	_ =	sdelay $0x1  }
0x527: {  	s23 =	simm.s32 $0x100  }
0x528: {  	[hbm4b:s5+s2] =	stream.indirect_vreg.scatter [tilespmem:s23], [sflag:$0x1], $0x80, v4, vm0, $0xb8;
	[tilespmem:$0x10100] =	vst v63  }
0x529: {  	s31 =	simm.s32 $0x900  }
0x52a: {  	[hbm4b:s5+s2] =	stream.indirect_vreg.scatter [tilespmem:s31], [sflag:$0x1], $0x80, v3, vm0, $0xb8;
	[tilespmem:$0x10100] =	vst v63  }
0x52b: {  	v3 =	vld [tilespmem:$0x10];
	_ =	sdelay $0x4  }
0x52c: {  	v49 =	vshll.u32 v3, $0x1  }
0x52d: {  	v3 =	vand.u32 $0x7, v3;
	v4 =	vand.u32 $0xFFFFFFF0, v49  }
0x52e: {  	v3 =	vor.u32 v3, v4  }
0x52f: {  	v4 =	vperm.xlane v3, v0;
	_ =	sdelay $0x1  }
0x530: {  	v3 =	vperm.xlane v3, v2;
	v4 =	vadd.s32 v1, v4;
	_ =	sdelay $0x1  }
0x531: {  	v3 =	vadd.s32 v1, v3;
	_ =	sdelay $0x1  }
0x532: {  	s1 =	simm.s32 $0x1100  }
0x533: {  	[hbm4b:s5+s2] =	stream.indirect_vreg.scatter [tilespmem:s1], [sflag:$0x1], $0x80, v4, vm0, $0xb8;
	[tilespmem:$0x10100] =	vst v63  }
0x534: {  	s3 =	simm.s32 $0x1900  }
0x535: {  	[hbm4b:s5+s2] =	stream.indirect_vreg.scatter [tilespmem:s3], [sflag:$0x1], $0x80, v3, vm0, $0xb8;
	[tilespmem:$0x10100] =	vst v63  }
0x536: {  	v3 =	vld [tilespmem:$0x20];
	_ =	sdelay $0x4  }
0x537: {  	v50 =	vshll.u32 v3, $0x1  }
0x538: {  	v3 =	vand.u32 $0x7, v3;
	v4 =	vand.u32 $0xFFFFFFF0, v50  }
0x539: {  	v3 =	vor.u32 v3, v4  }
0x53a: {  	v4 =	vperm.xlane v3, v0;
	_ =	sdelay $0x1  }
0x53b: {  	v3 =	vperm.xlane v3, v2;
	v4 =	vadd.s32 v1, v4;
	_ =	sdelay $0x1  }
0x53c: {  	v3 =	vadd.s32 v1, v3;
	_ =	sdelay $0x1  }
0x53d: {  	s15 =	simm.s32 $0x2100  }
0x53e: {  	[hbm4b:s5+s2] =	stream.indirect_vreg.scatter [tilespmem:s15], [sflag:$0x1], $0x80, v4, vm0, $0xb8;
	[tilespmem:$0x10100] =	vst v63  }
0x53f: {  	s17 =	simm.s32 $0x2900  }
0x540: {  	[hbm4b:s5+s2] =	stream.indirect_vreg.scatter [tilespmem:s17], [sflag:$0x1], $0x80, v3, vm0, $0xb8;
	[tilespmem:$0x10100] =	vst v63  }
0x541: {  	v3 =	vld [tilespmem:$0x30];
	_ =	sdelay $0x4  }
0x542: {  	v51 =	vshll.u32 v3, $0x1  }
0x543: {  	v3 =	vand.u32 $0x7, v3;
	v4 =	vand.u32 $0xFFFFFFF0, v51  }
0x544: {  	v3 =	vor.u32 v3, v4  }
0x545: {  	v4 =	vperm.xlane v3, v0;
	_ =	sdelay $0x1  }
0x546: {  	v3 =	vperm.xlane v3, v2;
	v4 =	vadd.s32 v1, v4;
	_ =	sdelay $0x1  }
0x547: {  	v3 =	vadd.s32 v1, v3;
	_ =	sdelay $0x1  }
0x548: {  	s22 =	simm.s32 $0x3100  }
0x549: {  	[hbm4b:s5+s2] =	stream.indirect_vreg.scatter [tilespmem:s22], [sflag:$0x1], $0x80, v4, vm0, $0xb8;
	[tilespmem:$0x10100] =	vst v63  }
0x54a: {  	s23 =	simm.s32 $0x3900  }
0x54b: {  	[hbm4b:s5+s2] =	stream.indirect_vreg.scatter [tilespmem:s23], [sflag:$0x1], $0x80, v3, vm0, $0xb8;
	[tilespmem:$0x10100] =	vst v63  }
0x54c: {  	v3 =	vld [tilespmem:$0x40];
	_ =	sdelay $0x4  }
0x54d: {  	v52 =	vshll.u32 v3, $0x1  }
0x54e: {  	v3 =	vand.u32 $0x7, v3;
	v4 =	vand.u32 $0xFFFFFFF0, v52  }
0x54f: {  	v3 =	vor.u32 v3, v4  }
0x550: {  	v4 =	vperm.xlane v3, v0;
	_ =	sdelay $0x1  }
0x551: {  	v3 =	vperm.xlane v3, v2;
	v4 =	vadd.s32 v1, v4;
	_ =	sdelay $0x1  }
0x552: {  	v3 =	vadd.s32 v1, v3;
	_ =	sdelay $0x1  }
0x553: {  	s30 =	simm.s32 $0x4100  }
0x554: {  	[hbm4b:s5+s2] =	stream.indirect_vreg.scatter [tilespmem:s30], [sflag:$0x1], $0x80, v4, vm0, $0xb8;
	[tilespmem:$0x10100] =	vst v63  }
0x555: {  	s10 =	simm.s32 $0x4900  }
0x556: {  	[hbm4b:s5+s2] =	stream.indirect_vreg.scatter [tilespmem:s10], [sflag:$0x1], $0x80, v3, vm0, $0xb8;
	[tilespmem:$0x10100] =	vst v63  }
0x557: {  	v3 =	vld [tilespmem:$0x50];
	_ =	sdelay $0x4  }
0x558: {  	v53 =	vshll.u32 v3, $0x1  }
0x559: {  	v3 =	vand.u32 $0x7, v3;
	v4 =	vand.u32 $0xFFFFFFF0, v53  }
0x55a: {  	v3 =	vor.u32 v3, v4  }
0x55b: {  	v4 =	vperm.xlane v3, v0;
	_ =	sdelay $0x1  }
0x55c: {  	v3 =	vperm.xlane v3, v2;
	v4 =	vadd.s32 v1, v4;
	_ =	sdelay $0x1  }
0x55d: {  	v3 =	vadd.s32 v1, v3;
	_ =	sdelay $0x1  }
0x55e: {  	s25 =	simm.s32 $0x5100  }
0x55f: {  	[hbm4b:s5+s2] =	stream.indirect_vreg.scatter [tilespmem:s25], [sflag:$0x1], $0x80, v4, vm0, $0xb8;
	[tilespmem:$0x10100] =	vst v63  }
0x560: {  	s12 =	simm.s32 $0x5900  }
0x561: {  	[hbm4b:s5+s2] =	stream.indirect_vreg.scatter [tilespmem:s12], [sflag:$0x1], $0x80, v3, vm0, $0xb8;
	[tilespmem:$0x10100] =	vst v63  }
0x562: {  	v3 =	vld [tilespmem:$0x60];
	_ =	sdelay $0x4  }
0x563: {  	v54 =	vshll.u32 v3, $0x1  }
0x564: {  	v3 =	vand.u32 $0x7, v3;
	v4 =	vand.u32 $0xFFFFFFF0, v54  }
0x565: {  	v3 =	vor.u32 v3, v4  }
0x566: {  	v4 =	vperm.xlane v3, v0;
	_ =	sdelay $0x1  }
0x567: {  	v3 =	vperm.xlane v3, v2;
	v4 =	vadd.s32 v1, v4;
	_ =	sdelay $0x1  }
0x568: {  	v3 =	vadd.s32 v1, v3;
	_ =	sdelay $0x1  }
0x569: {  	s24 =	simm.s32 $0x6100  }
0x56a: {  	[hbm4b:s5+s2] =	stream.indirect_vreg.scatter [tilespmem:s24], [sflag:$0x1], $0x80, v4, vm0, $0xb8;
	[tilespmem:$0x10100] =	vst v63  }
0x56b: {  	s28 =	simm.s32 $0x6900  }
0x56c: {  	[hbm4b:s5+s2] =	stream.indirect_vreg.scatter [tilespmem:s28], [sflag:$0x1], $0x80, v3, vm0, $0xb8;
	[tilespmem:$0x10100] =	vst v63  }
0x56d: {  	v3 =	vld [tilespmem:$0x70];
	_ =	sdelay $0x4  }
0x56e: {  	v55 =	vshll.u32 v3, $0x1  }
0x56f: {  	v3 =	vand.u32 $0x7, v3;
	v4 =	vand.u32 $0xFFFFFFF0, v55  }
0x570: {  	v3 =	vor.u32 v3, v4  }
0x571: {  	v4 =	vperm.xlane v3, v0;
	_ =	sdelay $0x1  }
0x572: {  	v3 =	vperm.xlane v3, v2;
	v4 =	vadd.s32 v1, v4;
	_ =	sdelay $0x1  }
0x573: {  	v3 =	vadd.s32 v1, v3;
	_ =	sdelay $0x1  }
0x574: {  	s16 =	simm.s32 $0x7100  }
0x575: {  	[hbm4b:s5+s2] =	stream.indirect_vreg.scatter [tilespmem:s16], [sflag:$0x1], $0x80, v4, vm0, $0xb8;
	[tilespmem:$0x10100] =	vst v63  }
0x576: {  	s24 =	simm.s32 $0x7900  }
0x577: {  	[hbm4b:s5+s2] =	stream.indirect_vreg.scatter [tilespmem:s24], [sflag:$0x1], $0x80, v3, vm0, $0xb8;
	[tilespmem:$0x10100] =	vst v63  }
0x578: {  	v3 =	vld [tilespmem:$0x80];
	_ =	sdelay $0x4  }
0x579: {  	v56 =	vshll.u32 v3, $0x1  }
0x57a: {  	v3 =	vand.u32 $0x7, v3;
	v4 =	vand.u32 $0xFFFFFFF0, v56  }
0x57b: {  	v3 =	vor.u32 v3, v4  }
0x57c: {  	v4 =	vperm.xlane v3, v0;
	_ =	sdelay $0x1  }
0x57d: {  	v3 =	vperm.xlane v3, v2;
	v4 =	vadd.s32 v1, v4;
	_ =	sdelay $0x1  }
0x57e: {  	v3 =	vadd.s32 v1, v3;
	_ =	sdelay $0x1  }
0x57f: {  	s25 =	simm.s32 $0x8100  }
0x580: {  	[hbm4b:s5+s2] =	stream.indirect_vreg.scatter [tilespmem:s25], [sflag:$0x1], $0x80, v4, vm0, $0xb8;
	[tilespmem:$0x10100] =	vst v63  }
0x581: {  	s28 =	simm.s32 $0x8900  }
0x582: {  	[hbm4b:s5+s2] =	stream.indirect_vreg.scatter [tilespmem:s28], [sflag:$0x1], $0x80, v3, vm0, $0xb8;
	[tilespmem:$0x10100] =	vst v63  }
0x583: {  	v3 =	vld [tilespmem:$0x90];
	_ =	sdelay $0x4  }
0x584: {  	v57 =	vshll.u32 v3, $0x1  }
0x585: {  	v3 =	vand.u32 $0x7, v3;
	v4 =	vand.u32 $0xFFFFFFF0, v57  }
0x586: {  	v3 =	vor.u32 v3, v4  }
0x587: {  	v4 =	vperm.xlane v3, v0;
	_ =	sdelay $0x1  }
0x588: {  	v3 =	vperm.xlane v3, v2;
	v4 =	vadd.s32 v1, v4;
	_ =	sdelay $0x1  }
0x589: {  	v3 =	vadd.s32 v1, v3;
	_ =	sdelay $0x1  }
0x58a: {  	s0 =	simm.s32 $0x9100  }
0x58b: {  	[hbm4b:s5+s2] =	stream.indirect_vreg.scatter [tilespmem:s0], [sflag:$0x1], $0x80, v4, vm0, $0xb8;
	[tilespmem:$0x10100] =	vst v63  }
0x58c: {  	s29 =	simm.s32 $0x9900  }
0x58d: {  	[hbm4b:s5+s2] =	stream.indirect_vreg.scatter [tilespmem:s29], [sflag:$0x1], $0x80, v3, vm0, $0xb8;
	[tilespmem:$0x10100] =	vst v63  }
0x58e: {  	v3 =	vld [tilespmem:$0xA0];
	_ =	sdelay $0x4  }
0x58f: {  	v58 =	vshll.u32 v3, $0x1  }
0x590: {  	v3 =	vand.u32 $0x7, v3;
	v4 =	vand.u32 $0xFFFFFFF0, v58  }
0x591: {  	v3 =	vor.u32 v3, v4  }
0x592: {  	v4 =	vperm.xlane v3, v0;
	_ =	sdelay $0x1  }
0x593: {  	v3 =	vperm.xlane v3, v2;
	v4 =	vadd.s32 v1, v4;
	_ =	sdelay $0x1  }
0x594: {  	v3 =	vadd.s32 v1, v3;
	_ =	sdelay $0x1  }
0x595: {  	s30 =	simm.s32 $0xA100  }
0x596: {  	[hbm4b:s5+s2] =	stream.indirect_vreg.scatter [tilespmem:s30], [sflag:$0x1], $0x80, v4, vm0, $0xb8;
	[tilespmem:$0x10100] =	vst v63  }
0x597: {  	s13 =	simm.s32 $0xA900  }
0x598: {  	[hbm4b:s5+s2] =	stream.indirect_vreg.scatter [tilespmem:s13], [sflag:$0x1], $0x80, v3, vm0, $0xb8;
	[tilespmem:$0x10100] =	vst v63  }
0x599: {  	v3 =	vld [tilespmem:$0xB0];
	_ =	sdelay $0x4  }
0x59a: {  	v59 =	vshll.u32 v3, $0x1  }
0x59b: {  	v3 =	vand.u32 $0x7, v3;
	v4 =	vand.u32 $0xFFFFFFF0, v59  }
0x59c: {  	v3 =	vor.u32 v3, v4  }
0x59d: {  	v4 =	vperm.xlane v3, v0;
	_ =	sdelay $0x1  }
0x59e: {  	v3 =	vperm.xlane v3, v2;
	v4 =	vadd.s32 v1, v4;
	_ =	sdelay $0x1  }
0x59f: {  	v3 =	vadd.s32 v1, v3;
	_ =	sdelay $0x1  }
0x5a0: {  	s26 =	simm.s32 $0xB100  }
0x5a1: {  	[hbm4b:s5+s2] =	stream.indirect_vreg.scatter [tilespmem:s26], [sflag:$0x1], $0x80, v4, vm0, $0xb8;
	[tilespmem:$0x10100] =	vst v63  }
0x5a2: {  	s19 =	simm.s32 $0xB900  }
0x5a3: {  	[hbm4b:s5+s2] =	stream.indirect_vreg.scatter [tilespmem:s19], [sflag:$0x1], $0x80, v3, vm0, $0xb8;
	[tilespmem:$0x10100] =	vst v63  }
0x5a4: {  	v3 =	vld [tilespmem:$0xC0];
	_ =	sdelay $0x4  }
0x5a5: {  	v60 =	vshll.u32 v3, $0x1  }
0x5a6: {  	v3 =	vand.u32 $0x7, v3;
	v4 =	vand.u32 $0xFFFFFFF0, v60  }
0x5a7: {  	v3 =	vor.u32 v3, v4  }
0x5a8: {  	v4 =	vperm.xlane v3, v0;
	_ =	sdelay $0x1  }
0x5a9: {  	v3 =	vperm.xlane v3, v2;
	v4 =	vadd.s32 v1, v4;
	_ =	sdelay $0x1  }
0x5aa: {  	v3 =	vadd.s32 v1, v3;
	_ =	sdelay $0x1  }
0x5ab: {  	s21 =	simm.s32 $0xC100  }
0x5ac: {  	[hbm4b:s5+s2] =	stream.indirect_vreg.scatter [tilespmem:s21], [sflag:$0x1], $0x80, v4, vm0, $0xb8;
	[tilespmem:$0x10100] =	vst v63  }
0x5ad: {  	s20 =	simm.s32 $0xC900  }
0x5ae: {  	[hbm4b:s5+s2] =	stream.indirect_vreg.scatter [tilespmem:s20], [sflag:$0x1], $0x80, v3, vm0, $0xb8;
	[tilespmem:$0x10100] =	vst v63  }
0x5af: {  	v3 =	vld [tilespmem:$0xD0];
	_ =	sdelay $0x4  }
0x5b0: {  	v61 =	vshll.u32 v3, $0x1  }
0x5b1: {  	v3 =	vand.u32 $0x7, v3;
	v4 =	vand.u32 $0xFFFFFFF0, v61  }
0x5b2: {  	v3 =	vor.u32 v3, v4  }
0x5b3: {  	v4 =	vperm.xlane v3, v0;
	_ =	sdelay $0x1  }
0x5b4: {  	v3 =	vperm.xlane v3, v2;
	v4 =	vadd.s32 v1, v4;
	_ =	sdelay $0x1  }
0x5b5: {  	v3 =	vadd.s32 v1, v3;
	_ =	sdelay $0x1  }
0x5b6: {  	s4 =	simm.s32 $0xD100  }
0x5b7: {  	[hbm4b:s5+s2] =	stream.indirect_vreg.scatter [tilespmem:s4], [sflag:$0x1], $0x80, v4, vm0, $0xb8;
	[tilespmem:$0x10100] =	vst v63  }
0x5b8: {  	s18 =	simm.s32 $0xD900  }
0x5b9: {  	[hbm4b:s5+s2] =	stream.indirect_vreg.scatter [tilespmem:s18], [sflag:$0x1], $0x80, v3, vm0, $0xb8;
	[tilespmem:$0x10100] =	vst v63  }
0x5ba: {  	v3 =	vld [tilespmem:$0xE0];
	_ =	sdelay $0x4  }
0x5bb: {  	v62 =	vshll.u32 v3, $0x1  }
0x5bc: {  	v3 =	vand.u32 $0x7, v3;
	v4 =	vand.u32 $0xFFFFFFF0, v62  }
0x5bd: {  	v3 =	vor.u32 v3, v4  }
0x5be: {  	v4 =	vperm.xlane v3, v0;
	_ =	sdelay $0x1  }
0x5bf: {  	v3 =	vperm.xlane v3, v2;
	v4 =	vadd.s32 v1, v4;
	_ =	sdelay $0x1  }
0x5c0: {  	v3 =	vadd.s32 v1, v3;
	_ =	sdelay $0x1  }
0x5c1: {  	s6 =	simm.s32 $0xE100  }
0x5c2: {  	[hbm4b:s5+s2] =	stream.indirect_vreg.scatter [tilespmem:s6], [sflag:$0x1], $0x80, v4, vm0, $0xb8;
	[tilespmem:$0x10100] =	vst v63  }
0x5c3: {  	s11 =	simm.s32 $0xE900  }
0x5c4: {  	[hbm4b:s5+s2] =	stream.indirect_vreg.scatter [tilespmem:s11], [sflag:$0x1], $0x80, v3, vm0, $0xb8;
	[tilespmem:$0x10100] =	vst v63  }
0x5c5: {  	v3 =	vld [tilespmem:$0xF0];
	_ =	sdelay $0x4  }
0x5c6: {  	v63 =	vshll.u32 v3, $0x1  }
0x5c7: {  	v3 =	vand.u32 $0x7, v3;
	v4 =	vand.u32 $0xFFFFFFF0, v63  }
0x5c8: {  	v3 =	vor.u32 v3, v4  }
0x5c9: {  	v4 =	vperm.xlane v3, v0;
	_ =	sdelay $0x1  }
0x5ca: {  	v3 =	vperm.xlane v3, v2;
	v4 =	vadd.s32 v1, v4;
	_ =	sdelay $0x1  }
0x5cb: {  	v3 =	vadd.s32 v1, v3;
	_ =	sdelay $0x1  }
0x5cc: {  	s7 =	simm.s32 $0xF100  }
0x5cd: {  	[hbm4b:s5+s2] =	stream.indirect_vreg.scatter [tilespmem:s7], [sflag:$0x1], $0x80, v4, vm0, $0xb8;
	[tilespmem:$0x10100] =	vst v63  }
0x5ce: {  	s9 =	simm.s32 $0xF900;
	s31 =	rddreg [dreg:$0xd]  }
0x5cf: {  	[hbm4b:s5+s2] =	stream.indirect_vreg.scatter [tilespmem:s9], [sflag:$0x1], $0x80, v3, vm0, $0xb8;
	[tilespmem:$0x10100] =	vst v63  }
0x5d0: {  	p0 =	sne.s32 s31, $0x1;
	_ =	swait.ge [sflag:s14], $0x8000  }
.Ltmp0:
0x5d1: {  	[sflag:s14] =	ssyncset.done $0x0;
	(pc) =	sbr.rel @p0 .LBB2_1-.Ltmp0, $4  }
0x5d2: {  	[sflag:s14] =	ssyncadd.s32 $0xFFFF8000  }
0x5d3: {  	_ =	swait.ge [sflag:s14], $0x8000  }
0x5d4: {  	[sflag:s14] =	ssyncset.done $0x0  }
0x5d5: {  	s0 =	sadd.s32 $0xFFFFFFFF, s31;
	[sflag:s14] =	ssyncadd.s32 $0xFFFF8000  }
0x5d6: {  	_ =	sfence.sel $0x180000  }
0x5d7: {  	[bflag:$0x0] =	sbarrier.arrive $0xFFFF  }
0x5d8: {  	_ =	strace $0x90000047  }
0x5d9: {  	s0 =	stileid.u32;
	[bflag:$0x2] =	sbarrier.arrive $0xFFFF  }
0x5da: {  	p0 =	sne.s32 s0, $0x0;
	s0 =	rddreg [dreg:$0x2]  }
0x5db: {  	s0 =	sadd.s32 @!p0 $0x100000, s0  }
0x5dc: {  	[sflag:s0] =	ssyncadd.tile.s32 @!p0 $0x1;
	_ =	shalt  }
.Lfunc_end2:
_tile_overlayer_lowered:
.L_overlay_start_2:
0x5dd: {  	(tag) =	ssettag $0x2  }
0x5de: {  	s0 =	rddreg [dreg:$0x0];
	s2 =	stileid.u32  }
0x5df: {  	s1 =	rddreg [dreg:$0x1];
	p0 =	sne.s32 s2, $0x0  }
0x5e0: {  	s3 =	rddreg [dreg:$0x2];
	[bflag:$0x3] =	sbarrier.arrive $0xFFFF;
	s2 =	simm.s32 @!p0 $0x1C02  }
0x5e1: {  	[timem:s3], [sflag:s2] =	dma.local @!p0 [hbm:s0], s1  }
0x5e2: {  	s0 =	simm.s32 @!p0 $0x2  }
0x5e3: {  	_ =	swait.ge @!p0 [sflag:s0], s1  }
0x5e4: {  	s1 =	ssub.s32 @!p0 $0x0, s1;
	[sflag:s0] =	ssyncset.done @!p0 $0x0  }
0x5e5: {  	[sflag:s0] =	ssyncadd.s32 @!p0 s1  }
0x5e6: {  	[bflag:$0x3] =	sbarrier.arrive $0xFFFF  }
0x5e7: {  	_ =	shalt  }

</sc_bundles>
